<compile_context>
chip_gen: v7x
topology: tpu7x:2x2x1
jax: 0.10.2.dev20260603
libtpu: 0.0.44.dev20260713+nightly
codegen_flags: <defaults>
</compile_context>

<pallas_src>
import functools

import jax
import jax.numpy as jnp
from jax import lax
from jax.experimental import pallas as pl
from jax.experimental.pallas import tpu as pltpu
from jax.experimental.pallas import tpu_sc as plsc

N = 10000
E = 160000
H = 256
EPS = 1e-5

NT = 16
NB = 125
K = 80
ANB = 125
AK = 80
FC = 128
NCH = 4
CPS = 2
ZR = 80
FPT = 640

RB = 1000
NRB = N // RB

_PREC = lax.Precision.DEFAULT

_SC_MESH = plsc.VectorSubcoreMesh(core_axis_name="c", subcore_axis_name="s")


def _sc_degrees(src3, dst3):

    @functools.partial(
        pl.kernel,
        out_type=[jax.ShapeDtypeStruct((N,), jnp.float32)] * 2,
        mesh=_SC_MESH,
        scratch_types=[
            pltpu.VMEM((NB, K), jnp.int32),
            pltpu.VMEM((K,), jnp.float32),
            pltpu.VMEM((N,), jnp.float32),
            pltpu.VMEM_SHARED((N,), jnp.float32),
            pltpu.SemaphoreType.DMA,
        ],
    )
    def k(src_h, dst_h, out_src, out_dst, idx, ones, zfull, dacc, dsem):
        cid = lax.axis_index("c")
        sid = lax.axis_index("s")

        @pl.when(cid == 0)
        def _():
            pltpu.sync_copy(src_h.at[sid], idx)

        @pl.when(cid == 1)
        def _():
            pltpu.sync_copy(dst_h.at[sid], idx)

        ov = jnp.ones((16,), jnp.float32)

        def fill_ones(i, c):
            ones[pl.ds(i * 16, 16)] = ov
            return c

        lax.fori_loop(0, K // 16, fill_ones, 0)

        @pl.when(sid == 0)
        def _():
            zv = jnp.zeros((16,), jnp.float32)

            def zz(i, c):
                zfull[pl.ds(i * 16, 16)] = zv
                return c

            lax.fori_loop(0, N // 16, zz, 0)
            pltpu.sync_copy(zfull, dacc)

        plsc.subcore_barrier()

        def blk(j, c):
            pltpu.async_copy(ones, dacc.at[idx.at[j]], dsem, add=True)
            return c

        lax.fori_loop(0, NB, blk, 0)

        def drain(j, c):
            pltpu.make_async_copy(ones, dacc.at[idx.at[j]], dsem).wait()
            return c

        lax.fori_loop(0, NB, drain, 0)
        plsc.subcore_barrier()

        @pl.when(jnp.logical_and(sid == 0, cid == 0))
        def _():
            pltpu.sync_copy(dacc, out_src)

        @pl.when(jnp.logical_and(sid == 0, cid == 1))
        def _():
            pltpu.sync_copy(dacc, out_dst)

    return k(src3, dst3)


def _sc_aggregate(src3, dst3, us):

    @functools.partial(
        pl.kernel,
        out_type=[jax.ShapeDtypeStruct((N, FC), jnp.float32)] * NCH,
        mesh=_SC_MESH,
        scratch_types=[
            pltpu.VMEM((ANB * AK,), jnp.int32),
            pltpu.VMEM((ANB, AK), jnp.int32),
            pltpu.VMEM((AK, FC), jnp.float32),
            pltpu.VMEM((AK, FC), jnp.float32),
            pltpu.VMEM_SHARED((N, FC), jnp.float32),
            pltpu.SemaphoreType.DMA,
            pltpu.SemaphoreType.DMA,
        ],
    )
    def k(src_h, dst_h, *rest):
        uhs = rest[:NCH]
        os_ = rest[NCH:2 * NCH]
        sidx, didx, buf0, buf1, acc, sem0, sem1 = rest[2 * NCH:]
        cid = lax.axis_index("c")
        sid = lax.axis_index("s")
        pltpu.sync_copy(src_h.at[sid], sidx)
        pltpu.sync_copy(dst_h.at[sid], didx)

        def sx(j):
            return sidx.at[pl.ds(j * AK, AK)]

        base = sid * FPT
        ncp = jnp.where(sid == NT - 1, (N - (NT - 1) * FPT) // ZR, FPT // ZR)

        zv = jnp.zeros((16,), jnp.float32)

        def run_chunk(u_h, o_h):
            def zrow(i, c):
                def zcol(j, c2):
                    buf0[i, pl.ds(j * 16, 16)] = zv
                    return c2

                return lax.fori_loop(0, FC // 16, zcol, c)

            lax.fori_loop(0, AK, zrow, 0)

            def zcp(t, c):
                pltpu.async_copy(buf0, acc.at[pl.ds(base + t * ZR, ZR)],
                                 sem0)
                return c

            lax.fori_loop(0, ncp, zcp, 0)

            def zdr(t, c):
                pltpu.make_async_copy(buf0, acc.at[pl.ds(base + t * ZR, ZR)],
                                      sem0).wait()
                return c

            lax.fori_loop(0, ncp, zdr, 0)
            plsc.subcore_barrier()

            pltpu.async_copy(u_h.at[sx(0)], buf0, sem0)
            pltpu.async_copy(u_h.at[sx(1)], buf1, sem1)

            def blk2(p, c):
                j = 2 * p
                pltpu.make_async_copy(u_h.at[sx(j)], buf0, sem0).wait()
                pltpu.sync_copy(buf0, acc.at[didx.at[j]], add=True)
                pltpu.async_copy(u_h.at[sx(j + 2)], buf0, sem0)
                pltpu.make_async_copy(u_h.at[sx(j + 1)], buf1, sem1).wait()
                pltpu.sync_copy(buf1, acc.at[didx.at[j + 1]], add=True)

                @pl.when(p < ANB // 2 - 1)
                def _():
                    pltpu.async_copy(u_h.at[sx(j + 3)], buf1, sem1)

                return c

            lax.fori_loop(0, ANB // 2, blk2, 0)
            pltpu.make_async_copy(u_h.at[sx(ANB - 1)], buf0, sem0).wait()
            pltpu.sync_copy(buf0, acc.at[didx.at[ANB - 1]], add=True)
            plsc.subcore_barrier()

            def fcp(t, c):
                pltpu.async_copy(acc.at[pl.ds(base + t * ZR, ZR)],
                                 o_h.at[pl.ds(base + t * ZR, ZR)], sem0)
                return c

            lax.fori_loop(0, ncp, fcp, 0)

            def fdr(t, c):
                pltpu.make_async_copy(acc.at[pl.ds(base + t * ZR, ZR)],
                                      o_h.at[pl.ds(base + t * ZR, ZR)],
                                      sem0).wait()
                return c

            lax.fori_loop(0, ncp, fdr, 0)

        @pl.when(cid == 0)
        def _():
            for t in range(CPS):
                run_chunk(uhs[t], os_[t])

        @pl.when(cid == 1)
        def _():
            for t in range(CPS, NCH):
                run_chunk(uhs[t], os_[t])

    return k(src3, dst3, *us)


def _norms(db):
    ns = lax.rsqrt(jnp.maximum(db[:, 0:1], 1.0))
    nd = lax.rsqrt(jnp.maximum(db[:, 1:2], 1.0))
    return ns, nd


def _tc_first(x, x2, w1, w1f, degT):

    def body(xb, x2b, w1b, w1fb, db, *outs):
        ns, _ = _norms(db[...])
        a = jnp.dot(xb[...], w1b[...], precision=_PREC,
                    preferred_element_type=jnp.float32) * ns
        b = jnp.dot(x2b[...], w1fb[...], precision=_PREC,
                    preferred_element_type=jnp.float32) * ns
        ab = jnp.concatenate([a, b], 1)
        for t in range(NCH):
            outs[t][...] = ab[:, t * FC:(t + 1) * FC]

    return pl.pallas_call(
        body,
        grid=(NRB,),
        in_specs=[
            pl.BlockSpec((RB, H), lambda i: (i, 0)),
            pl.BlockSpec((RB, H), lambda i: (i, 0)),
            pl.BlockSpec((H, H), lambda i: (0, 0)),
            pl.BlockSpec((H, H), lambda i: (0, 0)),
            pl.BlockSpec((RB, 2), lambda i: (i, 0)),
        ],
        out_specs=[pl.BlockSpec((RB, FC), lambda i: (i, 0))] * NCH,
        out_shape=[jax.ShapeDtypeStruct((N, FC), jnp.float32)] * NCH,
    )(x, x2, w1, w1f, degT)


def _tc_mid(vs, degT, w2, w2f, b1r, b1fr):

    def body(*refs):
        vbs = refs[:NCH]
        db, w2b, w2fb, b1b, b1fb = refs[NCH:NCH + 5]
        outs = refs[NCH + 5:]
        ns, nd = _norms(db[...])
        h = jnp.concatenate([r[...] for r in vbs[:CPS]], 1) * nd + b1b[...]
        f = jnp.concatenate([r[...] for r in vbs[CPS:]], 1) * nd + b1fb[...]
        f = jnp.maximum(f, 0.0)
        a = jnp.dot(h, w2b[...], precision=_PREC,
                    preferred_element_type=jnp.float32) * ns
        b = jnp.dot(f, w2fb[...], precision=_PREC,
                    preferred_element_type=jnp.float32) * ns
        ab = jnp.concatenate([a, b], 1)
        for t in range(NCH):
            outs[t][...] = ab[:, t * FC:(t + 1) * FC]

    return pl.pallas_call(
        body,
        grid=(NRB,),
        in_specs=(
            [pl.BlockSpec((RB, FC), lambda i: (i, 0))] * NCH + [
                pl.BlockSpec((RB, 2), lambda i: (i, 0)),
                pl.BlockSpec((H, H), lambda i: (0, 0)),
                pl.BlockSpec((H, H), lambda i: (0, 0)),
                pl.BlockSpec((1, H), lambda i: (0, 0)),
                pl.BlockSpec((1, H), lambda i: (0, 0)),
            ]
        ),
        out_specs=[pl.BlockSpec((RB, FC), lambda i: (i, 0))] * NCH,
        out_shape=[jax.ShapeDtypeStruct((N, FC), jnp.float32)] * NCH,
    )(*vs, degT, w2, w2f, b1r, b1fr)


def _tc_head(vs, degT, b2r, b2fr, wm1, bm1r, gamr, betr, wm2, bm2r):

    def body(*refs):
        vbs = refs[:NCH]
        (db, b2b, b2fb, wm1b, bm1b, gb, bb, wm2b, bm2b) = refs[NCH:NCH + 9]
        out = refs[NCH + 9]
        zs, ms = refs[NCH + 10:]
        i = pl.program_id(0)
        _, nd = _norms(db[...])
        h = jnp.concatenate([r[...] for r in vbs[:CPS]], 1) * nd + b2b[...]
        f = jnp.concatenate([r[...] for r in vbs[CPS:]], 1) * nd + b2fb[...]
        f = jnp.maximum(f, 0.0)
        wm1v = wm1b[...]
        z = (jnp.dot(h, wm1v[:H], precision=_PREC,
                     preferred_element_type=jnp.float32)
             + jnp.dot(f, wm1v[H:], precision=_PREC,
                       preferred_element_type=jnp.float32)
             + bm1b[...])
        zs[pl.ds(i * RB, RB), :] = z
        zsum = jnp.sum(z, axis=0, keepdims=True)
        zssq = jnp.sum(z * z, axis=0, keepdims=True)
        snew = jnp.concatenate([zsum, zssq], 0)

        @pl.when(i == 0)
        def _():
            ms[...] = snew

        @pl.when(i > 0)
        def _():
            ms[...] = ms[...] + snew

        @pl.when(i == NRB - 1)
        def _():
            m = ms[...]
            mu = m[0:1] / N
            var = m[1:2] / N - mu * mu
            r = lax.rsqrt(var + EPS) * gb[...]
            for t in range(NRB):
                zt = zs[pl.ds(t * RB, RB), :]
                zn = jnp.maximum((zt - mu) * r + bb[...], 0.0)
                out[pl.ds(t * RB, RB), :] = jnp.dot(
                    zn, wm2b[...], precision=_PREC,
                    preferred_element_type=jnp.float32) + bm2b[...]

    return pl.pallas_call(
        body,
        grid=(NRB,),
        in_specs=(
            [pl.BlockSpec((RB, FC), lambda i: (i, 0))] * NCH + [
                pl.BlockSpec((RB, 2), lambda i: (i, 0)),
                pl.BlockSpec((1, H), lambda i: (0, 0)),
                pl.BlockSpec((1, H), lambda i: (0, 0)),
                pl.BlockSpec((2 * H, H), lambda i: (0, 0)),
                pl.BlockSpec((1, H), lambda i: (0, 0)),
                pl.BlockSpec((1, H), lambda i: (0, 0)),
                pl.BlockSpec((1, H), lambda i: (0, 0)),
                pl.BlockSpec((H, H), lambda i: (0, 0)),
                pl.BlockSpec((1, H), lambda i: (0, 0)),
            ]
        ),
        out_specs=pl.BlockSpec((N, H), lambda i: (0, 0)),
        out_shape=jax.ShapeDtypeStruct((N, H), jnp.float32),
        scratch_shapes=[
            pltpu.VMEM((N, H), jnp.float32),
            pltpu.VMEM((2, H), jnp.float32),
        ],
    )(*vs, degT, b2r, b2fr, wm1, bm1r, gamr, betr, wm2, bm2r)


def kernel(in_feat, in_feat2, edge_index, W1, b1, W1f, b1f, W2, b2, W2f, b2f,
           Wm1, bm1, gamma, beta, Wm2, bm2):
    src3 = edge_index[0].reshape(NT, NB, K)
    dst3 = edge_index[1].reshape(NT, NB, K)
    src2a = edge_index[0].reshape(NT, ANB * AK)
    dst3a = edge_index[1].reshape(NT, ANB, AK)

    deg_src, deg_dst = _sc_degrees(src3, dst3)
    degT = jnp.stack([deg_src, deg_dst], 1)

    b1r = b1.reshape(1, H)
    b1fr = b1f.reshape(1, H)
    b2r = b2.reshape(1, H)
    b2fr = b2f.reshape(1, H)
    bm1r = bm1.reshape(1, H)
    bm2r = bm2.reshape(1, H)
    gamr = gamma.reshape(1, H)
    betr = beta.reshape(1, H)

    u = _tc_first(in_feat, in_feat2, W1, W1f, degT)
    v = _sc_aggregate(src2a, dst3a, u)
    u2 = _tc_mid(v, degT, W2, W2f, b1r, b1fr)
    v2 = _sc_aggregate(src2a, dst3a, u2)
    out = _tc_head(v2, degT, b2r, b2fr, Wm1, bm1r, gamr, betr, Wm2, bm2r)
    return out

# --- scband reference (transcript-rebuilt; emitter-appended) ---
"""Pipeline reference for scband-gcn-with-feature-40415642256054 (READ-ONLY COPY).

The authoritative reference and input builder live on the scoring server;
editing this copy changes nothing except your own understanding.
"""

import jax, jax.numpy as jnp
import numpy as np

N = 10000
E = 160000
IN_FEATS = 256
H = 256
PROP_STEP = 2
RESIDUAL = 0.0
EPS = 1e-5


def _glorot(k, shape):
    lim = float(np.sqrt(6.0 / (shape[0] + shape[1])))
    return jax.random.uniform(k, shape, jnp.float32, -lim, lim)


def setup_inputs(seed: int = 0) -> dict:
    key = jax.random.key(seed)
    ks = jax.random.split(key, 16)
    in_feat = jax.random.normal(ks[0], (N, H), jnp.float32)
    in_feat2 = jax.random.normal(ks[1], (N, IN_FEATS), jnp.float32)
    edge_index = jax.random.randint(ks[2], (2, E), 0, N, jnp.int32)
    return {
        'in_feat': in_feat,
        'in_feat2': in_feat2,
        'edge_index': edge_index,
        'W1': _glorot(ks[3], (H, H)), 'b1': jnp.zeros((H,), jnp.float32),
        'W1f': _glorot(ks[4], (IN_FEATS, H)), 'b1f': jnp.zeros((H,), jnp.float32),
        'W2': _glorot(ks[5], (H, H)), 'b2': jnp.zeros((H,), jnp.float32),
        'W2f': _glorot(ks[6], (H, H)), 'b2f': jnp.zeros((H,), jnp.float32),
        'Wm1': _glorot(ks[7], (2 * H, H)), 'bm1': jnp.zeros((H,), jnp.float32),
        'gamma': jnp.ones((H,), jnp.float32), 'beta': jnp.zeros((H,), jnp.float32),
        'Wm2': _glorot(ks[8], (H, H)), 'bm2': jnp.zeros((H,), jnp.float32),
    }


def _graph_conv(x, W, b, src, dst, norm_src, norm_dst):
    # DGL GraphConv with norm='both': D_dst^{-1/2} A D_src^{-1/2} X W + b
    m = (x * norm_src[:, None])[src]              # gather at source nodes
    agg = jnp.zeros((N, x.shape[1]), x.dtype).at[dst].add(m)  # scatter-add to dst
    agg = agg * norm_dst[:, None]
    return agg @ W + b


def reference(in_feat, in_feat2, edge_index, W1, b1, W1f, b1f, W2, b2, W2f, b2f, Wm1, bm1, gamma, beta, Wm2, bm2):
    src = edge_index[0]
    dst = edge_index[1]
    deg_out = jnp.zeros((N,), jnp.float32).at[src].add(1.0)
    deg_in = jnp.zeros((N,), jnp.float32).at[dst].add(1.0)
    norm_src = jax.lax.rsqrt(jnp.clip(deg_out, 1.0))
    norm_dst = jax.lax.rsqrt(jnp.clip(deg_in, 1.0))

    x = in_feat
    h = _graph_conv(in_feat, W1, b1, src, dst, norm_src, norm_dst) + RESIDUAL * x
    h2 = _graph_conv(in_feat2, W1f, b1f, src, dst, norm_src, norm_dst)
    h2 = jax.nn.relu(h2)
    for _ in range(1, PROP_STEP):
        h = _graph_conv(h, W2, b2, src, dst, norm_src, norm_dst) + RESIDUAL * x
        h2 = _graph_conv(h2, W2f, b2f, src, dst, norm_src, norm_dst) + RESIDUAL
        h2 = jax.nn.relu(h2)

    z = jnp.concatenate([h, h2], axis=1) @ Wm1 + bm1
    mu = jnp.mean(z, axis=0)
    var = jnp.var(z, axis=0)
    z = (z - mu) * jax.lax.rsqrt(var + EPS) * gamma + beta
    z = jax.nn.relu(z)  # dropout omitted (deterministic eval)
    out = z @ Wm2 + bm2
    return out

if __name__ == "__main__":
    import jax
    _d = setup_inputs()
    print(jax.jit(kernel)(*tuple(_d.values())))

</pallas_src>

<mosaic_0001>
#map = affine_map<(d0, d1) -> (0, 0)>
#map1 = affine_map<(d0, d1) -> (0, 0, 0)>
module attributes {stable_mosaic.version = 14 : i64} {
  func.func @k(%arg0: i32, %arg1: i32, %arg2: memref<16x10000xi32, #tpu.memory_space<hbm>>, %arg3: memref<16x125x80xi32, #tpu.memory_space<hbm>>, %arg4: memref<10000x128xf32, #tpu.memory_space<hbm>>, %arg5: memref<10000x128xf32, #tpu.memory_space<hbm>>, %arg6: memref<10000x128xf32, #tpu.memory_space<hbm>>, %arg7: memref<10000x128xf32, #tpu.memory_space<hbm>>, %arg8: memref<10000x128xf32, #tpu.memory_space<hbm>>, %arg9: memref<10000x128xf32, #tpu.memory_space<hbm>>, %arg10: memref<10000x128xf32, #tpu.memory_space<hbm>>, %arg11: memref<10000x128xf32, #tpu.memory_space<hbm>>, %arg12: memref<10000xi32, #tpu.memory_space<vmem>>, %arg13: memref<125x80xi32, #tpu.memory_space<vmem>>, %arg14: memref<80x128xf32, #tpu.memory_space<vmem>>, %arg15: memref<80x128xf32, #tpu.memory_space<vmem>>, %arg16: memref<10000x128xf32, #tpu.memory_space<vmem_shared>>, %arg17: memref<!tpu.dma_semaphore, #tpu.memory_space<semaphore_mem>>, %arg18: memref<!tpu.dma_semaphore, #tpu.memory_space<semaphore_mem>>) attributes {dimension_semantics = [#tpu.dimension_semantics<core_parallel>, #tpu.dimension_semantics<subcore_parallel>], iteration_bounds = array<i64: 2, 16>, scalar_prefetch = 0 : i64, scratch_operands = 7 : i64, tpu.core_type = #tpu.core_type<sc_vector_subcore>, window_params = [{transform_indices = #map}, {transform_indices = #map1}, {transform_indices = #map}, {transform_indices = #map}, {transform_indices = #map}, {transform_indices = #map}, {transform_indices = #map}, {transform_indices = #map}, {transform_indices = #map}, {transform_indices = #map}]} {
    "tpu.region"() ({
      %run_scoped3A = tpu.sem_alloc : memref<!tpu.dma_semaphore, #tpu.memory_space<semaphore_mem>>
      %dma_start3A = arith.constant 0 : i32
      %dma_start3A_12 = tpu.memref_slice %arg2[%arg1, %dma_start3A] : memref<16x10000xi32, #tpu.memory_space<hbm>> -> memref<1x10000xi32, #tpu.memory_space<hbm>>
      %dma_start3A_13 = tpu.memref_squeeze %dma_start3A_12 : memref<1x10000xi32, #tpu.memory_space<hbm>> -> memref<10000xi32, #tpu.memory_space<hbm>>
      %dma_start3A_14 = arith.constant 0 : i32
      %dma_start3A_15 = tpu.memref_slice %arg2[%arg1, %dma_start3A_14] : memref<16x10000xi32, #tpu.memory_space<hbm>> -> memref<1x10000xi32, #tpu.memory_space<hbm>>
      %dma_start3A_16 = tpu.memref_squeeze %dma_start3A_15 : memref<1x10000xi32, #tpu.memory_space<hbm>> -> memref<10000xi32, #tpu.memory_space<hbm>>
      tpu.enqueue_dma source(%dma_start3A_16 : memref<10000xi32, #tpu.memory_space<hbm>>) target(%arg12 : memref<10000xi32, #tpu.memory_space<vmem>>) target_semaphore(%run_scoped3A : memref<!tpu.dma_semaphore, #tpu.memory_space<semaphore_mem>>)
      %dma_wait3A = arith.constant 0 : i32
      %dma_wait3A_17 = tpu.memref_slice %arg2[%arg1, %dma_wait3A] : memref<16x10000xi32, #tpu.memory_space<hbm>> -> memref<1x10000xi32, #tpu.memory_space<hbm>>
      %dma_wait3A_18 = tpu.memref_squeeze %dma_wait3A_17 : memref<1x10000xi32, #tpu.memory_space<hbm>> -> memref<10000xi32, #tpu.memory_space<hbm>>
      %dma_wait3A_19 = arith.constant 0 : i32
      %dma_wait3A_20 = tpu.memref_slice %arg2[%arg1, %dma_wait3A_19] : memref<16x10000xi32, #tpu.memory_space<hbm>> -> memref<1x10000xi32, #tpu.memory_space<hbm>>
      %dma_wait3A_21 = tpu.memref_squeeze %dma_wait3A_20 : memref<1x10000xi32, #tpu.memory_space<hbm>> -> memref<10000xi32, #tpu.memory_space<hbm>>
      tpu.wait_dma2 semaphore(%run_scoped3A : memref<!tpu.dma_semaphore, #tpu.memory_space<semaphore_mem>>) src(%dma_wait3A_21 : memref<10000xi32, #tpu.memory_space<hbm>>) dst(%arg12 : memref<10000xi32, #tpu.memory_space<vmem>>)
      tpu.yield
    }) : () -> ()
    "tpu.region"() ({
      %run_scoped3A = tpu.sem_alloc : memref<!tpu.dma_semaphore, #tpu.memory_space<semaphore_mem>>
      %dma_start3A = arith.constant 0 : i32
      %dma_start3A_12 = arith.constant 0 : i32
      %dma_start3A_13 = tpu.memref_slice %arg3[%arg1, %dma_start3A, %dma_start3A_12] : memref<16x125x80xi32, #tpu.memory_space<hbm>> -> memref<1x125x80xi32, #tpu.memory_space<hbm>>
      %dma_start3A_14 = tpu.memref_squeeze %dma_start3A_13 : memref<1x125x80xi32, #tpu.memory_space<hbm>> -> memref<125x80xi32, #tpu.memory_space<hbm>>
      %dma_start3A_15 = arith.constant 0 : i32
      %dma_start3A_16 = arith.constant 0 : i32
      %dma_start3A_17 = tpu.memref_slice %arg3[%arg1, %dma_start3A_15, %dma_start3A_16] : memref<16x125x80xi32, #tpu.memory_space<hbm>> -> memref<1x125x80xi32, #tpu.memory_space<hbm>>
      %dma_start3A_18 = tpu.memref_squeeze %dma_start3A_17 : memref<1x125x80xi32, #tpu.memory_space<hbm>> -> memref<125x80xi32, #tpu.memory_space<hbm>>
      tpu.enqueue_dma source(%dma_start3A_18 : memref<125x80xi32, #tpu.memory_space<hbm>>) target(%arg13 : memref<125x80xi32, #tpu.memory_space<vmem>>) target_semaphore(%run_scoped3A : memref<!tpu.dma_semaphore, #tpu.memory_space<semaphore_mem>>)
      %dma_wait3A = arith.constant 0 : i32
      %dma_wait3A_19 = arith.constant 0 : i32
      %dma_wait3A_20 = tpu.memref_slice %arg3[%arg1, %dma_wait3A, %dma_wait3A_19] : memref<16x125x80xi32, #tpu.memory_space<hbm>> -> memref<1x125x80xi32, #tpu.memory_space<hbm>>
      %dma_wait3A_21 = tpu.memref_squeeze %dma_wait3A_20 : memref<1x125x80xi32, #tpu.memory_space<hbm>> -> memref<125x80xi32, #tpu.memory_space<hbm>>
      %dma_wait3A_22 = arith.constant 0 : i32
      %dma_wait3A_23 = arith.constant 0 : i32
      %dma_wait3A_24 = tpu.memref_slice %arg3[%arg1, %dma_wait3A_22, %dma_wait3A_23] : memref<16x125x80xi32, #tpu.memory_space<hbm>> -> memref<1x125x80xi32, #tpu.memory_space<hbm>>
      %dma_wait3A_25 = tpu.memref_squeeze %dma_wait3A_24 : memref<1x125x80xi32, #tpu.memory_space<hbm>> -> memref<125x80xi32, #tpu.memory_space<hbm>>
      tpu.wait_dma2 semaphore(%run_scoped3A : memref<!tpu.dma_semaphore, #tpu.memory_space<semaphore_mem>>) src(%dma_wait3A_25 : memref<125x80xi32, #tpu.memory_space<hbm>>) dst(%arg13 : memref<125x80xi32, #tpu.memory_space<vmem>>)
      tpu.yield
    }) : () -> ()
    %mul3A = arith.constant 640 : i32
    %mul3A_0 = arith.muli %arg1, %mul3A : i32
    %eq3A = arith.constant 15 : i32
    %eq3A_1 = arith.cmpi eq, %arg1, %eq3A : i32
    %jit3A = arith.constant 5 : i32
    %jit3A_2 = arith.constant 8 : i32
    %select_n3A = arith.select %eq3A_1, %jit3A, %jit3A_2 : i32
    %broadcast_in_dim3A = arith.constant 0.000000e+00 : f32
    %broadcast_in_dim3A_3 = vector.broadcast %broadcast_in_dim3A : f32 to vector<16xf32>
    %eq3A_4 = arith.constant 0 : i32
    %eq3A_5 = arith.cmpi eq, %arg0, %eq3A_4 : i32
    %convert_element_type3A = arith.extui %eq3A_5 : i1 to i32
    %cond3A = arith.constant 0 : i32
    %cond3A_6 = arith.cmpi ne, %convert_element_type3A, %cond3A : i32
    scf.if %cond3A_6 {
      %scan3A = arith.constant 0 : i32
      %scan3A_12 = arith.constant 0 : i32
      %scan3A_13 = arith.constant 80 : i32
      %scan3A_14 = arith.addi %scan3A_12, %scan3A_13 : i32
      %scan3A_15 = arith.constant 1 : i32
      scf.for %scan3A_146 = %scan3A_12 to %scan3A_14 step %scan3A_15  : i32 {
        %scan3A_147 = arith.constant 0 : i32
        %scan3A_148 = arith.constant 8 : i32
        %scan3A_149 = arith.addi %scan3A_147, %scan3A_148 : i32
        %scan3A_150 = arith.constant 1 : i32
        scf.for %scan3A_152 = %scan3A_147 to %scan3A_149 step %scan3A_150  : i32 {
          %mul3A_153 = arith.constant 16 : i32
          %mul3A_154 = arith.muli %scan3A_152, %mul3A_153 : i32
          %swap3A = arith.index_cast %scan3A_146 : i32 to index
          %swap3A_155 = arith.index_cast %mul3A_154 : i32 to index
          %swap3A_156 = tpu.vector_load %arg14[%swap3A, %swap3A_155] {strides = array<i32>} : memref<80x128xf32, #tpu.memory_space<vmem>>, vector<1x16xf32>,
          %swap3A_157 = vector.shape_cast %swap3A_156 : vector<1x16xf32> to vector<16xf32>
          %swap3A_158 = vector.shape_cast %broadcast_in_dim3A_3 : vector<16xf32> to vector<1x16xf32>
          tpu.vector_store %arg14[%swap3A, %swap3A_155], %swap3A_158 {strides = array<i32>} : memref<80x128xf32, #tpu.memory_space<vmem>>, vector<1x16xf32>,
        }
        %scan3A_151 = arith.constant 8 : i32
      }
      %scan3A_16 = arith.constant 80 : i32
      %while3A = arith.constant 0 : i32
      %while3A_17 = arith.constant 0 : i32
      %while3A_18 = arith.subi %select_n3A, %while3A_17 : i32
      %while3A_19 = arith.addi %while3A_17, %while3A_18 : i32
      %while3A_20 = arith.constant 1 : i32
      %while3A_21 = arith.divsi %while3A_18, %while3A_20 : i32
      %while3A_22 = arith.muli %while3A_21, %while3A_20 : i32
      %while3A_23 = arith.addi %while3A_17, %while3A_22 : i32
      %while3A_24 = arith.constant 1 : i32
      scf.for %while3A_146 = %while3A_17 to %while3A_23 step %while3A_24  : i32 {
        %mul3A_147 = arith.constant 80 : i32
        %mul3A_148 = arith.muli %while3A_146, %mul3A_147 : i32
        %add3A = arith.addi %mul3A_0, %mul3A_148 : i32
        %dma_start3A_149 = arith.constant 0 : i32
        %dma_start3A_150 = tpu.memref_slice %arg16[%add3A, %dma_start3A_149] : memref<10000x128xf32, #tpu.memory_space<vmem_shared>> -> memref<80x128xf32, #tpu.memory_space<vmem_shared>>
        %dma_start3A_151 = arith.constant 0 : i32
        %dma_start3A_152 = tpu.memref_slice %arg16[%add3A, %dma_start3A_151] : memref<10000x128xf32, #tpu.memory_space<vmem_shared>> -> memref<80x128xf32, #tpu.memory_space<vmem_shared>>
        tpu.enqueue_dma source(%arg14 : memref<80x128xf32, #tpu.memory_space<vmem>>) target(%dma_start3A_152 : memref<80x128xf32, #tpu.memory_space<vmem_shared>>) target_semaphore(%arg17 : memref<!tpu.dma_semaphore, #tpu.memory_space<semaphore_mem>>)
      }
      %while3A_25 = arith.constant 1 : i32
      scf.for %while3A_146 = %while3A_23 to %while3A_19 step %while3A_25  : i32 {
        %mul3A_147 = arith.constant 80 : i32
        %mul3A_148 = arith.muli %while3A_146, %mul3A_147 : i32
        %add3A = arith.addi %mul3A_0, %mul3A_148 : i32
        %dma_start3A_149 = arith.constant 0 : i32
        %dma_start3A_150 = tpu.memref_slice %arg16[%add3A, %dma_start3A_149] : memref<10000x128xf32, #tpu.memory_space<vmem_shared>> -> memref<80x128xf32, #tpu.memory_space<vmem_shared>>
        %dma_start3A_151 = arith.constant 0 : i32
        %dma_start3A_152 = tpu.memref_slice %arg16[%add3A, %dma_start3A_151] : memref<10000x128xf32, #tpu.memory_space<vmem_shared>> -> memref<80x128xf32, #tpu.memory_space<vmem_shared>>
        tpu.enqueue_dma source(%arg14 : memref<80x128xf32, #tpu.memory_space<vmem>>) target(%dma_start3A_152 : memref<80x128xf32, #tpu.memory_space<vmem_shared>>) target_semaphore(%arg17 : memref<!tpu.dma_semaphore, #tpu.memory_space<semaphore_mem>>)
      }
      %while3A_26 = arith.constant 0 : i32
      %while3A_27 = arith.constant 0 : i32
      %while3A_28 = arith.subi %select_n3A, %while3A_27 : i32
      %while3A_29 = arith.addi %while3A_27, %while3A_28 : i32
      %while3A_30 = arith.constant 1 : i32
      %while3A_31 = arith.divsi %while3A_28, %while3A_30 : i32
      %while3A_32 = arith.muli %while3A_31, %while3A_30 : i32
      %while3A_33 = arith.addi %while3A_27, %while3A_32 : i32
      %while3A_34 = arith.constant 1 : i32
      scf.for %while3A_146 = %while3A_27 to %while3A_33 step %while3A_34  : i32 {
        %mul3A_147 = arith.constant 80 : i32
        %mul3A_148 = arith.muli %while3A_146, %mul3A_147 : i32
        %add3A = arith.addi %mul3A_0, %mul3A_148 : i32
        %dma_wait3A_149 = arith.constant 0 : i32
        %dma_wait3A_150 = tpu.memref_slice %arg16[%add3A, %dma_wait3A_149] : memref<10000x128xf32, #tpu.memory_space<vmem_shared>> -> memref<80x128xf32, #tpu.memory_space<vmem_shared>>
        %dma_wait3A_151 = arith.constant 0 : i32
        %dma_wait3A_152 = tpu.memref_slice %arg16[%add3A, %dma_wait3A_151] : memref<10000x128xf32, #tpu.memory_space<vmem_shared>> -> memref<80x128xf32, #tpu.memory_space<vmem_shared>>
        tpu.wait_dma2 semaphore(%arg17 : memref<!tpu.dma_semaphore, #tpu.memory_space<semaphore_mem>>) src(%arg14 : memref<80x128xf32, #tpu.memory_space<vmem>>) dst(%dma_wait3A_152 : memref<80x128xf32, #tpu.memory_space<vmem_shared>>)
      }
      %while3A_35 = arith.constant 1 : i32
      scf.for %while3A_146 = %while3A_33 to %while3A_29 step %while3A_35  : i32 {
        %mul3A_147 = arith.constant 80 : i32
        %mul3A_148 = arith.muli %while3A_146, %mul3A_147 : i32
        %add3A = arith.addi %mul3A_0, %mul3A_148 : i32
        %dma_wait3A_149 = arith.constant 0 : i32
        %dma_wait3A_150 = tpu.memref_slice %arg16[%add3A, %dma_wait3A_149] : memref<10000x128xf32, #tpu.memory_space<vmem_shared>> -> memref<80x128xf32, #tpu.memory_space<vmem_shared>>
        %dma_wait3A_151 = arith.constant 0 : i32
        %dma_wait3A_152 = tpu.memref_slice %arg16[%add3A, %dma_wait3A_151] : memref<10000x128xf32, #tpu.memory_space<vmem_shared>> -> memref<80x128xf32, #tpu.memory_space<vmem_shared>>
        tpu.wait_dma2 semaphore(%arg17 : memref<!tpu.dma_semaphore, #tpu.memory_space<semaphore_mem>>) src(%arg14 : memref<80x128xf32, #tpu.memory_space<vmem>>) dst(%dma_wait3A_152 : memref<80x128xf32, #tpu.memory_space<vmem_shared>>)
      }
      %barrier3A = arith.constant 0 : index
      tpu.barrier barrier_id(%barrier3A)
      %dma_start3A = arith.constant 0 : i32
      %dma_start3A_36 = tpu.memref_slice %arg12[%dma_start3A] : memref<10000xi32, #tpu.memory_space<vmem>> -> memref<80xi32, #tpu.memory_space<vmem>>
      %dma_start3A_37 = arith.constant 0 : i32
      %dma_start3A_38 = arith.constant 0 : i32
      %dma_start3A_39 = tpu.memref_slice %arg4[%dma_start3A_37, %dma_start3A_38] : memref<10000x128xf32, #tpu.memory_space<hbm>> -> memref<10000x128xf32, #tpu.memory_space<hbm>>
      tpu.enqueue_indirect_dma source(%dma_start3A_39 : memref<10000x128xf32, #tpu.memory_space<hbm>>) target(%arg14 : memref<80x128xf32, #tpu.memory_space<vmem>>) offsets(%dma_start3A_36 : memref<80xi32, #tpu.memory_space<vmem>>) semaphore(%arg17 : memref<!tpu.dma_semaphore, #tpu.memory_space<semaphore_mem>>)
      %dma_start3A_40 = arith.constant 80 : i32
      %dma_start3A_41 = tpu.memref_slice %arg12[%dma_start3A_40] : memref<10000xi32, #tpu.memory_space<vmem>> -> memref<80xi32, #tpu.memory_space<vmem>>
      %dma_start3A_42 = arith.constant 0 : i32
      %dma_start3A_43 = arith.constant 0 : i32
      %dma_start3A_44 = tpu.memref_slice %arg4[%dma_start3A_42, %dma_start3A_43] : memref<10000x128xf32, #tpu.memory_space<hbm>> -> memref<10000x128xf32, #tpu.memory_space<hbm>>
      tpu.enqueue_indirect_dma source(%dma_start3A_44 : memref<10000x128xf32, #tpu.memory_space<hbm>>) target(%arg15 : memref<80x128xf32, #tpu.memory_space<vmem>>) offsets(%dma_start3A_41 : memref<80xi32, #tpu.memory_space<vmem>>) semaphore(%arg18 : memref<!tpu.dma_semaphore, #tpu.memory_space<semaphore_mem>>)
      %scan3A_45 = arith.constant 0 : i32
      %scan3A_46 = arith.constant 0 : i32
      %scan3A_47 = arith.constant 62 : i32
      %scan3A_48 = arith.addi %scan3A_46, %scan3A_47 : i32
      %scan3A_49 = arith.constant 1 : i32
      scf.for %scan3A_146 = %scan3A_46 to %scan3A_48 step %scan3A_49  : i32 {
        %mul3A_147 = arith.constant 2 : i32
        %mul3A_148 = arith.muli %mul3A_147, %scan3A_146 : i32
        %mul3A_149 = arith.constant 80 : i32
        %mul3A_150 = arith.muli %mul3A_148, %mul3A_149 : i32
        %dma_wait3A_151 = tpu.memref_slice %arg12[%mul3A_150] : memref<10000xi32, #tpu.memory_space<vmem>> -> memref<80xi32, #tpu.memory_space<vmem>>
        %dma_wait3A_152 = arith.constant 0 : i32
        %dma_wait3A_153 = arith.constant 0 : i32
        %dma_wait3A_154 = tpu.memref_slice %arg4[%dma_wait3A_152, %dma_wait3A_153] : memref<10000x128xf32, #tpu.memory_space<hbm>> -> memref<10000x128xf32, #tpu.memory_space<hbm>>
        tpu.wait_indirect_dma semaphore(%arg17 : memref<!tpu.dma_semaphore, #tpu.memory_space<semaphore_mem>>) src(%dma_wait3A_154 : memref<10000x128xf32, #tpu.memory_space<hbm>>) dst(%arg14 : memref<80x128xf32, #tpu.memory_space<vmem>>)
        "tpu.region"() ({
          %run_scoped3A_176 = tpu.sem_alloc : memref<!tpu.dma_semaphore, #tpu.memory_space<semaphore_mem>>
          %dma_start3A_177 = arith.constant 0 : i32
          %dma_start3A_178 = tpu.memref_slice %arg13[%mul3A_148, %dma_start3A_177] : memref<125x80xi32, #tpu.memory_space<vmem>> -> memref<1x80xi32, #tpu.memory_space<vmem>>
          %dma_start3A_179 = tpu.memref_squeeze %dma_start3A_178 : memref<1x80xi32, #tpu.memory_space<vmem>> -> memref<80xi32, #tpu.memory_space<vmem>>
          %dma_start3A_180 = arith.constant 0 : i32
          %dma_start3A_181 = arith.constant 0 : i32
          %dma_start3A_182 = tpu.memref_slice %arg16[%dma_start3A_180, %dma_start3A_181] : memref<10000x128xf32, #tpu.memory_space<vmem_shared>> -> memref<10000x128xf32, #tpu.memory_space<vmem_shared>>
          tpu.enqueue_indirect_dma source(%arg14 : memref<80x128xf32, #tpu.memory_space<vmem>>) target(%dma_start3A_182 : memref<10000x128xf32, #tpu.memory_space<vmem_shared>>) offsets(%dma_start3A_179 : memref<80xi32, #tpu.memory_space<vmem>>) semaphore(%run_scoped3A_176 : memref<!tpu.dma_semaphore, #tpu.memory_space<semaphore_mem>>) {add = true}
          %dma_wait3A_183 = arith.constant 0 : i32
          %dma_wait3A_184 = tpu.memref_slice %arg13[%mul3A_148, %dma_wait3A_183] : memref<125x80xi32, #tpu.memory_space<vmem>> -> memref<1x80xi32, #tpu.memory_space<vmem>>
          %dma_wait3A_185 = tpu.memref_squeeze %dma_wait3A_184 : memref<1x80xi32, #tpu.memory_space<vmem>> -> memref<80xi32, #tpu.memory_space<vmem>>
          %dma_wait3A_186 = arith.constant 0 : i32
          %dma_wait3A_187 = arith.constant 0 : i32
          %dma_wait3A_188 = tpu.memref_slice %arg16[%dma_wait3A_186, %dma_wait3A_187] : memref<10000x128xf32, #tpu.memory_space<vmem_shared>> -> memref<10000x128xf32, #tpu.memory_space<vmem_shared>>
          tpu.wait_indirect_dma semaphore(%run_scoped3A_176 : memref<!tpu.dma_semaphore, #tpu.memory_space<semaphore_mem>>) src(%arg14 : memref<80x128xf32, #tpu.memory_space<vmem>>) dst(%dma_wait3A_188 : memref<10000x128xf32, #tpu.memory_space<vmem_shared>>)
          tpu.yield
        }) : () -> ()
        %add3A = arith.constant 2 : i32
        %add3A_155 = arith.addi %mul3A_148, %add3A : i32
        %mul3A_156 = arith.constant 80 : i32
        %mul3A_157 = arith.muli %add3A_155, %mul3A_156 : i32
        %dma_start3A_158 = tpu.memref_slice %arg12[%mul3A_157] : memref<10000xi32, #tpu.memory_space<vmem>> -> memref<80xi32, #tpu.memory_space<vmem>>
        %dma_start3A_159 = arith.constant 0 : i32
        %dma_start3A_160 = arith.constant 0 : i32
        %dma_start3A_161 = tpu.memref_slice %arg4[%dma_start3A_159, %dma_start3A_160] : memref<10000x128xf32, #tpu.memory_space<hbm>> -> memref<10000x128xf32, #tpu.memory_space<hbm>>
        tpu.enqueue_indirect_dma source(%dma_start3A_161 : memref<10000x128xf32, #tpu.memory_space<hbm>>) target(%arg14 : memref<80x128xf32, #tpu.memory_space<vmem>>) offsets(%dma_start3A_158 : memref<80xi32, #tpu.memory_space<vmem>>) semaphore(%arg17 : memref<!tpu.dma_semaphore, #tpu.memory_space<semaphore_mem>>)
        %add3A_162 = arith.constant 1 : i32
        %add3A_163 = arith.addi %mul3A_148, %add3A_162 : i32
        %mul3A_164 = arith.constant 80 : i32
        %mul3A_165 = arith.muli %add3A_163, %mul3A_164 : i32
        %dma_wait3A_166 = tpu.memref_slice %arg12[%mul3A_165] : memref<10000xi32, #tpu.memory_space<vmem>> -> memref<80xi32, #tpu.memory_space<vmem>>
        %dma_wait3A_167 = arith.constant 0 : i32
        %dma_wait3A_168 = arith.constant 0 : i32
        %dma_wait3A_169 = tpu.memref_slice %arg4[%dma_wait3A_167, %dma_wait3A_168] : memref<10000x128xf32, #tpu.memory_space<hbm>> -> memref<10000x128xf32, #tpu.memory_space<hbm>>
        tpu.wait_indirect_dma semaphore(%arg18 : memref<!tpu.dma_semaphore, #tpu.memory_space<semaphore_mem>>) src(%dma_wait3A_169 : memref<10000x128xf32, #tpu.memory_space<hbm>>) dst(%arg15 : memref<80x128xf32, #tpu.memory_space<vmem>>)
        %add3A_170 = arith.constant 1 : i32
        %add3A_171 = arith.addi %mul3A_148, %add3A_170 : i32
        "tpu.region"() ({
          %run_scoped3A_176 = tpu.sem_alloc : memref<!tpu.dma_semaphore, #tpu.memory_space<semaphore_mem>>
          %dma_start3A_177 = arith.constant 0 : i32
          %dma_start3A_178 = tpu.memref_slice %arg13[%add3A_171, %dma_start3A_177] : memref<125x80xi32, #tpu.memory_space<vmem>> -> memref<1x80xi32, #tpu.memory_space<vmem>>
          %dma_start3A_179 = tpu.memref_squeeze %dma_start3A_178 : memref<1x80xi32, #tpu.memory_space<vmem>> -> memref<80xi32, #tpu.memory_space<vmem>>
          %dma_start3A_180 = arith.constant 0 : i32
          %dma_start3A_181 = arith.constant 0 : i32
          %dma_start3A_182 = tpu.memref_slice %arg16[%dma_start3A_180, %dma_start3A_181] : memref<10000x128xf32, #tpu.memory_space<vmem_shared>> -> memref<10000x128xf32, #tpu.memory_space<vmem_shared>>
          tpu.enqueue_indirect_dma source(%arg15 : memref<80x128xf32, #tpu.memory_space<vmem>>) target(%dma_start3A_182 : memref<10000x128xf32, #tpu.memory_space<vmem_shared>>) offsets(%dma_start3A_179 : memref<80xi32, #tpu.memory_space<vmem>>) semaphore(%run_scoped3A_176 : memref<!tpu.dma_semaphore, #tpu.memory_space<semaphore_mem>>) {add = true}
          %dma_wait3A_183 = arith.constant 0 : i32
          %dma_wait3A_184 = tpu.memref_slice %arg13[%add3A_171, %dma_wait3A_183] : memref<125x80xi32, #tpu.memory_space<vmem>> -> memref<1x80xi32, #tpu.memory_space<vmem>>
          %dma_wait3A_185 = tpu.memref_squeeze %dma_wait3A_184 : memref<1x80xi32, #tpu.memory_space<vmem>> -> memref<80xi32, #tpu.memory_space<vmem>>
          %dma_wait3A_186 = arith.constant 0 : i32
          %dma_wait3A_187 = arith.constant 0 : i32
          %dma_wait3A_188 = tpu.memref_slice %arg16[%dma_wait3A_186, %dma_wait3A_187] : memref<10000x128xf32, #tpu.memory_space<vmem_shared>> -> memref<10000x128xf32, #tpu.memory_space<vmem_shared>>
          tpu.wait_indirect_dma semaphore(%run_scoped3A_176 : memref<!tpu.dma_semaphore, #tpu.memory_space<semaphore_mem>>) src(%arg15 : memref<80x128xf32, #tpu.memory_space<vmem>>) dst(%dma_wait3A_188 : memref<10000x128xf32, #tpu.memory_space<vmem_shared>>)
          tpu.yield
        }) : () -> ()
        %lt3A = arith.constant 61 : i32
        %lt3A_172 = arith.cmpi slt, %scan3A_146, %lt3A : i32
        %convert_element_type3A_173 = arith.extui %lt3A_172 : i1 to i32
        %cond3A_174 = arith.constant 0 : i32
        %cond3A_175 = arith.cmpi ne, %convert_element_type3A_173, %cond3A_174 : i32
        scf.if %cond3A_175 {
          %add3A_176 = arith.constant 3 : i32
          %add3A_177 = arith.addi %mul3A_148, %add3A_176 : i32
          %mul3A_178 = arith.constant 80 : i32
          %mul3A_179 = arith.muli %add3A_177, %mul3A_178 : i32
          %dma_start3A_180 = tpu.memref_slice %arg12[%mul3A_179] : memref<10000xi32, #tpu.memory_space<vmem>> -> memref<80xi32, #tpu.memory_space<vmem>>
          %dma_start3A_181 = arith.constant 0 : i32
          %dma_start3A_182 = arith.constant 0 : i32
          %dma_start3A_183 = tpu.memref_slice %arg4[%dma_start3A_181, %dma_start3A_182] : memref<10000x128xf32, #tpu.memory_space<hbm>> -> memref<10000x128xf32, #tpu.memory_space<hbm>>
          tpu.enqueue_indirect_dma source(%dma_start3A_183 : memref<10000x128xf32, #tpu.memory_space<hbm>>) target(%arg15 : memref<80x128xf32, #tpu.memory_space<vmem>>) offsets(%dma_start3A_180 : memref<80xi32, #tpu.memory_space<vmem>>) semaphore(%arg18 : memref<!tpu.dma_semaphore, #tpu.memory_space<semaphore_mem>>)
        } else {
        }
      }
      %scan3A_50 = arith.constant 62 : i32
      %dma_wait3A = arith.constant 9920 : i32
      %dma_wait3A_51 = tpu.memref_slice %arg12[%dma_wait3A] : memref<10000xi32, #tpu.memory_space<vmem>> -> memref<80xi32, #tpu.memory_space<vmem>>
      %dma_wait3A_52 = arith.constant 0 : i32
      %dma_wait3A_53 = arith.constant 0 : i32
      %dma_wait3A_54 = tpu.memref_slice %arg4[%dma_wait3A_52, %dma_wait3A_53] : memref<10000x128xf32, #tpu.memory_space<hbm>> -> memref<10000x128xf32, #tpu.memory_space<hbm>>
      tpu.wait_indirect_dma semaphore(%arg17 : memref<!tpu.dma_semaphore, #tpu.memory_space<semaphore_mem>>) src(%dma_wait3A_54 : memref<10000x128xf32, #tpu.memory_space<hbm>>) dst(%arg14 : memref<80x128xf32, #tpu.memory_space<vmem>>)
      %run_scoped3A = arith.constant 124 : i32
      "tpu.region"() ({
        %run_scoped3A_146 = tpu.sem_alloc : memref<!tpu.dma_semaphore, #tpu.memory_space<semaphore_mem>>
        %dma_start3A_147 = arith.constant 0 : i32
        %dma_start3A_148 = tpu.memref_slice %arg13[%run_scoped3A, %dma_start3A_147] : memref<125x80xi32, #tpu.memory_space<vmem>> -> memref<1x80xi32, #tpu.memory_space<vmem>>
        %dma_start3A_149 = tpu.memref_squeeze %dma_start3A_148 : memref<1x80xi32, #tpu.memory_space<vmem>> -> memref<80xi32, #tpu.memory_space<vmem>>
        %dma_start3A_150 = arith.constant 0 : i32
        %dma_start3A_151 = arith.constant 0 : i32
        %dma_start3A_152 = tpu.memref_slice %arg16[%dma_start3A_150, %dma_start3A_151] : memref<10000x128xf32, #tpu.memory_space<vmem_shared>> -> memref<10000x128xf32, #tpu.memory_space<vmem_shared>>
        tpu.enqueue_indirect_dma source(%arg14 : memref<80x128xf32, #tpu.memory_space<vmem>>) target(%dma_start3A_152 : memref<10000x128xf32, #tpu.memory_space<vmem_shared>>) offsets(%dma_start3A_149 : memref<80xi32, #tpu.memory_space<vmem>>) semaphore(%run_scoped3A_146 : memref<!tpu.dma_semaphore, #tpu.memory_space<semaphore_mem>>) {add = true}
        %dma_wait3A_153 = arith.constant 0 : i32
        %dma_wait3A_154 = tpu.memref_slice %arg13[%run_scoped3A, %dma_wait3A_153] : memref<125x80xi32, #tpu.memory_space<vmem>> -> memref<1x80xi32, #tpu.memory_space<vmem>>
        %dma_wait3A_155 = tpu.memref_squeeze %dma_wait3A_154 : memref<1x80xi32, #tpu.memory_space<vmem>> -> memref<80xi32, #tpu.memory_space<vmem>>
        %dma_wait3A_156 = arith.constant 0 : i32
        %dma_wait3A_157 = arith.constant 0 : i32
        %dma_wait3A_158 = tpu.memref_slice %arg16[%dma_wait3A_156, %dma_wait3A_157] : memref<10000x128xf32, #tpu.memory_space<vmem_shared>> -> memref<10000x128xf32, #tpu.memory_space<vmem_shared>>
        tpu.wait_indirect_dma semaphore(%run_scoped3A_146 : memref<!tpu.dma_semaphore, #tpu.memory_space<semaphore_mem>>) src(%arg14 : memref<80x128xf32, #tpu.memory_space<vmem>>) dst(%dma_wait3A_158 : memref<10000x128xf32, #tpu.memory_space<vmem_shared>>)
        tpu.yield
      }) : () -> ()
      %barrier3A_55 = arith.constant 0 : index
      tpu.barrier barrier_id(%barrier3A_55)
      %while3A_56 = arith.constant 0 : i32
      %while3A_57 = arith.constant 0 : i32
      %while3A_58 = arith.subi %select_n3A, %while3A_57 : i32
      %while3A_59 = arith.addi %while3A_57, %while3A_58 : i32
      %while3A_60 = arith.constant 1 : i32
      %while3A_61 = arith.divsi %while3A_58, %while3A_60 : i32
      %while3A_62 = arith.muli %while3A_61, %while3A_60 : i32
      %while3A_63 = arith.addi %while3A_57, %while3A_62 : i32
      %while3A_64 = arith.constant 1 : i32
      scf.for %while3A_146 = %while3A_57 to %while3A_63 step %while3A_64  : i32 {
        %mul3A_147 = arith.constant 80 : i32
        %mul3A_148 = arith.muli %while3A_146, %mul3A_147 : i32
        %add3A = arith.addi %mul3A_0, %mul3A_148 : i32
        %mul3A_149 = arith.constant 80 : i32
        %mul3A_150 = arith.muli %while3A_146, %mul3A_149 : i32
        %add3A_151 = arith.addi %mul3A_0, %mul3A_150 : i32
        %dma_start3A_152 = arith.constant 0 : i32
        %dma_start3A_153 = tpu.memref_slice %arg8[%add3A_151, %dma_start3A_152] : memref<10000x128xf32, #tpu.memory_space<hbm>> -> memref<80x128xf32, #tpu.memory_space<hbm>>
        %dma_start3A_154 = arith.constant 0 : i32
        %dma_start3A_155 = tpu.memref_slice %arg16[%add3A, %dma_start3A_154] : memref<10000x128xf32, #tpu.memory_space<vmem_shared>> -> memref<80x128xf32, #tpu.memory_space<vmem_shared>>
        tpu.enqueue_dma source(%dma_start3A_155 : memref<80x128xf32, #tpu.memory_space<vmem_shared>>) target(%dma_start3A_153 : memref<80x128xf32, #tpu.memory_space<hbm>>) target_semaphore(%arg17 : memref<!tpu.dma_semaphore, #tpu.memory_space<semaphore_mem>>)
      }
      %while3A_65 = arith.constant 1 : i32
      scf.for %while3A_146 = %while3A_63 to %while3A_59 step %while3A_65  : i32 {
        %mul3A_147 = arith.constant 80 : i32
        %mul3A_148 = arith.muli %while3A_146, %mul3A_147 : i32
        %add3A = arith.addi %mul3A_0, %mul3A_148 : i32
        %mul3A_149 = arith.constant 80 : i32
        %mul3A_150 = arith.muli %while3A_146, %mul3A_149 : i32
        %add3A_151 = arith.addi %mul3A_0, %mul3A_150 : i32
        %dma_start3A_152 = arith.constant 0 : i32
        %dma_start3A_153 = tpu.memref_slice %arg8[%add3A_151, %dma_start3A_152] : memref<10000x128xf32, #tpu.memory_space<hbm>> -> memref<80x128xf32, #tpu.memory_space<hbm>>
        %dma_start3A_154 = arith.constant 0 : i32
        %dma_start3A_155 = tpu.memref_slice %arg16[%add3A, %dma_start3A_154] : memref<10000x128xf32, #tpu.memory_space<vmem_shared>> -> memref<80x128xf32, #tpu.memory_space<vmem_shared>>
        tpu.enqueue_dma source(%dma_start3A_155 : memref<80x128xf32, #tpu.memory_space<vmem_shared>>) target(%dma_start3A_153 : memref<80x128xf32, #tpu.memory_space<hbm>>) target_semaphore(%arg17 : memref<!tpu.dma_semaphore, #tpu.memory_space<semaphore_mem>>)
      }
      %while3A_66 = arith.constant 0 : i32
      %while3A_67 = arith.constant 0 : i32
      %while3A_68 = arith.subi %select_n3A, %while3A_67 : i32
      %while3A_69 = arith.addi %while3A_67, %while3A_68 : i32
      %while3A_70 = arith.constant 1 : i32
      %while3A_71 = arith.divsi %while3A_68, %while3A_70 : i32
      %while3A_72 = arith.muli %while3A_71, %while3A_70 : i32
      %while3A_73 = arith.addi %while3A_67, %while3A_72 : i32
      %while3A_74 = arith.constant 1 : i32
      scf.for %while3A_146 = %while3A_67 to %while3A_73 step %while3A_74  : i32 {
        %mul3A_147 = arith.constant 80 : i32
        %mul3A_148 = arith.muli %while3A_146, %mul3A_147 : i32
        %add3A = arith.addi %mul3A_0, %mul3A_148 : i32
        %mul3A_149 = arith.constant 80 : i32
        %mul3A_150 = arith.muli %while3A_146, %mul3A_149 : i32
        %add3A_151 = arith.addi %mul3A_0, %mul3A_150 : i32
        %dma_wait3A_152 = arith.constant 0 : i32
        %dma_wait3A_153 = tpu.memref_slice %arg8[%add3A_151, %dma_wait3A_152] : memref<10000x128xf32, #tpu.memory_space<hbm>> -> memref<80x128xf32, #tpu.memory_space<hbm>>
        %dma_wait3A_154 = arith.constant 0 : i32
        %dma_wait3A_155 = tpu.memref_slice %arg16[%add3A, %dma_wait3A_154] : memref<10000x128xf32, #tpu.memory_space<vmem_shared>> -> memref<80x128xf32, #tpu.memory_space<vmem_shared>>
        tpu.wait_dma2 semaphore(%arg17 : memref<!tpu.dma_semaphore, #tpu.memory_space<semaphore_mem>>) src(%dma_wait3A_155 : memref<80x128xf32, #tpu.memory_space<vmem_shared>>) dst(%dma_wait3A_153 : memref<80x128xf32, #tpu.memory_space<hbm>>)
      }
      %while3A_75 = arith.constant 1 : i32
      scf.for %while3A_146 = %while3A_73 to %while3A_69 step %while3A_75  : i32 {
        %mul3A_147 = arith.constant 80 : i32
        %mul3A_148 = arith.muli %while3A_146, %mul3A_147 : i32
        %add3A = arith.addi %mul3A_0, %mul3A_148 : i32
        %mul3A_149 = arith.constant 80 : i32
        %mul3A_150 = arith.muli %while3A_146, %mul3A_149 : i32
        %add3A_151 = arith.addi %mul3A_0, %mul3A_150 : i32
        %dma_wait3A_152 = arith.constant 0 : i32
        %dma_wait3A_153 = tpu.memref_slice %arg8[%add3A_151, %dma_wait3A_152] : memref<10000x128xf32, #tpu.memory_space<hbm>> -> memref<80x128xf32, #tpu.memory_space<hbm>>
        %dma_wait3A_154 = arith.constant 0 : i32
        %dma_wait3A_155 = tpu.memref_slice %arg16[%add3A, %dma_wait3A_154] : memref<10000x128xf32, #tpu.memory_space<vmem_shared>> -> memref<80x128xf32, #tpu.memory_space<vmem_shared>>
        tpu.wait_dma2 semaphore(%arg17 : memref<!tpu.dma_semaphore, #tpu.memory_space<semaphore_mem>>) src(%dma_wait3A_155 : memref<80x128xf32, #tpu.memory_space<vmem_shared>>) dst(%dma_wait3A_153 : memref<80x128xf32, #tpu.memory_space<hbm>>)
      }
      %scan3A_76 = arith.constant 0 : i32
      %scan3A_77 = arith.constant 0 : i32
      %scan3A_78 = arith.constant 80 : i32
      %scan3A_79 = arith.addi %scan3A_77, %scan3A_78 : i32
      %scan3A_80 = arith.constant 1 : i32
      scf.for %scan3A_146 = %scan3A_77 to %scan3A_79 step %scan3A_80  : i32 {
        %scan3A_147 = arith.constant 0 : i32
        %scan3A_148 = arith.constant 8 : i32
        %scan3A_149 = arith.addi %scan3A_147, %scan3A_148 : i32
        %scan3A_150 = arith.constant 1 : i32
        scf.for %scan3A_152 = %scan3A_147 to %scan3A_149 step %scan3A_150  : i32 {
          %mul3A_153 = arith.constant 16 : i32
          %mul3A_154 = arith.muli %scan3A_152, %mul3A_153 : i32
          %swap3A = arith.index_cast %scan3A_146 : i32 to index
          %swap3A_155 = arith.index_cast %mul3A_154 : i32 to index
          %swap3A_156 = tpu.vector_load %arg14[%swap3A, %swap3A_155] {strides = array<i32>} : memref<80x128xf32, #tpu.memory_space<vmem>>, vector<1x16xf32>,
          %swap3A_157 = vector.shape_cast %swap3A_156 : vector<1x16xf32> to vector<16xf32>
          %swap3A_158 = vector.shape_cast %broadcast_in_dim3A_3 : vector<16xf32> to vector<1x16xf32>
          tpu.vector_store %arg14[%swap3A, %swap3A_155], %swap3A_158 {strides = array<i32>} : memref<80x128xf32, #tpu.memory_space<vmem>>, vector<1x16xf32>,
        }
        %scan3A_151 = arith.constant 8 : i32
      }
      %scan3A_81 = arith.constant 80 : i32
      %while3A_82 = arith.constant 0 : i32
      %while3A_83 = arith.constant 0 : i32
      %while3A_84 = arith.subi %select_n3A, %while3A_83 : i32
      %while3A_85 = arith.addi %while3A_83, %while3A_84 : i32
      %while3A_86 = arith.constant 1 : i32
      %while3A_87 = arith.divsi %while3A_84, %while3A_86 : i32
      %while3A_88 = arith.muli %while3A_87, %while3A_86 : i32
      %while3A_89 = arith.addi %while3A_83, %while3A_88 : i32
      %while3A_90 = arith.constant 1 : i32
      scf.for %while3A_146 = %while3A_83 to %while3A_89 step %while3A_90  : i32 {
        %mul3A_147 = arith.constant 80 : i32
        %mul3A_148 = arith.muli %while3A_146, %mul3A_147 : i32
        %add3A = arith.addi %mul3A_0, %mul3A_148 : i32
        %dma_start3A_149 = arith.constant 0 : i32
        %dma_start3A_150 = tpu.memref_slice %arg16[%add3A, %dma_start3A_149] : memref<10000x128xf32, #tpu.memory_space<vmem_shared>> -> memref<80x128xf32, #tpu.memory_space<vmem_shared>>
        %dma_start3A_151 = arith.constant 0 : i32
        %dma_start3A_152 = tpu.memref_slice %arg16[%add3A, %dma_start3A_151] : memref<10000x128xf32, #tpu.memory_space<vmem_shared>> -> memref<80x128xf32, #tpu.memory_space<vmem_shared>>
        tpu.enqueue_dma source(%arg14 : memref<80x128xf32, #tpu.memory_space<vmem>>) target(%dma_start3A_152 : memref<80x128xf32, #tpu.memory_space<vmem_shared>>) target_semaphore(%arg17 : memref<!tpu.dma_semaphore, #tpu.memory_space<semaphore_mem>>)
      }
      %while3A_91 = arith.constant 1 : i32
      scf.for %while3A_146 = %while3A_89 to %while3A_85 step %while3A_91  : i32 {
        %mul3A_147 = arith.constant 80 : i32
        %mul3A_148 = arith.muli %while3A_146, %mul3A_147 : i32
        %add3A = arith.addi %mul3A_0, %mul3A_148 : i32
        %dma_start3A_149 = arith.constant 0 : i32
        %dma_start3A_150 = tpu.memref_slice %arg16[%add3A, %dma_start3A_149] : memref<10000x128xf32, #tpu.memory_space<vmem_shared>> -> memref<80x128xf32, #tpu.memory_space<vmem_shared>>
        %dma_start3A_151 = arith.constant 0 : i32
        %dma_start3A_152 = tpu.memref_slice %arg16[%add3A, %dma_start3A_151] : memref<10000x128xf32, #tpu.memory_space<vmem_shared>> -> memref<80x128xf32, #tpu.memory_space<vmem_shared>>
        tpu.enqueue_dma source(%arg14 : memref<80x128xf32, #tpu.memory_space<vmem>>) target(%dma_start3A_152 : memref<80x128xf32, #tpu.memory_space<vmem_shared>>) target_semaphore(%arg17 : memref<!tpu.dma_semaphore, #tpu.memory_space<semaphore_mem>>)
      }
      %while3A_92 = arith.constant 0 : i32
      %while3A_93 = arith.constant 0 : i32
      %while3A_94 = arith.subi %select_n3A, %while3A_93 : i32
      %while3A_95 = arith.addi %while3A_93, %while3A_94 : i32
      %while3A_96 = arith.constant 1 : i32
      %while3A_97 = arith.divsi %while3A_94, %while3A_96 : i32
      %while3A_98 = arith.muli %while3A_97, %while3A_96 : i32
      %while3A_99 = arith.addi %while3A_93, %while3A_98 : i32
      %while3A_100 = arith.constant 1 : i32
      scf.for %while3A_146 = %while3A_93 to %while3A_99 step %while3A_100  : i32 {
        %mul3A_147 = arith.constant 80 : i32
        %mul3A_148 = arith.muli %while3A_146, %mul3A_147 : i32
        %add3A = arith.addi %mul3A_0, %mul3A_148 : i32
        %dma_wait3A_149 = arith.constant 0 : i32
        %dma_wait3A_150 = tpu.memref_slice %arg16[%add3A, %dma_wait3A_149] : memref<10000x128xf32, #tpu.memory_space<vmem_shared>> -> memref<80x128xf32, #tpu.memory_space<vmem_shared>>
        %dma_wait3A_151 = arith.constant 0 : i32
        %dma_wait3A_152 = tpu.memref_slice %arg16[%add3A, %dma_wait3A_151] : memref<10000x128xf32, #tpu.memory_space<vmem_shared>> -> memref<80x128xf32, #tpu.memory_space<vmem_shared>>
        tpu.wait_dma2 semaphore(%arg17 : memref<!tpu.dma_semaphore, #tpu.memory_space<semaphore_mem>>) src(%arg14 : memref<80x128xf32, #tpu.memory_space<vmem>>) dst(%dma_wait3A_152 : memref<80x128xf32, #tpu.memory_space<vmem_shared>>)
      }
      %while3A_101 = arith.constant 1 : i32
      scf.for %while3A_146 = %while3A_99 to %while3A_95 step %while3A_101  : i32 {
        %mul3A_147 = arith.constant 80 : i32
        %mul3A_148 = arith.muli %while3A_146, %mul3A_147 : i32
        %add3A = arith.addi %mul3A_0, %mul3A_148 : i32
        %dma_wait3A_149 = arith.constant 0 : i32
        %dma_wait3A_150 = tpu.memref_slice %arg16[%add3A, %dma_wait3A_149] : memref<10000x128xf32, #tpu.memory_space<vmem_shared>> -> memref<80x128xf32, #tpu.memory_space<vmem_shared>>
        %dma_wait3A_151 = arith.constant 0 : i32
        %dma_wait3A_152 = tpu.memref_slice %arg16[%add3A, %dma_wait3A_151] : memref<10000x128xf32, #tpu.memory_space<vmem_shared>> -> memref<80x128xf32, #tpu.memory_space<vmem_shared>>
        tpu.wait_dma2 semaphore(%arg17 : memref<!tpu.dma_semaphore, #tpu.memory_space<semaphore_mem>>) src(%arg14 : memref<80x128xf32, #tpu.memory_space<vmem>>) dst(%dma_wait3A_152 : memref<80x128xf32, #tpu.memory_space<vmem_shared>>)
      }
      %barrier3A_102 = arith.constant 0 : index
      tpu.barrier barrier_id(%barrier3A_102)
      %dma_start3A_103 = arith.constant 0 : i32
      %dma_start3A_104 = tpu.memref_slice %arg12[%dma_start3A_103] : memref<10000xi32, #tpu.memory_space<vmem>> -> memref<80xi32, #tpu.memory_space<vmem>>
      %dma_start3A_105 = arith.constant 0 : i32
      %dma_start3A_106 = arith.constant 0 : i32
      %dma_start3A_107 = tpu.memref_slice %arg5[%dma_start3A_105, %dma_start3A_106] : memref<10000x128xf32, #tpu.memory_space<hbm>> -> memref<10000x128xf32, #tpu.memory_space<hbm>>
      tpu.enqueue_indirect_dma source(%dma_start3A_107 : memref<10000x128xf32, #tpu.memory_space<hbm>>) target(%arg14 : memref<80x128xf32, #tpu.memory_space<vmem>>) offsets(%dma_start3A_104 : memref<80xi32, #tpu.memory_space<vmem>>) semaphore(%arg17 : memref<!tpu.dma_semaphore, #tpu.memory_space<semaphore_mem>>)
      %dma_start3A_108 = arith.constant 80 : i32
      %dma_start3A_109 = tpu.memref_slice %arg12[%dma_start3A_108] : memref<10000xi32, #tpu.memory_space<vmem>> -> memref<80xi32, #tpu.memory_space<vmem>>
      %dma_start3A_110 = arith.constant 0 : i32
      %dma_start3A_111 = arith.constant 0 : i32
      %dma_start3A_112 = tpu.memref_slice %arg5[%dma_start3A_110, %dma_start3A_111] : memref<10000x128xf32, #tpu.memory_space<hbm>> -> memref<10000x128xf32, #tpu.memory_space<hbm>>
      tpu.enqueue_indirect_dma source(%dma_start3A_112 : memref<10000x128xf32, #tpu.memory_space<hbm>>) target(%arg15 : memref<80x128xf32, #tpu.memory_space<vmem>>) offsets(%dma_start3A_109 : memref<80xi32, #tpu.memory_space<vmem>>) semaphore(%arg18 : memref<!tpu.dma_semaphore, #tpu.memory_space<semaphore_mem>>)
      %scan3A_113 = arith.constant 0 : i32
      %scan3A_114 = arith.constant 0 : i32
      %scan3A_115 = arith.constant 62 : i32
      %scan3A_116 = arith.addi %scan3A_114, %scan3A_115 : i32
      %scan3A_117 = arith.constant 1 : i32
      scf.for %scan3A_146 = %scan3A_114 to %scan3A_116 step %scan3A_117  : i32 {
        %mul3A_147 = arith.constant 2 : i32
        %mul3A_148 = arith.muli %mul3A_147, %scan3A_146 : i32
        %mul3A_149 = arith.constant 80 : i32
        %mul3A_150 = arith.muli %mul3A_148, %mul3A_149 : i32
        %dma_wait3A_151 = tpu.memref_slice %arg12[%mul3A_150] : memref<10000xi32, #tpu.memory_space<vmem>> -> memref<80xi32, #tpu.memory_space<vmem>>
        %dma_wait3A_152 = arith.constant 0 : i32
        %dma_wait3A_153 = arith.constant 0 : i32
        %dma_wait3A_154 = tpu.memref_slice %arg5[%dma_wait3A_152, %dma_wait3A_153] : memref<10000x128xf32, #tpu.memory_space<hbm>> -> memref<10000x128xf32, #tpu.memory_space<hbm>>
        tpu.wait_indirect_dma semaphore(%arg17 : memref<!tpu.dma_semaphore, #tpu.memory_space<semaphore_mem>>) src(%dma_wait3A_154 : memref<10000x128xf32, #tpu.memory_space<hbm>>) dst(%arg14 : memref<80x128xf32, #tpu.memory_space<vmem>>)
        "tpu.region"() ({
          %run_scoped3A_176 = tpu.sem_alloc : memref<!tpu.dma_semaphore, #tpu.memory_space<semaphore_mem>>
          %dma_start3A_177 = arith.constant 0 : i32
          %dma_start3A_178 = tpu.memref_slice %arg13[%mul3A_148, %dma_start3A_177] : memref<125x80xi32, #tpu.memory_space<vmem>> -> memref<1x80xi32, #tpu.memory_space<vmem>>
          %dma_start3A_179 = tpu.memref_squeeze %dma_start3A_178 : memref<1x80xi32, #tpu.memory_space<vmem>> -> memref<80xi32, #tpu.memory_space<vmem>>
          %dma_start3A_180 = arith.constant 0 : i32
          %dma_start3A_181 = arith.constant 0 : i32
          %dma_start3A_182 = tpu.memref_slice %arg16[%dma_start3A_180, %dma_start3A_181] : memref<10000x128xf32, #tpu.memory_space<vmem_shared>> -> memref<10000x128xf32, #tpu.memory_space<vmem_shared>>
          tpu.enqueue_indirect_dma source(%arg14 : memref<80x128xf32, #tpu.memory_space<vmem>>) target(%dma_start3A_182 : memref<10000x128xf32, #tpu.memory_space<vmem_shared>>) offsets(%dma_start3A_179 : memref<80xi32, #tpu.memory_space<vmem>>) semaphore(%run_scoped3A_176 : memref<!tpu.dma_semaphore, #tpu.memory_space<semaphore_mem>>) {add = true}
          %dma_wait3A_183 = arith.constant 0 : i32
          %dma_wait3A_184 = tpu.memref_slice %arg13[%mul3A_148, %dma_wait3A_183] : memref<125x80xi32, #tpu.memory_space<vmem>> -> memref<1x80xi32, #tpu.memory_space<vmem>>
          %dma_wait3A_185 = tpu.memref_squeeze %dma_wait3A_184 : memref<1x80xi32, #tpu.memory_space<vmem>> -> memref<80xi32, #tpu.memory_space<vmem>>
          %dma_wait3A_186 = arith.constant 0 : i32
          %dma_wait3A_187 = arith.constant 0 : i32
          %dma_wait3A_188 = tpu.memref_slice %arg16[%dma_wait3A_186, %dma_wait3A_187] : memref<10000x128xf32, #tpu.memory_space<vmem_shared>> -> memref<10000x128xf32, #tpu.memory_space<vmem_shared>>
          tpu.wait_indirect_dma semaphore(%run_scoped3A_176 : memref<!tpu.dma_semaphore, #tpu.memory_space<semaphore_mem>>) src(%arg14 : memref<80x128xf32, #tpu.memory_space<vmem>>) dst(%dma_wait3A_188 : memref<10000x128xf32, #tpu.memory_space<vmem_shared>>)
          tpu.yield
        }) : () -> ()
        %add3A = arith.constant 2 : i32
        %add3A_155 = arith.addi %mul3A_148, %add3A : i32
        %mul3A_156 = arith.constant 80 : i32
        %mul3A_157 = arith.muli %add3A_155, %mul3A_156 : i32
        %dma_start3A_158 = tpu.memref_slice %arg12[%mul3A_157] : memref<10000xi32, #tpu.memory_space<vmem>> -> memref<80xi32, #tpu.memory_space<vmem>>
        %dma_start3A_159 = arith.constant 0 : i32
        %dma_start3A_160 = arith.constant 0 : i32
        %dma_start3A_161 = tpu.memref_slice %arg5[%dma_start3A_159, %dma_start3A_160] : memref<10000x128xf32, #tpu.memory_space<hbm>> -> memref<10000x128xf32, #tpu.memory_space<hbm>>
        tpu.enqueue_indirect_dma source(%dma_start3A_161 : memref<10000x128xf32, #tpu.memory_space<hbm>>) target(%arg14 : memref<80x128xf32, #tpu.memory_space<vmem>>) offsets(%dma_start3A_158 : memref<80xi32, #tpu.memory_space<vmem>>) semaphore(%arg17 : memref<!tpu.dma_semaphore, #tpu.memory_space<semaphore_mem>>)
        %add3A_162 = arith.constant 1 : i32
        %add3A_163 = arith.addi %mul3A_148, %add3A_162 : i32
        %mul3A_164 = arith.constant 80 : i32
        %mul3A_165 = arith.muli %add3A_163, %mul3A_164 : i32
        %dma_wait3A_166 = tpu.memref_slice %arg12[%mul3A_165] : memref<10000xi32, #tpu.memory_space<vmem>> -> memref<80xi32, #tpu.memory_space<vmem>>
        %dma_wait3A_167 = arith.constant 0 : i32
        %dma_wait3A_168 = arith.constant 0 : i32
        %dma_wait3A_169 = tpu.memref_slice %arg5[%dma_wait3A_167, %dma_wait3A_168] : memref<10000x128xf32, #tpu.memory_space<hbm>> -> memref<10000x128xf32, #tpu.memory_space<hbm>>
        tpu.wait_indirect_dma semaphore(%arg18 : memref<!tpu.dma_semaphore, #tpu.memory_space<semaphore_mem>>) src(%dma_wait3A_169 : memref<10000x128xf32, #tpu.memory_space<hbm>>) dst(%arg15 : memref<80x128xf32, #tpu.memory_space<vmem>>)
        %add3A_170 = arith.constant 1 : i32
        %add3A_171 = arith.addi %mul3A_148, %add3A_170 : i32
        "tpu.region"() ({
          %run_scoped3A_176 = tpu.sem_alloc : memref<!tpu.dma_semaphore, #tpu.memory_space<semaphore_mem>>
          %dma_start3A_177 = arith.constant 0 : i32
          %dma_start3A_178 = tpu.memref_slice %arg13[%add3A_171, %dma_start3A_177] : memref<125x80xi32, #tpu.memory_space<vmem>> -> memref<1x80xi32, #tpu.memory_space<vmem>>
          %dma_start3A_179 = tpu.memref_squeeze %dma_start3A_178 : memref<1x80xi32, #tpu.memory_space<vmem>> -> memref<80xi32, #tpu.memory_space<vmem>>
          %dma_start3A_180 = arith.constant 0 : i32
          %dma_start3A_181 = arith.constant 0 : i32
          %dma_start3A_182 = tpu.memref_slice %arg16[%dma_start3A_180, %dma_start3A_181] : memref<10000x128xf32, #tpu.memory_space<vmem_shared>> -> memref<10000x128xf32, #tpu.memory_space<vmem_shared>>
          tpu.enqueue_indirect_dma source(%arg15 : memref<80x128xf32, #tpu.memory_space<vmem>>) target(%dma_start3A_182 : memref<10000x128xf32, #tpu.memory_space<vmem_shared>>) offsets(%dma_start3A_179 : memref<80xi32, #tpu.memory_space<vmem>>) semaphore(%run_scoped3A_176 : memref<!tpu.dma_semaphore, #tpu.memory_space<semaphore_mem>>) {add = true}
          %dma_wait3A_183 = arith.constant 0 : i32
          %dma_wait3A_184 = tpu.memref_slice %arg13[%add3A_171, %dma_wait3A_183] : memref<125x80xi32, #tpu.memory_space<vmem>> -> memref<1x80xi32, #tpu.memory_space<vmem>>
          %dma_wait3A_185 = tpu.memref_squeeze %dma_wait3A_184 : memref<1x80xi32, #tpu.memory_space<vmem>> -> memref<80xi32, #tpu.memory_space<vmem>>
          %dma_wait3A_186 = arith.constant 0 : i32
          %dma_wait3A_187 = arith.constant 0 : i32
          %dma_wait3A_188 = tpu.memref_slice %arg16[%dma_wait3A_186, %dma_wait3A_187] : memref<10000x128xf32, #tpu.memory_space<vmem_shared>> -> memref<10000x128xf32, #tpu.memory_space<vmem_shared>>
          tpu.wait_indirect_dma semaphore(%run_scoped3A_176 : memref<!tpu.dma_semaphore, #tpu.memory_space<semaphore_mem>>) src(%arg15 : memref<80x128xf32, #tpu.memory_space<vmem>>) dst(%dma_wait3A_188 : memref<10000x128xf32, #tpu.memory_space<vmem_shared>>)
          tpu.yield
        }) : () -> ()
        %lt3A = arith.constant 61 : i32
        %lt3A_172 = arith.cmpi slt, %scan3A_146, %lt3A : i32
        %convert_element_type3A_173 = arith.extui %lt3A_172 : i1 to i32
        %cond3A_174 = arith.constant 0 : i32
        %cond3A_175 = arith.cmpi ne, %convert_element_type3A_173, %cond3A_174 : i32
        scf.if %cond3A_175 {
          %add3A_176 = arith.constant 3 : i32
          %add3A_177 = arith.addi %mul3A_148, %add3A_176 : i32
          %mul3A_178 = arith.constant 80 : i32
          %mul3A_179 = arith.muli %add3A_177, %mul3A_178 : i32
          %dma_start3A_180 = tpu.memref_slice %arg12[%mul3A_179] : memref<10000xi32, #tpu.memory_space<vmem>> -> memref<80xi32, #tpu.memory_space<vmem>>
          %dma_start3A_181 = arith.constant 0 : i32
          %dma_start3A_182 = arith.constant 0 : i32
          %dma_start3A_183 = tpu.memref_slice %arg5[%dma_start3A_181, %dma_start3A_182] : memref<10000x128xf32, #tpu.memory_space<hbm>> -> memref<10000x128xf32, #tpu.memory_space<hbm>>
          tpu.enqueue_indirect_dma source(%dma_start3A_183 : memref<10000x128xf32, #tpu.memory_space<hbm>>) target(%arg15 : memref<80x128xf32, #tpu.memory_space<vmem>>) offsets(%dma_start3A_180 : memref<80xi32, #tpu.memory_space<vmem>>) semaphore(%arg18 : memref<!tpu.dma_semaphore, #tpu.memory_space<semaphore_mem>>)
        } else {
        }
      }
      %scan3A_118 = arith.constant 62 : i32
      %dma_wait3A_119 = arith.constant 9920 : i32
      %dma_wait3A_120 = tpu.memref_slice %arg12[%dma_wait3A_119] : memref<10000xi32, #tpu.memory_space<vmem>> -> memref<80xi32, #tpu.memory_space<vmem>>
      %dma_wait3A_121 = arith.constant 0 : i32
      %dma_wait3A_122 = arith.constant 0 : i32
      %dma_wait3A_123 = tpu.memref_slice %arg5[%dma_wait3A_121, %dma_wait3A_122] : memref<10000x128xf32, #tpu.memory_space<hbm>> -> memref<10000x128xf32, #tpu.memory_space<hbm>>
      tpu.wait_indirect_dma semaphore(%arg17 : memref<!tpu.dma_semaphore, #tpu.memory_space<semaphore_mem>>) src(%dma_wait3A_123 : memref<10000x128xf32, #tpu.memory_space<hbm>>) dst(%arg14 : memref<80x128xf32, #tpu.memory_space<vmem>>)
      %run_scoped3A_124 = arith.constant 124 : i32
      "tpu.region"() ({
        %run_scoped3A_146 = tpu.sem_alloc : memref<!tpu.dma_semaphore, #tpu.memory_space<semaphore_mem>>
        %dma_start3A_147 = arith.constant 0 : i32
        %dma_start3A_148 = tpu.memref_slice %arg13[%run_scoped3A_124, %dma_start3A_147] : memref<125x80xi32, #tpu.memory_space<vmem>> -> memref<1x80xi32, #tpu.memory_space<vmem>>
        %dma_start3A_149 = tpu.memref_squeeze %dma_start3A_148 : memref<1x80xi32, #tpu.memory_space<vmem>> -> memref<80xi32, #tpu.memory_space<vmem>>
        %dma_start3A_150 = arith.constant 0 : i32
        %dma_start3A_151 = arith.constant 0 : i32
        %dma_start3A_152 = tpu.memref_slice %arg16[%dma_start3A_150, %dma_start3A_151] : memref<10000x128xf32, #tpu.memory_space<vmem_shared>> -> memref<10000x128xf32, #tpu.memory_space<vmem_shared>>
        tpu.enqueue_indirect_dma source(%arg14 : memref<80x128xf32, #tpu.memory_space<vmem>>) target(%dma_start3A_152 : memref<10000x128xf32, #tpu.memory_space<vmem_shared>>) offsets(%dma_start3A_149 : memref<80xi32, #tpu.memory_space<vmem>>) semaphore(%run_scoped3A_146 : memref<!tpu.dma_semaphore, #tpu.memory_space<semaphore_mem>>) {add = true}
        %dma_wait3A_153 = arith.constant 0 : i32
        %dma_wait3A_154 = tpu.memref_slice %arg13[%run_scoped3A_124, %dma_wait3A_153] : memref<125x80xi32, #tpu.memory_space<vmem>> -> memref<1x80xi32, #tpu.memory_space<vmem>>
        %dma_wait3A_155 = tpu.memref_squeeze %dma_wait3A_154 : memref<1x80xi32, #tpu.memory_space<vmem>> -> memref<80xi32, #tpu.memory_space<vmem>>
        %dma_wait3A_156 = arith.constant 0 : i32
        %dma_wait3A_157 = arith.constant 0 : i32
        %dma_wait3A_158 = tpu.memref_slice %arg16[%dma_wait3A_156, %dma_wait3A_157] : memref<10000x128xf32, #tpu.memory_space<vmem_shared>> -> memref<10000x128xf32, #tpu.memory_space<vmem_shared>>
        tpu.wait_indirect_dma semaphore(%run_scoped3A_146 : memref<!tpu.dma_semaphore, #tpu.memory_space<semaphore_mem>>) src(%arg14 : memref<80x128xf32, #tpu.memory_space<vmem>>) dst(%dma_wait3A_158 : memref<10000x128xf32, #tpu.memory_space<vmem_shared>>)
        tpu.yield
      }) : () -> ()
      %barrier3A_125 = arith.constant 0 : index
      tpu.barrier barrier_id(%barrier3A_125)
      %while3A_126 = arith.constant 0 : i32
      %while3A_127 = arith.constant 0 : i32
      %while3A_128 = arith.subi %select_n3A, %while3A_127 : i32
      %while3A_129 = arith.addi %while3A_127, %while3A_128 : i32
      %while3A_130 = arith.constant 1 : i32
      %while3A_131 = arith.divsi %while3A_128, %while3A_130 : i32
      %while3A_132 = arith.muli %while3A_131, %while3A_130 : i32
      %while3A_133 = arith.addi %while3A_127, %while3A_132 : i32
      %while3A_134 = arith.constant 1 : i32
      scf.for %while3A_146 = %while3A_127 to %while3A_133 step %while3A_134  : i32 {
        %mul3A_147 = arith.constant 80 : i32
        %mul3A_148 = arith.muli %while3A_146, %mul3A_147 : i32
        %add3A = arith.addi %mul3A_0, %mul3A_148 : i32
        %mul3A_149 = arith.constant 80 : i32
        %mul3A_150 = arith.muli %while3A_146, %mul3A_149 : i32
        %add3A_151 = arith.addi %mul3A_0, %mul3A_150 : i32
        %dma_start3A_152 = arith.constant 0 : i32
        %dma_start3A_153 = tpu.memref_slice %arg9[%add3A_151, %dma_start3A_152] : memref<10000x128xf32, #tpu.memory_space<hbm>> -> memref<80x128xf32, #tpu.memory_space<hbm>>
        %dma_start3A_154 = arith.constant 0 : i32
        %dma_start3A_155 = tpu.memref_slice %arg16[%add3A, %dma_start3A_154] : memref<10000x128xf32, #tpu.memory_space<vmem_shared>> -> memref<80x128xf32, #tpu.memory_space<vmem_shared>>
        tpu.enqueue_dma source(%dma_start3A_155 : memref<80x128xf32, #tpu.memory_space<vmem_shared>>) target(%dma_start3A_153 : memref<80x128xf32, #tpu.memory_space<hbm>>) target_semaphore(%arg17 : memref<!tpu.dma_semaphore, #tpu.memory_space<semaphore_mem>>)
      }
      %while3A_135 = arith.constant 1 : i32
      scf.for %while3A_146 = %while3A_133 to %while3A_129 step %while3A_135  : i32 {
        %mul3A_147 = arith.constant 80 : i32
        %mul3A_148 = arith.muli %while3A_146, %mul3A_147 : i32
        %add3A = arith.addi %mul3A_0, %mul3A_148 : i32
        %mul3A_149 = arith.constant 80 : i32
        %mul3A_150 = arith.muli %while3A_146, %mul3A_149 : i32
        %add3A_151 = arith.addi %mul3A_0, %mul3A_150 : i32
        %dma_start3A_152 = arith.constant 0 : i32
        %dma_start3A_153 = tpu.memref_slice %arg9[%add3A_151, %dma_start3A_152] : memref<10000x128xf32, #tpu.memory_space<hbm>> -> memref<80x128xf32, #tpu.memory_space<hbm>>
        %dma_start3A_154 = arith.constant 0 : i32
        %dma_start3A_155 = tpu.memref_slice %arg16[%add3A, %dma_start3A_154] : memref<10000x128xf32, #tpu.memory_space<vmem_shared>> -> memref<80x128xf32, #tpu.memory_space<vmem_shared>>
        tpu.enqueue_dma source(%dma_start3A_155 : memref<80x128xf32, #tpu.memory_space<vmem_shared>>) target(%dma_start3A_153 : memref<80x128xf32, #tpu.memory_space<hbm>>) target_semaphore(%arg17 : memref<!tpu.dma_semaphore, #tpu.memory_space<semaphore_mem>>)
      }
      %while3A_136 = arith.constant 0 : i32
      %while3A_137 = arith.constant 0 : i32
      %while3A_138 = arith.subi %select_n3A, %while3A_137 : i32
      %while3A_139 = arith.addi %while3A_137, %while3A_138 : i32
      %while3A_140 = arith.constant 1 : i32
      %while3A_141 = arith.divsi %while3A_138, %while3A_140 : i32
      %while3A_142 = arith.muli %while3A_141, %while3A_140 : i32
      %while3A_143 = arith.addi %while3A_137, %while3A_142 : i32
      %while3A_144 = arith.constant 1 : i32
      scf.for %while3A_146 = %while3A_137 to %while3A_143 step %while3A_144  : i32 {
        %mul3A_147 = arith.constant 80 : i32
        %mul3A_148 = arith.muli %while3A_146, %mul3A_147 : i32
        %add3A = arith.addi %mul3A_0, %mul3A_148 : i32
        %mul3A_149 = arith.constant 80 : i32
        %mul3A_150 = arith.muli %while3A_146, %mul3A_149 : i32
        %add3A_151 = arith.addi %mul3A_0, %mul3A_150 : i32
        %dma_wait3A_152 = arith.constant 0 : i32
        %dma_wait3A_153 = tpu.memref_slice %arg9[%add3A_151, %dma_wait3A_152] : memref<10000x128xf32, #tpu.memory_space<hbm>> -> memref<80x128xf32, #tpu.memory_space<hbm>>
        %dma_wait3A_154 = arith.constant 0 : i32
        %dma_wait3A_155 = tpu.memref_slice %arg16[%add3A, %dma_wait3A_154] : memref<10000x128xf32, #tpu.memory_space<vmem_shared>> -> memref<80x128xf32, #tpu.memory_space<vmem_shared>>
        tpu.wait_dma2 semaphore(%arg17 : memref<!tpu.dma_semaphore, #tpu.memory_space<semaphore_mem>>) src(%dma_wait3A_155 : memref<80x128xf32, #tpu.memory_space<vmem_shared>>) dst(%dma_wait3A_153 : memref<80x128xf32, #tpu.memory_space<hbm>>)
      }
      %while3A_145 = arith.constant 1 : i32
      scf.for %while3A_146 = %while3A_143 to %while3A_139 step %while3A_145  : i32 {
        %mul3A_147 = arith.constant 80 : i32
        %mul3A_148 = arith.muli %while3A_146, %mul3A_147 : i32
        %add3A = arith.addi %mul3A_0, %mul3A_148 : i32
        %mul3A_149 = arith.constant 80 : i32
        %mul3A_150 = arith.muli %while3A_146, %mul3A_149 : i32
        %add3A_151 = arith.addi %mul3A_0, %mul3A_150 : i32
        %dma_wait3A_152 = arith.constant 0 : i32
        %dma_wait3A_153 = tpu.memref_slice %arg9[%add3A_151, %dma_wait3A_152] : memref<10000x128xf32, #tpu.memory_space<hbm>> -> memref<80x128xf32, #tpu.memory_space<hbm>>
        %dma_wait3A_154 = arith.constant 0 : i32
        %dma_wait3A_155 = tpu.memref_slice %arg16[%add3A, %dma_wait3A_154] : memref<10000x128xf32, #tpu.memory_space<vmem_shared>> -> memref<80x128xf32, #tpu.memory_space<vmem_shared>>
        tpu.wait_dma2 semaphore(%arg17 : memref<!tpu.dma_semaphore, #tpu.memory_space<semaphore_mem>>) src(%dma_wait3A_155 : memref<80x128xf32, #tpu.memory_space<vmem_shared>>) dst(%dma_wait3A_153 : memref<80x128xf32, #tpu.memory_space<hbm>>)
      }
    } else {
    }
    %eq3A_7 = arith.constant 1 : i32
    %eq3A_8 = arith.cmpi eq, %arg0, %eq3A_7 : i32
    %convert_element_type3A_9 = arith.extui %eq3A_8 : i1 to i32
    %cond3A_10 = arith.constant 0 : i32
    %cond3A_11 = arith.cmpi ne, %convert_element_type3A_9, %cond3A_10 : i32
    scf.if %cond3A_11 {
      %scan3A = arith.constant 0 : i32
      %scan3A_12 = arith.constant 0 : i32
      %scan3A_13 = arith.constant 80 : i32
      %scan3A_14 = arith.addi %scan3A_12, %scan3A_13 : i32
      %scan3A_15 = arith.constant 1 : i32
      scf.for %scan3A_146 = %scan3A_12 to %scan3A_14 step %scan3A_15  : i32 {
        %scan3A_147 = arith.constant 0 : i32
        %scan3A_148 = arith.constant 8 : i32
        %scan3A_149 = arith.addi %scan3A_147, %scan3A_148 : i32
        %scan3A_150 = arith.constant 1 : i32
        scf.for %scan3A_152 = %scan3A_147 to %scan3A_149 step %scan3A_150  : i32 {
          %mul3A_153 = arith.constant 16 : i32
          %mul3A_154 = arith.muli %scan3A_152, %mul3A_153 : i32
          %swap3A = arith.index_cast %scan3A_146 : i32 to index
          %swap3A_155 = arith.index_cast %mul3A_154 : i32 to index
          %swap3A_156 = tpu.vector_load %arg14[%swap3A, %swap3A_155] {strides = array<i32>} : memref<80x128xf32, #tpu.memory_space<vmem>>, vector<1x16xf32>,
          %swap3A_157 = vector.shape_cast %swap3A_156 : vector<1x16xf32> to vector<16xf32>
          %swap3A_158 = vector.shape_cast %broadcast_in_dim3A_3 : vector<16xf32> to vector<1x16xf32>
          tpu.vector_store %arg14[%swap3A, %swap3A_155], %swap3A_158 {strides = array<i32>} : memref<80x128xf32, #tpu.memory_space<vmem>>, vector<1x16xf32>,
        }
        %scan3A_151 = arith.constant 8 : i32
      }
      %scan3A_16 = arith.constant 80 : i32
      %while3A = arith.constant 0 : i32
      %while3A_17 = arith.constant 0 : i32
      %while3A_18 = arith.subi %select_n3A, %while3A_17 : i32
      %while3A_19 = arith.addi %while3A_17, %while3A_18 : i32
      %while3A_20 = arith.constant 1 : i32
      %while3A_21 = arith.divsi %while3A_18, %while3A_20 : i32
      %while3A_22 = arith.muli %while3A_21, %while3A_20 : i32
      %while3A_23 = arith.addi %while3A_17, %while3A_22 : i32
      %while3A_24 = arith.constant 1 : i32
      scf.for %while3A_146 = %while3A_17 to %while3A_23 step %while3A_24  : i32 {
        %mul3A_147 = arith.constant 80 : i32
        %mul3A_148 = arith.muli %while3A_146, %mul3A_147 : i32
        %add3A = arith.addi %mul3A_0, %mul3A_148 : i32
        %dma_start3A_149 = arith.constant 0 : i32
        %dma_start3A_150 = tpu.memref_slice %arg16[%add3A, %dma_start3A_149] : memref<10000x128xf32, #tpu.memory_space<vmem_shared>> -> memref<80x128xf32, #tpu.memory_space<vmem_shared>>
        %dma_start3A_151 = arith.constant 0 : i32
        %dma_start3A_152 = tpu.memref_slice %arg16[%add3A, %dma_start3A_151] : memref<10000x128xf32, #tpu.memory_space<vmem_shared>> -> memref<80x128xf32, #tpu.memory_space<vmem_shared>>
        tpu.enqueue_dma source(%arg14 : memref<80x128xf32, #tpu.memory_space<vmem>>) target(%dma_start3A_152 : memref<80x128xf32, #tpu.memory_space<vmem_shared>>) target_semaphore(%arg17 : memref<!tpu.dma_semaphore, #tpu.memory_space<semaphore_mem>>)
      }
      %while3A_25 = arith.constant 1 : i32
      scf.for %while3A_146 = %while3A_23 to %while3A_19 step %while3A_25  : i32 {
        %mul3A_147 = arith.constant 80 : i32
        %mul3A_148 = arith.muli %while3A_146, %mul3A_147 : i32
        %add3A = arith.addi %mul3A_0, %mul3A_148 : i32
        %dma_start3A_149 = arith.constant 0 : i32
        %dma_start3A_150 = tpu.memref_slice %arg16[%add3A, %dma_start3A_149] : memref<10000x128xf32, #tpu.memory_space<vmem_shared>> -> memref<80x128xf32, #tpu.memory_space<vmem_shared>>
        %dma_start3A_151 = arith.constant 0 : i32
        %dma_start3A_152 = tpu.memref_slice %arg16[%add3A, %dma_start3A_151] : memref<10000x128xf32, #tpu.memory_space<vmem_shared>> -> memref<80x128xf32, #tpu.memory_space<vmem_shared>>
        tpu.enqueue_dma source(%arg14 : memref<80x128xf32, #tpu.memory_space<vmem>>) target(%dma_start3A_152 : memref<80x128xf32, #tpu.memory_space<vmem_shared>>) target_semaphore(%arg17 : memref<!tpu.dma_semaphore, #tpu.memory_space<semaphore_mem>>)
      }
      %while3A_26 = arith.constant 0 : i32
      %while3A_27 = arith.constant 0 : i32
      %while3A_28 = arith.subi %select_n3A, %while3A_27 : i32
      %while3A_29 = arith.addi %while3A_27, %while3A_28 : i32
      %while3A_30 = arith.constant 1 : i32
      %while3A_31 = arith.divsi %while3A_28, %while3A_30 : i32
      %while3A_32 = arith.muli %while3A_31, %while3A_30 : i32
      %while3A_33 = arith.addi %while3A_27, %while3A_32 : i32
      %while3A_34 = arith.constant 1 : i32
      scf.for %while3A_146 = %while3A_27 to %while3A_33 step %while3A_34  : i32 {
        %mul3A_147 = arith.constant 80 : i32
        %mul3A_148 = arith.muli %while3A_146, %mul3A_147 : i32
        %add3A = arith.addi %mul3A_0, %mul3A_148 : i32
        %dma_wait3A_149 = arith.constant 0 : i32
        %dma_wait3A_150 = tpu.memref_slice %arg16[%add3A, %dma_wait3A_149] : memref<10000x128xf32, #tpu.memory_space<vmem_shared>> -> memref<80x128xf32, #tpu.memory_space<vmem_shared>>
        %dma_wait3A_151 = arith.constant 0 : i32
        %dma_wait3A_152 = tpu.memref_slice %arg16[%add3A, %dma_wait3A_151] : memref<10000x128xf32, #tpu.memory_space<vmem_shared>> -> memref<80x128xf32, #tpu.memory_space<vmem_shared>>
        tpu.wait_dma2 semaphore(%arg17 : memref<!tpu.dma_semaphore, #tpu.memory_space<semaphore_mem>>) src(%arg14 : memref<80x128xf32, #tpu.memory_space<vmem>>) dst(%dma_wait3A_152 : memref<80x128xf32, #tpu.memory_space<vmem_shared>>)
      }
      %while3A_35 = arith.constant 1 : i32
      scf.for %while3A_146 = %while3A_33 to %while3A_29 step %while3A_35  : i32 {
        %mul3A_147 = arith.constant 80 : i32
        %mul3A_148 = arith.muli %while3A_146, %mul3A_147 : i32
        %add3A = arith.addi %mul3A_0, %mul3A_148 : i32
        %dma_wait3A_149 = arith.constant 0 : i32
        %dma_wait3A_150 = tpu.memref_slice %arg16[%add3A, %dma_wait3A_149] : memref<10000x128xf32, #tpu.memory_space<vmem_shared>> -> memref<80x128xf32, #tpu.memory_space<vmem_shared>>
        %dma_wait3A_151 = arith.constant 0 : i32
        %dma_wait3A_152 = tpu.memref_slice %arg16[%add3A, %dma_wait3A_151] : memref<10000x128xf32, #tpu.memory_space<vmem_shared>> -> memref<80x128xf32, #tpu.memory_space<vmem_shared>>
        tpu.wait_dma2 semaphore(%arg17 : memref<!tpu.dma_semaphore, #tpu.memory_space<semaphore_mem>>) src(%arg14 : memref<80x128xf32, #tpu.memory_space<vmem>>) dst(%dma_wait3A_152 : memref<80x128xf32, #tpu.memory_space<vmem_shared>>)
      }
      %barrier3A = arith.constant 0 : index
      tpu.barrier barrier_id(%barrier3A)
      %dma_start3A = arith.constant 0 : i32
      %dma_start3A_36 = tpu.memref_slice %arg12[%dma_start3A] : memref<10000xi32, #tpu.memory_space<vmem>> -> memref<80xi32, #tpu.memory_space<vmem>>
      %dma_start3A_37 = arith.constant 0 : i32
      %dma_start3A_38 = arith.constant 0 : i32
      %dma_start3A_39 = tpu.memref_slice %arg6[%dma_start3A_37, %dma_start3A_38] : memref<10000x128xf32, #tpu.memory_space<hbm>> -> memref<10000x128xf32, #tpu.memory_space<hbm>>
      tpu.enqueue_indirect_dma source(%dma_start3A_39 : memref<10000x128xf32, #tpu.memory_space<hbm>>) target(%arg14 : memref<80x128xf32, #tpu.memory_space<vmem>>) offsets(%dma_start3A_36 : memref<80xi32, #tpu.memory_space<vmem>>) semaphore(%arg17 : memref<!tpu.dma_semaphore, #tpu.memory_space<semaphore_mem>>)
      %dma_start3A_40 = arith.constant 80 : i32
      %dma_start3A_41 = tpu.memref_slice %arg12[%dma_start3A_40] : memref<10000xi32, #tpu.memory_space<vmem>> -> memref<80xi32, #tpu.memory_space<vmem>>
      %dma_start3A_42 = arith.constant 0 : i32
      %dma_start3A_43 = arith.constant 0 : i32
      %dma_start3A_44 = tpu.memref_slice %arg6[%dma_start3A_42, %dma_start3A_43] : memref<10000x128xf32, #tpu.memory_space<hbm>> -> memref<10000x128xf32, #tpu.memory_space<hbm>>
      tpu.enqueue_indirect_dma source(%dma_start3A_44 : memref<10000x128xf32, #tpu.memory_space<hbm>>) target(%arg15 : memref<80x128xf32, #tpu.memory_space<vmem>>) offsets(%dma_start3A_41 : memref<80xi32, #tpu.memory_space<vmem>>) semaphore(%arg18 : memref<!tpu.dma_semaphore, #tpu.memory_space<semaphore_mem>>)
      %scan3A_45 = arith.constant 0 : i32
      %scan3A_46 = arith.constant 0 : i32
      %scan3A_47 = arith.constant 62 : i32
      %scan3A_48 = arith.addi %scan3A_46, %scan3A_47 : i32
      %scan3A_49 = arith.constant 1 : i32
      scf.for %scan3A_146 = %scan3A_46 to %scan3A_48 step %scan3A_49  : i32 {
        %mul3A_147 = arith.constant 2 : i32
        %mul3A_148 = arith.muli %mul3A_147, %scan3A_146 : i32
        %mul3A_149 = arith.constant 80 : i32
        %mul3A_150 = arith.muli %mul3A_148, %mul3A_149 : i32
        %dma_wait3A_151 = tpu.memref_slice %arg12[%mul3A_150] : memref<10000xi32, #tpu.memory_space<vmem>> -> memref<80xi32, #tpu.memory_space<vmem>>
        %dma_wait3A_152 = arith.constant 0 : i32
        %dma_wait3A_153 = arith.constant 0 : i32
        %dma_wait3A_154 = tpu.memref_slice %arg6[%dma_wait3A_152, %dma_wait3A_153] : memref<10000x128xf32, #tpu.memory_space<hbm>> -> memref<10000x128xf32, #tpu.memory_space<hbm>>
        tpu.wait_indirect_dma semaphore(%arg17 : memref<!tpu.dma_semaphore, #tpu.memory_space<semaphore_mem>>) src(%dma_wait3A_154 : memref<10000x128xf32, #tpu.memory_space<hbm>>) dst(%arg14 : memref<80x128xf32, #tpu.memory_space<vmem>>)
        "tpu.region"() ({
          %run_scoped3A_176 = tpu.sem_alloc : memref<!tpu.dma_semaphore, #tpu.memory_space<semaphore_mem>>
          %dma_start3A_177 = arith.constant 0 : i32
          %dma_start3A_178 = tpu.memref_slice %arg13[%mul3A_148, %dma_start3A_177] : memref<125x80xi32, #tpu.memory_space<vmem>> -> memref<1x80xi32, #tpu.memory_space<vmem>>
          %dma_start3A_179 = tpu.memref_squeeze %dma_start3A_178 : memref<1x80xi32, #tpu.memory_space<vmem>> -> memref<80xi32, #tpu.memory_space<vmem>>
          %dma_start3A_180 = arith.constant 0 : i32
          %dma_start3A_181 = arith.constant 0 : i32
          %dma_start3A_182 = tpu.memref_slice %arg16[%dma_start3A_180, %dma_start3A_181] : memref<10000x128xf32, #tpu.memory_space<vmem_shared>> -> memref<10000x128xf32, #tpu.memory_space<vmem_shared>>
          tpu.enqueue_indirect_dma source(%arg14 : memref<80x128xf32, #tpu.memory_space<vmem>>) target(%dma_start3A_182 : memref<10000x128xf32, #tpu.memory_space<vmem_shared>>) offsets(%dma_start3A_179 : memref<80xi32, #tpu.memory_space<vmem>>) semaphore(%run_scoped3A_176 : memref<!tpu.dma_semaphore, #tpu.memory_space<semaphore_mem>>) {add = true}
          %dma_wait3A_183 = arith.constant 0 : i32
          %dma_wait3A_184 = tpu.memref_slice %arg13[%mul3A_148, %dma_wait3A_183] : memref<125x80xi32, #tpu.memory_space<vmem>> -> memref<1x80xi32, #tpu.memory_space<vmem>>
          %dma_wait3A_185 = tpu.memref_squeeze %dma_wait3A_184 : memref<1x80xi32, #tpu.memory_space<vmem>> -> memref<80xi32, #tpu.memory_space<vmem>>
          %dma_wait3A_186 = arith.constant 0 : i32
          %dma_wait3A_187 = arith.constant 0 : i32
          %dma_wait3A_188 = tpu.memref_slice %arg16[%dma_wait3A_186, %dma_wait3A_187] : memref<10000x128xf32, #tpu.memory_space<vmem_shared>> -> memref<10000x128xf32, #tpu.memory_space<vmem_shared>>
          tpu.wait_indirect_dma semaphore(%run_scoped3A_176 : memref<!tpu.dma_semaphore, #tpu.memory_space<semaphore_mem>>) src(%arg14 : memref<80x128xf32, #tpu.memory_space<vmem>>) dst(%dma_wait3A_188 : memref<10000x128xf32, #tpu.memory_space<vmem_shared>>)
          tpu.yield
        }) : () -> ()
        %add3A = arith.constant 2 : i32
        %add3A_155 = arith.addi %mul3A_148, %add3A : i32
        %mul3A_156 = arith.constant 80 : i32
        %mul3A_157 = arith.muli %add3A_155, %mul3A_156 : i32
        %dma_start3A_158 = tpu.memref_slice %arg12[%mul3A_157] : memref<10000xi32, #tpu.memory_space<vmem>> -> memref<80xi32, #tpu.memory_space<vmem>>
        %dma_start3A_159 = arith.constant 0 : i32
        %dma_start3A_160 = arith.constant 0 : i32
        %dma_start3A_161 = tpu.memref_slice %arg6[%dma_start3A_159, %dma_start3A_160] : memref<10000x128xf32, #tpu.memory_space<hbm>> -> memref<10000x128xf32, #tpu.memory_space<hbm>>
        tpu.enqueue_indirect_dma source(%dma_start3A_161 : memref<10000x128xf32, #tpu.memory_space<hbm>>) target(%arg14 : memref<80x128xf32, #tpu.memory_space<vmem>>) offsets(%dma_start3A_158 : memref<80xi32, #tpu.memory_space<vmem>>) semaphore(%arg17 : memref<!tpu.dma_semaphore, #tpu.memory_space<semaphore_mem>>)
        %add3A_162 = arith.constant 1 : i32
        %add3A_163 = arith.addi %mul3A_148, %add3A_162 : i32
        %mul3A_164 = arith.constant 80 : i32
        %mul3A_165 = arith.muli %add3A_163, %mul3A_164 : i32
        %dma_wait3A_166 = tpu.memref_slice %arg12[%mul3A_165] : memref<10000xi32, #tpu.memory_space<vmem>> -> memref<80xi32, #tpu.memory_space<vmem>>
        %dma_wait3A_167 = arith.constant 0 : i32
        %dma_wait3A_168 = arith.constant 0 : i32
        %dma_wait3A_169 = tpu.memref_slice %arg6[%dma_wait3A_167, %dma_wait3A_168] : memref<10000x128xf32, #tpu.memory_space<hbm>> -> memref<10000x128xf32, #tpu.memory_space<hbm>>
        tpu.wait_indirect_dma semaphore(%arg18 : memref<!tpu.dma_semaphore, #tpu.memory_space<semaphore_mem>>) src(%dma_wait3A_169 : memref<10000x128xf32, #tpu.memory_space<hbm>>) dst(%arg15 : memref<80x128xf32, #tpu.memory_space<vmem>>)
        %add3A_170 = arith.constant 1 : i32
        %add3A_171 = arith.addi %mul3A_148, %add3A_170 : i32
        "tpu.region"() ({
          %run_scoped3A_176 = tpu.sem_alloc : memref<!tpu.dma_semaphore, #tpu.memory_space<semaphore_mem>>
          %dma_start3A_177 = arith.constant 0 : i32
          %dma_start3A_178 = tpu.memref_slice %arg13[%add3A_171, %dma_start3A_177] : memref<125x80xi32, #tpu.memory_space<vmem>> -> memref<1x80xi32, #tpu.memory_space<vmem>>
          %dma_start3A_179 = tpu.memref_squeeze %dma_start3A_178 : memref<1x80xi32, #tpu.memory_space<vmem>> -> memref<80xi32, #tpu.memory_space<vmem>>
          %dma_start3A_180 = arith.constant 0 : i32
          %dma_start3A_181 = arith.constant 0 : i32
          %dma_start3A_182 = tpu.memref_slice %arg16[%dma_start3A_180, %dma_start3A_181] : memref<10000x128xf32, #tpu.memory_space<vmem_shared>> -> memref<10000x128xf32, #tpu.memory_space<vmem_shared>>
          tpu.enqueue_indirect_dma source(%arg15 : memref<80x128xf32, #tpu.memory_space<vmem>>) target(%dma_start3A_182 : memref<10000x128xf32, #tpu.memory_space<vmem_shared>>) offsets(%dma_start3A_179 : memref<80xi32, #tpu.memory_space<vmem>>) semaphore(%run_scoped3A_176 : memref<!tpu.dma_semaphore, #tpu.memory_space<semaphore_mem>>) {add = true}
          %dma_wait3A_183 = arith.constant 0 : i32
          %dma_wait3A_184 = tpu.memref_slice %arg13[%add3A_171, %dma_wait3A_183] : memref<125x80xi32, #tpu.memory_space<vmem>> -> memref<1x80xi32, #tpu.memory_space<vmem>>
          %dma_wait3A_185 = tpu.memref_squeeze %dma_wait3A_184 : memref<1x80xi32, #tpu.memory_space<vmem>> -> memref<80xi32, #tpu.memory_space<vmem>>
          %dma_wait3A_186 = arith.constant 0 : i32
          %dma_wait3A_187 = arith.constant 0 : i32
          %dma_wait3A_188 = tpu.memref_slice %arg16[%dma_wait3A_186, %dma_wait3A_187] : memref<10000x128xf32, #tpu.memory_space<vmem_shared>> -> memref<10000x128xf32, #tpu.memory_space<vmem_shared>>
          tpu.wait_indirect_dma semaphore(%run_scoped3A_176 : memref<!tpu.dma_semaphore, #tpu.memory_space<semaphore_mem>>) src(%arg15 : memref<80x128xf32, #tpu.memory_space<vmem>>) dst(%dma_wait3A_188 : memref<10000x128xf32, #tpu.memory_space<vmem_shared>>)
          tpu.yield
        }) : () -> ()
        %lt3A = arith.constant 61 : i32
        %lt3A_172 = arith.cmpi slt, %scan3A_146, %lt3A : i32
        %convert_element_type3A_173 = arith.extui %lt3A_172 : i1 to i32
        %cond3A_174 = arith.constant 0 : i32
        %cond3A_175 = arith.cmpi ne, %convert_element_type3A_173, %cond3A_174 : i32
        scf.if %cond3A_175 {
          %add3A_176 = arith.constant 3 : i32
          %add3A_177 = arith.addi %mul3A_148, %add3A_176 : i32
          %mul3A_178 = arith.constant 80 : i32
          %mul3A_179 = arith.muli %add3A_177, %mul3A_178 : i32
          %dma_start3A_180 = tpu.memref_slice %arg12[%mul3A_179] : memref<10000xi32, #tpu.memory_space<vmem>> -> memref<80xi32, #tpu.memory_space<vmem>>
          %dma_start3A_181 = arith.constant 0 : i32
          %dma_start3A_182 = arith.constant 0 : i32
          %dma_start3A_183 = tpu.memref_slice %arg6[%dma_start3A_181, %dma_start3A_182] : memref<10000x128xf32, #tpu.memory_space<hbm>> -> memref<10000x128xf32, #tpu.memory_space<hbm>>
          tpu.enqueue_indirect_dma source(%dma_start3A_183 : memref<10000x128xf32, #tpu.memory_space<hbm>>) target(%arg15 : memref<80x128xf32, #tpu.memory_space<vmem>>) offsets(%dma_start3A_180 : memref<80xi32, #tpu.memory_space<vmem>>) semaphore(%arg18 : memref<!tpu.dma_semaphore, #tpu.memory_space<semaphore_mem>>)
        } else {
        }
      }
      %scan3A_50 = arith.constant 62 : i32
      %dma_wait3A = arith.constant 9920 : i32
      %dma_wait3A_51 = tpu.memref_slice %arg12[%dma_wait3A] : memref<10000xi32, #tpu.memory_space<vmem>> -> memref<80xi32, #tpu.memory_space<vmem>>
      %dma_wait3A_52 = arith.constant 0 : i32
      %dma_wait3A_53 = arith.constant 0 : i32
      %dma_wait3A_54 = tpu.memref_slice %arg6[%dma_wait3A_52, %dma_wait3A_53] : memref<10000x128xf32, #tpu.memory_space<hbm>> -> memref<10000x128xf32, #tpu.memory_space<hbm>>
      tpu.wait_indirect_dma semaphore(%arg17 : memref<!tpu.dma_semaphore, #tpu.memory_space<semaphore_mem>>) src(%dma_wait3A_54 : memref<10000x128xf32, #tpu.memory_space<hbm>>) dst(%arg14 : memref<80x128xf32, #tpu.memory_space<vmem>>)
      %run_scoped3A = arith.constant 124 : i32
      "tpu.region"() ({
        %run_scoped3A_146 = tpu.sem_alloc : memref<!tpu.dma_semaphore, #tpu.memory_space<semaphore_mem>>
        %dma_start3A_147 = arith.constant 0 : i32
        %dma_start3A_148 = tpu.memref_slice %arg13[%run_scoped3A, %dma_start3A_147] : memref<125x80xi32, #tpu.memory_space<vmem>> -> memref<1x80xi32, #tpu.memory_space<vmem>>
        %dma_start3A_149 = tpu.memref_squeeze %dma_start3A_148 : memref<1x80xi32, #tpu.memory_space<vmem>> -> memref<80xi32, #tpu.memory_space<vmem>>
        %dma_start3A_150 = arith.constant 0 : i32
        %dma_start3A_151 = arith.constant 0 : i32
        %dma_start3A_152 = tpu.memref_slice %arg16[%dma_start3A_150, %dma_start3A_151] : memref<10000x128xf32, #tpu.memory_space<vmem_shared>> -> memref<10000x128xf32, #tpu.memory_space<vmem_shared>>
        tpu.enqueue_indirect_dma source(%arg14 : memref<80x128xf32, #tpu.memory_space<vmem>>) target(%dma_start3A_152 : memref<10000x128xf32, #tpu.memory_space<vmem_shared>>) offsets(%dma_start3A_149 : memref<80xi32, #tpu.memory_space<vmem>>) semaphore(%run_scoped3A_146 : memref<!tpu.dma_semaphore, #tpu.memory_space<semaphore_mem>>) {add = true}
        %dma_wait3A_153 = arith.constant 0 : i32
        %dma_wait3A_154 = tpu.memref_slice %arg13[%run_scoped3A, %dma_wait3A_153] : memref<125x80xi32, #tpu.memory_space<vmem>> -> memref<1x80xi32, #tpu.memory_space<vmem>>
        %dma_wait3A_155 = tpu.memref_squeeze %dma_wait3A_154 : memref<1x80xi32, #tpu.memory_space<vmem>> -> memref<80xi32, #tpu.memory_space<vmem>>
        %dma_wait3A_156 = arith.constant 0 : i32
        %dma_wait3A_157 = arith.constant 0 : i32
        %dma_wait3A_158 = tpu.memref_slice %arg16[%dma_wait3A_156, %dma_wait3A_157] : memref<10000x128xf32, #tpu.memory_space<vmem_shared>> -> memref<10000x128xf32, #tpu.memory_space<vmem_shared>>
        tpu.wait_indirect_dma semaphore(%run_scoped3A_146 : memref<!tpu.dma_semaphore, #tpu.memory_space<semaphore_mem>>) src(%arg14 : memref<80x128xf32, #tpu.memory_space<vmem>>) dst(%dma_wait3A_158 : memref<10000x128xf32, #tpu.memory_space<vmem_shared>>)
        tpu.yield
      }) : () -> ()
      %barrier3A_55 = arith.constant 0 : index
      tpu.barrier barrier_id(%barrier3A_55)
      %while3A_56 = arith.constant 0 : i32
      %while3A_57 = arith.constant 0 : i32
      %while3A_58 = arith.subi %select_n3A, %while3A_57 : i32
      %while3A_59 = arith.addi %while3A_57, %while3A_58 : i32
      %while3A_60 = arith.constant 1 : i32
      %while3A_61 = arith.divsi %while3A_58, %while3A_60 : i32
      %while3A_62 = arith.muli %while3A_61, %while3A_60 : i32
      %while3A_63 = arith.addi %while3A_57, %while3A_62 : i32
      %while3A_64 = arith.constant 1 : i32
      scf.for %while3A_146 = %while3A_57 to %while3A_63 step %while3A_64  : i32 {
        %mul3A_147 = arith.constant 80 : i32
        %mul3A_148 = arith.muli %while3A_146, %mul3A_147 : i32
        %add3A = arith.addi %mul3A_0, %mul3A_148 : i32
        %mul3A_149 = arith.constant 80 : i32
        %mul3A_150 = arith.muli %while3A_146, %mul3A_149 : i32
        %add3A_151 = arith.addi %mul3A_0, %mul3A_150 : i32
        %dma_start3A_152 = arith.constant 0 : i32
        %dma_start3A_153 = tpu.memref_slice %arg10[%add3A_151, %dma_start3A_152] : memref<10000x128xf32, #tpu.memory_space<hbm>> -> memref<80x128xf32, #tpu.memory_space<hbm>>
        %dma_start3A_154 = arith.constant 0 : i32
        %dma_start3A_155 = tpu.memref_slice %arg16[%add3A, %dma_start3A_154] : memref<10000x128xf32, #tpu.memory_space<vmem_shared>> -> memref<80x128xf32, #tpu.memory_space<vmem_shared>>
        tpu.enqueue_dma source(%dma_start3A_155 : memref<80x128xf32, #tpu.memory_space<vmem_shared>>) target(%dma_start3A_153 : memref<80x128xf32, #tpu.memory_space<hbm>>) target_semaphore(%arg17 : memref<!tpu.dma_semaphore, #tpu.memory_space<semaphore_mem>>)
      }
      %while3A_65 = arith.constant 1 : i32
      scf.for %while3A_146 = %while3A_63 to %while3A_59 step %while3A_65  : i32 {
        %mul3A_147 = arith.constant 80 : i32
        %mul3A_148 = arith.muli %while3A_146, %mul3A_147 : i32
        %add3A = arith.addi %mul3A_0, %mul3A_148 : i32
        %mul3A_149 = arith.constant 80 : i32
        %mul3A_150 = arith.muli %while3A_146, %mul3A_149 : i32
        %add3A_151 = arith.addi %mul3A_0, %mul3A_150 : i32
        %dma_start3A_152 = arith.constant 0 : i32
        %dma_start3A_153 = tpu.memref_slice %arg10[%add3A_151, %dma_start3A_152] : memref<10000x128xf32, #tpu.memory_space<hbm>> -> memref<80x128xf32, #tpu.memory_space<hbm>>
        %dma_start3A_154 = arith.constant 0 : i32
        %dma_start3A_155 = tpu.memref_slice %arg16[%add3A, %dma_start3A_154] : memref<10000x128xf32, #tpu.memory_space<vmem_shared>> -> memref<80x128xf32, #tpu.memory_space<vmem_shared>>
        tpu.enqueue_dma source(%dma_start3A_155 : memref<80x128xf32, #tpu.memory_space<vmem_shared>>) target(%dma_start3A_153 : memref<80x128xf32, #tpu.memory_space<hbm>>) target_semaphore(%arg17 : memref<!tpu.dma_semaphore, #tpu.memory_space<semaphore_mem>>)
      }
      %while3A_66 = arith.constant 0 : i32
      %while3A_67 = arith.constant 0 : i32
      %while3A_68 = arith.subi %select_n3A, %while3A_67 : i32
      %while3A_69 = arith.addi %while3A_67, %while3A_68 : i32
      %while3A_70 = arith.constant 1 : i32
      %while3A_71 = arith.divsi %while3A_68, %while3A_70 : i32
      %while3A_72 = arith.muli %while3A_71, %while3A_70 : i32
      %while3A_73 = arith.addi %while3A_67, %while3A_72 : i32
      %while3A_74 = arith.constant 1 : i32
      scf.for %while3A_146 = %while3A_67 to %while3A_73 step %while3A_74  : i32 {
        %mul3A_147 = arith.constant 80 : i32
        %mul3A_148 = arith.muli %while3A_146, %mul3A_147 : i32
        %add3A = arith.addi %mul3A_0, %mul3A_148 : i32
        %mul3A_149 = arith.constant 80 : i32
        %mul3A_150 = arith.muli %while3A_146, %mul3A_149 : i32
        %add3A_151 = arith.addi %mul3A_0, %mul3A_150 : i32
        %dma_wait3A_152 = arith.constant 0 : i32
        %dma_wait3A_153 = tpu.memref_slice %arg10[%add3A_151, %dma_wait3A_152] : memref<10000x128xf32, #tpu.memory_space<hbm>> -> memref<80x128xf32, #tpu.memory_space<hbm>>
        %dma_wait3A_154 = arith.constant 0 : i32
        %dma_wait3A_155 = tpu.memref_slice %arg16[%add3A, %dma_wait3A_154] : memref<10000x128xf32, #tpu.memory_space<vmem_shared>> -> memref<80x128xf32, #tpu.memory_space<vmem_shared>>
        tpu.wait_dma2 semaphore(%arg17 : memref<!tpu.dma_semaphore, #tpu.memory_space<semaphore_mem>>) src(%dma_wait3A_155 : memref<80x128xf32, #tpu.memory_space<vmem_shared>>) dst(%dma_wait3A_153 : memref<80x128xf32, #tpu.memory_space<hbm>>)
      }
      %while3A_75 = arith.constant 1 : i32
      scf.for %while3A_146 = %while3A_73 to %while3A_69 step %while3A_75  : i32 {
        %mul3A_147 = arith.constant 80 : i32
        %mul3A_148 = arith.muli %while3A_146, %mul3A_147 : i32
        %add3A = arith.addi %mul3A_0, %mul3A_148 : i32
        %mul3A_149 = arith.constant 80 : i32
        %mul3A_150 = arith.muli %while3A_146, %mul3A_149 : i32
        %add3A_151 = arith.addi %mul3A_0, %mul3A_150 : i32
        %dma_wait3A_152 = arith.constant 0 : i32
        %dma_wait3A_153 = tpu.memref_slice %arg10[%add3A_151, %dma_wait3A_152] : memref<10000x128xf32, #tpu.memory_space<hbm>> -> memref<80x128xf32, #tpu.memory_space<hbm>>
        %dma_wait3A_154 = arith.constant 0 : i32
        %dma_wait3A_155 = tpu.memref_slice %arg16[%add3A, %dma_wait3A_154] : memref<10000x128xf32, #tpu.memory_space<vmem_shared>> -> memref<80x128xf32, #tpu.memory_space<vmem_shared>>
        tpu.wait_dma2 semaphore(%arg17 : memref<!tpu.dma_semaphore, #tpu.memory_space<semaphore_mem>>) src(%dma_wait3A_155 : memref<80x128xf32, #tpu.memory_space<vmem_shared>>) dst(%dma_wait3A_153 : memref<80x128xf32, #tpu.memory_space<hbm>>)
      }
      %scan3A_76 = arith.constant 0 : i32
      %scan3A_77 = arith.constant 0 : i32
      %scan3A_78 = arith.constant 80 : i32
      %scan3A_79 = arith.addi %scan3A_77, %scan3A_78 : i32
      %scan3A_80 = arith.constant 1 : i32
      scf.for %scan3A_146 = %scan3A_77 to %scan3A_79 step %scan3A_80  : i32 {
        %scan3A_147 = arith.constant 0 : i32
        %scan3A_148 = arith.constant 8 : i32
        %scan3A_149 = arith.addi %scan3A_147, %scan3A_148 : i32
        %scan3A_150 = arith.constant 1 : i32
        scf.for %scan3A_152 = %scan3A_147 to %scan3A_149 step %scan3A_150  : i32 {
          %mul3A_153 = arith.constant 16 : i32
          %mul3A_154 = arith.muli %scan3A_152, %mul3A_153 : i32
          %swap3A = arith.index_cast %scan3A_146 : i32 to index
          %swap3A_155 = arith.index_cast %mul3A_154 : i32 to index
          %swap3A_156 = tpu.vector_load %arg14[%swap3A, %swap3A_155] {strides = array<i32>} : memref<80x128xf32, #tpu.memory_space<vmem>>, vector<1x16xf32>,
          %swap3A_157 = vector.shape_cast %swap3A_156 : vector<1x16xf32> to vector<16xf32>
          %swap3A_158 = vector.shape_cast %broadcast_in_dim3A_3 : vector<16xf32> to vector<1x16xf32>
          tpu.vector_store %arg14[%swap3A, %swap3A_155], %swap3A_158 {strides = array<i32>} : memref<80x128xf32, #tpu.memory_space<vmem>>, vector<1x16xf32>,
        }
        %scan3A_151 = arith.constant 8 : i32
      }
      %scan3A_81 = arith.constant 80 : i32
      %while3A_82 = arith.constant 0 : i32
      %while3A_83 = arith.constant 0 : i32
      %while3A_84 = arith.subi %select_n3A, %while3A_83 : i32
      %while3A_85 = arith.addi %while3A_83, %while3A_84 : i32
      %while3A_86 = arith.constant 1 : i32
      %while3A_87 = arith.divsi %while3A_84, %while3A_86 : i32
      %while3A_88 = arith.muli %while3A_87, %while3A_86 : i32
      %while3A_89 = arith.addi %while3A_83, %while3A_88 : i32
      %while3A_90 = arith.constant 1 : i32
      scf.for %while3A_146 = %while3A_83 to %while3A_89 step %while3A_90  : i32 {
        %mul3A_147 = arith.constant 80 : i32
        %mul3A_148 = arith.muli %while3A_146, %mul3A_147 : i32
        %add3A = arith.addi %mul3A_0, %mul3A_148 : i32
        %dma_start3A_149 = arith.constant 0 : i32
        %dma_start3A_150 = tpu.memref_slice %arg16[%add3A, %dma_start3A_149] : memref<10000x128xf32, #tpu.memory_space<vmem_shared>> -> memref<80x128xf32, #tpu.memory_space<vmem_shared>>
        %dma_start3A_151 = arith.constant 0 : i32
        %dma_start3A_152 = tpu.memref_slice %arg16[%add3A, %dma_start3A_151] : memref<10000x128xf32, #tpu.memory_space<vmem_shared>> -> memref<80x128xf32, #tpu.memory_space<vmem_shared>>
        tpu.enqueue_dma source(%arg14 : memref<80x128xf32, #tpu.memory_space<vmem>>) target(%dma_start3A_152 : memref<80x128xf32, #tpu.memory_space<vmem_shared>>) target_semaphore(%arg17 : memref<!tpu.dma_semaphore, #tpu.memory_space<semaphore_mem>>)
      }
      %while3A_91 = arith.constant 1 : i32
      scf.for %while3A_146 = %while3A_89 to %while3A_85 step %while3A_91  : i32 {
        %mul3A_147 = arith.constant 80 : i32
        %mul3A_148 = arith.muli %while3A_146, %mul3A_147 : i32
        %add3A = arith.addi %mul3A_0, %mul3A_148 : i32
        %dma_start3A_149 = arith.constant 0 : i32
        %dma_start3A_150 = tpu.memref_slice %arg16[%add3A, %dma_start3A_149] : memref<10000x128xf32, #tpu.memory_space<vmem_shared>> -> memref<80x128xf32, #tpu.memory_space<vmem_shared>>
        %dma_start3A_151 = arith.constant 0 : i32
        %dma_start3A_152 = tpu.memref_slice %arg16[%add3A, %dma_start3A_151] : memref<10000x128xf32, #tpu.memory_space<vmem_shared>> -> memref<80x128xf32, #tpu.memory_space<vmem_shared>>
        tpu.enqueue_dma source(%arg14 : memref<80x128xf32, #tpu.memory_space<vmem>>) target(%dma_start3A_152 : memref<80x128xf32, #tpu.memory_space<vmem_shared>>) target_semaphore(%arg17 : memref<!tpu.dma_semaphore, #tpu.memory_space<semaphore_mem>>)
      }
      %while3A_92 = arith.constant 0 : i32
      %while3A_93 = arith.constant 0 : i32
      %while3A_94 = arith.subi %select_n3A, %while3A_93 : i32
      %while3A_95 = arith.addi %while3A_93, %while3A_94 : i32
      %while3A_96 = arith.constant 1 : i32
      %while3A_97 = arith.divsi %while3A_94, %while3A_96 : i32
      %while3A_98 = arith.muli %while3A_97, %while3A_96 : i32
      %while3A_99 = arith.addi %while3A_93, %while3A_98 : i32
      %while3A_100 = arith.constant 1 : i32
      scf.for %while3A_146 = %while3A_93 to %while3A_99 step %while3A_100  : i32 {
        %mul3A_147 = arith.constant 80 : i32
        %mul3A_148 = arith.muli %while3A_146, %mul3A_147 : i32
        %add3A = arith.addi %mul3A_0, %mul3A_148 : i32
        %dma_wait3A_149 = arith.constant 0 : i32
        %dma_wait3A_150 = tpu.memref_slice %arg16[%add3A, %dma_wait3A_149] : memref<10000x128xf32, #tpu.memory_space<vmem_shared>> -> memref<80x128xf32, #tpu.memory_space<vmem_shared>>
        %dma_wait3A_151 = arith.constant 0 : i32
        %dma_wait3A_152 = tpu.memref_slice %arg16[%add3A, %dma_wait3A_151] : memref<10000x128xf32, #tpu.memory_space<vmem_shared>> -> memref<80x128xf32, #tpu.memory_space<vmem_shared>>
        tpu.wait_dma2 semaphore(%arg17 : memref<!tpu.dma_semaphore, #tpu.memory_space<semaphore_mem>>) src(%arg14 : memref<80x128xf32, #tpu.memory_space<vmem>>) dst(%dma_wait3A_152 : memref<80x128xf32, #tpu.memory_space<vmem_shared>>)
      }
      %while3A_101 = arith.constant 1 : i32
      scf.for %while3A_146 = %while3A_99 to %while3A_95 step %while3A_101  : i32 {
        %mul3A_147 = arith.constant 80 : i32
        %mul3A_148 = arith.muli %while3A_146, %mul3A_147 : i32
        %add3A = arith.addi %mul3A_0, %mul3A_148 : i32
        %dma_wait3A_149 = arith.constant 0 : i32
        %dma_wait3A_150 = tpu.memref_slice %arg16[%add3A, %dma_wait3A_149] : memref<10000x128xf32, #tpu.memory_space<vmem_shared>> -> memref<80x128xf32, #tpu.memory_space<vmem_shared>>
        %dma_wait3A_151 = arith.constant 0 : i32
        %dma_wait3A_152 = tpu.memref_slice %arg16[%add3A, %dma_wait3A_151] : memref<10000x128xf32, #tpu.memory_space<vmem_shared>> -> memref<80x128xf32, #tpu.memory_space<vmem_shared>>
        tpu.wait_dma2 semaphore(%arg17 : memref<!tpu.dma_semaphore, #tpu.memory_space<semaphore_mem>>) src(%arg14 : memref<80x128xf32, #tpu.memory_space<vmem>>) dst(%dma_wait3A_152 : memref<80x128xf32, #tpu.memory_space<vmem_shared>>)
      }
      %barrier3A_102 = arith.constant 0 : index
      tpu.barrier barrier_id(%barrier3A_102)
      %dma_start3A_103 = arith.constant 0 : i32
      %dma_start3A_104 = tpu.memref_slice %arg12[%dma_start3A_103] : memref<10000xi32, #tpu.memory_space<vmem>> -> memref<80xi32, #tpu.memory_space<vmem>>
      %dma_start3A_105 = arith.constant 0 : i32
      %dma_start3A_106 = arith.constant 0 : i32
      %dma_start3A_107 = tpu.memref_slice %arg7[%dma_start3A_105, %dma_start3A_106] : memref<10000x128xf32, #tpu.memory_space<hbm>> -> memref<10000x128xf32, #tpu.memory_space<hbm>>
      tpu.enqueue_indirect_dma source(%dma_start3A_107 : memref<10000x128xf32, #tpu.memory_space<hbm>>) target(%arg14 : memref<80x128xf32, #tpu.memory_space<vmem>>) offsets(%dma_start3A_104 : memref<80xi32, #tpu.memory_space<vmem>>) semaphore(%arg17 : memref<!tpu.dma_semaphore, #tpu.memory_space<semaphore_mem>>)
      %dma_start3A_108 = arith.constant 80 : i32
      %dma_start3A_109 = tpu.memref_slice %arg12[%dma_start3A_108] : memref<10000xi32, #tpu.memory_space<vmem>> -> memref<80xi32, #tpu.memory_space<vmem>>
      %dma_start3A_110 = arith.constant 0 : i32
      %dma_start3A_111 = arith.constant 0 : i32
      %dma_start3A_112 = tpu.memref_slice %arg7[%dma_start3A_110, %dma_start3A_111] : memref<10000x128xf32, #tpu.memory_space<hbm>> -> memref<10000x128xf32, #tpu.memory_space<hbm>>
      tpu.enqueue_indirect_dma source(%dma_start3A_112 : memref<10000x128xf32, #tpu.memory_space<hbm>>) target(%arg15 : memref<80x128xf32, #tpu.memory_space<vmem>>) offsets(%dma_start3A_109 : memref<80xi32, #tpu.memory_space<vmem>>) semaphore(%arg18 : memref<!tpu.dma_semaphore, #tpu.memory_space<semaphore_mem>>)
      %scan3A_113 = arith.constant 0 : i32
      %scan3A_114 = arith.constant 0 : i32
      %scan3A_115 = arith.constant 62 : i32
      %scan3A_116 = arith.addi %scan3A_114, %scan3A_115 : i32
      %scan3A_117 = arith.constant 1 : i32
      scf.for %scan3A_146 = %scan3A_114 to %scan3A_116 step %scan3A_117  : i32 {
        %mul3A_147 = arith.constant 2 : i32
        %mul3A_148 = arith.muli %mul3A_147, %scan3A_146 : i32
        %mul3A_149 = arith.constant 80 : i32
        %mul3A_150 = arith.muli %mul3A_148, %mul3A_149 : i32
        %dma_wait3A_151 = tpu.memref_slice %arg12[%mul3A_150] : memref<10000xi32, #tpu.memory_space<vmem>> -> memref<80xi32, #tpu.memory_space<vmem>>
        %dma_wait3A_152 = arith.constant 0 : i32
        %dma_wait3A_153 = arith.constant 0 : i32
        %dma_wait3A_154 = tpu.memref_slice %arg7[%dma_wait3A_152, %dma_wait3A_153] : memref<10000x128xf32, #tpu.memory_space<hbm>> -> memref<10000x128xf32, #tpu.memory_space<hbm>>
        tpu.wait_indirect_dma semaphore(%arg17 : memref<!tpu.dma_semaphore, #tpu.memory_space<semaphore_mem>>) src(%dma_wait3A_154 : memref<10000x128xf32, #tpu.memory_space<hbm>>) dst(%arg14 : memref<80x128xf32, #tpu.memory_space<vmem>>)
        "tpu.region"() ({
          %run_scoped3A_176 = tpu.sem_alloc : memref<!tpu.dma_semaphore, #tpu.memory_space<semaphore_mem>>
          %dma_start3A_177 = arith.constant 0 : i32
          %dma_start3A_178 = tpu.memref_slice %arg13[%mul3A_148, %dma_start3A_177] : memref<125x80xi32, #tpu.memory_space<vmem>> -> memref<1x80xi32, #tpu.memory_space<vmem>>
          %dma_start3A_179 = tpu.memref_squeeze %dma_start3A_178 : memref<1x80xi32, #tpu.memory_space<vmem>> -> memref<80xi32, #tpu.memory_space<vmem>>
          %dma_start3A_180 = arith.constant 0 : i32
          %dma_start3A_181 = arith.constant 0 : i32
          %dma_start3A_182 = tpu.memref_slice %arg16[%dma_start3A_180, %dma_start3A_181] : memref<10000x128xf32, #tpu.memory_space<vmem_shared>> -> memref<10000x128xf32, #tpu.memory_space<vmem_shared>>
          tpu.enqueue_indirect_dma source(%arg14 : memref<80x128xf32, #tpu.memory_space<vmem>>) target(%dma_start3A_182 : memref<10000x128xf32, #tpu.memory_space<vmem_shared>>) offsets(%dma_start3A_179 : memref<80xi32, #tpu.memory_space<vmem>>) semaphore(%run_scoped3A_176 : memref<!tpu.dma_semaphore, #tpu.memory_space<semaphore_mem>>) {add = true}
          %dma_wait3A_183 = arith.constant 0 : i32
          %dma_wait3A_184 = tpu.memref_slice %arg13[%mul3A_148, %dma_wait3A_183] : memref<125x80xi32, #tpu.memory_space<vmem>> -> memref<1x80xi32, #tpu.memory_space<vmem>>
          %dma_wait3A_185 = tpu.memref_squeeze %dma_wait3A_184 : memref<1x80xi32, #tpu.memory_space<vmem>> -> memref<80xi32, #tpu.memory_space<vmem>>
          %dma_wait3A_186 = arith.constant 0 : i32
          %dma_wait3A_187 = arith.constant 0 : i32
          %dma_wait3A_188 = tpu.memref_slice %arg16[%dma_wait3A_186, %dma_wait3A_187] : memref<10000x128xf32, #tpu.memory_space<vmem_shared>> -> memref<10000x128xf32, #tpu.memory_space<vmem_shared>>
          tpu.wait_indirect_dma semaphore(%run_scoped3A_176 : memref<!tpu.dma_semaphore, #tpu.memory_space<semaphore_mem>>) src(%arg14 : memref<80x128xf32, #tpu.memory_space<vmem>>) dst(%dma_wait3A_188 : memref<10000x128xf32, #tpu.memory_space<vmem_shared>>)
          tpu.yield
        }) : () -> ()
        %add3A = arith.constant 2 : i32
        %add3A_155 = arith.addi %mul3A_148, %add3A : i32
        %mul3A_156 = arith.constant 80 : i32
        %mul3A_157 = arith.muli %add3A_155, %mul3A_156 : i32
        %dma_start3A_158 = tpu.memref_slice %arg12[%mul3A_157] : memref<10000xi32, #tpu.memory_space<vmem>> -> memref<80xi32, #tpu.memory_space<vmem>>
        %dma_start3A_159 = arith.constant 0 : i32
        %dma_start3A_160 = arith.constant 0 : i32
        %dma_start3A_161 = tpu.memref_slice %arg7[%dma_start3A_159, %dma_start3A_160] : memref<10000x128xf32, #tpu.memory_space<hbm>> -> memref<10000x128xf32, #tpu.memory_space<hbm>>
        tpu.enqueue_indirect_dma source(%dma_start3A_161 : memref<10000x128xf32, #tpu.memory_space<hbm>>) target(%arg14 : memref<80x128xf32, #tpu.memory_space<vmem>>) offsets(%dma_start3A_158 : memref<80xi32, #tpu.memory_space<vmem>>) semaphore(%arg17 : memref<!tpu.dma_semaphore, #tpu.memory_space<semaphore_mem>>)
        %add3A_162 = arith.constant 1 : i32
        %add3A_163 = arith.addi %mul3A_148, %add3A_162 : i32
        %mul3A_164 = arith.constant 80 : i32
        %mul3A_165 = arith.muli %add3A_163, %mul3A_164 : i32
        %dma_wait3A_166 = tpu.memref_slice %arg12[%mul3A_165] : memref<10000xi32, #tpu.memory_space<vmem>> -> memref<80xi32, #tpu.memory_space<vmem>>
        %dma_wait3A_167 = arith.constant 0 : i32
        %dma_wait3A_168 = arith.constant 0 : i32
        %dma_wait3A_169 = tpu.memref_slice %arg7[%dma_wait3A_167, %dma_wait3A_168] : memref<10000x128xf32, #tpu.memory_space<hbm>> -> memref<10000x128xf32, #tpu.memory_space<hbm>>
        tpu.wait_indirect_dma semaphore(%arg18 : memref<!tpu.dma_semaphore, #tpu.memory_space<semaphore_mem>>) src(%dma_wait3A_169 : memref<10000x128xf32, #tpu.memory_space<hbm>>) dst(%arg15 : memref<80x128xf32, #tpu.memory_space<vmem>>)
        %add3A_170 = arith.constant 1 : i32
        %add3A_171 = arith.addi %mul3A_148, %add3A_170 : i32
        "tpu.region"() ({
          %run_scoped3A_176 = tpu.sem_alloc : memref<!tpu.dma_semaphore, #tpu.memory_space<semaphore_mem>>
          %dma_start3A_177 = arith.constant 0 : i32
          %dma_start3A_178 = tpu.memref_slice %arg13[%add3A_171, %dma_start3A_177] : memref<125x80xi32, #tpu.memory_space<vmem>> -> memref<1x80xi32, #tpu.memory_space<vmem>>
          %dma_start3A_179 = tpu.memref_squeeze %dma_start3A_178 : memref<1x80xi32, #tpu.memory_space<vmem>> -> memref<80xi32, #tpu.memory_space<vmem>>
          %dma_start3A_180 = arith.constant 0 : i32
          %dma_start3A_181 = arith.constant 0 : i32
          %dma_start3A_182 = tpu.memref_slice %arg16[%dma_start3A_180, %dma_start3A_181] : memref<10000x128xf32, #tpu.memory_space<vmem_shared>> -> memref<10000x128xf32, #tpu.memory_space<vmem_shared>>
          tpu.enqueue_indirect_dma source(%arg15 : memref<80x128xf32, #tpu.memory_space<vmem>>) target(%dma_start3A_182 : memref<10000x128xf32, #tpu.memory_space<vmem_shared>>) offsets(%dma_start3A_179 : memref<80xi32, #tpu.memory_space<vmem>>) semaphore(%run_scoped3A_176 : memref<!tpu.dma_semaphore, #tpu.memory_space<semaphore_mem>>) {add = true}
          %dma_wait3A_183 = arith.constant 0 : i32
          %dma_wait3A_184 = tpu.memref_slice %arg13[%add3A_171, %dma_wait3A_183] : memref<125x80xi32, #tpu.memory_space<vmem>> -> memref<1x80xi32, #tpu.memory_space<vmem>>
          %dma_wait3A_185 = tpu.memref_squeeze %dma_wait3A_184 : memref<1x80xi32, #tpu.memory_space<vmem>> -> memref<80xi32, #tpu.memory_space<vmem>>
          %dma_wait3A_186 = arith.constant 0 : i32
          %dma_wait3A_187 = arith.constant 0 : i32
          %dma_wait3A_188 = tpu.memref_slice %arg16[%dma_wait3A_186, %dma_wait3A_187] : memref<10000x128xf32, #tpu.memory_space<vmem_shared>> -> memref<10000x128xf32, #tpu.memory_space<vmem_shared>>
          tpu.wait_indirect_dma semaphore(%run_scoped3A_176 : memref<!tpu.dma_semaphore, #tpu.memory_space<semaphore_mem>>) src(%arg15 : memref<80x128xf32, #tpu.memory_space<vmem>>) dst(%dma_wait3A_188 : memref<10000x128xf32, #tpu.memory_space<vmem_shared>>)
          tpu.yield
        }) : () -> ()
        %lt3A = arith.constant 61 : i32
        %lt3A_172 = arith.cmpi slt, %scan3A_146, %lt3A : i32
        %convert_element_type3A_173 = arith.extui %lt3A_172 : i1 to i32
        %cond3A_174 = arith.constant 0 : i32
        %cond3A_175 = arith.cmpi ne, %convert_element_type3A_173, %cond3A_174 : i32
        scf.if %cond3A_175 {
          %add3A_176 = arith.constant 3 : i32
          %add3A_177 = arith.addi %mul3A_148, %add3A_176 : i32
          %mul3A_178 = arith.constant 80 : i32
          %mul3A_179 = arith.muli %add3A_177, %mul3A_178 : i32
          %dma_start3A_180 = tpu.memref_slice %arg12[%mul3A_179] : memref<10000xi32, #tpu.memory_space<vmem>> -> memref<80xi32, #tpu.memory_space<vmem>>
          %dma_start3A_181 = arith.constant 0 : i32
          %dma_start3A_182 = arith.constant 0 : i32
          %dma_start3A_183 = tpu.memref_slice %arg7[%dma_start3A_181, %dma_start3A_182] : memref<10000x128xf32, #tpu.memory_space<hbm>> -> memref<10000x128xf32, #tpu.memory_space<hbm>>
          tpu.enqueue_indirect_dma source(%dma_start3A_183 : memref<10000x128xf32, #tpu.memory_space<hbm>>) target(%arg15 : memref<80x128xf32, #tpu.memory_space<vmem>>) offsets(%dma_start3A_180 : memref<80xi32, #tpu.memory_space<vmem>>) semaphore(%arg18 : memref<!tpu.dma_semaphore, #tpu.memory_space<semaphore_mem>>)
        } else {
        }
      }
      %scan3A_118 = arith.constant 62 : i32
      %dma_wait3A_119 = arith.constant 9920 : i32
      %dma_wait3A_120 = tpu.memref_slice %arg12[%dma_wait3A_119] : memref<10000xi32, #tpu.memory_space<vmem>> -> memref<80xi32, #tpu.memory_space<vmem>>
      %dma_wait3A_121 = arith.constant 0 : i32
      %dma_wait3A_122 = arith.constant 0 : i32
      %dma_wait3A_123 = tpu.memref_slice %arg7[%dma_wait3A_121, %dma_wait3A_122] : memref<10000x128xf32, #tpu.memory_space<hbm>> -> memref<10000x128xf32, #tpu.memory_space<hbm>>
      tpu.wait_indirect_dma semaphore(%arg17 : memref<!tpu.dma_semaphore, #tpu.memory_space<semaphore_mem>>) src(%dma_wait3A_123 : memref<10000x128xf32, #tpu.memory_space<hbm>>) dst(%arg14 : memref<80x128xf32, #tpu.memory_space<vmem>>)
      %run_scoped3A_124 = arith.constant 124 : i32
      "tpu.region"() ({
        %run_scoped3A_146 = tpu.sem_alloc : memref<!tpu.dma_semaphore, #tpu.memory_space<semaphore_mem>>
        %dma_start3A_147 = arith.constant 0 : i32
        %dma_start3A_148 = tpu.memref_slice %arg13[%run_scoped3A_124, %dma_start3A_147] : memref<125x80xi32, #tpu.memory_space<vmem>> -> memref<1x80xi32, #tpu.memory_space<vmem>>
        %dma_start3A_149 = tpu.memref_squeeze %dma_start3A_148 : memref<1x80xi32, #tpu.memory_space<vmem>> -> memref<80xi32, #tpu.memory_space<vmem>>
        %dma_start3A_150 = arith.constant 0 : i32
        %dma_start3A_151 = arith.constant 0 : i32
        %dma_start3A_152 = tpu.memref_slice %arg16[%dma_start3A_150, %dma_start3A_151] : memref<10000x128xf32, #tpu.memory_space<vmem_shared>> -> memref<10000x128xf32, #tpu.memory_space<vmem_shared>>
        tpu.enqueue_indirect_dma source(%arg14 : memref<80x128xf32, #tpu.memory_space<vmem>>) target(%dma_start3A_152 : memref<10000x128xf32, #tpu.memory_space<vmem_shared>>) offsets(%dma_start3A_149 : memref<80xi32, #tpu.memory_space<vmem>>) semaphore(%run_scoped3A_146 : memref<!tpu.dma_semaphore, #tpu.memory_space<semaphore_mem>>) {add = true}
        %dma_wait3A_153 = arith.constant 0 : i32
        %dma_wait3A_154 = tpu.memref_slice %arg13[%run_scoped3A_124, %dma_wait3A_153] : memref<125x80xi32, #tpu.memory_space<vmem>> -> memref<1x80xi32, #tpu.memory_space<vmem>>
        %dma_wait3A_155 = tpu.memref_squeeze %dma_wait3A_154 : memref<1x80xi32, #tpu.memory_space<vmem>> -> memref<80xi32, #tpu.memory_space<vmem>>
        %dma_wait3A_156 = arith.constant 0 : i32
        %dma_wait3A_157 = arith.constant 0 : i32
        %dma_wait3A_158 = tpu.memref_slice %arg16[%dma_wait3A_156, %dma_wait3A_157] : memref<10000x128xf32, #tpu.memory_space<vmem_shared>> -> memref<10000x128xf32, #tpu.memory_space<vmem_shared>>
        tpu.wait_indirect_dma semaphore(%run_scoped3A_146 : memref<!tpu.dma_semaphore, #tpu.memory_space<semaphore_mem>>) src(%arg14 : memref<80x128xf32, #tpu.memory_space<vmem>>) dst(%dma_wait3A_158 : memref<10000x128xf32, #tpu.memory_space<vmem_shared>>)
        tpu.yield
      }) : () -> ()
      %barrier3A_125 = arith.constant 0 : index
      tpu.barrier barrier_id(%barrier3A_125)
      %while3A_126 = arith.constant 0 : i32
      %while3A_127 = arith.constant 0 : i32
      %while3A_128 = arith.subi %select_n3A, %while3A_127 : i32
      %while3A_129 = arith.addi %while3A_127, %while3A_128 : i32
      %while3A_130 = arith.constant 1 : i32
      %while3A_131 = arith.divsi %while3A_128, %while3A_130 : i32
      %while3A_132 = arith.muli %while3A_131, %while3A_130 : i32
      %while3A_133 = arith.addi %while3A_127, %while3A_132 : i32
      %while3A_134 = arith.constant 1 : i32
      scf.for %while3A_146 = %while3A_127 to %while3A_133 step %while3A_134  : i32 {
        %mul3A_147 = arith.constant 80 : i32
        %mul3A_148 = arith.muli %while3A_146, %mul3A_147 : i32
        %add3A = arith.addi %mul3A_0, %mul3A_148 : i32
        %mul3A_149 = arith.constant 80 : i32
        %mul3A_150 = arith.muli %while3A_146, %mul3A_149 : i32
        %add3A_151 = arith.addi %mul3A_0, %mul3A_150 : i32
        %dma_start3A_152 = arith.constant 0 : i32
        %dma_start3A_153 = tpu.memref_slice %arg11[%add3A_151, %dma_start3A_152] : memref<10000x128xf32, #tpu.memory_space<hbm>> -> memref<80x128xf32, #tpu.memory_space<hbm>>
        %dma_start3A_154 = arith.constant 0 : i32
        %dma_start3A_155 = tpu.memref_slice %arg16[%add3A, %dma_start3A_154] : memref<10000x128xf32, #tpu.memory_space<vmem_shared>> -> memref<80x128xf32, #tpu.memory_space<vmem_shared>>
        tpu.enqueue_dma source(%dma_start3A_155 : memref<80x128xf32, #tpu.memory_space<vmem_shared>>) target(%dma_start3A_153 : memref<80x128xf32, #tpu.memory_space<hbm>>) target_semaphore(%arg17 : memref<!tpu.dma_semaphore, #tpu.memory_space<semaphore_mem>>)
      }
      %while3A_135 = arith.constant 1 : i32
      scf.for %while3A_146 = %while3A_133 to %while3A_129 step %while3A_135  : i32 {
        %mul3A_147 = arith.constant 80 : i32
        %mul3A_148 = arith.muli %while3A_146, %mul3A_147 : i32
        %add3A = arith.addi %mul3A_0, %mul3A_148 : i32
        %mul3A_149 = arith.constant 80 : i32
        %mul3A_150 = arith.muli %while3A_146, %mul3A_149 : i32
        %add3A_151 = arith.addi %mul3A_0, %mul3A_150 : i32
        %dma_start3A_152 = arith.constant 0 : i32
        %dma_start3A_153 = tpu.memref_slice %arg11[%add3A_151, %dma_start3A_152] : memref<10000x128xf32, #tpu.memory_space<hbm>> -> memref<80x128xf32, #tpu.memory_space<hbm>>
        %dma_start3A_154 = arith.constant 0 : i32
        %dma_start3A_155 = tpu.memref_slice %arg16[%add3A, %dma_start3A_154] : memref<10000x128xf32, #tpu.memory_space<vmem_shared>> -> memref<80x128xf32, #tpu.memory_space<vmem_shared>>
        tpu.enqueue_dma source(%dma_start3A_155 : memref<80x128xf32, #tpu.memory_space<vmem_shared>>) target(%dma_start3A_153 : memref<80x128xf32, #tpu.memory_space<hbm>>) target_semaphore(%arg17 : memref<!tpu.dma_semaphore, #tpu.memory_space<semaphore_mem>>)
      }
      %while3A_136 = arith.constant 0 : i32
      %while3A_137 = arith.constant 0 : i32
      %while3A_138 = arith.subi %select_n3A, %while3A_137 : i32
      %while3A_139 = arith.addi %while3A_137, %while3A_138 : i32
      %while3A_140 = arith.constant 1 : i32
      %while3A_141 = arith.divsi %while3A_138, %while3A_140 : i32
      %while3A_142 = arith.muli %while3A_141, %while3A_140 : i32
      %while3A_143 = arith.addi %while3A_137, %while3A_142 : i32
      %while3A_144 = arith.constant 1 : i32
      scf.for %while3A_146 = %while3A_137 to %while3A_143 step %while3A_144  : i32 {
        %mul3A_147 = arith.constant 80 : i32
        %mul3A_148 = arith.muli %while3A_146, %mul3A_147 : i32
        %add3A = arith.addi %mul3A_0, %mul3A_148 : i32
        %mul3A_149 = arith.constant 80 : i32
        %mul3A_150 = arith.muli %while3A_146, %mul3A_149 : i32
        %add3A_151 = arith.addi %mul3A_0, %mul3A_150 : i32
        %dma_wait3A_152 = arith.constant 0 : i32
        %dma_wait3A_153 = tpu.memref_slice %arg11[%add3A_151, %dma_wait3A_152] : memref<10000x128xf32, #tpu.memory_space<hbm>> -> memref<80x128xf32, #tpu.memory_space<hbm>>
        %dma_wait3A_154 = arith.constant 0 : i32
        %dma_wait3A_155 = tpu.memref_slice %arg16[%add3A, %dma_wait3A_154] : memref<10000x128xf32, #tpu.memory_space<vmem_shared>> -> memref<80x128xf32, #tpu.memory_space<vmem_shared>>
        tpu.wait_dma2 semaphore(%arg17 : memref<!tpu.dma_semaphore, #tpu.memory_space<semaphore_mem>>) src(%dma_wait3A_155 : memref<80x128xf32, #tpu.memory_space<vmem_shared>>) dst(%dma_wait3A_153 : memref<80x128xf32, #tpu.memory_space<hbm>>)
      }
      %while3A_145 = arith.constant 1 : i32
      scf.for %while3A_146 = %while3A_143 to %while3A_139 step %while3A_145  : i32 {
        %mul3A_147 = arith.constant 80 : i32
        %mul3A_148 = arith.muli %while3A_146, %mul3A_147 : i32
        %add3A = arith.addi %mul3A_0, %mul3A_148 : i32
        %mul3A_149 = arith.constant 80 : i32
        %mul3A_150 = arith.muli %while3A_146, %mul3A_149 : i32
        %add3A_151 = arith.addi %mul3A_0, %mul3A_150 : i32
        %dma_wait3A_152 = arith.constant 0 : i32
        %dma_wait3A_153 = tpu.memref_slice %arg11[%add3A_151, %dma_wait3A_152] : memref<10000x128xf32, #tpu.memory_space<hbm>> -> memref<80x128xf32, #tpu.memory_space<hbm>>
        %dma_wait3A_154 = arith.constant 0 : i32
        %dma_wait3A_155 = tpu.memref_slice %arg16[%add3A, %dma_wait3A_154] : memref<10000x128xf32, #tpu.memory_space<vmem_shared>> -> memref<80x128xf32, #tpu.memory_space<vmem_shared>>
        tpu.wait_dma2 semaphore(%arg17 : memref<!tpu.dma_semaphore, #tpu.memory_space<semaphore_mem>>) src(%dma_wait3A_155 : memref<80x128xf32, #tpu.memory_space<vmem_shared>>) dst(%dma_wait3A_153 : memref<80x128xf32, #tpu.memory_space<hbm>>)
      }
    } else {
    }
    return
  }
}

#map = affine_map<(d0, d1) -> (0, 0, 0)>
#map1 = affine_map<(d0, d1) -> (0)>
module attributes {stable_mosaic.version = 14 : i64} {
  func.func @k(%arg0: i32, %arg1: i32, %arg2: memref<16x125x80xi32, #tpu.memory_space<hbm>>, %arg3: memref<16x125x80xi32, #tpu.memory_space<hbm>>, %arg4: memref<10000xf32, #tpu.memory_space<hbm>>, %arg5: memref<10000xf32, #tpu.memory_space<hbm>>, %arg6: memref<125x80xi32, #tpu.memory_space<vmem>>, %arg7: memref<80xf32, #tpu.memory_space<vmem>>, %arg8: memref<10000xf32, #tpu.memory_space<vmem>>, %arg9: memref<10000xf32, #tpu.memory_space<vmem_shared>>, %arg10: memref<!tpu.dma_semaphore, #tpu.memory_space<semaphore_mem>>) attributes {dimension_semantics = [#tpu.dimension_semantics<core_parallel>, #tpu.dimension_semantics<subcore_parallel>], iteration_bounds = array<i64: 2, 16>, scalar_prefetch = 0 : i64, scratch_operands = 5 : i64, tpu.core_type = #tpu.core_type<sc_vector_subcore>, window_params = [{transform_indices = #map}, {transform_indices = #map}, {transform_indices = #map1}, {transform_indices = #map1}]} {
    %eq3A = arith.constant 0 : i32
    %eq3A_0 = arith.cmpi eq, %arg0, %eq3A : i32
    %convert_element_type3A = arith.extui %eq3A_0 : i1 to i32
    %cond3A = arith.constant 0 : i32
    %cond3A_1 = arith.cmpi ne, %convert_element_type3A, %cond3A : i32
    scf.if %cond3A_1 {
      "tpu.region"() ({
        %run_scoped3A = tpu.sem_alloc : memref<!tpu.dma_semaphore, #tpu.memory_space<semaphore_mem>>
        %dma_start3A = arith.constant 0 : i32
        %dma_start3A_46 = arith.constant 0 : i32
        %dma_start3A_47 = tpu.memref_slice %arg2[%arg1, %dma_start3A, %dma_start3A_46] : memref<16x125x80xi32, #tpu.memory_space<hbm>> -> memref<1x125x80xi32, #tpu.memory_space<hbm>>
        %dma_start3A_48 = tpu.memref_squeeze %dma_start3A_47 : memref<1x125x80xi32, #tpu.memory_space<hbm>> -> memref<125x80xi32, #tpu.memory_space<hbm>>
        %dma_start3A_49 = arith.constant 0 : i32
        %dma_start3A_50 = arith.constant 0 : i32
        %dma_start3A_51 = tpu.memref_slice %arg2[%arg1, %dma_start3A_49, %dma_start3A_50] : memref<16x125x80xi32, #tpu.memory_space<hbm>> -> memref<1x125x80xi32, #tpu.memory_space<hbm>>
        %dma_start3A_52 = tpu.memref_squeeze %dma_start3A_51 : memref<1x125x80xi32, #tpu.memory_space<hbm>> -> memref<125x80xi32, #tpu.memory_space<hbm>>
        tpu.enqueue_dma source(%dma_start3A_52 : memref<125x80xi32, #tpu.memory_space<hbm>>) target(%arg6 : memref<125x80xi32, #tpu.memory_space<vmem>>) target_semaphore(%run_scoped3A : memref<!tpu.dma_semaphore, #tpu.memory_space<semaphore_mem>>)
        %dma_wait3A = arith.constant 0 : i32
        %dma_wait3A_53 = arith.constant 0 : i32
        %dma_wait3A_54 = tpu.memref_slice %arg2[%arg1, %dma_wait3A, %dma_wait3A_53] : memref<16x125x80xi32, #tpu.memory_space<hbm>> -> memref<1x125x80xi32, #tpu.memory_space<hbm>>
        %dma_wait3A_55 = tpu.memref_squeeze %dma_wait3A_54 : memref<1x125x80xi32, #tpu.memory_space<hbm>> -> memref<125x80xi32, #tpu.memory_space<hbm>>
        %dma_wait3A_56 = arith.constant 0 : i32
        %dma_wait3A_57 = arith.constant 0 : i32
        %dma_wait3A_58 = tpu.memref_slice %arg2[%arg1, %dma_wait3A_56, %dma_wait3A_57] : memref<16x125x80xi32, #tpu.memory_space<hbm>> -> memref<1x125x80xi32, #tpu.memory_space<hbm>>
        %dma_wait3A_59 = tpu.memref_squeeze %dma_wait3A_58 : memref<1x125x80xi32, #tpu.memory_space<hbm>> -> memref<125x80xi32, #tpu.memory_space<hbm>>
        tpu.wait_dma2 semaphore(%run_scoped3A : memref<!tpu.dma_semaphore, #tpu.memory_space<semaphore_mem>>) src(%dma_wait3A_59 : memref<125x80xi32, #tpu.memory_space<hbm>>) dst(%arg6 : memref<125x80xi32, #tpu.memory_space<vmem>>)
        tpu.yield
      }) : () -> ()
    } else {
    }
    %eq3A_2 = arith.constant 1 : i32
    %eq3A_3 = arith.cmpi eq, %arg0, %eq3A_2 : i32
    %convert_element_type3A_4 = arith.extui %eq3A_3 : i1 to i32
    %cond3A_5 = arith.constant 0 : i32
    %cond3A_6 = arith.cmpi ne, %convert_element_type3A_4, %cond3A_5 : i32
    scf.if %cond3A_6 {
      "tpu.region"() ({
        %run_scoped3A = tpu.sem_alloc : memref<!tpu.dma_semaphore, #tpu.memory_space<semaphore_mem>>
        %dma_start3A = arith.constant 0 : i32
        %dma_start3A_46 = arith.constant 0 : i32
        %dma_start3A_47 = tpu.memref_slice %arg3[%arg1, %dma_start3A, %dma_start3A_46] : memref<16x125x80xi32, #tpu.memory_space<hbm>> -> memref<1x125x80xi32, #tpu.memory_space<hbm>>
        %dma_start3A_48 = tpu.memref_squeeze %dma_start3A_47 : memref<1x125x80xi32, #tpu.memory_space<hbm>> -> memref<125x80xi32, #tpu.memory_space<hbm>>
        %dma_start3A_49 = arith.constant 0 : i32
        %dma_start3A_50 = arith.constant 0 : i32
        %dma_start3A_51 = tpu.memref_slice %arg3[%arg1, %dma_start3A_49, %dma_start3A_50] : memref<16x125x80xi32, #tpu.memory_space<hbm>> -> memref<1x125x80xi32, #tpu.memory_space<hbm>>
        %dma_start3A_52 = tpu.memref_squeeze %dma_start3A_51 : memref<1x125x80xi32, #tpu.memory_space<hbm>> -> memref<125x80xi32, #tpu.memory_space<hbm>>
        tpu.enqueue_dma source(%dma_start3A_52 : memref<125x80xi32, #tpu.memory_space<hbm>>) target(%arg6 : memref<125x80xi32, #tpu.memory_space<vmem>>) target_semaphore(%run_scoped3A : memref<!tpu.dma_semaphore, #tpu.memory_space<semaphore_mem>>)
        %dma_wait3A = arith.constant 0 : i32
        %dma_wait3A_53 = arith.constant 0 : i32
        %dma_wait3A_54 = tpu.memref_slice %arg3[%arg1, %dma_wait3A, %dma_wait3A_53] : memref<16x125x80xi32, #tpu.memory_space<hbm>> -> memref<1x125x80xi32, #tpu.memory_space<hbm>>
        %dma_wait3A_55 = tpu.memref_squeeze %dma_wait3A_54 : memref<1x125x80xi32, #tpu.memory_space<hbm>> -> memref<125x80xi32, #tpu.memory_space<hbm>>
        %dma_wait3A_56 = arith.constant 0 : i32
        %dma_wait3A_57 = arith.constant 0 : i32
        %dma_wait3A_58 = tpu.memref_slice %arg3[%arg1, %dma_wait3A_56, %dma_wait3A_57] : memref<16x125x80xi32, #tpu.memory_space<hbm>> -> memref<1x125x80xi32, #tpu.memory_space<hbm>>
        %dma_wait3A_59 = tpu.memref_squeeze %dma_wait3A_58 : memref<1x125x80xi32, #tpu.memory_space<hbm>> -> memref<125x80xi32, #tpu.memory_space<hbm>>
        tpu.wait_dma2 semaphore(%run_scoped3A : memref<!tpu.dma_semaphore, #tpu.memory_space<semaphore_mem>>) src(%dma_wait3A_59 : memref<125x80xi32, #tpu.memory_space<hbm>>) dst(%arg6 : memref<125x80xi32, #tpu.memory_space<vmem>>)
        tpu.yield
      }) : () -> ()
    } else {
    }
    %broadcast_in_dim3A = arith.constant 1.000000e+00 : f32
    %broadcast_in_dim3A_7 = vector.broadcast %broadcast_in_dim3A : f32 to vector<16xf32>
    %scan3A = arith.constant 0 : i32
    %scan3A_8 = arith.constant 0 : i32
    %scan3A_9 = arith.constant 5 : i32
    %scan3A_10 = arith.addi %scan3A_8, %scan3A_9 : i32
    %scan3A_11 = arith.constant 1 : i32
    scf.for %scan3A_46 = %scan3A_8 to %scan3A_10 step %scan3A_11  : i32 {
      %mul3A = arith.constant 16 : i32
      %mul3A_47 = arith.muli %scan3A_46, %mul3A : i32
      %swap3A = arith.index_cast %mul3A_47 : i32 to index
      %swap3A_48 = tpu.vector_load %arg7[%swap3A] {strides = array<i32>} : memref<80xf32, #tpu.memory_space<vmem>>, vector<16xf32>,
      %swap3A_49 = vector.shape_cast %swap3A_48 : vector<16xf32> to vector<16xf32>
      %swap3A_50 = vector.shape_cast %broadcast_in_dim3A_7 : vector<16xf32> to vector<16xf32>
      tpu.vector_store %arg7[%swap3A], %swap3A_50 {strides = array<i32>} : memref<80xf32, #tpu.memory_space<vmem>>, vector<16xf32>,
    }
    %scan3A_12 = arith.constant 5 : i32
    %eq3A_13 = arith.constant 0 : i32
    %eq3A_14 = arith.cmpi eq, %arg1, %eq3A_13 : i32
    %convert_element_type3A_15 = arith.extui %eq3A_14 : i1 to i32
    %cond3A_16 = arith.constant 0 : i32
    %cond3A_17 = arith.cmpi ne, %convert_element_type3A_15, %cond3A_16 : i32
    scf.if %cond3A_17 {
      %broadcast_in_dim3A_46 = arith.constant 0.000000e+00 : f32
      %broadcast_in_dim3A_47 = vector.broadcast %broadcast_in_dim3A_46 : f32 to vector<16xf32>
      %scan3A_48 = arith.constant 0 : i32
      %scan3A_49 = arith.constant 0 : i32
      %scan3A_50 = arith.constant 625 : i32
      %scan3A_51 = arith.addi %scan3A_49, %scan3A_50 : i32
      %scan3A_52 = arith.constant 1 : i32
      scf.for %scan3A_54 = %scan3A_49 to %scan3A_51 step %scan3A_52  : i32 {
        %mul3A = arith.constant 16 : i32
        %mul3A_55 = arith.muli %scan3A_54, %mul3A : i32
        %swap3A = arith.index_cast %mul3A_55 : i32 to index
        %swap3A_56 = tpu.vector_load %arg8[%swap3A] {strides = array<i32>} : memref<10000xf32, #tpu.memory_space<vmem>>, vector<16xf32>,
        %swap3A_57 = vector.shape_cast %swap3A_56 : vector<16xf32> to vector<16xf32>
        %swap3A_58 = vector.shape_cast %broadcast_in_dim3A_47 : vector<16xf32> to vector<16xf32>
        tpu.vector_store %arg8[%swap3A], %swap3A_58 {strides = array<i32>} : memref<10000xf32, #tpu.memory_space<vmem>>, vector<16xf32>,
      }
      %scan3A_53 = arith.constant 625 : i32
      "tpu.region"() ({
        %run_scoped3A = tpu.sem_alloc : memref<!tpu.dma_semaphore, #tpu.memory_space<semaphore_mem>>
        tpu.enqueue_dma source(%arg8 : memref<10000xf32, #tpu.memory_space<vmem>>) target(%arg9 : memref<10000xf32, #tpu.memory_space<vmem_shared>>) target_semaphore(%run_scoped3A : memref<!tpu.dma_semaphore, #tpu.memory_space<semaphore_mem>>)
        tpu.wait_dma2 semaphore(%run_scoped3A : memref<!tpu.dma_semaphore, #tpu.memory_space<semaphore_mem>>) src(%arg8 : memref<10000xf32, #tpu.memory_space<vmem>>) dst(%arg9 : memref<10000xf32, #tpu.memory_space<vmem_shared>>)
        tpu.yield
      }) : () -> ()
    } else {
    }
    %barrier3A = arith.constant 0 : index
    tpu.barrier barrier_id(%barrier3A)
    %scan3A_18 = arith.constant 0 : i32
    %scan3A_19 = arith.constant 0 : i32
    %scan3A_20 = arith.constant 125 : i32
    %scan3A_21 = arith.addi %scan3A_19, %scan3A_20 : i32
    %scan3A_22 = arith.constant 1 : i32
    scf.for %scan3A_46 = %scan3A_19 to %scan3A_21 step %scan3A_22  : i32 {
      %dma_start3A = arith.constant 0 : i32
      %dma_start3A_47 = tpu.memref_slice %arg6[%scan3A_46, %dma_start3A] : memref<125x80xi32, #tpu.memory_space<vmem>> -> memref<1x80xi32, #tpu.memory_space<vmem>>
      %dma_start3A_48 = tpu.memref_squeeze %dma_start3A_47 : memref<1x80xi32, #tpu.memory_space<vmem>> -> memref<80xi32, #tpu.memory_space<vmem>>
      %dma_start3A_49 = arith.constant 0 : i32
      %dma_start3A_50 = tpu.memref_slice %arg9[%dma_start3A_49] : memref<10000xf32, #tpu.memory_space<vmem_shared>> -> memref<10000xf32, #tpu.memory_space<vmem_shared>>
      tpu.enqueue_indirect_dma source(%arg7 : memref<80xf32, #tpu.memory_space<vmem>>) target(%dma_start3A_50 : memref<10000xf32, #tpu.memory_space<vmem_shared>>) offsets(%dma_start3A_48 : memref<80xi32, #tpu.memory_space<vmem>>) semaphore(%arg10 : memref<!tpu.dma_semaphore, #tpu.memory_space<semaphore_mem>>) {add = true}
    }
    %scan3A_23 = arith.constant 125 : i32
    %scan3A_24 = arith.constant 0 : i32
    %scan3A_25 = arith.constant 0 : i32
    %scan3A_26 = arith.constant 125 : i32
    %scan3A_27 = arith.addi %scan3A_25, %scan3A_26 : i32
    %scan3A_28 = arith.constant 1 : i32
    scf.for %scan3A_46 = %scan3A_25 to %scan3A_27 step %scan3A_28  : i32 {
      %dma_wait3A = arith.constant 0 : i32
      %dma_wait3A_47 = tpu.memref_slice %arg6[%scan3A_46, %dma_wait3A] : memref<125x80xi32, #tpu.memory_space<vmem>> -> memref<1x80xi32, #tpu.memory_space<vmem>>
      %dma_wait3A_48 = tpu.memref_squeeze %dma_wait3A_47 : memref<1x80xi32, #tpu.memory_space<vmem>> -> memref<80xi32, #tpu.memory_space<vmem>>
      %dma_wait3A_49 = arith.constant 0 : i32
      %dma_wait3A_50 = tpu.memref_slice %arg9[%dma_wait3A_49] : memref<10000xf32, #tpu.memory_space<vmem_shared>> -> memref<10000xf32, #tpu.memory_space<vmem_shared>>
      tpu.wait_indirect_dma semaphore(%arg10 : memref<!tpu.dma_semaphore, #tpu.memory_space<semaphore_mem>>) src(%arg7 : memref<80xf32, #tpu.memory_space<vmem>>) dst(%dma_wait3A_50 : memref<10000xf32, #tpu.memory_space<vmem_shared>>)
    }
    %scan3A_29 = arith.constant 125 : i32
    %barrier3A_30 = arith.constant 0 : index
    tpu.barrier barrier_id(%barrier3A_30)
    %eq3A_31 = arith.constant 0 : i32
    %eq3A_32 = arith.cmpi eq, %arg1, %eq3A_31 : i32
    %eq3A_33 = arith.constant 0 : i32
    %eq3A_34 = arith.cmpi eq, %arg0, %eq3A_33 : i32
    %and3A = arith.andi %eq3A_32, %eq3A_34 : i1
    %convert_element_type3A_35 = arith.extui %and3A : i1 to i32
    %cond3A_36 = arith.constant 0 : i32
    %cond3A_37 = arith.cmpi ne, %convert_element_type3A_35, %cond3A_36 : i32
    scf.if %cond3A_37 {
      "tpu.region"() ({
        %run_scoped3A = tpu.sem_alloc : memref<!tpu.dma_semaphore, #tpu.memory_space<semaphore_mem>>
        tpu.enqueue_dma source(%arg9 : memref<10000xf32, #tpu.memory_space<vmem_shared>>) target(%arg4 : memref<10000xf32, #tpu.memory_space<hbm>>) target_semaphore(%run_scoped3A : memref<!tpu.dma_semaphore, #tpu.memory_space<semaphore_mem>>)
        tpu.wait_dma2 semaphore(%run_scoped3A : memref<!tpu.dma_semaphore, #tpu.memory_space<semaphore_mem>>) src(%arg9 : memref<10000xf32, #tpu.memory_space<vmem_shared>>) dst(%arg4 : memref<10000xf32, #tpu.memory_space<hbm>>)
        tpu.yield
      }) : () -> ()
    } else {
    }
    %eq3A_38 = arith.constant 0 : i32
    %eq3A_39 = arith.cmpi eq, %arg1, %eq3A_38 : i32
    %eq3A_40 = arith.constant 1 : i32
    %eq3A_41 = arith.cmpi eq, %arg0, %eq3A_40 : i32
    %and3A_42 = arith.andi %eq3A_39, %eq3A_41 : i1
    %convert_element_type3A_43 = arith.extui %and3A_42 : i1 to i32
    %cond3A_44 = arith.constant 0 : i32
    %cond3A_45 = arith.cmpi ne, %convert_element_type3A_43, %cond3A_44 : i32
    scf.if %cond3A_45 {
      "tpu.region"() ({
        %run_scoped3A = tpu.sem_alloc : memref<!tpu.dma_semaphore, #tpu.memory_space<semaphore_mem>>
        tpu.enqueue_dma source(%arg9 : memref<10000xf32, #tpu.memory_space<vmem_shared>>) target(%arg5 : memref<10000xf32, #tpu.memory_space<hbm>>) target_semaphore(%run_scoped3A : memref<!tpu.dma_semaphore, #tpu.memory_space<semaphore_mem>>)
        tpu.wait_dma2 semaphore(%run_scoped3A : memref<!tpu.dma_semaphore, #tpu.memory_space<semaphore_mem>>) src(%arg9 : memref<10000xf32, #tpu.memory_space<vmem_shared>>) dst(%arg5 : memref<10000xf32, #tpu.memory_space<hbm>>)
        tpu.yield
      }) : () -> ()
    } else {
    }
    return
  }
}

#map = affine_map<(d0, d1) -> (0, 0)>
#map1 = affine_map<(d0, d1) -> (0, 0, 0)>
module attributes {stable_mosaic.version = 14 : i64} {
  func.func @k(%arg0: i32, %arg1: i32, %arg2: memref<16x10000xi32, #tpu.memory_space<hbm>>, %arg3: memref<16x125x80xi32, #tpu.memory_space<hbm>>, %arg4: memref<10000x128xf32, #tpu.memory_space<hbm>>, %arg5: memref<10000x128xf32, #tpu.memory_space<hbm>>, %arg6: memref<10000x128xf32, #tpu.memory_space<hbm>>, %arg7: memref<10000x128xf32, #tpu.memory_space<hbm>>, %arg8: memref<10000x128xf32, #tpu.memory_space<hbm>>, %arg9: memref<10000x128xf32, #tpu.memory_space<hbm>>, %arg10: memref<10000x128xf32, #tpu.memory_space<hbm>>, %arg11: memref<10000x128xf32, #tpu.memory_space<hbm>>, %arg12: memref<10000xi32, #tpu.memory_space<vmem>>, %arg13: memref<125x80xi32, #tpu.memory_space<vmem>>, %arg14: memref<80x128xf32, #tpu.memory_space<vmem>>, %arg15: memref<80x128xf32, #tpu.memory_space<vmem>>, %arg16: memref<10000x128xf32, #tpu.memory_space<vmem_shared>>, %arg17: memref<!tpu.dma_semaphore, #tpu.memory_space<semaphore_mem>>, %arg18: memref<!tpu.dma_semaphore, #tpu.memory_space<semaphore_mem>>) attributes {dimension_semantics = [#tpu.dimension_semantics<core_parallel>, #tpu.dimension_semantics<subcore_parallel>], iteration_bounds = array<i64: 2, 16>, scalar_prefetch = 0 : i64, scratch_operands = 7 : i64, tpu.core_type = #tpu.core_type<sc_vector_subcore>, window_params = [{transform_indices = #map}, {transform_indices = #map1}, {transform_indices = #map}, {transform_indices = #map}, {transform_indices = #map}, {transform_indices = #map}, {transform_indices = #map}, {transform_indices = #map}, {transform_indices = #map}, {transform_indices = #map}]} {
    "tpu.region"() ({
      %run_scoped3A = tpu.sem_alloc : memref<!tpu.dma_semaphore, #tpu.memory_space<semaphore_mem>>
      %dma_start3A = arith.constant 0 : i32
      %dma_start3A_12 = tpu.memref_slice %arg2[%arg1, %dma_start3A] : memref<16x10000xi32, #tpu.memory_space<hbm>> -> memref<1x10000xi32, #tpu.memory_space<hbm>>
      %dma_start3A_13 = tpu.memref_squeeze %dma_start3A_12 : memref<1x10000xi32, #tpu.memory_space<hbm>> -> memref<10000xi32, #tpu.memory_space<hbm>>
      %dma_start3A_14 = arith.constant 0 : i32
      %dma_start3A_15 = tpu.memref_slice %arg2[%arg1, %dma_start3A_14] : memref<16x10000xi32, #tpu.memory_space<hbm>> -> memref<1x10000xi32, #tpu.memory_space<hbm>>
      %dma_start3A_16 = tpu.memref_squeeze %dma_start3A_15 : memref<1x10000xi32, #tpu.memory_space<hbm>> -> memref<10000xi32, #tpu.memory_space<hbm>>
      tpu.enqueue_dma source(%dma_start3A_16 : memref<10000xi32, #tpu.memory_space<hbm>>) target(%arg12 : memref<10000xi32, #tpu.memory_space<vmem>>) target_semaphore(%run_scoped3A : memref<!tpu.dma_semaphore, #tpu.memory_space<semaphore_mem>>)
      %dma_wait3A = arith.constant 0 : i32
      %dma_wait3A_17 = tpu.memref_slice %arg2[%arg1, %dma_wait3A] : memref<16x10000xi32, #tpu.memory_space<hbm>> -> memref<1x10000xi32, #tpu.memory_space<hbm>>
      %dma_wait3A_18 = tpu.memref_squeeze %dma_wait3A_17 : memref<1x10000xi32, #tpu.memory_space<hbm>> -> memref<10000xi32, #tpu.memory_space<hbm>>
      %dma_wait3A_19 = arith.constant 0 : i32
      %dma_wait3A_20 = tpu.memref_slice %arg2[%arg1, %dma_wait3A_19] : memref<16x10000xi32, #tpu.memory_space<hbm>> -> memref<1x10000xi32, #tpu.memory_space<hbm>>
      %dma_wait3A_21 = tpu.memref_squeeze %dma_wait3A_20 : memref<1x10000xi32, #tpu.memory_space<hbm>> -> memref<10000xi32, #tpu.memory_space<hbm>>
      tpu.wait_dma2 semaphore(%run_scoped3A : memref<!tpu.dma_semaphore, #tpu.memory_space<semaphore_mem>>) src(%dma_wait3A_21 : memref<10000xi32, #tpu.memory_space<hbm>>) dst(%arg12 : memref<10000xi32, #tpu.memory_space<vmem>>)
      tpu.yield
    }) : () -> ()
    "tpu.region"() ({
      %run_scoped3A = tpu.sem_alloc : memref<!tpu.dma_semaphore, #tpu.memory_space<semaphore_mem>>
      %dma_start3A = arith.constant 0 : i32
      %dma_start3A_12 = arith.constant 0 : i32
      %dma_start3A_13 = tpu.memref_slice %arg3[%arg1, %dma_start3A, %dma_start3A_12] : memref<16x125x80xi32, #tpu.memory_space<hbm>> -> memref<1x125x80xi32, #tpu.memory_space<hbm>>
      %dma_start3A_14 = tpu.memref_squeeze %dma_start3A_13 : memref<1x125x80xi32, #tpu.memory_space<hbm>> -> memref<125x80xi32, #tpu.memory_space<hbm>>
      %dma_start3A_15 = arith.constant 0 : i32
      %dma_start3A_16 = arith.constant 0 : i32
      %dma_start3A_17 = tpu.memref_slice %arg3[%arg1, %dma_start3A_15, %dma_start3A_16] : memref<16x125x80xi32, #tpu.memory_space<hbm>> -> memref<1x125x80xi32, #tpu.memory_space<hbm>>
      %dma_start3A_18 = tpu.memref_squeeze %dma_start3A_17 : memref<1x125x80xi32, #tpu.memory_space<hbm>> -> memref<125x80xi32, #tpu.memory_space<hbm>>
      tpu.enqueue_dma source(%dma_start3A_18 : memref<125x80xi32, #tpu.memory_space<hbm>>) target(%arg13 : memref<125x80xi32, #tpu.memory_space<vmem>>) target_semaphore(%run_scoped3A : memref<!tpu.dma_semaphore, #tpu.memory_space<semaphore_mem>>)
      %dma_wait3A = arith.constant 0 : i32
      %dma_wait3A_19 = arith.constant 0 : i32
      %dma_wait3A_20 = tpu.memref_slice %arg3[%arg1, %dma_wait3A, %dma_wait3A_19] : memref<16x125x80xi32, #tpu.memory_space<hbm>> -> memref<1x125x80xi32, #tpu.memory_space<hbm>>
      %dma_wait3A_21 = tpu.memref_squeeze %dma_wait3A_20 : memref<1x125x80xi32, #tpu.memory_space<hbm>> -> memref<125x80xi32, #tpu.memory_space<hbm>>
      %dma_wait3A_22 = arith.constant 0 : i32
      %dma_wait3A_23 = arith.constant 0 : i32
      %dma_wait3A_24 = tpu.memref_slice %arg3[%arg1, %dma_wait3A_22, %dma_wait3A_23] : memref<16x125x80xi32, #tpu.memory_space<hbm>> -> memref<1x125x80xi32, #tpu.memory_space<hbm>>
      %dma_wait3A_25 = tpu.memref_squeeze %dma_wait3A_24 : memref<1x125x80xi32, #tpu.memory_space<hbm>> -> memref<125x80xi32, #tpu.memory_space<hbm>>
      tpu.wait_dma2 semaphore(%run_scoped3A : memref<!tpu.dma_semaphore, #tpu.memory_space<semaphore_mem>>) src(%dma_wait3A_25 : memref<125x80xi32, #tpu.memory_space<hbm>>) dst(%arg13 : memref<125x80xi32, #tpu.memory_space<vmem>>)
      tpu.yield
    }) : () -> ()
    %mul3A = arith.constant 640 : i32
    %mul3A_0 = arith.muli %arg1, %mul3A : i32
    %eq3A = arith.constant 15 : i32
    %eq3A_1 = arith.cmpi eq, %arg1, %eq3A : i32
    %jit3A = arith.constant 5 : i32
    %jit3A_2 = arith.constant 8 : i32
    %select_n3A = arith.select %eq3A_1, %jit3A, %jit3A_2 : i32
    %broadcast_in_dim3A = arith.constant 0.000000e+00 : f32
    %broadcast_in_dim3A_3 = vector.broadcast %broadcast_in_dim3A : f32 to vector<16xf32>
    %eq3A_4 = arith.constant 0 : i32
    %eq3A_5 = arith.cmpi eq, %arg0, %eq3A_4 : i32
    %convert_element_type3A = arith.extui %eq3A_5 : i1 to i32
    %cond3A = arith.constant 0 : i32
    %cond3A_6 = arith.cmpi ne, %convert_element_type3A, %cond3A : i32
    scf.if %cond3A_6 {
      %scan3A = arith.constant 0 : i32
      %scan3A_12 = arith.constant 0 : i32
      %scan3A_13 = arith.constant 80 : i32
      %scan3A_14 = arith.addi %scan3A_12, %scan3A_13 : i32
      %scan3A_15 = arith.constant 1 : i32
      scf.for %scan3A_146 = %scan3A_12 to %scan3A_14 step %scan3A_15  : i32 {
        %scan3A_147 = arith.constant 0 : i32
        %scan3A_148 = arith.constant 8 : i32
        %scan3A_149 = arith.addi %scan3A_147, %scan3A_148 : i32
        %scan3A_150 = arith.constant 1 : i32
        scf.for %scan3A_152 = %scan3A_147 to %scan3A_149 step %scan3A_150  : i32 {
          %mul3A_153 = arith.constant 16 : i32
          %mul3A_154 = arith.muli %scan3A_152, %mul3A_153 : i32
          %swap3A = arith.index_cast %scan3A_146 : i32 to index
          %swap3A_155 = arith.index_cast %mul3A_154 : i32 to index
          %swap3A_156 = tpu.vector_load %arg14[%swap3A, %swap3A_155] {strides = array<i32>} : memref<80x128xf32, #tpu.memory_space<vmem>>, vector<1x16xf32>,
          %swap3A_157 = vector.shape_cast %swap3A_156 : vector<1x16xf32> to vector<16xf32>
          %swap3A_158 = vector.shape_cast %broadcast_in_dim3A_3 : vector<16xf32> to vector<1x16xf32>
          tpu.vector_store %arg14[%swap3A, %swap3A_155], %swap3A_158 {strides = array<i32>} : memref<80x128xf32, #tpu.memory_space<vmem>>, vector<1x16xf32>,
        }
        %scan3A_151 = arith.constant 8 : i32
      }
      %scan3A_16 = arith.constant 80 : i32
      %while3A = arith.constant 0 : i32
      %while3A_17 = arith.constant 0 : i32
      %while3A_18 = arith.subi %select_n3A, %while3A_17 : i32
      %while3A_19 = arith.addi %while3A_17, %while3A_18 : i32
      %while3A_20 = arith.constant 1 : i32
      %while3A_21 = arith.divsi %while3A_18, %while3A_20 : i32
      %while3A_22 = arith.muli %while3A_21, %while3A_20 : i32
      %while3A_23 = arith.addi %while3A_17, %while3A_22 : i32
      %while3A_24 = arith.constant 1 : i32
      scf.for %while3A_146 = %while3A_17 to %while3A_23 step %while3A_24  : i32 {
        %mul3A_147 = arith.constant 80 : i32
        %mul3A_148 = arith.muli %while3A_146, %mul3A_147 : i32
        %add3A = arith.addi %mul3A_0, %mul3A_148 : i32
        %dma_start3A_149 = arith.constant 0 : i32
        %dma_start3A_150 = tpu.memref_slice %arg16[%add3A, %dma_start3A_149] : memref<10000x128xf32, #tpu.memory_space<vmem_shared>> -> memref<80x128xf32, #tpu.memory_space<vmem_shared>>
        %dma_start3A_151 = arith.constant 0 : i32
        %dma_start3A_152 = tpu.memref_slice %arg16[%add3A, %dma_start3A_151] : memref<10000x128xf32, #tpu.memory_space<vmem_shared>> -> memref<80x128xf32, #tpu.memory_space<vmem_shared>>
        tpu.enqueue_dma source(%arg14 : memref<80x128xf32, #tpu.memory_space<vmem>>) target(%dma_start3A_152 : memref<80x128xf32, #tpu.memory_space<vmem_shared>>) target_semaphore(%arg17 : memref<!tpu.dma_semaphore, #tpu.memory_space<semaphore_mem>>)
      }
      %while3A_25 = arith.constant 1 : i32
      scf.for %while3A_146 = %while3A_23 to %while3A_19 step %while3A_25  : i32 {
        %mul3A_147 = arith.constant 80 : i32
        %mul3A_148 = arith.muli %while3A_146, %mul3A_147 : i32
        %add3A = arith.addi %mul3A_0, %mul3A_148 : i32
        %dma_start3A_149 = arith.constant 0 : i32
        %dma_start3A_150 = tpu.memref_slice %arg16[%add3A, %dma_start3A_149] : memref<10000x128xf32, #tpu.memory_space<vmem_shared>> -> memref<80x128xf32, #tpu.memory_space<vmem_shared>>
        %dma_start3A_151 = arith.constant 0 : i32
        %dma_start3A_152 = tpu.memref_slice %arg16[%add3A, %dma_start3A_151] : memref<10000x128xf32, #tpu.memory_space<vmem_shared>> -> memref<80x128xf32, #tpu.memory_space<vmem_shared>>
        tpu.enqueue_dma source(%arg14 : memref<80x128xf32, #tpu.memory_space<vmem>>) target(%dma_start3A_152 : memref<80x128xf32, #tpu.memory_space<vmem_shared>>) target_semaphore(%arg17 : memref<!tpu.dma_semaphore, #tpu.memory_space<semaphore_mem>>)
      }
      %while3A_26 = arith.constant 0 : i32
      %while3A_27 = arith.constant 0 : i32
      %while3A_28 = arith.subi %select_n3A, %while3A_27 : i32
      %while3A_29 = arith.addi %while3A_27, %while3A_28 : i32
      %while3A_30 = arith.constant 1 : i32
      %while3A_31 = arith.divsi %while3A_28, %while3A_30 : i32
      %while3A_32 = arith.muli %while3A_31, %while3A_30 : i32
      %while3A_33 = arith.addi %while3A_27, %while3A_32 : i32
      %while3A_34 = arith.constant 1 : i32
      scf.for %while3A_146 = %while3A_27 to %while3A_33 step %while3A_34  : i32 {
        %mul3A_147 = arith.constant 80 : i32
        %mul3A_148 = arith.muli %while3A_146, %mul3A_147 : i32
        %add3A = arith.addi %mul3A_0, %mul3A_148 : i32
        %dma_wait3A_149 = arith.constant 0 : i32
        %dma_wait3A_150 = tpu.memref_slice %arg16[%add3A, %dma_wait3A_149] : memref<10000x128xf32, #tpu.memory_space<vmem_shared>> -> memref<80x128xf32, #tpu.memory_space<vmem_shared>>
        %dma_wait3A_151 = arith.constant 0 : i32
        %dma_wait3A_152 = tpu.memref_slice %arg16[%add3A, %dma_wait3A_151] : memref<10000x128xf32, #tpu.memory_space<vmem_shared>> -> memref<80x128xf32, #tpu.memory_space<vmem_shared>>
        tpu.wait_dma2 semaphore(%arg17 : memref<!tpu.dma_semaphore, #tpu.memory_space<semaphore_mem>>) src(%arg14 : memref<80x128xf32, #tpu.memory_space<vmem>>) dst(%dma_wait3A_152 : memref<80x128xf32, #tpu.memory_space<vmem_shared>>)
      }
      %while3A_35 = arith.constant 1 : i32
      scf.for %while3A_146 = %while3A_33 to %while3A_29 step %while3A_35  : i32 {
        %mul3A_147 = arith.constant 80 : i32
        %mul3A_148 = arith.muli %while3A_146, %mul3A_147 : i32
        %add3A = arith.addi %mul3A_0, %mul3A_148 : i32
        %dma_wait3A_149 = arith.constant 0 : i32
        %dma_wait3A_150 = tpu.memref_slice %arg16[%add3A, %dma_wait3A_149] : memref<10000x128xf32, #tpu.memory_space<vmem_shared>> -> memref<80x128xf32, #tpu.memory_space<vmem_shared>>
        %dma_wait3A_151 = arith.constant 0 : i32
        %dma_wait3A_152 = tpu.memref_slice %arg16[%add3A, %dma_wait3A_151] : memref<10000x128xf32, #tpu.memory_space<vmem_shared>> -> memref<80x128xf32, #tpu.memory_space<vmem_shared>>
        tpu.wait_dma2 semaphore(%arg17 : memref<!tpu.dma_semaphore, #tpu.memory_space<semaphore_mem>>) src(%arg14 : memref<80x128xf32, #tpu.memory_space<vmem>>) dst(%dma_wait3A_152 : memref<80x128xf32, #tpu.memory_space<vmem_shared>>)
      }
      %barrier3A = arith.constant 0 : index
      tpu.barrier barrier_id(%barrier3A)
      %dma_start3A = arith.constant 0 : i32
      %dma_start3A_36 = tpu.memref_slice %arg12[%dma_start3A] : memref<10000xi32, #tpu.memory_space<vmem>> -> memref<80xi32, #tpu.memory_space<vmem>>
      %dma_start3A_37 = arith.constant 0 : i32
      %dma_start3A_38 = arith.constant 0 : i32
      %dma_start3A_39 = tpu.memref_slice %arg4[%dma_start3A_37, %dma_start3A_38] : memref<10000x128xf32, #tpu.memory_space<hbm>> -> memref<10000x128xf32, #tpu.memory_space<hbm>>
      tpu.enqueue_indirect_dma source(%dma_start3A_39 : memref<10000x128xf32, #tpu.memory_space<hbm>>) target(%arg14 : memref<80x128xf32, #tpu.memory_space<vmem>>) offsets(%dma_start3A_36 : memref<80xi32, #tpu.memory_space<vmem>>) semaphore(%arg17 : memref<!tpu.dma_semaphore, #tpu.memory_space<semaphore_mem>>)
      %dma_start3A_40 = arith.constant 80 : i32
      %dma_start3A_41 = tpu.memref_slice %arg12[%dma_start3A_40] : memref<10000xi32, #tpu.memory_space<vmem>> -> memref<80xi32, #tpu.memory_space<vmem>>
      %dma_start3A_42 = arith.constant 0 : i32
      %dma_start3A_43 = arith.constant 0 : i32
      %dma_start3A_44 = tpu.memref_slice %arg4[%dma_start3A_42, %dma_start3A_43] : memref<10000x128xf32, #tpu.memory_space<hbm>> -> memref<10000x128xf32, #tpu.memory_space<hbm>>
      tpu.enqueue_indirect_dma source(%dma_start3A_44 : memref<10000x128xf32, #tpu.memory_space<hbm>>) target(%arg15 : memref<80x128xf32, #tpu.memory_space<vmem>>) offsets(%dma_start3A_41 : memref<80xi32, #tpu.memory_space<vmem>>) semaphore(%arg18 : memref<!tpu.dma_semaphore, #tpu.memory_space<semaphore_mem>>)
      %scan3A_45 = arith.constant 0 : i32
      %scan3A_46 = arith.constant 0 : i32
      %scan3A_47 = arith.constant 62 : i32
      %scan3A_48 = arith.addi %scan3A_46, %scan3A_47 : i32
      %scan3A_49 = arith.constant 1 : i32
      scf.for %scan3A_146 = %scan3A_46 to %scan3A_48 step %scan3A_49  : i32 {
        %mul3A_147 = arith.constant 2 : i32
        %mul3A_148 = arith.muli %mul3A_147, %scan3A_146 : i32
        %mul3A_149 = arith.constant 80 : i32
        %mul3A_150 = arith.muli %mul3A_148, %mul3A_149 : i32
        %dma_wait3A_151 = tpu.memref_slice %arg12[%mul3A_150] : memref<10000xi32, #tpu.memory_space<vmem>> -> memref<80xi32, #tpu.memory_space<vmem>>
        %dma_wait3A_152 = arith.constant 0 : i32
        %dma_wait3A_153 = arith.constant 0 : i32
        %dma_wait3A_154 = tpu.memref_slice %arg4[%dma_wait3A_152, %dma_wait3A_153] : memref<10000x128xf32, #tpu.memory_space<hbm>> -> memref<10000x128xf32, #tpu.memory_space<hbm>>
        tpu.wait_indirect_dma semaphore(%arg17 : memref<!tpu.dma_semaphore, #tpu.memory_space<semaphore_mem>>) src(%dma_wait3A_154 : memref<10000x128xf32, #tpu.memory_space<hbm>>) dst(%arg14 : memref<80x128xf32, #tpu.memory_space<vmem>>)
        "tpu.region"() ({
          %run_scoped3A_176 = tpu.sem_alloc : memref<!tpu.dma_semaphore, #tpu.memory_space<semaphore_mem>>
          %dma_start3A_177 = arith.constant 0 : i32
          %dma_start3A_178 = tpu.memref_slice %arg13[%mul3A_148, %dma_start3A_177] : memref<125x80xi32, #tpu.memory_space<vmem>> -> memref<1x80xi32, #tpu.memory_space<vmem>>
          %dma_start3A_179 = tpu.memref_squeeze %dma_start3A_178 : memref<1x80xi32, #tpu.memory_space<vmem>> -> memref<80xi32, #tpu.memory_space<vmem>>
          %dma_start3A_180 = arith.constant 0 : i32
          %dma_start3A_181 = arith.constant 0 : i32
          %dma_start3A_182 = tpu.memref_slice %arg16[%dma_start3A_180, %dma_start3A_181] : memref<10000x128xf32, #tpu.memory_space<vmem_shared>> -> memref<10000x128xf32, #tpu.memory_space<vmem_shared>>
          tpu.enqueue_indirect_dma source(%arg14 : memref<80x128xf32, #tpu.memory_space<vmem>>) target(%dma_start3A_182 : memref<10000x128xf32, #tpu.memory_space<vmem_shared>>) offsets(%dma_start3A_179 : memref<80xi32, #tpu.memory_space<vmem>>) semaphore(%run_scoped3A_176 : memref<!tpu.dma_semaphore, #tpu.memory_space<semaphore_mem>>) {add = true}
          %dma_wait3A_183 = arith.constant 0 : i32
          %dma_wait3A_184 = tpu.memref_slice %arg13[%mul3A_148, %dma_wait3A_183] : memref<125x80xi32, #tpu.memory_space<vmem>> -> memref<1x80xi32, #tpu.memory_space<vmem>>
          %dma_wait3A_185 = tpu.memref_squeeze %dma_wait3A_184 : memref<1x80xi32, #tpu.memory_space<vmem>> -> memref<80xi32, #tpu.memory_space<vmem>>
          %dma_wait3A_186 = arith.constant 0 : i32
          %dma_wait3A_187 = arith.constant 0 : i32
          %dma_wait3A_188 = tpu.memref_slice %arg16[%dma_wait3A_186, %dma_wait3A_187] : memref<10000x128xf32, #tpu.memory_space<vmem_shared>> -> memref<10000x128xf32, #tpu.memory_space<vmem_shared>>
          tpu.wait_indirect_dma semaphore(%run_scoped3A_176 : memref<!tpu.dma_semaphore, #tpu.memory_space<semaphore_mem>>) src(%arg14 : memref<80x128xf32, #tpu.memory_space<vmem>>) dst(%dma_wait3A_188 : memref<10000x128xf32, #tpu.memory_space<vmem_shared>>)
          tpu.yield
        }) : () -> ()
        %add3A = arith.constant 2 : i32
        %add3A_155 = arith.addi %mul3A_148, %add3A : i32
        %mul3A_156 = arith.constant 80 : i32
        %mul3A_157 = arith.muli %add3A_155, %mul3A_156 : i32
        %dma_start3A_158 = tpu.memref_slice %arg12[%mul3A_157] : memref<10000xi32, #tpu.memory_space<vmem>> -> memref<80xi32, #tpu.memory_space<vmem>>
        %dma_start3A_159 = arith.constant 0 : i32
        %dma_start3A_160 = arith.constant 0 : i32
        %dma_start3A_161 = tpu.memref_slice %arg4[%dma_start3A_159, %dma_start3A_160] : memref<10000x128xf32, #tpu.memory_space<hbm>> -> memref<10000x128xf32, #tpu.memory_space<hbm>>
        tpu.enqueue_indirect_dma source(%dma_start3A_161 : memref<10000x128xf32, #tpu.memory_space<hbm>>) target(%arg14 : memref<80x128xf32, #tpu.memory_space<vmem>>) offsets(%dma_start3A_158 : memref<80xi32, #tpu.memory_space<vmem>>) semaphore(%arg17 : memref<!tpu.dma_semaphore, #tpu.memory_space<semaphore_mem>>)
        %add3A_162 = arith.constant 1 : i32
        %add3A_163 = arith.addi %mul3A_148, %add3A_162 : i32
        %mul3A_164 = arith.constant 80 : i32
        %mul3A_165 = arith.muli %add3A_163, %mul3A_164 : i32
        %dma_wait3A_166 = tpu.memref_slice %arg12[%mul3A_165] : memref<10000xi32, #tpu.memory_space<vmem>> -> memref<80xi32, #tpu.memory_space<vmem>>
        %dma_wait3A_167 = arith.constant 0 : i32
        %dma_wait3A_168 = arith.constant 0 : i32
        %dma_wait3A_169 = tpu.memref_slice %arg4[%dma_wait3A_167, %dma_wait3A_168] : memref<10000x128xf32, #tpu.memory_space<hbm>> -> memref<10000x128xf32, #tpu.memory_space<hbm>>
        tpu.wait_indirect_dma semaphore(%arg18 : memref<!tpu.dma_semaphore, #tpu.memory_space<semaphore_mem>>) src(%dma_wait3A_169 : memref<10000x128xf32, #tpu.memory_space<hbm>>) dst(%arg15 : memref<80x128xf32, #tpu.memory_space<vmem>>)
        %add3A_170 = arith.constant 1 : i32
        %add3A_171 = arith.addi %mul3A_148, %add3A_170 : i32
        "tpu.region"() ({
          %run_scoped3A_176 = tpu.sem_alloc : memref<!tpu.dma_semaphore, #tpu.memory_space<semaphore_mem>>
          %dma_start3A_177 = arith.constant 0 : i32
          %dma_start3A_178 = tpu.memref_slice %arg13[%add3A_171, %dma_start3A_177] : memref<125x80xi32, #tpu.memory_space<vmem>> -> memref<1x80xi32, #tpu.memory_space<vmem>>
          %dma_start3A_179 = tpu.memref_squeeze %dma_start3A_178 : memref<1x80xi32, #tpu.memory_space<vmem>> -> memref<80xi32, #tpu.memory_space<vmem>>
          %dma_start3A_180 = arith.constant 0 : i32
          %dma_start3A_181 = arith.constant 0 : i32
          %dma_start3A_182 = tpu.memref_slice %arg16[%dma_start3A_180, %dma_start3A_181] : memref<10000x128xf32, #tpu.memory_space<vmem_shared>> -> memref<10000x128xf32, #tpu.memory_space<vmem_shared>>
          tpu.enqueue_indirect_dma source(%arg15 : memref<80x128xf32, #tpu.memory_space<vmem>>) target(%dma_start3A_182 : memref<10000x128xf32, #tpu.memory_space<vmem_shared>>) offsets(%dma_start3A_179 : memref<80xi32, #tpu.memory_space<vmem>>) semaphore(%run_scoped3A_176 : memref<!tpu.dma_semaphore, #tpu.memory_space<semaphore_mem>>) {add = true}
          %dma_wait3A_183 = arith.constant 0 : i32
          %dma_wait3A_184 = tpu.memref_slice %arg13[%add3A_171, %dma_wait3A_183] : memref<125x80xi32, #tpu.memory_space<vmem>> -> memref<1x80xi32, #tpu.memory_space<vmem>>
          %dma_wait3A_185 = tpu.memref_squeeze %dma_wait3A_184 : memref<1x80xi32, #tpu.memory_space<vmem>> -> memref<80xi32, #tpu.memory_space<vmem>>
          %dma_wait3A_186 = arith.constant 0 : i32
          %dma_wait3A_187 = arith.constant 0 : i32
          %dma_wait3A_188 = tpu.memref_slice %arg16[%dma_wait3A_186, %dma_wait3A_187] : memref<10000x128xf32, #tpu.memory_space<vmem_shared>> -> memref<10000x128xf32, #tpu.memory_space<vmem_shared>>
          tpu.wait_indirect_dma semaphore(%run_scoped3A_176 : memref<!tpu.dma_semaphore, #tpu.memory_space<semaphore_mem>>) src(%arg15 : memref<80x128xf32, #tpu.memory_space<vmem>>) dst(%dma_wait3A_188 : memref<10000x128xf32, #tpu.memory_space<vmem_shared>>)
          tpu.yield
        }) : () -> ()
        %lt3A = arith.constant 61 : i32
        %lt3A_172 = arith.cmpi slt, %scan3A_146, %lt3A : i32
        %convert_element_type3A_173 = arith.extui %lt3A_172 : i1 to i32
        %cond3A_174 = arith.constant 0 : i32
        %cond3A_175 = arith.cmpi ne, %convert_element_type3A_173, %cond3A_174 : i32
        scf.if %cond3A_175 {
          %add3A_176 = arith.constant 3 : i32
          %add3A_177 = arith.addi %mul3A_148, %add3A_176 : i32
          %mul3A_178 = arith.constant 80 : i32
          %mul3A_179 = arith.muli %add3A_177, %mul3A_178 : i32
          %dma_start3A_180 = tpu.memref_slice %arg12[%mul3A_179] : memref<10000xi32, #tpu.memory_space<vmem>> -> memref<80xi32, #tpu.memory_space<vmem>>
          %dma_start3A_181 = arith.constant 0 : i32
          %dma_start3A_182 = arith.constant 0 : i32
          %dma_start3A_183 = tpu.memref_slice %arg4[%dma_start3A_181, %dma_start3A_182] : memref<10000x128xf32, #tpu.memory_space<hbm>> -> memref<10000x128xf32, #tpu.memory_space<hbm>>
          tpu.enqueue_indirect_dma source(%dma_start3A_183 : memref<10000x128xf32, #tpu.memory_space<hbm>>) target(%arg15 : memref<80x128xf32, #tpu.memory_space<vmem>>) offsets(%dma_start3A_180 : memref<80xi32, #tpu.memory_space<vmem>>) semaphore(%arg18 : memref<!tpu.dma_semaphore, #tpu.memory_space<semaphore_mem>>)
        } else {
        }
      }
      %scan3A_50 = arith.constant 62 : i32
      %dma_wait3A = arith.constant 9920 : i32
      %dma_wait3A_51 = tpu.memref_slice %arg12[%dma_wait3A] : memref<10000xi32, #tpu.memory_space<vmem>> -> memref<80xi32, #tpu.memory_space<vmem>>
      %dma_wait3A_52 = arith.constant 0 : i32
      %dma_wait3A_53 = arith.constant 0 : i32
      %dma_wait3A_54 = tpu.memref_slice %arg4[%dma_wait3A_52, %dma_wait3A_53] : memref<10000x128xf32, #tpu.memory_space<hbm>> -> memref<10000x128xf32, #tpu.memory_space<hbm>>
      tpu.wait_indirect_dma semaphore(%arg17 : memref<!tpu.dma_semaphore, #tpu.memory_space<semaphore_mem>>) src(%dma_wait3A_54 : memref<10000x128xf32, #tpu.memory_space<hbm>>) dst(%arg14 : memref<80x128xf32, #tpu.memory_space<vmem>>)
      %run_scoped3A = arith.constant 124 : i32
      "tpu.region"() ({
        %run_scoped3A_146 = tpu.sem_alloc : memref<!tpu.dma_semaphore, #tpu.memory_space<semaphore_mem>>
        %dma_start3A_147 = arith.constant 0 : i32
        %dma_start3A_148 = tpu.memref_slice %arg13[%run_scoped3A, %dma_start3A_147] : memref<125x80xi32, #tpu.memory_space<vmem>> -> memref<1x80xi32, #tpu.memory_space<vmem>>
        %dma_start3A_149 = tpu.memref_squeeze %dma_start3A_148 : memref<1x80xi32, #tpu.memory_space<vmem>> -> memref<80xi32, #tpu.memory_space<vmem>>
        %dma_start3A_150 = arith.constant 0 : i32
        %dma_start3A_151 = arith.constant 0 : i32
        %dma_start3A_152 = tpu.memref_slice %arg16[%dma_start3A_150, %dma_start3A_151] : memref<10000x128xf32, #tpu.memory_space<vmem_shared>> -> memref<10000x128xf32, #tpu.memory_space<vmem_shared>>
        tpu.enqueue_indirect_dma source(%arg14 : memref<80x128xf32, #tpu.memory_space<vmem>>) target(%dma_start3A_152 : memref<10000x128xf32, #tpu.memory_space<vmem_shared>>) offsets(%dma_start3A_149 : memref<80xi32, #tpu.memory_space<vmem>>) semaphore(%run_scoped3A_146 : memref<!tpu.dma_semaphore, #tpu.memory_space<semaphore_mem>>) {add = true}
        %dma_wait3A_153 = arith.constant 0 : i32
        %dma_wait3A_154 = tpu.memref_slice %arg13[%run_scoped3A, %dma_wait3A_153] : memref<125x80xi32, #tpu.memory_space<vmem>> -> memref<1x80xi32, #tpu.memory_space<vmem>>
        %dma_wait3A_155 = tpu.memref_squeeze %dma_wait3A_154 : memref<1x80xi32, #tpu.memory_space<vmem>> -> memref<80xi32, #tpu.memory_space<vmem>>
        %dma_wait3A_156 = arith.constant 0 : i32
        %dma_wait3A_157 = arith.constant 0 : i32
        %dma_wait3A_158 = tpu.memref_slice %arg16[%dma_wait3A_156, %dma_wait3A_157] : memref<10000x128xf32, #tpu.memory_space<vmem_shared>> -> memref<10000x128xf32, #tpu.memory_space<vmem_shared>>
        tpu.wait_indirect_dma semaphore(%run_scoped3A_146 : memref<!tpu.dma_semaphore, #tpu.memory_space<semaphore_mem>>) src(%arg14 : memref<80x128xf32, #tpu.memory_space<vmem>>) dst(%dma_wait3A_158 : memref<10000x128xf32, #tpu.memory_space<vmem_shared>>)
        tpu.yield
      }) : () -> ()
      %barrier3A_55 = arith.constant 0 : index
      tpu.barrier barrier_id(%barrier3A_55)
      %while3A_56 = arith.constant 0 : i32
      %while3A_57 = arith.constant 0 : i32
      %while3A_58 = arith.subi %select_n3A, %while3A_57 : i32
      %while3A_59 = arith.addi %while3A_57, %while3A_58 : i32
      %while3A_60 = arith.constant 1 : i32
      %while3A_61 = arith.divsi %while3A_58, %while3A_60 : i32
      %while3A_62 = arith.muli %while3A_61, %while3A_60 : i32
      %while3A_63 = arith.addi %while3A_57, %while3A_62 : i32
      %while3A_64 = arith.constant 1 : i32
      scf.for %while3A_146 = %while3A_57 to %while3A_63 step %while3A_64  : i32 {
        %mul3A_147 = arith.constant 80 : i32
        %mul3A_148 = arith.muli %while3A_146, %mul3A_147 : i32
        %add3A = arith.addi %mul3A_0, %mul3A_148 : i32
        %mul3A_149 = arith.constant 80 : i32
        %mul3A_150 = arith.muli %while3A_146, %mul3A_149 : i32
        %add3A_151 = arith.addi %mul3A_0, %mul3A_150 : i32
        %dma_start3A_152 = arith.constant 0 : i32
        %dma_start3A_153 = tpu.memref_slice %arg8[%add3A_151, %dma_start3A_152] : memref<10000x128xf32, #tpu.memory_space<hbm>> -> memref<80x128xf32, #tpu.memory_space<hbm>>
        %dma_start3A_154 = arith.constant 0 : i32
        %dma_start3A_155 = tpu.memref_slice %arg16[%add3A, %dma_start3A_154] : memref<10000x128xf32, #tpu.memory_space<vmem_shared>> -> memref<80x128xf32, #tpu.memory_space<vmem_shared>>
        tpu.enqueue_dma source(%dma_start3A_155 : memref<80x128xf32, #tpu.memory_space<vmem_shared>>) target(%dma_start3A_153 : memref<80x128xf32, #tpu.memory_space<hbm>>) target_semaphore(%arg17 : memref<!tpu.dma_semaphore, #tpu.memory_space<semaphore_mem>>)
      }
      %while3A_65 = arith.constant 1 : i32
      scf.for %while3A_146 = %while3A_63 to %while3A_59 step %while3A_65  : i32 {
        %mul3A_147 = arith.constant 80 : i32
        %mul3A_148 = arith.muli %while3A_146, %mul3A_147 : i32
        %add3A = arith.addi %mul3A_0, %mul3A_148 : i32
        %mul3A_149 = arith.constant 80 : i32
        %mul3A_150 = arith.muli %while3A_146, %mul3A_149 : i32
        %add3A_151 = arith.addi %mul3A_0, %mul3A_150 : i32
        %dma_start3A_152 = arith.constant 0 : i32
        %dma_start3A_153 = tpu.memref_slice %arg8[%add3A_151, %dma_start3A_152] : memref<10000x128xf32, #tpu.memory_space<hbm>> -> memref<80x128xf32, #tpu.memory_space<hbm>>
        %dma_start3A_154 = arith.constant 0 : i32
        %dma_start3A_155 = tpu.memref_slice %arg16[%add3A, %dma_start3A_154] : memref<10000x128xf32, #tpu.memory_space<vmem_shared>> -> memref<80x128xf32, #tpu.memory_space<vmem_shared>>
        tpu.enqueue_dma source(%dma_start3A_155 : memref<80x128xf32, #tpu.memory_space<vmem_shared>>) target(%dma_start3A_153 : memref<80x128xf32, #tpu.memory_space<hbm>>) target_semaphore(%arg17 : memref<!tpu.dma_semaphore, #tpu.memory_space<semaphore_mem>>)
      }
      %while3A_66 = arith.constant 0 : i32
      %while3A_67 = arith.constant 0 : i32
      %while3A_68 = arith.subi %select_n3A, %while3A_67 : i32
      %while3A_69 = arith.addi %while3A_67, %while3A_68 : i32
      %while3A_70 = arith.constant 1 : i32
      %while3A_71 = arith.divsi %while3A_68, %while3A_70 : i32
      %while3A_72 = arith.muli %while3A_71, %while3A_70 : i32
      %while3A_73 = arith.addi %while3A_67, %while3A_72 : i32
      %while3A_74 = arith.constant 1 : i32
      scf.for %while3A_146 = %while3A_67 to %while3A_73 step %while3A_74  : i32 {
        %mul3A_147 = arith.constant 80 : i32
        %mul3A_148 = arith.muli %while3A_146, %mul3A_147 : i32
        %add3A = arith.addi %mul3A_0, %mul3A_148 : i32
        %mul3A_149 = arith.constant 80 : i32
        %mul3A_150 = arith.muli %while3A_146, %mul3A_149 : i32
        %add3A_151 = arith.addi %mul3A_0, %mul3A_150 : i32
        %dma_wait3A_152 = arith.constant 0 : i32
        %dma_wait3A_153 = tpu.memref_slice %arg8[%add3A_151, %dma_wait3A_152] : memref<10000x128xf32, #tpu.memory_space<hbm>> -> memref<80x128xf32, #tpu.memory_space<hbm>>
        %dma_wait3A_154 = arith.constant 0 : i32
        %dma_wait3A_155 = tpu.memref_slice %arg16[%add3A, %dma_wait3A_154] : memref<10000x128xf32, #tpu.memory_space<vmem_shared>> -> memref<80x128xf32, #tpu.memory_space<vmem_shared>>
        tpu.wait_dma2 semaphore(%arg17 : memref<!tpu.dma_semaphore, #tpu.memory_space<semaphore_mem>>) src(%dma_wait3A_155 : memref<80x128xf32, #tpu.memory_space<vmem_shared>>) dst(%dma_wait3A_153 : memref<80x128xf32, #tpu.memory_space<hbm>>)
      }
      %while3A_75 = arith.constant 1 : i32
      scf.for %while3A_146 = %while3A_73 to %while3A_69 step %while3A_75  : i32 {
        %mul3A_147 = arith.constant 80 : i32
        %mul3A_148 = arith.muli %while3A_146, %mul3A_147 : i32
        %add3A = arith.addi %mul3A_0, %mul3A_148 : i32
        %mul3A_149 = arith.constant 80 : i32
        %mul3A_150 = arith.muli %while3A_146, %mul3A_149 : i32
        %add3A_151 = arith.addi %mul3A_0, %mul3A_150 : i32
        %dma_wait3A_152 = arith.constant 0 : i32
        %dma_wait3A_153 = tpu.memref_slice %arg8[%add3A_151, %dma_wait3A_152] : memref<10000x128xf32, #tpu.memory_space<hbm>> -> memref<80x128xf32, #tpu.memory_space<hbm>>
        %dma_wait3A_154 = arith.constant 0 : i32
        %dma_wait3A_155 = tpu.memref_slice %arg16[%add3A, %dma_wait3A_154] : memref<10000x128xf32, #tpu.memory_space<vmem_shared>> -> memref<80x128xf32, #tpu.memory_space<vmem_shared>>
        tpu.wait_dma2 semaphore(%arg17 : memref<!tpu.dma_semaphore, #tpu.memory_space<semaphore_mem>>) src(%dma_wait3A_155 : memref<80x128xf32, #tpu.memory_space<vmem_shared>>) dst(%dma_wait3A_153 : memref<80x128xf32, #tpu.memory_space<hbm>>)
      }
      %scan3A_76 = arith.constant 0 : i32
      %scan3A_77 = arith.constant 0 : i32
      %scan3A_78 = arith.constant 80 : i32
      %scan3A_79 = arith.addi %scan3A_77, %scan3A_78 : i32
      %scan3A_80 = arith.constant 1 : i32
      scf.for %scan3A_146 = %scan3A_77 to %scan3A_79 step %scan3A_80  : i32 {
        %scan3A_147 = arith.constant 0 : i32
        %scan3A_148 = arith.constant 8 : i32
        %scan3A_149 = arith.addi %scan3A_147, %scan3A_148 : i32
        %scan3A_150 = arith.constant 1 : i32
        scf.for %scan3A_152 = %scan3A_147 to %scan3A_149 step %scan3A_150  : i32 {
          %mul3A_153 = arith.constant 16 : i32
          %mul3A_154 = arith.muli %scan3A_152, %mul3A_153 : i32
          %swap3A = arith.index_cast %scan3A_146 : i32 to index
          %swap3A_155 = arith.index_cast %mul3A_154 : i32 to index
          %swap3A_156 = tpu.vector_load %arg14[%swap3A, %swap3A_155] {strides = array<i32>} : memref<80x128xf32, #tpu.memory_space<vmem>>, vector<1x16xf32>,
          %swap3A_157 = vector.shape_cast %swap3A_156 : vector<1x16xf32> to vector<16xf32>
          %swap3A_158 = vector.shape_cast %broadcast_in_dim3A_3 : vector<16xf32> to vector<1x16xf32>
          tpu.vector_store %arg14[%swap3A, %swap3A_155], %swap3A_158 {strides = array<i32>} : memref<80x128xf32, #tpu.memory_space<vmem>>, vector<1x16xf32>,
        }
        %scan3A_151 = arith.constant 8 : i32
      }
      %scan3A_81 = arith.constant 80 : i32
      %while3A_82 = arith.constant 0 : i32
      %while3A_83 = arith.constant 0 : i32
      %while3A_84 = arith.subi %select_n3A, %while3A_83 : i32
      %while3A_85 = arith.addi %while3A_83, %while3A_84 : i32
      %while3A_86 = arith.constant 1 : i32
      %while3A_87 = arith.divsi %while3A_84, %while3A_86 : i32
      %while3A_88 = arith.muli %while3A_87, %while3A_86 : i32
      %while3A_89 = arith.addi %while3A_83, %while3A_88 : i32
      %while3A_90 = arith.constant 1 : i32
      scf.for %while3A_146 = %while3A_83 to %while3A_89 step %while3A_90  : i32 {
        %mul3A_147 = arith.constant 80 : i32
        %mul3A_148 = arith.muli %while3A_146, %mul3A_147 : i32
        %add3A = arith.addi %mul3A_0, %mul3A_148 : i32
        %dma_start3A_149 = arith.constant 0 : i32
        %dma_start3A_150 = tpu.memref_slice %arg16[%add3A, %dma_start3A_149] : memref<10000x128xf32, #tpu.memory_space<vmem_shared>> -> memref<80x128xf32, #tpu.memory_space<vmem_shared>>
        %dma_start3A_151 = arith.constant 0 : i32
        %dma_start3A_152 = tpu.memref_slice %arg16[%add3A, %dma_start3A_151] : memref<10000x128xf32, #tpu.memory_space<vmem_shared>> -> memref<80x128xf32, #tpu.memory_space<vmem_shared>>
        tpu.enqueue_dma source(%arg14 : memref<80x128xf32, #tpu.memory_space<vmem>>) target(%dma_start3A_152 : memref<80x128xf32, #tpu.memory_space<vmem_shared>>) target_semaphore(%arg17 : memref<!tpu.dma_semaphore, #tpu.memory_space<semaphore_mem>>)
      }
      %while3A_91 = arith.constant 1 : i32
      scf.for %while3A_146 = %while3A_89 to %while3A_85 step %while3A_91  : i32 {
        %mul3A_147 = arith.constant 80 : i32
        %mul3A_148 = arith.muli %while3A_146, %mul3A_147 : i32
        %add3A = arith.addi %mul3A_0, %mul3A_148 : i32
        %dma_start3A_149 = arith.constant 0 : i32
        %dma_start3A_150 = tpu.memref_slice %arg16[%add3A, %dma_start3A_149] : memref<10000x128xf32, #tpu.memory_space<vmem_shared>> -> memref<80x128xf32, #tpu.memory_space<vmem_shared>>
        %dma_start3A_151 = arith.constant 0 : i32
        %dma_start3A_152 = tpu.memref_slice %arg16[%add3A, %dma_start3A_151] : memref<10000x128xf32, #tpu.memory_space<vmem_shared>> -> memref<80x128xf32, #tpu.memory_space<vmem_shared>>
        tpu.enqueue_dma source(%arg14 : memref<80x128xf32, #tpu.memory_space<vmem>>) target(%dma_start3A_152 : memref<80x128xf32, #tpu.memory_space<vmem_shared>>) target_semaphore(%arg17 : memref<!tpu.dma_semaphore, #tpu.memory_space<semaphore_mem>>)
      }
      %while3A_92 = arith.constant 0 : i32
      %while3A_93 = arith.constant 0 : i32
      %while3A_94 = arith.subi %select_n3A, %while3A_93 : i32
      %while3A_95 = arith.addi %while3A_93, %while3A_94 : i32
      %while3A_96 = arith.constant 1 : i32
      %while3A_97 = arith.divsi %while3A_94, %while3A_96 : i32
      %while3A_98 = arith.muli %while3A_97, %while3A_96 : i32
      %while3A_99 = arith.addi %while3A_93, %while3A_98 : i32
      %while3A_100 = arith.constant 1 : i32
      scf.for %while3A_146 = %while3A_93 to %while3A_99 step %while3A_100  : i32 {
        %mul3A_147 = arith.constant 80 : i32
        %mul3A_148 = arith.muli %while3A_146, %mul3A_147 : i32
        %add3A = arith.addi %mul3A_0, %mul3A_148 : i32
        %dma_wait3A_149 = arith.constant 0 : i32
        %dma_wait3A_150 = tpu.memref_slice %arg16[%add3A, %dma_wait3A_149] : memref<10000x128xf32, #tpu.memory_space<vmem_shared>> -> memref<80x128xf32, #tpu.memory_space<vmem_shared>>
        %dma_wait3A_151 = arith.constant 0 : i32
        %dma_wait3A_152 = tpu.memref_slice %arg16[%add3A, %dma_wait3A_151] : memref<10000x128xf32, #tpu.memory_space<vmem_shared>> -> memref<80x128xf32, #tpu.memory_space<vmem_shared>>
        tpu.wait_dma2 semaphore(%arg17 : memref<!tpu.dma_semaphore, #tpu.memory_space<semaphore_mem>>) src(%arg14 : memref<80x128xf32, #tpu.memory_space<vmem>>) dst(%dma_wait3A_152 : memref<80x128xf32, #tpu.memory_space<vmem_shared>>)
      }
      %while3A_101 = arith.constant 1 : i32
      scf.for %while3A_146 = %while3A_99 to %while3A_95 step %while3A_101  : i32 {
        %mul3A_147 = arith.constant 80 : i32
        %mul3A_148 = arith.muli %while3A_146, %mul3A_147 : i32
        %add3A = arith.addi %mul3A_0, %mul3A_148 : i32
        %dma_wait3A_149 = arith.constant 0 : i32
        %dma_wait3A_150 = tpu.memref_slice %arg16[%add3A, %dma_wait3A_149] : memref<10000x128xf32, #tpu.memory_space<vmem_shared>> -> memref<80x128xf32, #tpu.memory_space<vmem_shared>>
        %dma_wait3A_151 = arith.constant 0 : i32
        %dma_wait3A_152 = tpu.memref_slice %arg16[%add3A, %dma_wait3A_151] : memref<10000x128xf32, #tpu.memory_space<vmem_shared>> -> memref<80x128xf32, #tpu.memory_space<vmem_shared>>
        tpu.wait_dma2 semaphore(%arg17 : memref<!tpu.dma_semaphore, #tpu.memory_space<semaphore_mem>>) src(%arg14 : memref<80x128xf32, #tpu.memory_space<vmem>>) dst(%dma_wait3A_152 : memref<80x128xf32, #tpu.memory_space<vmem_shared>>)
      }
      %barrier3A_102 = arith.constant 0 : index
      tpu.barrier barrier_id(%barrier3A_102)
      %dma_start3A_103 = arith.constant 0 : i32
      %dma_start3A_104 = tpu.memref_slice %arg12[%dma_start3A_103] : memref<10000xi32, #tpu.memory_space<vmem>> -> memref<80xi32, #tpu.memory_space<vmem>>
      %dma_start3A_105 = arith.constant 0 : i32
      %dma_start3A_106 = arith.constant 0 : i32
      %dma_start3A_107 = tpu.memref_slice %arg5[%dma_start3A_105, %dma_start3A_106] : memref<10000x128xf32, #tpu.memory_space<hbm>> -> memref<10000x128xf32, #tpu.memory_space<hbm>>
      tpu.enqueue_indirect_dma source(%dma_start3A_107 : memref<10000x128xf32, #tpu.memory_space<hbm>>) target(%arg14 : memref<80x128xf32, #tpu.memory_space<vmem>>) offsets(%dma_start3A_104 : memref<80xi32, #tpu.memory_space<vmem>>) semaphore(%arg17 : memref<!tpu.dma_semaphore, #tpu.memory_space<semaphore_mem>>)
      %dma_start3A_108 = arith.constant 80 : i32
      %dma_start3A_109 = tpu.memref_slice %arg12[%dma_start3A_108] : memref<10000xi32, #tpu.memory_space<vmem>> -> memref<80xi32, #tpu.memory_space<vmem>>
      %dma_start3A_110 = arith.constant 0 : i32
      %dma_start3A_111 = arith.constant 0 : i32
      %dma_start3A_112 = tpu.memref_slice %arg5[%dma_start3A_110, %dma_start3A_111] : memref<10000x128xf32, #tpu.memory_space<hbm>> -> memref<10000x128xf32, #tpu.memory_space<hbm>>
      tpu.enqueue_indirect_dma source(%dma_start3A_112 : memref<10000x128xf32, #tpu.memory_space<hbm>>) target(%arg15 : memref<80x128xf32, #tpu.memory_space<vmem>>) offsets(%dma_start3A_109 : memref<80xi32, #tpu.memory_space<vmem>>) semaphore(%arg18 : memref<!tpu.dma_semaphore, #tpu.memory_space<semaphore_mem>>)
      %scan3A_113 = arith.constant 0 : i32
      %scan3A_114 = arith.constant 0 : i32
      %scan3A_115 = arith.constant 62 : i32
      %scan3A_116 = arith.addi %scan3A_114, %scan3A_115 : i32
      %scan3A_117 = arith.constant 1 : i32
      scf.for %scan3A_146 = %scan3A_114 to %scan3A_116 step %scan3A_117  : i32 {
        %mul3A_147 = arith.constant 2 : i32
        %mul3A_148 = arith.muli %mul3A_147, %scan3A_146 : i32
        %mul3A_149 = arith.constant 80 : i32
        %mul3A_150 = arith.muli %mul3A_148, %mul3A_149 : i32
        %dma_wait3A_151 = tpu.memref_slice %arg12[%mul3A_150] : memref<10000xi32, #tpu.memory_space<vmem>> -> memref<80xi32, #tpu.memory_space<vmem>>
        %dma_wait3A_152 = arith.constant 0 : i32
        %dma_wait3A_153 = arith.constant 0 : i32
        %dma_wait3A_154 = tpu.memref_slice %arg5[%dma_wait3A_152, %dma_wait3A_153] : memref<10000x128xf32, #tpu.memory_space<hbm>> -> memref<10000x128xf32, #tpu.memory_space<hbm>>
        tpu.wait_indirect_dma semaphore(%arg17 : memref<!tpu.dma_semaphore, #tpu.memory_space<semaphore_mem>>) src(%dma_wait3A_154 : memref<10000x128xf32, #tpu.memory_space<hbm>>) dst(%arg14 : memref<80x128xf32, #tpu.memory_space<vmem>>)
        "tpu.region"() ({
          %run_scoped3A_176 = tpu.sem_alloc : memref<!tpu.dma_semaphore, #tpu.memory_space<semaphore_mem>>
          %dma_start3A_177 = arith.constant 0 : i32
          %dma_start3A_178 = tpu.memref_slice %arg13[%mul3A_148, %dma_start3A_177] : memref<125x80xi32, #tpu.memory_space<vmem>> -> memref<1x80xi32, #tpu.memory_space<vmem>>
          %dma_start3A_179 = tpu.memref_squeeze %dma_start3A_178 : memref<1x80xi32, #tpu.memory_space<vmem>> -> memref<80xi32, #tpu.memory_space<vmem>>
          %dma_start3A_180 = arith.constant 0 : i32
          %dma_start3A_181 = arith.constant 0 : i32
          %dma_start3A_182 = tpu.memref_slice %arg16[%dma_start3A_180, %dma_start3A_181] : memref<10000x128xf32, #tpu.memory_space<vmem_shared>> -> memref<10000x128xf32, #tpu.memory_space<vmem_shared>>
          tpu.enqueue_indirect_dma source(%arg14 : memref<80x128xf32, #tpu.memory_space<vmem>>) target(%dma_start3A_182 : memref<10000x128xf32, #tpu.memory_space<vmem_shared>>) offsets(%dma_start3A_179 : memref<80xi32, #tpu.memory_space<vmem>>) semaphore(%run_scoped3A_176 : memref<!tpu.dma_semaphore, #tpu.memory_space<semaphore_mem>>) {add = true}
          %dma_wait3A_183 = arith.constant 0 : i32
          %dma_wait3A_184 = tpu.memref_slice %arg13[%mul3A_148, %dma_wait3A_183] : memref<125x80xi32, #tpu.memory_space<vmem>> -> memref<1x80xi32, #tpu.memory_space<vmem>>
          %dma_wait3A_185 = tpu.memref_squeeze %dma_wait3A_184 : memref<1x80xi32, #tpu.memory_space<vmem>> -> memref<80xi32, #tpu.memory_space<vmem>>
          %dma_wait3A_186 = arith.constant 0 : i32
          %dma_wait3A_187 = arith.constant 0 : i32
          %dma_wait3A_188 = tpu.memref_slice %arg16[%dma_wait3A_186, %dma_wait3A_187] : memref<10000x128xf32, #tpu.memory_space<vmem_shared>> -> memref<10000x128xf32, #tpu.memory_space<vmem_shared>>
          tpu.wait_indirect_dma semaphore(%run_scoped3A_176 : memref<!tpu.dma_semaphore, #tpu.memory_space<semaphore_mem>>) src(%arg14 : memref<80x128xf32, #tpu.memory_space<vmem>>) dst(%dma_wait3A_188 : memref<10000x128xf32, #tpu.memory_space<vmem_shared>>)
          tpu.yield
        }) : () -> ()
        %add3A = arith.constant 2 : i32
        %add3A_155 = arith.addi %mul3A_148, %add3A : i32
        %mul3A_156 = arith.constant 80 : i32
        %mul3A_157 = arith.muli %add3A_155, %mul3A_156 : i32
        %dma_start3A_158 = tpu.memref_slice %arg12[%mul3A_157] : memref<10000xi32, #tpu.memory_space<vmem>> -> memref<80xi32, #tpu.memory_space<vmem>>
        %dma_start3A_159 = arith.constant 0 : i32
        %dma_start3A_160 = arith.constant 0 : i32
        %dma_start3A_161 = tpu.memref_slice %arg5[%dma_start3A_159, %dma_start3A_160] : memref<10000x128xf32, #tpu.memory_space<hbm>> -> memref<10000x128xf32, #tpu.memory_space<hbm>>
        tpu.enqueue_indirect_dma source(%dma_start3A_161 : memref<10000x128xf32, #tpu.memory_space<hbm>>) target(%arg14 : memref<80x128xf32, #tpu.memory_space<vmem>>) offsets(%dma_start3A_158 : memref<80xi32, #tpu.memory_space<vmem>>) semaphore(%arg17 : memref<!tpu.dma_semaphore, #tpu.memory_space<semaphore_mem>>)
        %add3A_162 = arith.constant 1 : i32
        %add3A_163 = arith.addi %mul3A_148, %add3A_162 : i32
        %mul3A_164 = arith.constant 80 : i32
        %mul3A_165 = arith.muli %add3A_163, %mul3A_164 : i32
        %dma_wait3A_166 = tpu.memref_slice %arg12[%mul3A_165] : memref<10000xi32, #tpu.memory_space<vmem>> -> memref<80xi32, #tpu.memory_space<vmem>>
        %dma_wait3A_167 = arith.constant 0 : i32
        %dma_wait3A_168 = arith.constant 0 : i32
        %dma_wait3A_169 = tpu.memref_slice %arg5[%dma_wait3A_167, %dma_wait3A_168] : memref<10000x128xf32, #tpu.memory_space<hbm>> -> memref<10000x128xf32, #tpu.memory_space<hbm>>
        tpu.wait_indirect_dma semaphore(%arg18 : memref<!tpu.dma_semaphore, #tpu.memory_space<semaphore_mem>>) src(%dma_wait3A_169 : memref<10000x128xf32, #tpu.memory_space<hbm>>) dst(%arg15 : memref<80x128xf32, #tpu.memory_space<vmem>>)
        %add3A_170 = arith.constant 1 : i32
        %add3A_171 = arith.addi %mul3A_148, %add3A_170 : i32
        "tpu.region"() ({
          %run_scoped3A_176 = tpu.sem_alloc : memref<!tpu.dma_semaphore, #tpu.memory_space<semaphore_mem>>
          %dma_start3A_177 = arith.constant 0 : i32
          %dma_start3A_178 = tpu.memref_slice %arg13[%add3A_171, %dma_start3A_177] : memref<125x80xi32, #tpu.memory_space<vmem>> -> memref<1x80xi32, #tpu.memory_space<vmem>>
          %dma_start3A_179 = tpu.memref_squeeze %dma_start3A_178 : memref<1x80xi32, #tpu.memory_space<vmem>> -> memref<80xi32, #tpu.memory_space<vmem>>
          %dma_start3A_180 = arith.constant 0 : i32
          %dma_start3A_181 = arith.constant 0 : i32
          %dma_start3A_182 = tpu.memref_slice %arg16[%dma_start3A_180, %dma_start3A_181] : memref<10000x128xf32, #tpu.memory_space<vmem_shared>> -> memref<10000x128xf32, #tpu.memory_space<vmem_shared>>
          tpu.enqueue_indirect_dma source(%arg15 : memref<80x128xf32, #tpu.memory_space<vmem>>) target(%dma_start3A_182 : memref<10000x128xf32, #tpu.memory_space<vmem_shared>>) offsets(%dma_start3A_179 : memref<80xi32, #tpu.memory_space<vmem>>) semaphore(%run_scoped3A_176 : memref<!tpu.dma_semaphore, #tpu.memory_space<semaphore_mem>>) {add = true}
          %dma_wait3A_183 = arith.constant 0 : i32
          %dma_wait3A_184 = tpu.memref_slice %arg13[%add3A_171, %dma_wait3A_183] : memref<125x80xi32, #tpu.memory_space<vmem>> -> memref<1x80xi32, #tpu.memory_space<vmem>>
          %dma_wait3A_185 = tpu.memref_squeeze %dma_wait3A_184 : memref<1x80xi32, #tpu.memory_space<vmem>> -> memref<80xi32, #tpu.memory_space<vmem>>
          %dma_wait3A_186 = arith.constant 0 : i32
          %dma_wait3A_187 = arith.constant 0 : i32
          %dma_wait3A_188 = tpu.memref_slice %arg16[%dma_wait3A_186, %dma_wait3A_187] : memref<10000x128xf32, #tpu.memory_space<vmem_shared>> -> memref<10000x128xf32, #tpu.memory_space<vmem_shared>>
          tpu.wait_indirect_dma semaphore(%run_scoped3A_176 : memref<!tpu.dma_semaphore, #tpu.memory_space<semaphore_mem>>) src(%arg15 : memref<80x128xf32, #tpu.memory_space<vmem>>) dst(%dma_wait3A_188 : memref<10000x128xf32, #tpu.memory_space<vmem_shared>>)
          tpu.yield
        }) : () -> ()
        %lt3A = arith.constant 61 : i32
        %lt3A_172 = arith.cmpi slt, %scan3A_146, %lt3A : i32
        %convert_element_type3A_173 = arith.extui %lt3A_172 : i1 to i32
        %cond3A_174 = arith.constant 0 : i32
        %cond3A_175 = arith.cmpi ne, %convert_element_type3A_173, %cond3A_174 : i32
        scf.if %cond3A_175 {
          %add3A_176 = arith.constant 3 : i32
          %add3A_177 = arith.addi %mul3A_148, %add3A_176 : i32
          %mul3A_178 = arith.constant 80 : i32
          %mul3A_179 = arith.muli %add3A_177, %mul3A_178 : i32
          %dma_start3A_180 = tpu.memref_slice %arg12[%mul3A_179] : memref<10000xi32, #tpu.memory_space<vmem>> -> memref<80xi32, #tpu.memory_space<vmem>>
          %dma_start3A_181 = arith.constant 0 : i32
          %dma_start3A_182 = arith.constant 0 : i32
          %dma_start3A_183 = tpu.memref_slice %arg5[%dma_start3A_181, %dma_start3A_182] : memref<10000x128xf32, #tpu.memory_space<hbm>> -> memref<10000x128xf32, #tpu.memory_space<hbm>>
          tpu.enqueue_indirect_dma source(%dma_start3A_183 : memref<10000x128xf32, #tpu.memory_space<hbm>>) target(%arg15 : memref<80x128xf32, #tpu.memory_space<vmem>>) offsets(%dma_start3A_180 : memref<80xi32, #tpu.memory_space<vmem>>) semaphore(%arg18 : memref<!tpu.dma_semaphore, #tpu.memory_space<semaphore_mem>>)
        } else {
        }
      }
      %scan3A_118 = arith.constant 62 : i32
      %dma_wait3A_119 = arith.constant 9920 : i32
      %dma_wait3A_120 = tpu.memref_slice %arg12[%dma_wait3A_119] : memref<10000xi32, #tpu.memory_space<vmem>> -> memref<80xi32, #tpu.memory_space<vmem>>
      %dma_wait3A_121 = arith.constant 0 : i32
      %dma_wait3A_122 = arith.constant 0 : i32
      %dma_wait3A_123 = tpu.memref_slice %arg5[%dma_wait3A_121, %dma_wait3A_122] : memref<10000x128xf32, #tpu.memory_space<hbm>> -> memref<10000x128xf32, #tpu.memory_space<hbm>>
      tpu.wait_indirect_dma semaphore(%arg17 : memref<!tpu.dma_semaphore, #tpu.memory_space<semaphore_mem>>) src(%dma_wait3A_123 : memref<10000x128xf32, #tpu.memory_space<hbm>>) dst(%arg14 : memref<80x128xf32, #tpu.memory_space<vmem>>)
      %run_scoped3A_124 = arith.constant 124 : i32
      "tpu.region"() ({
        %run_scoped3A_146 = tpu.sem_alloc : memref<!tpu.dma_semaphore, #tpu.memory_space<semaphore_mem>>
        %dma_start3A_147 = arith.constant 0 : i32
        %dma_start3A_148 = tpu.memref_slice %arg13[%run_scoped3A_124, %dma_start3A_147] : memref<125x80xi32, #tpu.memory_space<vmem>> -> memref<1x80xi32, #tpu.memory_space<vmem>>
        %dma_start3A_149 = tpu.memref_squeeze %dma_start3A_148 : memref<1x80xi32, #tpu.memory_space<vmem>> -> memref<80xi32, #tpu.memory_space<vmem>>
        %dma_start3A_150 = arith.constant 0 : i32
        %dma_start3A_151 = arith.constant 0 : i32
        %dma_start3A_152 = tpu.memref_slice %arg16[%dma_start3A_150, %dma_start3A_151] : memref<10000x128xf32, #tpu.memory_space<vmem_shared>> -> memref<10000x128xf32, #tpu.memory_space<vmem_shared>>
        tpu.enqueue_indirect_dma source(%arg14 : memref<80x128xf32, #tpu.memory_space<vmem>>) target(%dma_start3A_152 : memref<10000x128xf32, #tpu.memory_space<vmem_shared>>) offsets(%dma_start3A_149 : memref<80xi32, #tpu.memory_space<vmem>>) semaphore(%run_scoped3A_146 : memref<!tpu.dma_semaphore, #tpu.memory_space<semaphore_mem>>) {add = true}
        %dma_wait3A_153 = arith.constant 0 : i32
        %dma_wait3A_154 = tpu.memref_slice %arg13[%run_scoped3A_124, %dma_wait3A_153] : memref<125x80xi32, #tpu.memory_space<vmem>> -> memref<1x80xi32, #tpu.memory_space<vmem>>
        %dma_wait3A_155 = tpu.memref_squeeze %dma_wait3A_154 : memref<1x80xi32, #tpu.memory_space<vmem>> -> memref<80xi32, #tpu.memory_space<vmem>>
        %dma_wait3A_156 = arith.constant 0 : i32
        %dma_wait3A_157 = arith.constant 0 : i32
        %dma_wait3A_158 = tpu.memref_slice %arg16[%dma_wait3A_156, %dma_wait3A_157] : memref<10000x128xf32, #tpu.memory_space<vmem_shared>> -> memref<10000x128xf32, #tpu.memory_space<vmem_shared>>
        tpu.wait_indirect_dma semaphore(%run_scoped3A_146 : memref<!tpu.dma_semaphore, #tpu.memory_space<semaphore_mem>>) src(%arg14 : memref<80x128xf32, #tpu.memory_space<vmem>>) dst(%dma_wait3A_158 : memref<10000x128xf32, #tpu.memory_space<vmem_shared>>)
        tpu.yield
      }) : () -> ()
      %barrier3A_125 = arith.constant 0 : index
      tpu.barrier barrier_id(%barrier3A_125)
      %while3A_126 = arith.constant 0 : i32
      %while3A_127 = arith.constant 0 : i32
      %while3A_128 = arith.subi %select_n3A, %while3A_127 : i32
      %while3A_129 = arith.addi %while3A_127, %while3A_128 : i32
      %while3A_130 = arith.constant 1 : i32
      %while3A_131 = arith.divsi %while3A_128, %while3A_130 : i32
      %while3A_132 = arith.muli %while3A_131, %while3A_130 : i32
      %while3A_133 = arith.addi %while3A_127, %while3A_132 : i32
      %while3A_134 = arith.constant 1 : i32
      scf.for %while3A_146 = %while3A_127 to %while3A_133 step %while3A_134  : i32 {
        %mul3A_147 = arith.constant 80 : i32
        %mul3A_148 = arith.muli %while3A_146, %mul3A_147 : i32
        %add3A = arith.addi %mul3A_0, %mul3A_148 : i32
        %mul3A_149 = arith.constant 80 : i32
        %mul3A_150 = arith.muli %while3A_146, %mul3A_149 : i32
        %add3A_151 = arith.addi %mul3A_0, %mul3A_150 : i32
        %dma_start3A_152 = arith.constant 0 : i32
        %dma_start3A_153 = tpu.memref_slice %arg9[%add3A_151, %dma_start3A_152] : memref<10000x128xf32, #tpu.memory_space<hbm>> -> memref<80x128xf32, #tpu.memory_space<hbm>>
        %dma_start3A_154 = arith.constant 0 : i32
        %dma_start3A_155 = tpu.memref_slice %arg16[%add3A, %dma_start3A_154] : memref<10000x128xf32, #tpu.memory_space<vmem_shared>> -> memref<80x128xf32, #tpu.memory_space<vmem_shared>>
        tpu.enqueue_dma source(%dma_start3A_155 : memref<80x128xf32, #tpu.memory_space<vmem_shared>>) target(%dma_start3A_153 : memref<80x128xf32, #tpu.memory_space<hbm>>) target_semaphore(%arg17 : memref<!tpu.dma_semaphore, #tpu.memory_space<semaphore_mem>>)
      }
      %while3A_135 = arith.constant 1 : i32
      scf.for %while3A_146 = %while3A_133 to %while3A_129 step %while3A_135  : i32 {
        %mul3A_147 = arith.constant 80 : i32
        %mul3A_148 = arith.muli %while3A_146, %mul3A_147 : i32
        %add3A = arith.addi %mul3A_0, %mul3A_148 : i32
        %mul3A_149 = arith.constant 80 : i32
        %mul3A_150 = arith.muli %while3A_146, %mul3A_149 : i32
        %add3A_151 = arith.addi %mul3A_0, %mul3A_150 : i32
        %dma_start3A_152 = arith.constant 0 : i32
        %dma_start3A_153 = tpu.memref_slice %arg9[%add3A_151, %dma_start3A_152] : memref<10000x128xf32, #tpu.memory_space<hbm>> -> memref<80x128xf32, #tpu.memory_space<hbm>>
        %dma_start3A_154 = arith.constant 0 : i32
        %dma_start3A_155 = tpu.memref_slice %arg16[%add3A, %dma_start3A_154] : memref<10000x128xf32, #tpu.memory_space<vmem_shared>> -> memref<80x128xf32, #tpu.memory_space<vmem_shared>>
        tpu.enqueue_dma source(%dma_start3A_155 : memref<80x128xf32, #tpu.memory_space<vmem_shared>>) target(%dma_start3A_153 : memref<80x128xf32, #tpu.memory_space<hbm>>) target_semaphore(%arg17 : memref<!tpu.dma_semaphore, #tpu.memory_space<semaphore_mem>>)
      }
      %while3A_136 = arith.constant 0 : i32
      %while3A_137 = arith.constant 0 : i32
      %while3A_138 = arith.subi %select_n3A, %while3A_137 : i32
      %while3A_139 = arith.addi %while3A_137, %while3A_138 : i32
      %while3A_140 = arith.constant 1 : i32
      %while3A_141 = arith.divsi %while3A_138, %while3A_140 : i32
      %while3A_142 = arith.muli %while3A_141, %while3A_140 : i32
      %while3A_143 = arith.addi %while3A_137, %while3A_142 : i32
      %while3A_144 = arith.constant 1 : i32
      scf.for %while3A_146 = %while3A_137 to %while3A_143 step %while3A_144  : i32 {
        %mul3A_147 = arith.constant 80 : i32
        %mul3A_148 = arith.muli %while3A_146, %mul3A_147 : i32
        %add3A = arith.addi %mul3A_0, %mul3A_148 : i32
        %mul3A_149 = arith.constant 80 : i32
        %mul3A_150 = arith.muli %while3A_146, %mul3A_149 : i32
        %add3A_151 = arith.addi %mul3A_0, %mul3A_150 : i32
        %dma_wait3A_152 = arith.constant 0 : i32
        %dma_wait3A_153 = tpu.memref_slice %arg9[%add3A_151, %dma_wait3A_152] : memref<10000x128xf32, #tpu.memory_space<hbm>> -> memref<80x128xf32, #tpu.memory_space<hbm>>
        %dma_wait3A_154 = arith.constant 0 : i32
        %dma_wait3A_155 = tpu.memref_slice %arg16[%add3A, %dma_wait3A_154] : memref<10000x128xf32, #tpu.memory_space<vmem_shared>> -> memref<80x128xf32, #tpu.memory_space<vmem_shared>>
        tpu.wait_dma2 semaphore(%arg17 : memref<!tpu.dma_semaphore, #tpu.memory_space<semaphore_mem>>) src(%dma_wait3A_155 : memref<80x128xf32, #tpu.memory_space<vmem_shared>>) dst(%dma_wait3A_153 : memref<80x128xf32, #tpu.memory_space<hbm>>)
      }
      %while3A_145 = arith.constant 1 : i32
      scf.for %while3A_146 = %while3A_143 to %while3A_139 step %while3A_145  : i32 {
        %mul3A_147 = arith.constant 80 : i32
        %mul3A_148 = arith.muli %while3A_146, %mul3A_147 : i32
        %add3A = arith.addi %mul3A_0, %mul3A_148 : i32
        %mul3A_149 = arith.constant 80 : i32
        %mul3A_150 = arith.muli %while3A_146, %mul3A_149 : i32
        %add3A_151 = arith.addi %mul3A_0, %mul3A_150 : i32
        %dma_wait3A_152 = arith.constant 0 : i32
        %dma_wait3A_153 = tpu.memref_slice %arg9[%add3A_151, %dma_wait3A_152] : memref<10000x128xf32, #tpu.memory_space<hbm>> -> memref<80x128xf32, #tpu.memory_space<hbm>>
        %dma_wait3A_154 = arith.constant 0 : i32
        %dma_wait3A_155 = tpu.memref_slice %arg16[%add3A, %dma_wait3A_154] : memref<10000x128xf32, #tpu.memory_space<vmem_shared>> -> memref<80x128xf32, #tpu.memory_space<vmem_shared>>
        tpu.wait_dma2 semaphore(%arg17 : memref<!tpu.dma_semaphore, #tpu.memory_space<semaphore_mem>>) src(%dma_wait3A_155 : memref<80x128xf32, #tpu.memory_space<vmem_shared>>) dst(%dma_wait3A_153 : memref<80x128xf32, #tpu.memory_space<hbm>>)
      }
    } else {
    }
    %eq3A_7 = arith.constant 1 : i32
    %eq3A_8 = arith.cmpi eq, %arg0, %eq3A_7 : i32
    %convert_element_type3A_9 = arith.extui %eq3A_8 : i1 to i32
    %cond3A_10 = arith.constant 0 : i32
    %cond3A_11 = arith.cmpi ne, %convert_element_type3A_9, %cond3A_10 : i32
    scf.if %cond3A_11 {
      %scan3A = arith.constant 0 : i32
      %scan3A_12 = arith.constant 0 : i32
      %scan3A_13 = arith.constant 80 : i32
      %scan3A_14 = arith.addi %scan3A_12, %scan3A_13 : i32
      %scan3A_15 = arith.constant 1 : i32
      scf.for %scan3A_146 = %scan3A_12 to %scan3A_14 step %scan3A_15  : i32 {
        %scan3A_147 = arith.constant 0 : i32
        %scan3A_148 = arith.constant 8 : i32
        %scan3A_149 = arith.addi %scan3A_147, %scan3A_148 : i32
        %scan3A_150 = arith.constant 1 : i32
        scf.for %scan3A_152 = %scan3A_147 to %scan3A_149 step %scan3A_150  : i32 {
          %mul3A_153 = arith.constant 16 : i32
          %mul3A_154 = arith.muli %scan3A_152, %mul3A_153 : i32
          %swap3A = arith.index_cast %scan3A_146 : i32 to index
          %swap3A_155 = arith.index_cast %mul3A_154 : i32 to index
          %swap3A_156 = tpu.vector_load %arg14[%swap3A, %swap3A_155] {strides = array<i32>} : memref<80x128xf32, #tpu.memory_space<vmem>>, vector<1x16xf32>,
          %swap3A_157 = vector.shape_cast %swap3A_156 : vector<1x16xf32> to vector<16xf32>
          %swap3A_158 = vector.shape_cast %broadcast_in_dim3A_3 : vector<16xf32> to vector<1x16xf32>
          tpu.vector_store %arg14[%swap3A, %swap3A_155], %swap3A_158 {strides = array<i32>} : memref<80x128xf32, #tpu.memory_space<vmem>>, vector<1x16xf32>,
        }
        %scan3A_151 = arith.constant 8 : i32
      }
      %scan3A_16 = arith.constant 80 : i32
      %while3A = arith.constant 0 : i32
      %while3A_17 = arith.constant 0 : i32
      %while3A_18 = arith.subi %select_n3A, %while3A_17 : i32
      %while3A_19 = arith.addi %while3A_17, %while3A_18 : i32
      %while3A_20 = arith.constant 1 : i32
      %while3A_21 = arith.divsi %while3A_18, %while3A_20 : i32
      %while3A_22 = arith.muli %while3A_21, %while3A_20 : i32
      %while3A_23 = arith.addi %while3A_17, %while3A_22 : i32
      %while3A_24 = arith.constant 1 : i32
      scf.for %while3A_146 = %while3A_17 to %while3A_23 step %while3A_24  : i32 {
        %mul3A_147 = arith.constant 80 : i32
        %mul3A_148 = arith.muli %while3A_146, %mul3A_147 : i32
        %add3A = arith.addi %mul3A_0, %mul3A_148 : i32
        %dma_start3A_149 = arith.constant 0 : i32
        %dma_start3A_150 = tpu.memref_slice %arg16[%add3A, %dma_start3A_149] : memref<10000x128xf32, #tpu.memory_space<vmem_shared>> -> memref<80x128xf32, #tpu.memory_space<vmem_shared>>
        %dma_start3A_151 = arith.constant 0 : i32
        %dma_start3A_152 = tpu.memref_slice %arg16[%add3A, %dma_start3A_151] : memref<10000x128xf32, #tpu.memory_space<vmem_shared>> -> memref<80x128xf32, #tpu.memory_space<vmem_shared>>
        tpu.enqueue_dma source(%arg14 : memref<80x128xf32, #tpu.memory_space<vmem>>) target(%dma_start3A_152 : memref<80x128xf32, #tpu.memory_space<vmem_shared>>) target_semaphore(%arg17 : memref<!tpu.dma_semaphore, #tpu.memory_space<semaphore_mem>>)
      }
      %while3A_25 = arith.constant 1 : i32
      scf.for %while3A_146 = %while3A_23 to %while3A_19 step %while3A_25  : i32 {
        %mul3A_147 = arith.constant 80 : i32
        %mul3A_148 = arith.muli %while3A_146, %mul3A_147 : i32
        %add3A = arith.addi %mul3A_0, %mul3A_148 : i32
        %dma_start3A_149 = arith.constant 0 : i32
        %dma_start3A_150 = tpu.memref_slice %arg16[%add3A, %dma_start3A_149] : memref<10000x128xf32, #tpu.memory_space<vmem_shared>> -> memref<80x128xf32, #tpu.memory_space<vmem_shared>>
        %dma_start3A_151 = arith.constant 0 : i32
        %dma_start3A_152 = tpu.memref_slice %arg16[%add3A, %dma_start3A_151] : memref<10000x128xf32, #tpu.memory_space<vmem_shared>> -> memref<80x128xf32, #tpu.memory_space<vmem_shared>>
        tpu.enqueue_dma source(%arg14 : memref<80x128xf32, #tpu.memory_space<vmem>>) target(%dma_start3A_152 : memref<80x128xf32, #tpu.memory_space<vmem_shared>>) target_semaphore(%arg17 : memref<!tpu.dma_semaphore, #tpu.memory_space<semaphore_mem>>)
      }
      %while3A_26 = arith.constant 0 : i32
      %while3A_27 = arith.constant 0 : i32
      %while3A_28 = arith.subi %select_n3A, %while3A_27 : i32
      %while3A_29 = arith.addi %while3A_27, %while3A_28 : i32
      %while3A_30 = arith.constant 1 : i32
      %while3A_31 = arith.divsi %while3A_28, %while3A_30 : i32
      %while3A_32 = arith.muli %while3A_31, %while3A_30 : i32
      %while3A_33 = arith.addi %while3A_27, %while3A_32 : i32
      %while3A_34 = arith.constant 1 : i32
      scf.for %while3A_146 = %while3A_27 to %while3A_33 step %while3A_34  : i32 {
        %mul3A_147 = arith.constant 80 : i32
        %mul3A_148 = arith.muli %while3A_146, %mul3A_147 : i32
        %add3A = arith.addi %mul3A_0, %mul3A_148 : i32
        %dma_wait3A_149 = arith.constant 0 : i32
        %dma_wait3A_150 = tpu.memref_slice %arg16[%add3A, %dma_wait3A_149] : memref<10000x128xf32, #tpu.memory_space<vmem_shared>> -> memref<80x128xf32, #tpu.memory_space<vmem_shared>>
        %dma_wait3A_151 = arith.constant 0 : i32
        %dma_wait3A_152 = tpu.memref_slice %arg16[%add3A, %dma_wait3A_151] : memref<10000x128xf32, #tpu.memory_space<vmem_shared>> -> memref<80x128xf32, #tpu.memory_space<vmem_shared>>
        tpu.wait_dma2 semaphore(%arg17 : memref<!tpu.dma_semaphore, #tpu.memory_space<semaphore_mem>>) src(%arg14 : memref<80x128xf32, #tpu.memory_space<vmem>>) dst(%dma_wait3A_152 : memref<80x128xf32, #tpu.memory_space<vmem_shared>>)
      }
      %while3A_35 = arith.constant 1 : i32
      scf.for %while3A_146 = %while3A_33 to %while3A_29 step %while3A_35  : i32 {
        %mul3A_147 = arith.constant 80 : i32
        %mul3A_148 = arith.muli %while3A_146, %mul3A_147 : i32
        %add3A = arith.addi %mul3A_0, %mul3A_148 : i32
        %dma_wait3A_149 = arith.constant 0 : i32
        %dma_wait3A_150 = tpu.memref_slice %arg16[%add3A, %dma_wait3A_149] : memref<10000x128xf32, #tpu.memory_space<vmem_shared>> -> memref<80x128xf32, #tpu.memory_space<vmem_shared>>
        %dma_wait3A_151 = arith.constant 0 : i32
        %dma_wait3A_152 = tpu.memref_slice %arg16[%add3A, %dma_wait3A_151] : memref<10000x128xf32, #tpu.memory_space<vmem_shared>> -> memref<80x128xf32, #tpu.memory_space<vmem_shared>>
        tpu.wait_dma2 semaphore(%arg17 : memref<!tpu.dma_semaphore, #tpu.memory_space<semaphore_mem>>) src(%arg14 : memref<80x128xf32, #tpu.memory_space<vmem>>) dst(%dma_wait3A_152 : memref<80x128xf32, #tpu.memory_space<vmem_shared>>)
      }
      %barrier3A = arith.constant 0 : index
      tpu.barrier barrier_id(%barrier3A)
      %dma_start3A = arith.constant 0 : i32
      %dma_start3A_36 = tpu.memref_slice %arg12[%dma_start3A] : memref<10000xi32, #tpu.memory_space<vmem>> -> memref<80xi32, #tpu.memory_space<vmem>>
      %dma_start3A_37 = arith.constant 0 : i32
      %dma_start3A_38 = arith.constant 0 : i32
      %dma_start3A_39 = tpu.memref_slice %arg6[%dma_start3A_37, %dma_start3A_38] : memref<10000x128xf32, #tpu.memory_space<hbm>> -> memref<10000x128xf32, #tpu.memory_space<hbm>>
      tpu.enqueue_indirect_dma source(%dma_start3A_39 : memref<10000x128xf32, #tpu.memory_space<hbm>>) target(%arg14 : memref<80x128xf32, #tpu.memory_space<vmem>>) offsets(%dma_start3A_36 : memref<80xi32, #tpu.memory_space<vmem>>) semaphore(%arg17 : memref<!tpu.dma_semaphore, #tpu.memory_space<semaphore_mem>>)
      %dma_start3A_40 = arith.constant 80 : i32
      %dma_start3A_41 = tpu.memref_slice %arg12[%dma_start3A_40] : memref<10000xi32, #tpu.memory_space<vmem>> -> memref<80xi32, #tpu.memory_space<vmem>>
      %dma_start3A_42 = arith.constant 0 : i32
      %dma_start3A_43 = arith.constant 0 : i32
      %dma_start3A_44 = tpu.memref_slice %arg6[%dma_start3A_42, %dma_start3A_43] : memref<10000x128xf32, #tpu.memory_space<hbm>> -> memref<10000x128xf32, #tpu.memory_space<hbm>>
      tpu.enqueue_indirect_dma source(%dma_start3A_44 : memref<10000x128xf32, #tpu.memory_space<hbm>>) target(%arg15 : memref<80x128xf32, #tpu.memory_space<vmem>>) offsets(%dma_start3A_41 : memref<80xi32, #tpu.memory_space<vmem>>) semaphore(%arg18 : memref<!tpu.dma_semaphore, #tpu.memory_space<semaphore_mem>>)
      %scan3A_45 = arith.constant 0 : i32
      %scan3A_46 = arith.constant 0 : i32
      %scan3A_47 = arith.constant 62 : i32
      %scan3A_48 = arith.addi %scan3A_46, %scan3A_47 : i32
      %scan3A_49 = arith.constant 1 : i32
      scf.for %scan3A_146 = %scan3A_46 to %scan3A_48 step %scan3A_49  : i32 {
        %mul3A_147 = arith.constant 2 : i32
        %mul3A_148 = arith.muli %mul3A_147, %scan3A_146 : i32
        %mul3A_149 = arith.constant 80 : i32
        %mul3A_150 = arith.muli %mul3A_148, %mul3A_149 : i32
        %dma_wait3A_151 = tpu.memref_slice %arg12[%mul3A_150] : memref<10000xi32, #tpu.memory_space<vmem>> -> memref<80xi32, #tpu.memory_space<vmem>>
        %dma_wait3A_152 = arith.constant 0 : i32
        %dma_wait3A_153 = arith.constant 0 : i32
        %dma_wait3A_154 = tpu.memref_slice %arg6[%dma_wait3A_152, %dma_wait3A_153] : memref<10000x128xf32, #tpu.memory_space<hbm>> -> memref<10000x128xf32, #tpu.memory_space<hbm>>
        tpu.wait_indirect_dma semaphore(%arg17 : memref<!tpu.dma_semaphore, #tpu.memory_space<semaphore_mem>>) src(%dma_wait3A_154 : memref<10000x128xf32, #tpu.memory_space<hbm>>) dst(%arg14 : memref<80x128xf32, #tpu.memory_space<vmem>>)
        "tpu.region"() ({
          %run_scoped3A_176 = tpu.sem_alloc : memref<!tpu.dma_semaphore, #tpu.memory_space<semaphore_mem>>
          %dma_start3A_177 = arith.constant 0 : i32
          %dma_start3A_178 = tpu.memref_slice %arg13[%mul3A_148, %dma_start3A_177] : memref<125x80xi32, #tpu.memory_space<vmem>> -> memref<1x80xi32, #tpu.memory_space<vmem>>
          %dma_start3A_179 = tpu.memref_squeeze %dma_start3A_178 : memref<1x80xi32, #tpu.memory_space<vmem>> -> memref<80xi32, #tpu.memory_space<vmem>>
          %dma_start3A_180 = arith.constant 0 : i32
          %dma_start3A_181 = arith.constant 0 : i32
          %dma_start3A_182 = tpu.memref_slice %arg16[%dma_start3A_180, %dma_start3A_181] : memref<10000x128xf32, #tpu.memory_space<vmem_shared>> -> memref<10000x128xf32, #tpu.memory_space<vmem_shared>>
          tpu.enqueue_indirect_dma source(%arg14 : memref<80x128xf32, #tpu.memory_space<vmem>>) target(%dma_start3A_182 : memref<10000x128xf32, #tpu.memory_space<vmem_shared>>) offsets(%dma_start3A_179 : memref<80xi32, #tpu.memory_space<vmem>>) semaphore(%run_scoped3A_176 : memref<!tpu.dma_semaphore, #tpu.memory_space<semaphore_mem>>) {add = true}
          %dma_wait3A_183 = arith.constant 0 : i32
          %dma_wait3A_184 = tpu.memref_slice %arg13[%mul3A_148, %dma_wait3A_183] : memref<125x80xi32, #tpu.memory_space<vmem>> -> memref<1x80xi32, #tpu.memory_space<vmem>>
          %dma_wait3A_185 = tpu.memref_squeeze %dma_wait3A_184 : memref<1x80xi32, #tpu.memory_space<vmem>> -> memref<80xi32, #tpu.memory_space<vmem>>
          %dma_wait3A_186 = arith.constant 0 : i32
          %dma_wait3A_187 = arith.constant 0 : i32
          %dma_wait3A_188 = tpu.memref_slice %arg16[%dma_wait3A_186, %dma_wait3A_187] : memref<10000x128xf32, #tpu.memory_space<vmem_shared>> -> memref<10000x128xf32, #tpu.memory_space<vmem_shared>>
          tpu.wait_indirect_dma semaphore(%run_scoped3A_176 : memref<!tpu.dma_semaphore, #tpu.memory_space<semaphore_mem>>) src(%arg14 : memref<80x128xf32, #tpu.memory_space<vmem>>) dst(%dma_wait3A_188 : memref<10000x128xf32, #tpu.memory_space<vmem_shared>>)
          tpu.yield
        }) : () -> ()
        %add3A = arith.constant 2 : i32
        %add3A_155 = arith.addi %mul3A_148, %add3A : i32
        %mul3A_156 = arith.constant 80 : i32
        %mul3A_157 = arith.muli %add3A_155, %mul3A_156 : i32
        %dma_start3A_158 = tpu.memref_slice %arg12[%mul3A_157] : memref<10000xi32, #tpu.memory_space<vmem>> -> memref<80xi32, #tpu.memory_space<vmem>>
        %dma_start3A_159 = arith.constant 0 : i32
        %dma_start3A_160 = arith.constant 0 : i32
        %dma_start3A_161 = tpu.memref_slice %arg6[%dma_start3A_159, %dma_start3A_160] : memref<10000x128xf32, #tpu.memory_space<hbm>> -> memref<10000x128xf32, #tpu.memory_space<hbm>>
        tpu.enqueue_indirect_dma source(%dma_start3A_161 : memref<10000x128xf32, #tpu.memory_space<hbm>>) target(%arg14 : memref<80x128xf32, #tpu.memory_space<vmem>>) offsets(%dma_start3A_158 : memref<80xi32, #tpu.memory_space<vmem>>) semaphore(%arg17 : memref<!tpu.dma_semaphore, #tpu.memory_space<semaphore_mem>>)
        %add3A_162 = arith.constant 1 : i32
        %add3A_163 = arith.addi %mul3A_148, %add3A_162 : i32
        %mul3A_164 = arith.constant 80 : i32
        %mul3A_165 = arith.muli %add3A_163, %mul3A_164 : i32
        %dma_wait3A_166 = tpu.memref_slice %arg12[%mul3A_165] : memref<10000xi32, #tpu.memory_space<vmem>> -> memref<80xi32, #tpu.memory_space<vmem>>
        %dma_wait3A_167 = arith.constant 0 : i32
        %dma_wait3A_168 = arith.constant 0 : i32
        %dma_wait3A_169 = tpu.memref_slice %arg6[%dma_wait3A_167, %dma_wait3A_168] : memref<10000x128xf32, #tpu.memory_space<hbm>> -> memref<10000x128xf32, #tpu.memory_space<hbm>>
        tpu.wait_indirect_dma semaphore(%arg18 : memref<!tpu.dma_semaphore, #tpu.memory_space<semaphore_mem>>) src(%dma_wait3A_169 : memref<10000x128xf32, #tpu.memory_space<hbm>>) dst(%arg15 : memref<80x128xf32, #tpu.memory_space<vmem>>)
        %add3A_170 = arith.constant 1 : i32
        %add3A_171 = arith.addi %mul3A_148, %add3A_170 : i32
        "tpu.region"() ({
          %run_scoped3A_176 = tpu.sem_alloc : memref<!tpu.dma_semaphore, #tpu.memory_space<semaphore_mem>>
          %dma_start3A_177 = arith.constant 0 : i32
          %dma_start3A_178 = tpu.memref_slice %arg13[%add3A_171, %dma_start3A_177] : memref<125x80xi32, #tpu.memory_space<vmem>> -> memref<1x80xi32, #tpu.memory_space<vmem>>
          %dma_start3A_179 = tpu.memref_squeeze %dma_start3A_178 : memref<1x80xi32, #tpu.memory_space<vmem>> -> memref<80xi32, #tpu.memory_space<vmem>>
          %dma_start3A_180 = arith.constant 0 : i32
          %dma_start3A_181 = arith.constant 0 : i32
          %dma_start3A_182 = tpu.memref_slice %arg16[%dma_start3A_180, %dma_start3A_181] : memref<10000x128xf32, #tpu.memory_space<vmem_shared>> -> memref<10000x128xf32, #tpu.memory_space<vmem_shared>>
          tpu.enqueue_indirect_dma source(%arg15 : memref<80x128xf32, #tpu.memory_space<vmem>>) target(%dma_start3A_182 : memref<10000x128xf32, #tpu.memory_space<vmem_shared>>) offsets(%dma_start3A_179 : memref<80xi32, #tpu.memory_space<vmem>>) semaphore(%run_scoped3A_176 : memref<!tpu.dma_semaphore, #tpu.memory_space<semaphore_mem>>) {add = true}
          %dma_wait3A_183 = arith.constant 0 : i32
          %dma_wait3A_184 = tpu.memref_slice %arg13[%add3A_171, %dma_wait3A_183] : memref<125x80xi32, #tpu.memory_space<vmem>> -> memref<1x80xi32, #tpu.memory_space<vmem>>
          %dma_wait3A_185 = tpu.memref_squeeze %dma_wait3A_184 : memref<1x80xi32, #tpu.memory_space<vmem>> -> memref<80xi32, #tpu.memory_space<vmem>>
          %dma_wait3A_186 = arith.constant 0 : i32
          %dma_wait3A_187 = arith.constant 0 : i32
          %dma_wait3A_188 = tpu.memref_slice %arg16[%dma_wait3A_186, %dma_wait3A_187] : memref<10000x128xf32, #tpu.memory_space<vmem_shared>> -> memref<10000x128xf32, #tpu.memory_space<vmem_shared>>
          tpu.wait_indirect_dma semaphore(%run_scoped3A_176 : memref<!tpu.dma_semaphore, #tpu.memory_space<semaphore_mem>>) src(%arg15 : memref<80x128xf32, #tpu.memory_space<vmem>>) dst(%dma_wait3A_188 : memref<10000x128xf32, #tpu.memory_space<vmem_shared>>)
          tpu.yield
        }) : () -> ()
        %lt3A = arith.constant 61 : i32
        %lt3A_172 = arith.cmpi slt, %scan3A_146, %lt3A : i32
        %convert_element_type3A_173 = arith.extui %lt3A_172 : i1 to i32
        %cond3A_174 = arith.constant 0 : i32
        %cond3A_175 = arith.cmpi ne, %convert_element_type3A_173, %cond3A_174 : i32
        scf.if %cond3A_175 {
          %add3A_176 = arith.constant 3 : i32
          %add3A_177 = arith.addi %mul3A_148, %add3A_176 : i32
          %mul3A_178 = arith.constant 80 : i32
          %mul3A_179 = arith.muli %add3A_177, %mul3A_178 : i32
          %dma_start3A_180 = tpu.memref_slice %arg12[%mul3A_179] : memref<10000xi32, #tpu.memory_space<vmem>> -> memref<80xi32, #tpu.memory_space<vmem>>
          %dma_start3A_181 = arith.constant 0 : i32
          %dma_start3A_182 = arith.constant 0 : i32
          %dma_start3A_183 = tpu.memref_slice %arg6[%dma_start3A_181, %dma_start3A_182] : memref<10000x128xf32, #tpu.memory_space<hbm>> -> memref<10000x128xf32, #tpu.memory_space<hbm>>
          tpu.enqueue_indirect_dma source(%dma_start3A_183 : memref<10000x128xf32, #tpu.memory_space<hbm>>) target(%arg15 : memref<80x128xf32, #tpu.memory_space<vmem>>) offsets(%dma_start3A_180 : memref<80xi32, #tpu.memory_space<vmem>>) semaphore(%arg18 : memref<!tpu.dma_semaphore, #tpu.memory_space<semaphore_mem>>)
        } else {
        }
      }
      %scan3A_50 = arith.constant 62 : i32
      %dma_wait3A = arith.constant 9920 : i32
      %dma_wait3A_51 = tpu.memref_slice %arg12[%dma_wait3A] : memref<10000xi32, #tpu.memory_space<vmem>> -> memref<80xi32, #tpu.memory_space<vmem>>
      %dma_wait3A_52 = arith.constant 0 : i32
      %dma_wait3A_53 = arith.constant 0 : i32
      %dma_wait3A_54 = tpu.memref_slice %arg6[%dma_wait3A_52, %dma_wait3A_53] : memref<10000x128xf32, #tpu.memory_space<hbm>> -> memref<10000x128xf32, #tpu.memory_space<hbm>>
      tpu.wait_indirect_dma semaphore(%arg17 : memref<!tpu.dma_semaphore, #tpu.memory_space<semaphore_mem>>) src(%dma_wait3A_54 : memref<10000x128xf32, #tpu.memory_space<hbm>>) dst(%arg14 : memref<80x128xf32, #tpu.memory_space<vmem>>)
      %run_scoped3A = arith.constant 124 : i32
      "tpu.region"() ({
        %run_scoped3A_146 = tpu.sem_alloc : memref<!tpu.dma_semaphore, #tpu.memory_space<semaphore_mem>>
        %dma_start3A_147 = arith.constant 0 : i32
        %dma_start3A_148 = tpu.memref_slice %arg13[%run_scoped3A, %dma_start3A_147] : memref<125x80xi32, #tpu.memory_space<vmem>> -> memref<1x80xi32, #tpu.memory_space<vmem>>
        %dma_start3A_149 = tpu.memref_squeeze %dma_start3A_148 : memref<1x80xi32, #tpu.memory_space<vmem>> -> memref<80xi32, #tpu.memory_space<vmem>>
        %dma_start3A_150 = arith.constant 0 : i32
        %dma_start3A_151 = arith.constant 0 : i32
        %dma_start3A_152 = tpu.memref_slice %arg16[%dma_start3A_150, %dma_start3A_151] : memref<10000x128xf32, #tpu.memory_space<vmem_shared>> -> memref<10000x128xf32, #tpu.memory_space<vmem_shared>>
        tpu.enqueue_indirect_dma source(%arg14 : memref<80x128xf32, #tpu.memory_space<vmem>>) target(%dma_start3A_152 : memref<10000x128xf32, #tpu.memory_space<vmem_shared>>) offsets(%dma_start3A_149 : memref<80xi32, #tpu.memory_space<vmem>>) semaphore(%run_scoped3A_146 : memref<!tpu.dma_semaphore, #tpu.memory_space<semaphore_mem>>) {add = true}
        %dma_wait3A_153 = arith.constant 0 : i32
        %dma_wait3A_154 = tpu.memref_slice %arg13[%run_scoped3A, %dma_wait3A_153] : memref<125x80xi32, #tpu.memory_space<vmem>> -> memref<1x80xi32, #tpu.memory_space<vmem>>
        %dma_wait3A_155 = tpu.memref_squeeze %dma_wait3A_154 : memref<1x80xi32, #tpu.memory_space<vmem>> -> memref<80xi32, #tpu.memory_space<vmem>>
        %dma_wait3A_156 = arith.constant 0 : i32
        %dma_wait3A_157 = arith.constant 0 : i32
        %dma_wait3A_158 = tpu.memref_slice %arg16[%dma_wait3A_156, %dma_wait3A_157] : memref<10000x128xf32, #tpu.memory_space<vmem_shared>> -> memref<10000x128xf32, #tpu.memory_space<vmem_shared>>
        tpu.wait_indirect_dma semaphore(%run_scoped3A_146 : memref<!tpu.dma_semaphore, #tpu.memory_space<semaphore_mem>>) src(%arg14 : memref<80x128xf32, #tpu.memory_space<vmem>>) dst(%dma_wait3A_158 : memref<10000x128xf32, #tpu.memory_space<vmem_shared>>)
        tpu.yield
      }) : () -> ()
      %barrier3A_55 = arith.constant 0 : index
      tpu.barrier barrier_id(%barrier3A_55)
      %while3A_56 = arith.constant 0 : i32
      %while3A_57 = arith.constant 0 : i32
      %while3A_58 = arith.subi %select_n3A, %while3A_57 : i32
      %while3A_59 = arith.addi %while3A_57, %while3A_58 : i32
      %while3A_60 = arith.constant 1 : i32
      %while3A_61 = arith.divsi %while3A_58, %while3A_60 : i32
      %while3A_62 = arith.muli %while3A_61, %while3A_60 : i32
      %while3A_63 = arith.addi %while3A_57, %while3A_62 : i32
      %while3A_64 = arith.constant 1 : i32
      scf.for %while3A_146 = %while3A_57 to %while3A_63 step %while3A_64  : i32 {
        %mul3A_147 = arith.constant 80 : i32
        %mul3A_148 = arith.muli %while3A_146, %mul3A_147 : i32
        %add3A = arith.addi %mul3A_0, %mul3A_148 : i32
        %mul3A_149 = arith.constant 80 : i32
        %mul3A_150 = arith.muli %while3A_146, %mul3A_149 : i32
        %add3A_151 = arith.addi %mul3A_0, %mul3A_150 : i32
        %dma_start3A_152 = arith.constant 0 : i32
        %dma_start3A_153 = tpu.memref_slice %arg10[%add3A_151, %dma_start3A_152] : memref<10000x128xf32, #tpu.memory_space<hbm>> -> memref<80x128xf32, #tpu.memory_space<hbm>>
        %dma_start3A_154 = arith.constant 0 : i32
        %dma_start3A_155 = tpu.memref_slice %arg16[%add3A, %dma_start3A_154] : memref<10000x128xf32, #tpu.memory_space<vmem_shared>> -> memref<80x128xf32, #tpu.memory_space<vmem_shared>>
        tpu.enqueue_dma source(%dma_start3A_155 : memref<80x128xf32, #tpu.memory_space<vmem_shared>>) target(%dma_start3A_153 : memref<80x128xf32, #tpu.memory_space<hbm>>) target_semaphore(%arg17 : memref<!tpu.dma_semaphore, #tpu.memory_space<semaphore_mem>>)
      }
      %while3A_65 = arith.constant 1 : i32
      scf.for %while3A_146 = %while3A_63 to %while3A_59 step %while3A_65  : i32 {
        %mul3A_147 = arith.constant 80 : i32
        %mul3A_148 = arith.muli %while3A_146, %mul3A_147 : i32
        %add3A = arith.addi %mul3A_0, %mul3A_148 : i32
        %mul3A_149 = arith.constant 80 : i32
        %mul3A_150 = arith.muli %while3A_146, %mul3A_149 : i32
        %add3A_151 = arith.addi %mul3A_0, %mul3A_150 : i32
        %dma_start3A_152 = arith.constant 0 : i32
        %dma_start3A_153 = tpu.memref_slice %arg10[%add3A_151, %dma_start3A_152] : memref<10000x128xf32, #tpu.memory_space<hbm>> -> memref<80x128xf32, #tpu.memory_space<hbm>>
        %dma_start3A_154 = arith.constant 0 : i32
        %dma_start3A_155 = tpu.memref_slice %arg16[%add3A, %dma_start3A_154] : memref<10000x128xf32, #tpu.memory_space<vmem_shared>> -> memref<80x128xf32, #tpu.memory_space<vmem_shared>>
        tpu.enqueue_dma source(%dma_start3A_155 : memref<80x128xf32, #tpu.memory_space<vmem_shared>>) target(%dma_start3A_153 : memref<80x128xf32, #tpu.memory_space<hbm>>) target_semaphore(%arg17 : memref<!tpu.dma_semaphore, #tpu.memory_space<semaphore_mem>>)
      }
      %while3A_66 = arith.constant 0 : i32
      %while3A_67 = arith.constant 0 : i32
      %while3A_68 = arith.subi %select_n3A, %while3A_67 : i32
      %while3A_69 = arith.addi %while3A_67, %while3A_68 : i32
      %while3A_70 = arith.constant 1 : i32
      %while3A_71 = arith.divsi %while3A_68, %while3A_70 : i32
      %while3A_72 = arith.muli %while3A_71, %while3A_70 : i32
      %while3A_73 = arith.addi %while3A_67, %while3A_72 : i32
      %while3A_74 = arith.constant 1 : i32
      scf.for %while3A_146 = %while3A_67 to %while3A_73 step %while3A_74  : i32 {
        %mul3A_147 = arith.constant 80 : i32
        %mul3A_148 = arith.muli %while3A_146, %mul3A_147 : i32
        %add3A = arith.addi %mul3A_0, %mul3A_148 : i32
        %mul3A_149 = arith.constant 80 : i32
        %mul3A_150 = arith.muli %while3A_146, %mul3A_149 : i32
        %add3A_151 = arith.addi %mul3A_0, %mul3A_150 : i32
        %dma_wait3A_152 = arith.constant 0 : i32
        %dma_wait3A_153 = tpu.memref_slice %arg10[%add3A_151, %dma_wait3A_152] : memref<10000x128xf32, #tpu.memory_space<hbm>> -> memref<80x128xf32, #tpu.memory_space<hbm>>
        %dma_wait3A_154 = arith.constant 0 : i32
        %dma_wait3A_155 = tpu.memref_slice %arg16[%add3A, %dma_wait3A_154] : memref<10000x128xf32, #tpu.memory_space<vmem_shared>> -> memref<80x128xf32, #tpu.memory_space<vmem_shared>>
        tpu.wait_dma2 semaphore(%arg17 : memref<!tpu.dma_semaphore, #tpu.memory_space<semaphore_mem>>) src(%dma_wait3A_155 : memref<80x128xf32, #tpu.memory_space<vmem_shared>>) dst(%dma_wait3A_153 : memref<80x128xf32, #tpu.memory_space<hbm>>)
      }
      %while3A_75 = arith.constant 1 : i32
      scf.for %while3A_146 = %while3A_73 to %while3A_69 step %while3A_75  : i32 {
        %mul3A_147 = arith.constant 80 : i32
        %mul3A_148 = arith.muli %while3A_146, %mul3A_147 : i32
        %add3A = arith.addi %mul3A_0, %mul3A_148 : i32
        %mul3A_149 = arith.constant 80 : i32
        %mul3A_150 = arith.muli %while3A_146, %mul3A_149 : i32
        %add3A_151 = arith.addi %mul3A_0, %mul3A_150 : i32
        %dma_wait3A_152 = arith.constant 0 : i32
        %dma_wait3A_153 = tpu.memref_slice %arg10[%add3A_151, %dma_wait3A_152] : memref<10000x128xf32, #tpu.memory_space<hbm>> -> memref<80x128xf32, #tpu.memory_space<hbm>>
        %dma_wait3A_154 = arith.constant 0 : i32
        %dma_wait3A_155 = tpu.memref_slice %arg16[%add3A, %dma_wait3A_154] : memref<10000x128xf32, #tpu.memory_space<vmem_shared>> -> memref<80x128xf32, #tpu.memory_space<vmem_shared>>
        tpu.wait_dma2 semaphore(%arg17 : memref<!tpu.dma_semaphore, #tpu.memory_space<semaphore_mem>>) src(%dma_wait3A_155 : memref<80x128xf32, #tpu.memory_space<vmem_shared>>) dst(%dma_wait3A_153 : memref<80x128xf32, #tpu.memory_space<hbm>>)
      }
      %scan3A_76 = arith.constant 0 : i32
      %scan3A_77 = arith.constant 0 : i32
      %scan3A_78 = arith.constant 80 : i32
      %scan3A_79 = arith.addi %scan3A_77, %scan3A_78 : i32
      %scan3A_80 = arith.constant 1 : i32
      scf.for %scan3A_146 = %scan3A_77 to %scan3A_79 step %scan3A_80  : i32 {
        %scan3A_147 = arith.constant 0 : i32
        %scan3A_148 = arith.constant 8 : i32
        %scan3A_149 = arith.addi %scan3A_147, %scan3A_148 : i32
        %scan3A_150 = arith.constant 1 : i32
        scf.for %scan3A_152 = %scan3A_147 to %scan3A_149 step %scan3A_150  : i32 {
          %mul3A_153 = arith.constant 16 : i32
          %mul3A_154 = arith.muli %scan3A_152, %mul3A_153 : i32
          %swap3A = arith.index_cast %scan3A_146 : i32 to index
          %swap3A_155 = arith.index_cast %mul3A_154 : i32 to index
          %swap3A_156 = tpu.vector_load %arg14[%swap3A, %swap3A_155] {strides = array<i32>} : memref<80x128xf32, #tpu.memory_space<vmem>>, vector<1x16xf32>,
          %swap3A_157 = vector.shape_cast %swap3A_156 : vector<1x16xf32> to vector<16xf32>
          %swap3A_158 = vector.shape_cast %broadcast_in_dim3A_3 : vector<16xf32> to vector<1x16xf32>
          tpu.vector_store %arg14[%swap3A, %swap3A_155], %swap3A_158 {strides = array<i32>} : memref<80x128xf32, #tpu.memory_space<vmem>>, vector<1x16xf32>,
        }
        %scan3A_151 = arith.constant 8 : i32
      }
      %scan3A_81 = arith.constant 80 : i32
      %while3A_82 = arith.constant 0 : i32
      %while3A_83 = arith.constant 0 : i32
      %while3A_84 = arith.subi %select_n3A, %while3A_83 : i32
      %while3A_85 = arith.addi %while3A_83, %while3A_84 : i32
      %while3A_86 = arith.constant 1 : i32
      %while3A_87 = arith.divsi %while3A_84, %while3A_86 : i32
      %while3A_88 = arith.muli %while3A_87, %while3A_86 : i32
      %while3A_89 = arith.addi %while3A_83, %while3A_88 : i32
      %while3A_90 = arith.constant 1 : i32
      scf.for %while3A_146 = %while3A_83 to %while3A_89 step %while3A_90  : i32 {
        %mul3A_147 = arith.constant 80 : i32
        %mul3A_148 = arith.muli %while3A_146, %mul3A_147 : i32
        %add3A = arith.addi %mul3A_0, %mul3A_148 : i32
        %dma_start3A_149 = arith.constant 0 : i32
        %dma_start3A_150 = tpu.memref_slice %arg16[%add3A, %dma_start3A_149] : memref<10000x128xf32, #tpu.memory_space<vmem_shared>> -> memref<80x128xf32, #tpu.memory_space<vmem_shared>>
        %dma_start3A_151 = arith.constant 0 : i32
        %dma_start3A_152 = tpu.memref_slice %arg16[%add3A, %dma_start3A_151] : memref<10000x128xf32, #tpu.memory_space<vmem_shared>> -> memref<80x128xf32, #tpu.memory_space<vmem_shared>>
        tpu.enqueue_dma source(%arg14 : memref<80x128xf32, #tpu.memory_space<vmem>>) target(%dma_start3A_152 : memref<80x128xf32, #tpu.memory_space<vmem_shared>>) target_semaphore(%arg17 : memref<!tpu.dma_semaphore, #tpu.memory_space<semaphore_mem>>)
      }
      %while3A_91 = arith.constant 1 : i32
      scf.for %while3A_146 = %while3A_89 to %while3A_85 step %while3A_91  : i32 {
        %mul3A_147 = arith.constant 80 : i32
        %mul3A_148 = arith.muli %while3A_146, %mul3A_147 : i32
        %add3A = arith.addi %mul3A_0, %mul3A_148 : i32
        %dma_start3A_149 = arith.constant 0 : i32
        %dma_start3A_150 = tpu.memref_slice %arg16[%add3A, %dma_start3A_149] : memref<10000x128xf32, #tpu.memory_space<vmem_shared>> -> memref<80x128xf32, #tpu.memory_space<vmem_shared>>
        %dma_start3A_151 = arith.constant 0 : i32
        %dma_start3A_152 = tpu.memref_slice %arg16[%add3A, %dma_start3A_151] : memref<10000x128xf32, #tpu.memory_space<vmem_shared>> -> memref<80x128xf32, #tpu.memory_space<vmem_shared>>
        tpu.enqueue_dma source(%arg14 : memref<80x128xf32, #tpu.memory_space<vmem>>) target(%dma_start3A_152 : memref<80x128xf32, #tpu.memory_space<vmem_shared>>) target_semaphore(%arg17 : memref<!tpu.dma_semaphore, #tpu.memory_space<semaphore_mem>>)
      }
      %while3A_92 = arith.constant 0 : i32
      %while3A_93 = arith.constant 0 : i32
      %while3A_94 = arith.subi %select_n3A, %while3A_93 : i32
      %while3A_95 = arith.addi %while3A_93, %while3A_94 : i32
      %while3A_96 = arith.constant 1 : i32
      %while3A_97 = arith.divsi %while3A_94, %while3A_96 : i32
      %while3A_98 = arith.muli %while3A_97, %while3A_96 : i32
      %while3A_99 = arith.addi %while3A_93, %while3A_98 : i32
      %while3A_100 = arith.constant 1 : i32
      scf.for %while3A_146 = %while3A_93 to %while3A_99 step %while3A_100  : i32 {
        %mul3A_147 = arith.constant 80 : i32
        %mul3A_148 = arith.muli %while3A_146, %mul3A_147 : i32
        %add3A = arith.addi %mul3A_0, %mul3A_148 : i32
        %dma_wait3A_149 = arith.constant 0 : i32
        %dma_wait3A_150 = tpu.memref_slice %arg16[%add3A, %dma_wait3A_149] : memref<10000x128xf32, #tpu.memory_space<vmem_shared>> -> memref<80x128xf32, #tpu.memory_space<vmem_shared>>
        %dma_wait3A_151 = arith.constant 0 : i32
        %dma_wait3A_152 = tpu.memref_slice %arg16[%add3A, %dma_wait3A_151] : memref<10000x128xf32, #tpu.memory_space<vmem_shared>> -> memref<80x128xf32, #tpu.memory_space<vmem_shared>>
        tpu.wait_dma2 semaphore(%arg17 : memref<!tpu.dma_semaphore, #tpu.memory_space<semaphore_mem>>) src(%arg14 : memref<80x128xf32, #tpu.memory_space<vmem>>) dst(%dma_wait3A_152 : memref<80x128xf32, #tpu.memory_space<vmem_shared>>)
      }
      %while3A_101 = arith.constant 1 : i32
      scf.for %while3A_146 = %while3A_99 to %while3A_95 step %while3A_101  : i32 {
        %mul3A_147 = arith.constant 80 : i32
        %mul3A_148 = arith.muli %while3A_146, %mul3A_147 : i32
        %add3A = arith.addi %mul3A_0, %mul3A_148 : i32
        %dma_wait3A_149 = arith.constant 0 : i32
        %dma_wait3A_150 = tpu.memref_slice %arg16[%add3A, %dma_wait3A_149] : memref<10000x128xf32, #tpu.memory_space<vmem_shared>> -> memref<80x128xf32, #tpu.memory_space<vmem_shared>>
        %dma_wait3A_151 = arith.constant 0 : i32
        %dma_wait3A_152 = tpu.memref_slice %arg16[%add3A, %dma_wait3A_151] : memref<10000x128xf32, #tpu.memory_space<vmem_shared>> -> memref<80x128xf32, #tpu.memory_space<vmem_shared>>
        tpu.wait_dma2 semaphore(%arg17 : memref<!tpu.dma_semaphore, #tpu.memory_space<semaphore_mem>>) src(%arg14 : memref<80x128xf32, #tpu.memory_space<vmem>>) dst(%dma_wait3A_152 : memref<80x128xf32, #tpu.memory_space<vmem_shared>>)
      }
      %barrier3A_102 = arith.constant 0 : index
      tpu.barrier barrier_id(%barrier3A_102)
      %dma_start3A_103 = arith.constant 0 : i32
      %dma_start3A_104 = tpu.memref_slice %arg12[%dma_start3A_103] : memref<10000xi32, #tpu.memory_space<vmem>> -> memref<80xi32, #tpu.memory_space<vmem>>
      %dma_start3A_105 = arith.constant 0 : i32
      %dma_start3A_106 = arith.constant 0 : i32
      %dma_start3A_107 = tpu.memref_slice %arg7[%dma_start3A_105, %dma_start3A_106] : memref<10000x128xf32, #tpu.memory_space<hbm>> -> memref<10000x128xf32, #tpu.memory_space<hbm>>
      tpu.enqueue_indirect_dma source(%dma_start3A_107 : memref<10000x128xf32, #tpu.memory_space<hbm>>) target(%arg14 : memref<80x128xf32, #tpu.memory_space<vmem>>) offsets(%dma_start3A_104 : memref<80xi32, #tpu.memory_space<vmem>>) semaphore(%arg17 : memref<!tpu.dma_semaphore, #tpu.memory_space<semaphore_mem>>)
      %dma_start3A_108 = arith.constant 80 : i32
      %dma_start3A_109 = tpu.memref_slice %arg12[%dma_start3A_108] : memref<10000xi32, #tpu.memory_space<vmem>> -> memref<80xi32, #tpu.memory_space<vmem>>
      %dma_start3A_110 = arith.constant 0 : i32
      %dma_start3A_111 = arith.constant 0 : i32
      %dma_start3A_112 = tpu.memref_slice %arg7[%dma_start3A_110, %dma_start3A_111] : memref<10000x128xf32, #tpu.memory_space<hbm>> -> memref<10000x128xf32, #tpu.memory_space<hbm>>
      tpu.enqueue_indirect_dma source(%dma_start3A_112 : memref<10000x128xf32, #tpu.memory_space<hbm>>) target(%arg15 : memref<80x128xf32, #tpu.memory_space<vmem>>) offsets(%dma_start3A_109 : memref<80xi32, #tpu.memory_space<vmem>>) semaphore(%arg18 : memref<!tpu.dma_semaphore, #tpu.memory_space<semaphore_mem>>)
      %scan3A_113 = arith.constant 0 : i32
      %scan3A_114 = arith.constant 0 : i32
      %scan3A_115 = arith.constant 62 : i32
      %scan3A_116 = arith.addi %scan3A_114, %scan3A_115 : i32
      %scan3A_117 = arith.constant 1 : i32
      scf.for %scan3A_146 = %scan3A_114 to %scan3A_116 step %scan3A_117  : i32 {
        %mul3A_147 = arith.constant 2 : i32
        %mul3A_148 = arith.muli %mul3A_147, %scan3A_146 : i32
        %mul3A_149 = arith.constant 80 : i32
        %mul3A_150 = arith.muli %mul3A_148, %mul3A_149 : i32
        %dma_wait3A_151 = tpu.memref_slice %arg12[%mul3A_150] : memref<10000xi32, #tpu.memory_space<vmem>> -> memref<80xi32, #tpu.memory_space<vmem>>
        %dma_wait3A_152 = arith.constant 0 : i32
        %dma_wait3A_153 = arith.constant 0 : i32
        %dma_wait3A_154 = tpu.memref_slice %arg7[%dma_wait3A_152, %dma_wait3A_153] : memref<10000x128xf32, #tpu.memory_space<hbm>> -> memref<10000x128xf32, #tpu.memory_space<hbm>>
        tpu.wait_indirect_dma semaphore(%arg17 : memref<!tpu.dma_semaphore, #tpu.memory_space<semaphore_mem>>) src(%dma_wait3A_154 : memref<10000x128xf32, #tpu.memory_space<hbm>>) dst(%arg14 : memref<80x128xf32, #tpu.memory_space<vmem>>)
        "tpu.region"() ({
          %run_scoped3A_176 = tpu.sem_alloc : memref<!tpu.dma_semaphore, #tpu.memory_space<semaphore_mem>>
          %dma_start3A_177 = arith.constant 0 : i32
          %dma_start3A_178 = tpu.memref_slice %arg13[%mul3A_148, %dma_start3A_177] : memref<125x80xi32, #tpu.memory_space<vmem>> -> memref<1x80xi32, #tpu.memory_space<vmem>>
          %dma_start3A_179 = tpu.memref_squeeze %dma_start3A_178 : memref<1x80xi32, #tpu.memory_space<vmem>> -> memref<80xi32, #tpu.memory_space<vmem>>
          %dma_start3A_180 = arith.constant 0 : i32
          %dma_start3A_181 = arith.constant 0 : i32
          %dma_start3A_182 = tpu.memref_slice %arg16[%dma_start3A_180, %dma_start3A_181] : memref<10000x128xf32, #tpu.memory_space<vmem_shared>> -> memref<10000x128xf32, #tpu.memory_space<vmem_shared>>
          tpu.enqueue_indirect_dma source(%arg14 : memref<80x128xf32, #tpu.memory_space<vmem>>) target(%dma_start3A_182 : memref<10000x128xf32, #tpu.memory_space<vmem_shared>>) offsets(%dma_start3A_179 : memref<80xi32, #tpu.memory_space<vmem>>) semaphore(%run_scoped3A_176 : memref<!tpu.dma_semaphore, #tpu.memory_space<semaphore_mem>>) {add = true}
          %dma_wait3A_183 = arith.constant 0 : i32
          %dma_wait3A_184 = tpu.memref_slice %arg13[%mul3A_148, %dma_wait3A_183] : memref<125x80xi32, #tpu.memory_space<vmem>> -> memref<1x80xi32, #tpu.memory_space<vmem>>
          %dma_wait3A_185 = tpu.memref_squeeze %dma_wait3A_184 : memref<1x80xi32, #tpu.memory_space<vmem>> -> memref<80xi32, #tpu.memory_space<vmem>>
          %dma_wait3A_186 = arith.constant 0 : i32
          %dma_wait3A_187 = arith.constant 0 : i32
          %dma_wait3A_188 = tpu.memref_slice %arg16[%dma_wait3A_186, %dma_wait3A_187] : memref<10000x128xf32, #tpu.memory_space<vmem_shared>> -> memref<10000x128xf32, #tpu.memory_space<vmem_shared>>
          tpu.wait_indirect_dma semaphore(%run_scoped3A_176 : memref<!tpu.dma_semaphore, #tpu.memory_space<semaphore_mem>>) src(%arg14 : memref<80x128xf32, #tpu.memory_space<vmem>>) dst(%dma_wait3A_188 : memref<10000x128xf32, #tpu.memory_space<vmem_shared>>)
          tpu.yield
        }) : () -> ()
        %add3A = arith.constant 2 : i32
        %add3A_155 = arith.addi %mul3A_148, %add3A : i32
        %mul3A_156 = arith.constant 80 : i32
        %mul3A_157 = arith.muli %add3A_155, %mul3A_156 : i32
        %dma_start3A_158 = tpu.memref_slice %arg12[%mul3A_157] : memref<10000xi32, #tpu.memory_space<vmem>> -> memref<80xi32, #tpu.memory_space<vmem>>
        %dma_start3A_159 = arith.constant 0 : i32
        %dma_start3A_160 = arith.constant 0 : i32
        %dma_start3A_161 = tpu.memref_slice %arg7[%dma_start3A_159, %dma_start3A_160] : memref<10000x128xf32, #tpu.memory_space<hbm>> -> memref<10000x128xf32, #tpu.memory_space<hbm>>
        tpu.enqueue_indirect_dma source(%dma_start3A_161 : memref<10000x128xf32, #tpu.memory_space<hbm>>) target(%arg14 : memref<80x128xf32, #tpu.memory_space<vmem>>) offsets(%dma_start3A_158 : memref<80xi32, #tpu.memory_space<vmem>>) semaphore(%arg17 : memref<!tpu.dma_semaphore, #tpu.memory_space<semaphore_mem>>)
        %add3A_162 = arith.constant 1 : i32
        %add3A_163 = arith.addi %mul3A_148, %add3A_162 : i32
        %mul3A_164 = arith.constant 80 : i32
        %mul3A_165 = arith.muli %add3A_163, %mul3A_164 : i32
        %dma_wait3A_166 = tpu.memref_slice %arg12[%mul3A_165] : memref<10000xi32, #tpu.memory_space<vmem>> -> memref<80xi32, #tpu.memory_space<vmem>>
        %dma_wait3A_167 = arith.constant 0 : i32
        %dma_wait3A_168 = arith.constant 0 : i32
        %dma_wait3A_169 = tpu.memref_slice %arg7[%dma_wait3A_167, %dma_wait3A_168] : memref<10000x128xf32, #tpu.memory_space<hbm>> -> memref<10000x128xf32, #tpu.memory_space<hbm>>
        tpu.wait_indirect_dma semaphore(%arg18 : memref<!tpu.dma_semaphore, #tpu.memory_space<semaphore_mem>>) src(%dma_wait3A_169 : memref<10000x128xf32, #tpu.memory_space<hbm>>) dst(%arg15 : memref<80x128xf32, #tpu.memory_space<vmem>>)
        %add3A_170 = arith.constant 1 : i32
        %add3A_171 = arith.addi %mul3A_148, %add3A_170 : i32
        "tpu.region"() ({
          %run_scoped3A_176 = tpu.sem_alloc : memref<!tpu.dma_semaphore, #tpu.memory_space<semaphore_mem>>
          %dma_start3A_177 = arith.constant 0 : i32
          %dma_start3A_178 = tpu.memref_slice %arg13[%add3A_171, %dma_start3A_177] : memref<125x80xi32, #tpu.memory_space<vmem>> -> memref<1x80xi32, #tpu.memory_space<vmem>>
          %dma_start3A_179 = tpu.memref_squeeze %dma_start3A_178 : memref<1x80xi32, #tpu.memory_space<vmem>> -> memref<80xi32, #tpu.memory_space<vmem>>
          %dma_start3A_180 = arith.constant 0 : i32
          %dma_start3A_181 = arith.constant 0 : i32
          %dma_start3A_182 = tpu.memref_slice %arg16[%dma_start3A_180, %dma_start3A_181] : memref<10000x128xf32, #tpu.memory_space<vmem_shared>> -> memref<10000x128xf32, #tpu.memory_space<vmem_shared>>
          tpu.enqueue_indirect_dma source(%arg15 : memref<80x128xf32, #tpu.memory_space<vmem>>) target(%dma_start3A_182 : memref<10000x128xf32, #tpu.memory_space<vmem_shared>>) offsets(%dma_start3A_179 : memref<80xi32, #tpu.memory_space<vmem>>) semaphore(%run_scoped3A_176 : memref<!tpu.dma_semaphore, #tpu.memory_space<semaphore_mem>>) {add = true}
          %dma_wait3A_183 = arith.constant 0 : i32
          %dma_wait3A_184 = tpu.memref_slice %arg13[%add3A_171, %dma_wait3A_183] : memref<125x80xi32, #tpu.memory_space<vmem>> -> memref<1x80xi32, #tpu.memory_space<vmem>>
          %dma_wait3A_185 = tpu.memref_squeeze %dma_wait3A_184 : memref<1x80xi32, #tpu.memory_space<vmem>> -> memref<80xi32, #tpu.memory_space<vmem>>
          %dma_wait3A_186 = arith.constant 0 : i32
          %dma_wait3A_187 = arith.constant 0 : i32
          %dma_wait3A_188 = tpu.memref_slice %arg16[%dma_wait3A_186, %dma_wait3A_187] : memref<10000x128xf32, #tpu.memory_space<vmem_shared>> -> memref<10000x128xf32, #tpu.memory_space<vmem_shared>>
          tpu.wait_indirect_dma semaphore(%run_scoped3A_176 : memref<!tpu.dma_semaphore, #tpu.memory_space<semaphore_mem>>) src(%arg15 : memref<80x128xf32, #tpu.memory_space<vmem>>) dst(%dma_wait3A_188 : memref<10000x128xf32, #tpu.memory_space<vmem_shared>>)
          tpu.yield
        }) : () -> ()
        %lt3A = arith.constant 61 : i32
        %lt3A_172 = arith.cmpi slt, %scan3A_146, %lt3A : i32
        %convert_element_type3A_173 = arith.extui %lt3A_172 : i1 to i32
        %cond3A_174 = arith.constant 0 : i32
        %cond3A_175 = arith.cmpi ne, %convert_element_type3A_173, %cond3A_174 : i32
        scf.if %cond3A_175 {
          %add3A_176 = arith.constant 3 : i32
          %add3A_177 = arith.addi %mul3A_148, %add3A_176 : i32
          %mul3A_178 = arith.constant 80 : i32
          %mul3A_179 = arith.muli %add3A_177, %mul3A_178 : i32
          %dma_start3A_180 = tpu.memref_slice %arg12[%mul3A_179] : memref<10000xi32, #tpu.memory_space<vmem>> -> memref<80xi32, #tpu.memory_space<vmem>>
          %dma_start3A_181 = arith.constant 0 : i32
          %dma_start3A_182 = arith.constant 0 : i32
          %dma_start3A_183 = tpu.memref_slice %arg7[%dma_start3A_181, %dma_start3A_182] : memref<10000x128xf32, #tpu.memory_space<hbm>> -> memref<10000x128xf32, #tpu.memory_space<hbm>>
          tpu.enqueue_indirect_dma source(%dma_start3A_183 : memref<10000x128xf32, #tpu.memory_space<hbm>>) target(%arg15 : memref<80x128xf32, #tpu.memory_space<vmem>>) offsets(%dma_start3A_180 : memref<80xi32, #tpu.memory_space<vmem>>) semaphore(%arg18 : memref<!tpu.dma_semaphore, #tpu.memory_space<semaphore_mem>>)
        } else {
        }
      }
      %scan3A_118 = arith.constant 62 : i32
      %dma_wait3A_119 = arith.constant 9920 : i32
      %dma_wait3A_120 = tpu.memref_slice %arg12[%dma_wait3A_119] : memref<10000xi32, #tpu.memory_space<vmem>> -> memref<80xi32, #tpu.memory_space<vmem>>
      %dma_wait3A_121 = arith.constant 0 : i32
      %dma_wait3A_122 = arith.constant 0 : i32
      %dma_wait3A_123 = tpu.memref_slice %arg7[%dma_wait3A_121, %dma_wait3A_122] : memref<10000x128xf32, #tpu.memory_space<hbm>> -> memref<10000x128xf32, #tpu.memory_space<hbm>>
      tpu.wait_indirect_dma semaphore(%arg17 : memref<!tpu.dma_semaphore, #tpu.memory_space<semaphore_mem>>) src(%dma_wait3A_123 : memref<10000x128xf32, #tpu.memory_space<hbm>>) dst(%arg14 : memref<80x128xf32, #tpu.memory_space<vmem>>)
      %run_scoped3A_124 = arith.constant 124 : i32
      "tpu.region"() ({
        %run_scoped3A_146 = tpu.sem_alloc : memref<!tpu.dma_semaphore, #tpu.memory_space<semaphore_mem>>
        %dma_start3A_147 = arith.constant 0 : i32
        %dma_start3A_148 = tpu.memref_slice %arg13[%run_scoped3A_124, %dma_start3A_147] : memref<125x80xi32, #tpu.memory_space<vmem>> -> memref<1x80xi32, #tpu.memory_space<vmem>>
        %dma_start3A_149 = tpu.memref_squeeze %dma_start3A_148 : memref<1x80xi32, #tpu.memory_space<vmem>> -> memref<80xi32, #tpu.memory_space<vmem>>
        %dma_start3A_150 = arith.constant 0 : i32
        %dma_start3A_151 = arith.constant 0 : i32
        %dma_start3A_152 = tpu.memref_slice %arg16[%dma_start3A_150, %dma_start3A_151] : memref<10000x128xf32, #tpu.memory_space<vmem_shared>> -> memref<10000x128xf32, #tpu.memory_space<vmem_shared>>
        tpu.enqueue_indirect_dma source(%arg14 : memref<80x128xf32, #tpu.memory_space<vmem>>) target(%dma_start3A_152 : memref<10000x128xf32, #tpu.memory_space<vmem_shared>>) offsets(%dma_start3A_149 : memref<80xi32, #tpu.memory_space<vmem>>) semaphore(%run_scoped3A_146 : memref<!tpu.dma_semaphore, #tpu.memory_space<semaphore_mem>>) {add = true}
        %dma_wait3A_153 = arith.constant 0 : i32
        %dma_wait3A_154 = tpu.memref_slice %arg13[%run_scoped3A_124, %dma_wait3A_153] : memref<125x80xi32, #tpu.memory_space<vmem>> -> memref<1x80xi32, #tpu.memory_space<vmem>>
        %dma_wait3A_155 = tpu.memref_squeeze %dma_wait3A_154 : memref<1x80xi32, #tpu.memory_space<vmem>> -> memref<80xi32, #tpu.memory_space<vmem>>
        %dma_wait3A_156 = arith.constant 0 : i32
        %dma_wait3A_157 = arith.constant 0 : i32
        %dma_wait3A_158 = tpu.memref_slice %arg16[%dma_wait3A_156, %dma_wait3A_157] : memref<10000x128xf32, #tpu.memory_space<vmem_shared>> -> memref<10000x128xf32, #tpu.memory_space<vmem_shared>>
        tpu.wait_indirect_dma semaphore(%run_scoped3A_146 : memref<!tpu.dma_semaphore, #tpu.memory_space<semaphore_mem>>) src(%arg14 : memref<80x128xf32, #tpu.memory_space<vmem>>) dst(%dma_wait3A_158 : memref<10000x128xf32, #tpu.memory_space<vmem_shared>>)
        tpu.yield
      }) : () -> ()
      %barrier3A_125 = arith.constant 0 : index
      tpu.barrier barrier_id(%barrier3A_125)
      %while3A_126 = arith.constant 0 : i32
      %while3A_127 = arith.constant 0 : i32
      %while3A_128 = arith.subi %select_n3A, %while3A_127 : i32
      %while3A_129 = arith.addi %while3A_127, %while3A_128 : i32
      %while3A_130 = arith.constant 1 : i32
      %while3A_131 = arith.divsi %while3A_128, %while3A_130 : i32
      %while3A_132 = arith.muli %while3A_131, %while3A_130 : i32
      %while3A_133 = arith.addi %while3A_127, %while3A_132 : i32
      %while3A_134 = arith.constant 1 : i32
      scf.for %while3A_146 = %while3A_127 to %while3A_133 step %while3A_134  : i32 {
        %mul3A_147 = arith.constant 80 : i32
        %mul3A_148 = arith.muli %while3A_146, %mul3A_147 : i32
        %add3A = arith.addi %mul3A_0, %mul3A_148 : i32
        %mul3A_149 = arith.constant 80 : i32
        %mul3A_150 = arith.muli %while3A_146, %mul3A_149 : i32
        %add3A_151 = arith.addi %mul3A_0, %mul3A_150 : i32
        %dma_start3A_152 = arith.constant 0 : i32
        %dma_start3A_153 = tpu.memref_slice %arg11[%add3A_151, %dma_start3A_152] : memref<10000x128xf32, #tpu.memory_space<hbm>> -> memref<80x128xf32, #tpu.memory_space<hbm>>
        %dma_start3A_154 = arith.constant 0 : i32
        %dma_start3A_155 = tpu.memref_slice %arg16[%add3A, %dma_start3A_154] : memref<10000x128xf32, #tpu.memory_space<vmem_shared>> -> memref<80x128xf32, #tpu.memory_space<vmem_shared>>
        tpu.enqueue_dma source(%dma_start3A_155 : memref<80x128xf32, #tpu.memory_space<vmem_shared>>) target(%dma_start3A_153 : memref<80x128xf32, #tpu.memory_space<hbm>>) target_semaphore(%arg17 : memref<!tpu.dma_semaphore, #tpu.memory_space<semaphore_mem>>)
      }
      %while3A_135 = arith.constant 1 : i32
      scf.for %while3A_146 = %while3A_133 to %while3A_129 step %while3A_135  : i32 {
        %mul3A_147 = arith.constant 80 : i32
        %mul3A_148 = arith.muli %while3A_146, %mul3A_147 : i32
        %add3A = arith.addi %mul3A_0, %mul3A_148 : i32
        %mul3A_149 = arith.constant 80 : i32
        %mul3A_150 = arith.muli %while3A_146, %mul3A_149 : i32
        %add3A_151 = arith.addi %mul3A_0, %mul3A_150 : i32
        %dma_start3A_152 = arith.constant 0 : i32
        %dma_start3A_153 = tpu.memref_slice %arg11[%add3A_151, %dma_start3A_152] : memref<10000x128xf32, #tpu.memory_space<hbm>> -> memref<80x128xf32, #tpu.memory_space<hbm>>
        %dma_start3A_154 = arith.constant 0 : i32
        %dma_start3A_155 = tpu.memref_slice %arg16[%add3A, %dma_start3A_154] : memref<10000x128xf32, #tpu.memory_space<vmem_shared>> -> memref<80x128xf32, #tpu.memory_space<vmem_shared>>
        tpu.enqueue_dma source(%dma_start3A_155 : memref<80x128xf32, #tpu.memory_space<vmem_shared>>) target(%dma_start3A_153 : memref<80x128xf32, #tpu.memory_space<hbm>>) target_semaphore(%arg17 : memref<!tpu.dma_semaphore, #tpu.memory_space<semaphore_mem>>)
      }
      %while3A_136 = arith.constant 0 : i32
      %while3A_137 = arith.constant 0 : i32
      %while3A_138 = arith.subi %select_n3A, %while3A_137 : i32
      %while3A_139 = arith.addi %while3A_137, %while3A_138 : i32
      %while3A_140 = arith.constant 1 : i32
      %while3A_141 = arith.divsi %while3A_138, %while3A_140 : i32
      %while3A_142 = arith.muli %while3A_141, %while3A_140 : i32
      %while3A_143 = arith.addi %while3A_137, %while3A_142 : i32
      %while3A_144 = arith.constant 1 : i32
      scf.for %while3A_146 = %while3A_137 to %while3A_143 step %while3A_144  : i32 {
        %mul3A_147 = arith.constant 80 : i32
        %mul3A_148 = arith.muli %while3A_146, %mul3A_147 : i32
        %add3A = arith.addi %mul3A_0, %mul3A_148 : i32
        %mul3A_149 = arith.constant 80 : i32
        %mul3A_150 = arith.muli %while3A_146, %mul3A_149 : i32
        %add3A_151 = arith.addi %mul3A_0, %mul3A_150 : i32
        %dma_wait3A_152 = arith.constant 0 : i32
        %dma_wait3A_153 = tpu.memref_slice %arg11[%add3A_151, %dma_wait3A_152] : memref<10000x128xf32, #tpu.memory_space<hbm>> -> memref<80x128xf32, #tpu.memory_space<hbm>>
        %dma_wait3A_154 = arith.constant 0 : i32
        %dma_wait3A_155 = tpu.memref_slice %arg16[%add3A, %dma_wait3A_154] : memref<10000x128xf32, #tpu.memory_space<vmem_shared>> -> memref<80x128xf32, #tpu.memory_space<vmem_shared>>
        tpu.wait_dma2 semaphore(%arg17 : memref<!tpu.dma_semaphore, #tpu.memory_space<semaphore_mem>>) src(%dma_wait3A_155 : memref<80x128xf32, #tpu.memory_space<vmem_shared>>) dst(%dma_wait3A_153 : memref<80x128xf32, #tpu.memory_space<hbm>>)
      }
      %while3A_145 = arith.constant 1 : i32
      scf.for %while3A_146 = %while3A_143 to %while3A_139 step %while3A_145  : i32 {
        %mul3A_147 = arith.constant 80 : i32
        %mul3A_148 = arith.muli %while3A_146, %mul3A_147 : i32
        %add3A = arith.addi %mul3A_0, %mul3A_148 : i32
        %mul3A_149 = arith.constant 80 : i32
        %mul3A_150 = arith.muli %while3A_146, %mul3A_149 : i32
        %add3A_151 = arith.addi %mul3A_0, %mul3A_150 : i32
        %dma_wait3A_152 = arith.constant 0 : i32
        %dma_wait3A_153 = tpu.memref_slice %arg11[%add3A_151, %dma_wait3A_152] : memref<10000x128xf32, #tpu.memory_space<hbm>> -> memref<80x128xf32, #tpu.memory_space<hbm>>
        %dma_wait3A_154 = arith.constant 0 : i32
        %dma_wait3A_155 = tpu.memref_slice %arg16[%add3A, %dma_wait3A_154] : memref<10000x128xf32, #tpu.memory_space<vmem_shared>> -> memref<80x128xf32, #tpu.memory_space<vmem_shared>>
        tpu.wait_dma2 semaphore(%arg17 : memref<!tpu.dma_semaphore, #tpu.memory_space<semaphore_mem>>) src(%dma_wait3A_155 : memref<80x128xf32, #tpu.memory_space<vmem_shared>>) dst(%dma_wait3A_153 : memref<80x128xf32, #tpu.memory_space<hbm>>)
      }
    } else {
    }
    return
  }
}

module attributes {stable_mosaic.version = 14 : i64} {
  func.func @body(%arg0: i32, %arg1: memref<1000x256xf32, #tpu.memory_space<vmem>>, %arg2: memref<1000x256xf32, #tpu.memory_space<vmem>>, %arg3: memref<256x256xf32, #tpu.memory_space<vmem>>, %arg4: memref<256x256xf32, #tpu.memory_space<vmem>>, %arg5: memref<1000x2xf32, #tpu.memory_space<vmem>>, %arg6: memref<1000x128xf32, #tpu.memory_space<vmem>>, %arg7: memref<1000x128xf32, #tpu.memory_space<vmem>>, %arg8: memref<1000x128xf32, #tpu.memory_space<vmem>>, %arg9: memref<1000x128xf32, #tpu.memory_space<vmem>>) attributes {dimension_semantics = [#tpu.dimension_semantics<arbitrary>], iteration_bounds = array<i64: 10>, scalar_prefetch = 0 : i64, scratch_operands = 0 : i64, tpu.core_type = #tpu.core_type<tc>, window_params = [{transform_indices = @transform_0, window_bounds = array<i64: 1000, 256>}, {transform_indices = @transform_1, window_bounds = array<i64: 1000, 256>}, {pipeline_mode = #tpu.pipeline_mode<synchronous>, transform_indices = @transform_2, window_bounds = array<i64: 256, 256>}, {pipeline_mode = #tpu.pipeline_mode<synchronous>, transform_indices = @transform_3, window_bounds = array<i64: 256, 256>}, {transform_indices = @transform_4, window_bounds = array<i64: 1000, 2>}, {transform_indices = @transform_5, window_bounds = array<i64: 1000, 128>}, {transform_indices = @transform_6, window_bounds = array<i64: 1000, 128>}, {transform_indices = @transform_7, window_bounds = array<i64: 1000, 128>}, {transform_indices = @transform_8, window_bounds = array<i64: 1000, 128>}]} {
    %get3A = arith.constant 0 : index
    %get3A_0 = arith.constant 0 : index
    %get3A_1 = vector.load %arg5[%get3A, %get3A_0] : memref<1000x2xf32, #tpu.memory_space<vmem>>, vector<1000x2xf32>
    %slice3A = vector.extract_strided_slice %get3A_1 {offsets = [0, 0], sizes = [1000, 1], strides = [1, 1]} : vector<1000x2xf32> to vector<1000x1xf32>
    %max3A = arith.constant 1.000000e+00 : f32
    %max3A_2 = vector.broadcast %max3A : f32 to vector<1000x1xf32>
    %max3A_3 = arith.maximumf %slice3A, %max3A_2 : vector<1000x1xf32>
    %rsqrt3A = math.rsqrt %max3A_3 : vector<1000x1xf32>
    %get3A_4 = arith.constant 0 : index
    %get3A_5 = arith.constant 0 : index
    %get3A_6 = vector.load %arg1[%get3A_4, %get3A_5] : memref<1000x256xf32, #tpu.memory_space<vmem>>, vector<1000x256xf32>
    %get3A_7 = arith.constant 0 : index
    %get3A_8 = arith.constant 0 : index
    %get3A_9 = vector.load %arg3[%get3A_7, %get3A_8] : memref<256x256xf32, #tpu.memory_space<vmem>>, vector<256x256xf32>
    %dot_general3A = arith.constant dense<0.000000e+00> : vector<1000x256xf32>
    %dot_general3A_10 = tpu.matmul %get3A_6, %get3A_9, %dot_general3A {dimension_numbers = #tpu.dot_dimension_numbers<[1], [0], [0], [1], [0, 0, 1, 1], [], []>, transpose_lhs_hint = false} : vector<1000x256xf32>, vector<256x256xf32>, vector<1000x256xf32> -> vector<1000x256xf32>
    %mul3A = vector.broadcast %rsqrt3A : vector<1000x1xf32> to vector<1000x256xf32>
    %mul3A_11 = arith.mulf %dot_general3A_10, %mul3A : vector<1000x256xf32>
    %get3A_12 = arith.constant 0 : index
    %get3A_13 = arith.constant 0 : index
    %get3A_14 = vector.load %arg2[%get3A_12, %get3A_13] : memref<1000x256xf32, #tpu.memory_space<vmem>>, vector<1000x256xf32>
    %get3A_15 = arith.constant 0 : index
    %get3A_16 = arith.constant 0 : index
    %get3A_17 = vector.load %arg4[%get3A_15, %get3A_16] : memref<256x256xf32, #tpu.memory_space<vmem>>, vector<256x256xf32>
    %dot_general3A_18 = arith.constant dense<0.000000e+00> : vector<1000x256xf32>
    %dot_general3A_19 = tpu.matmul %get3A_14, %get3A_17, %dot_general3A_18 {dimension_numbers = #tpu.dot_dimension_numbers<[1], [0], [0], [1], [0, 0, 1, 1], [], []>, transpose_lhs_hint = false} : vector<1000x256xf32>, vector<256x256xf32>, vector<1000x256xf32> -> vector<1000x256xf32>
    %mul3A_20 = vector.broadcast %rsqrt3A : vector<1000x1xf32> to vector<1000x256xf32>
    %mul3A_21 = arith.mulf %dot_general3A_19, %mul3A_20 : vector<1000x256xf32>
    %concatenate3A = tpu.concatenate %mul3A_11, %mul3A_21 in 1 : vector<1000x256xf32>, vector<1000x256xf32> -> vector<1000x512xf32>
    %slice3A_22 = vector.extract_strided_slice %concatenate3A {offsets = [0, 0], sizes = [1000, 128], strides = [1, 1]} : vector<1000x512xf32> to vector<1000x128xf32>
    %swap3A = arith.constant 0 : index
    %swap3A_23 = arith.constant 0 : index
    %swap3A_24 = vector.load %arg6[%swap3A, %swap3A_23] : memref<1000x128xf32, #tpu.memory_space<vmem>>, vector<1000x128xf32>
    tpu.vector_store %arg6[%swap3A, %swap3A_23], %slice3A_22 {strides = array<i32>} : memref<1000x128xf32, #tpu.memory_space<vmem>>, vector<1000x128xf32>,
    %slice3A_25 = vector.extract_strided_slice %concatenate3A {offsets = [0, 128], sizes = [1000, 128], strides = [1, 1]} : vector<1000x512xf32> to vector<1000x128xf32>
    %swap3A_26 = arith.constant 0 : index
    %swap3A_27 = arith.constant 0 : index
    %swap3A_28 = vector.load %arg7[%swap3A_26, %swap3A_27] : memref<1000x128xf32, #tpu.memory_space<vmem>>, vector<1000x128xf32>
    tpu.vector_store %arg7[%swap3A_26, %swap3A_27], %slice3A_25 {strides = array<i32>} : memref<1000x128xf32, #tpu.memory_space<vmem>>, vector<1000x128xf32>,
    %slice3A_29 = vector.extract_strided_slice %concatenate3A {offsets = [0, 256], sizes = [1000, 128], strides = [1, 1]} : vector<1000x512xf32> to vector<1000x128xf32>
    %swap3A_30 = arith.constant 0 : index
    %swap3A_31 = arith.constant 0 : index
    %swap3A_32 = vector.load %arg8[%swap3A_30, %swap3A_31] : memref<1000x128xf32, #tpu.memory_space<vmem>>, vector<1000x128xf32>
    tpu.vector_store %arg8[%swap3A_30, %swap3A_31], %slice3A_29 {strides = array<i32>} : memref<1000x128xf32, #tpu.memory_space<vmem>>, vector<1000x128xf32>,
    %slice3A_33 = vector.extract_strided_slice %concatenate3A {offsets = [0, 384], sizes = [1000, 128], strides = [1, 1]} : vector<1000x512xf32> to vector<1000x128xf32>
    %swap3A_34 = arith.constant 0 : index
    %swap3A_35 = arith.constant 0 : index
    %swap3A_36 = vector.load %arg9[%swap3A_34, %swap3A_35] : memref<1000x128xf32, #tpu.memory_space<vmem>>, vector<1000x128xf32>
    tpu.vector_store %arg9[%swap3A_34, %swap3A_35], %slice3A_33 {strides = array<i32>} : memref<1000x128xf32, #tpu.memory_space<vmem>>, vector<1000x128xf32>,
    return
  }
  func.func @transform_0(%arg0: i32) -> (i32, i32) {
    %c0_i32 = arith.constant 0 : i32
    %c0_i32_0 = arith.constant 0 : i32
    return %arg0, %c0_i32 : i32, i32
  }
  func.func @transform_1(%arg0: i32) -> (i32, i32) {
    %c0_i32 = arith.constant 0 : i32
    %c0_i32_0 = arith.constant 0 : i32
    return %arg0, %c0_i32 : i32, i32
  }
  func.func @transform_2(%arg0: i32) -> (i32, i32) {
    %c0_i32 = arith.constant 0 : i32
    %c0_i32_0 = arith.constant 0 : i32
    %c0_i32_1 = arith.constant 0 : i32
    return %c0_i32, %c0_i32_0 : i32, i32
  }
  func.func @transform_3(%arg0: i32) -> (i32, i32) {
    %c0_i32 = arith.constant 0 : i32
    %c0_i32_0 = arith.constant 0 : i32
    %c0_i32_1 = arith.constant 0 : i32
    return %c0_i32, %c0_i32_0 : i32, i32
  }
  func.func @transform_4(%arg0: i32) -> (i32, i32) {
    %c0_i32 = arith.constant 0 : i32
    %c0_i32_0 = arith.constant 0 : i32
    return %arg0, %c0_i32 : i32, i32
  }
  func.func @transform_5(%arg0: i32) -> (i32, i32) {
    %c0_i32 = arith.constant 0 : i32
    %c0_i32_0 = arith.constant 0 : i32
    return %arg0, %c0_i32 : i32, i32
  }
  func.func @transform_6(%arg0: i32) -> (i32, i32) {
    %c0_i32 = arith.constant 0 : i32
    %c0_i32_0 = arith.constant 0 : i32
    return %arg0, %c0_i32 : i32, i32
  }
  func.func @transform_7(%arg0: i32) -> (i32, i32) {
    %c0_i32 = arith.constant 0 : i32
    %c0_i32_0 = arith.constant 0 : i32
    return %arg0, %c0_i32 : i32, i32
  }
  func.func @transform_8(%arg0: i32) -> (i32, i32) {
    %c0_i32 = arith.constant 0 : i32
    %c0_i32_0 = arith.constant 0 : i32
    return %arg0, %c0_i32 : i32, i32
  }
}

module attributes {stable_mosaic.version = 14 : i64} {
  func.func @body(%arg0: i32, %arg1: memref<1000x128xf32, #tpu.memory_space<vmem>>, %arg2: memref<1000x128xf32, #tpu.memory_space<vmem>>, %arg3: memref<1000x128xf32, #tpu.memory_space<vmem>>, %arg4: memref<1000x128xf32, #tpu.memory_space<vmem>>, %arg5: memref<1000x2xf32, #tpu.memory_space<vmem>>, %arg6: memref<256x256xf32, #tpu.memory_space<vmem>>, %arg7: memref<256x256xf32, #tpu.memory_space<vmem>>, %arg8: memref<1x256xf32, #tpu.memory_space<vmem>>, %arg9: memref<1x256xf32, #tpu.memory_space<vmem>>, %arg10: memref<1000x128xf32, #tpu.memory_space<vmem>>, %arg11: memref<1000x128xf32, #tpu.memory_space<vmem>>, %arg12: memref<1000x128xf32, #tpu.memory_space<vmem>>, %arg13: memref<1000x128xf32, #tpu.memory_space<vmem>>) attributes {dimension_semantics = [#tpu.dimension_semantics<arbitrary>], iteration_bounds = array<i64: 10>, scalar_prefetch = 0 : i64, scratch_operands = 0 : i64, tpu.core_type = #tpu.core_type<tc>, window_params = [{transform_indices = @transform_0, window_bounds = array<i64: 1000, 128>}, {transform_indices = @transform_1, window_bounds = array<i64: 1000, 128>}, {transform_indices = @transform_2, window_bounds = array<i64: 1000, 128>}, {transform_indices = @transform_3, window_bounds = array<i64: 1000, 128>}, {transform_indices = @transform_4, window_bounds = array<i64: 1000, 2>}, {pipeline_mode = #tpu.pipeline_mode<synchronous>, transform_indices = @transform_5, window_bounds = array<i64: 256, 256>}, {pipeline_mode = #tpu.pipeline_mode<synchronous>, transform_indices = @transform_6, window_bounds = array<i64: 256, 256>}, {pipeline_mode = #tpu.pipeline_mode<synchronous>, transform_indices = @transform_7, window_bounds = array<i64: 1, 256>}, {pipeline_mode = #tpu.pipeline_mode<synchronous>, transform_indices = @transform_8, window_bounds = array<i64: 1, 256>}, {transform_indices = @transform_9, window_bounds = array<i64: 1000, 128>}, {transform_indices = @transform_10, window_bounds = array<i64: 1000, 128>}, {transform_indices = @transform_11, window_bounds = array<i64: 1000, 128>}, {transform_indices = @transform_12, window_bounds = array<i64: 1000, 128>}]} {
    %get3A = arith.constant 0 : index
    %get3A_0 = arith.constant 0 : index
    %get3A_1 = vector.load %arg5[%get3A, %get3A_0] : memref<1000x2xf32, #tpu.memory_space<vmem>>, vector<1000x2xf32>
    %slice3A = vector.extract_strided_slice %get3A_1 {offsets = [0, 0], sizes = [1000, 1], strides = [1, 1]} : vector<1000x2xf32> to vector<1000x1xf32>
    %max3A = arith.constant 1.000000e+00 : f32
    %max3A_2 = vector.broadcast %max3A : f32 to vector<1000x1xf32>
    %max3A_3 = arith.maximumf %slice3A, %max3A_2 : vector<1000x1xf32>
    %rsqrt3A = math.rsqrt %max3A_3 : vector<1000x1xf32>
    %slice3A_4 = vector.extract_strided_slice %get3A_1 {offsets = [0, 1], sizes = [1000, 1], strides = [1, 1]} : vector<1000x2xf32> to vector<1000x1xf32>
    %max3A_5 = arith.constant 1.000000e+00 : f32
    %max3A_6 = vector.broadcast %max3A_5 : f32 to vector<1000x1xf32>
    %max3A_7 = arith.maximumf %slice3A_4, %max3A_6 : vector<1000x1xf32>
    %rsqrt3A_8 = math.rsqrt %max3A_7 : vector<1000x1xf32>
    %get3A_9 = arith.constant 0 : index
    %get3A_10 = arith.constant 0 : index
    %get3A_11 = vector.load %arg1[%get3A_9, %get3A_10] : memref<1000x128xf32, #tpu.memory_space<vmem>>, vector<1000x128xf32>
    %get3A_12 = arith.constant 0 : index
    %get3A_13 = arith.constant 0 : index
    %get3A_14 = vector.load %arg2[%get3A_12, %get3A_13] : memref<1000x128xf32, #tpu.memory_space<vmem>>, vector<1000x128xf32>
    %concatenate3A = tpu.concatenate %get3A_11, %get3A_14 in 1 : vector<1000x128xf32>, vector<1000x128xf32> -> vector<1000x256xf32>
    %mul3A = vector.broadcast %rsqrt3A_8 : vector<1000x1xf32> to vector<1000x256xf32>
    %mul3A_15 = arith.mulf %concatenate3A, %mul3A : vector<1000x256xf32>
    %get3A_16 = arith.constant 0 : index
    %get3A_17 = arith.constant 0 : index
    %get3A_18 = vector.load %arg8[%get3A_16, %get3A_17] : memref<1x256xf32, #tpu.memory_space<vmem>>, vector<1x256xf32>
    %add3A = vector.broadcast %get3A_18 : vector<1x256xf32> to vector<1000x256xf32>
    %add3A_19 = arith.addf %mul3A_15, %add3A : vector<1000x256xf32>
    %get3A_20 = arith.constant 0 : index
    %get3A_21 = arith.constant 0 : index
    %get3A_22 = vector.load %arg3[%get3A_20, %get3A_21] : memref<1000x128xf32, #tpu.memory_space<vmem>>, vector<1000x128xf32>
    %get3A_23 = arith.constant 0 : index
    %get3A_24 = arith.constant 0 : index
    %get3A_25 = vector.load %arg4[%get3A_23, %get3A_24] : memref<1000x128xf32, #tpu.memory_space<vmem>>, vector<1000x128xf32>
    %concatenate3A_26 = tpu.concatenate %get3A_22, %get3A_25 in 1 : vector<1000x128xf32>, vector<1000x128xf32> -> vector<1000x256xf32>
    %mul3A_27 = vector.broadcast %rsqrt3A_8 : vector<1000x1xf32> to vector<1000x256xf32>
    %mul3A_28 = arith.mulf %concatenate3A_26, %mul3A_27 : vector<1000x256xf32>
    %get3A_29 = arith.constant 0 : index
    %get3A_30 = arith.constant 0 : index
    %get3A_31 = vector.load %arg9[%get3A_29, %get3A_30] : memref<1x256xf32, #tpu.memory_space<vmem>>, vector<1x256xf32>
    %add3A_32 = vector.broadcast %get3A_31 : vector<1x256xf32> to vector<1000x256xf32>
    %add3A_33 = arith.addf %mul3A_28, %add3A_32 : vector<1000x256xf32>
    %max3A_34 = arith.constant 0.000000e+00 : f32
    %max3A_35 = vector.broadcast %max3A_34 : f32 to vector<1000x256xf32>
    %max3A_36 = arith.maximumf %add3A_33, %max3A_35 : vector<1000x256xf32>
    %get3A_37 = arith.constant 0 : index
    %get3A_38 = arith.constant 0 : index
    %get3A_39 = vector.load %arg6[%get3A_37, %get3A_38] : memref<256x256xf32, #tpu.memory_space<vmem>>, vector<256x256xf32>
    %dot_general3A = arith.constant dense<0.000000e+00> : vector<1000x256xf32>
    %dot_general3A_40 = tpu.matmul %add3A_19, %get3A_39, %dot_general3A {dimension_numbers = #tpu.dot_dimension_numbers<[1], [0], [0], [1], [0, 0, 1, 1], [], []>, transpose_lhs_hint = false} : vector<1000x256xf32>, vector<256x256xf32>, vector<1000x256xf32> -> vector<1000x256xf32>
    %mul3A_41 = vector.broadcast %rsqrt3A : vector<1000x1xf32> to vector<1000x256xf32>
    %mul3A_42 = arith.mulf %dot_general3A_40, %mul3A_41 : vector<1000x256xf32>
    %get3A_43 = arith.constant 0 : index
    %get3A_44 = arith.constant 0 : index
    %get3A_45 = vector.load %arg7[%get3A_43, %get3A_44] : memref<256x256xf32, #tpu.memory_space<vmem>>, vector<256x256xf32>
    %dot_general3A_46 = arith.constant dense<0.000000e+00> : vector<1000x256xf32>
    %dot_general3A_47 = tpu.matmul %max3A_36, %get3A_45, %dot_general3A_46 {dimension_numbers = #tpu.dot_dimension_numbers<[1], [0], [0], [1], [0, 0, 1, 1], [], []>, transpose_lhs_hint = false} : vector<1000x256xf32>, vector<256x256xf32>, vector<1000x256xf32> -> vector<1000x256xf32>
    %mul3A_48 = vector.broadcast %rsqrt3A : vector<1000x1xf32> to vector<1000x256xf32>
    %mul3A_49 = arith.mulf %dot_general3A_47, %mul3A_48 : vector<1000x256xf32>
    %concatenate3A_50 = tpu.concatenate %mul3A_42, %mul3A_49 in 1 : vector<1000x256xf32>, vector<1000x256xf32> -> vector<1000x512xf32>
    %slice3A_51 = vector.extract_strided_slice %concatenate3A_50 {offsets = [0, 0], sizes = [1000, 128], strides = [1, 1]} : vector<1000x512xf32> to vector<1000x128xf32>
    %swap3A = arith.constant 0 : index
    %swap3A_52 = arith.constant 0 : index
    %swap3A_53 = vector.load %arg10[%swap3A, %swap3A_52] : memref<1000x128xf32, #tpu.memory_space<vmem>>, vector<1000x128xf32>
    tpu.vector_store %arg10[%swap3A, %swap3A_52], %slice3A_51 {strides = array<i32>} : memref<1000x128xf32, #tpu.memory_space<vmem>>, vector<1000x128xf32>,
    %slice3A_54 = vector.extract_strided_slice %concatenate3A_50 {offsets = [0, 128], sizes = [1000, 128], strides = [1, 1]} : vector<1000x512xf32> to vector<1000x128xf32>
    %swap3A_55 = arith.constant 0 : index
    %swap3A_56 = arith.constant 0 : index
    %swap3A_57 = vector.load %arg11[%swap3A_55, %swap3A_56] : memref<1000x128xf32, #tpu.memory_space<vmem>>, vector<1000x128xf32>
    tpu.vector_store %arg11[%swap3A_55, %swap3A_56], %slice3A_54 {strides = array<i32>} : memref<1000x128xf32, #tpu.memory_space<vmem>>, vector<1000x128xf32>,
    %slice3A_58 = vector.extract_strided_slice %concatenate3A_50 {offsets = [0, 256], sizes = [1000, 128], strides = [1, 1]} : vector<1000x512xf32> to vector<1000x128xf32>
    %swap3A_59 = arith.constant 0 : index
    %swap3A_60 = arith.constant 0 : index
    %swap3A_61 = vector.load %arg12[%swap3A_59, %swap3A_60] : memref<1000x128xf32, #tpu.memory_space<vmem>>, vector<1000x128xf32>
    tpu.vector_store %arg12[%swap3A_59, %swap3A_60], %slice3A_58 {strides = array<i32>} : memref<1000x128xf32, #tpu.memory_space<vmem>>, vector<1000x128xf32>,
    %slice3A_62 = vector.extract_strided_slice %concatenate3A_50 {offsets = [0, 384], sizes = [1000, 128], strides = [1, 1]} : vector<1000x512xf32> to vector<1000x128xf32>
    %swap3A_63 = arith.constant 0 : index
    %swap3A_64 = arith.constant 0 : index
    %swap3A_65 = vector.load %arg13[%swap3A_63, %swap3A_64] : memref<1000x128xf32, #tpu.memory_space<vmem>>, vector<1000x128xf32>
    tpu.vector_store %arg13[%swap3A_63, %swap3A_64], %slice3A_62 {strides = array<i32>} : memref<1000x128xf32, #tpu.memory_space<vmem>>, vector<1000x128xf32>,
    return
  }
  func.func @transform_0(%arg0: i32) -> (i32, i32) {
    %c0_i32 = arith.constant 0 : i32
    %c0_i32_0 = arith.constant 0 : i32
    return %arg0, %c0_i32 : i32, i32
  }
  func.func @transform_1(%arg0: i32) -> (i32, i32) {
    %c0_i32 = arith.constant 0 : i32
    %c0_i32_0 = arith.constant 0 : i32
    return %arg0, %c0_i32 : i32, i32
  }
  func.func @transform_2(%arg0: i32) -> (i32, i32) {
    %c0_i32 = arith.constant 0 : i32
    %c0_i32_0 = arith.constant 0 : i32
    return %arg0, %c0_i32 : i32, i32
  }
  func.func @transform_3(%arg0: i32) -> (i32, i32) {
    %c0_i32 = arith.constant 0 : i32
    %c0_i32_0 = arith.constant 0 : i32
    return %arg0, %c0_i32 : i32, i32
  }
  func.func @transform_4(%arg0: i32) -> (i32, i32) {
    %c0_i32 = arith.constant 0 : i32
    %c0_i32_0 = arith.constant 0 : i32
    return %arg0, %c0_i32 : i32, i32
  }
  func.func @transform_5(%arg0: i32) -> (i32, i32) {
    %c0_i32 = arith.constant 0 : i32
    %c0_i32_0 = arith.constant 0 : i32
    %c0_i32_1 = arith.constant 0 : i32
    return %c0_i32, %c0_i32_0 : i32, i32
  }
  func.func @transform_6(%arg0: i32) -> (i32, i32) {
    %c0_i32 = arith.constant 0 : i32
    %c0_i32_0 = arith.constant 0 : i32
    %c0_i32_1 = arith.constant 0 : i32
    return %c0_i32, %c0_i32_0 : i32, i32
  }
  func.func @transform_7(%arg0: i32) -> (i32, i32) {
    %c0_i32 = arith.constant 0 : i32
    %c0_i32_0 = arith.constant 0 : i32
    %c0_i32_1 = arith.constant 0 : i32
    return %c0_i32, %c0_i32_0 : i32, i32
  }
  func.func @transform_8(%arg0: i32) -> (i32, i32) {
    %c0_i32 = arith.constant 0 : i32
    %c0_i32_0 = arith.constant 0 : i32
    %c0_i32_1 = arith.constant 0 : i32
    return %c0_i32, %c0_i32_0 : i32, i32
  }
  func.func @transform_9(%arg0: i32) -> (i32, i32) {
    %c0_i32 = arith.constant 0 : i32
    %c0_i32_0 = arith.constant 0 : i32
    return %arg0, %c0_i32 : i32, i32
  }
  func.func @transform_10(%arg0: i32) -> (i32, i32) {
    %c0_i32 = arith.constant 0 : i32
    %c0_i32_0 = arith.constant 0 : i32
    return %arg0, %c0_i32 : i32, i32
  }
  func.func @transform_11(%arg0: i32) -> (i32, i32) {
    %c0_i32 = arith.constant 0 : i32
    %c0_i32_0 = arith.constant 0 : i32
    return %arg0, %c0_i32 : i32, i32
  }
  func.func @transform_12(%arg0: i32) -> (i32, i32) {
    %c0_i32 = arith.constant 0 : i32
    %c0_i32_0 = arith.constant 0 : i32
    return %arg0, %c0_i32 : i32, i32
  }
}

module attributes {stable_mosaic.version = 14 : i64} {
  func.func @body(%arg0: i32, %arg1: memref<1000x128xf32, #tpu.memory_space<vmem>>, %arg2: memref<1000x128xf32, #tpu.memory_space<vmem>>, %arg3: memref<1000x128xf32, #tpu.memory_space<vmem>>, %arg4: memref<1000x128xf32, #tpu.memory_space<vmem>>, %arg5: memref<1000x2xf32, #tpu.memory_space<vmem>>, %arg6: memref<1x256xf32, #tpu.memory_space<vmem>>, %arg7: memref<1x256xf32, #tpu.memory_space<vmem>>, %arg8: memref<512x256xf32, #tpu.memory_space<vmem>>, %arg9: memref<1x256xf32, #tpu.memory_space<vmem>>, %arg10: memref<1x256xf32, #tpu.memory_space<vmem>>, %arg11: memref<1x256xf32, #tpu.memory_space<vmem>>, %arg12: memref<256x256xf32, #tpu.memory_space<vmem>>, %arg13: memref<1x256xf32, #tpu.memory_space<vmem>>, %arg14: memref<10000x256xf32, #tpu.memory_space<vmem>>, %arg15: memref<10000x256xf32, #tpu.memory_space<vmem>>, %arg16: memref<2x256xf32, #tpu.memory_space<vmem>>) attributes {dimension_semantics = [#tpu.dimension_semantics<arbitrary>], iteration_bounds = array<i64: 10>, scalar_prefetch = 0 : i64, scratch_operands = 2 : i64, tpu.core_type = #tpu.core_type<tc>, window_params = [{transform_indices = @transform_0, window_bounds = array<i64: 1000, 128>}, {transform_indices = @transform_1, window_bounds = array<i64: 1000, 128>}, {transform_indices = @transform_2, window_bounds = array<i64: 1000, 128>}, {transform_indices = @transform_3, window_bounds = array<i64: 1000, 128>}, {transform_indices = @transform_4, window_bounds = array<i64: 1000, 2>}, {pipeline_mode = #tpu.pipeline_mode<synchronous>, transform_indices = @transform_5, window_bounds = array<i64: 1, 256>}, {pipeline_mode = #tpu.pipeline_mode<synchronous>, transform_indices = @transform_6, window_bounds = array<i64: 1, 256>}, {pipeline_mode = #tpu.pipeline_mode<synchronous>, transform_indices = @transform_7, window_bounds = array<i64: 512, 256>}, {pipeline_mode = #tpu.pipeline_mode<synchronous>, transform_indices = @transform_8, window_bounds = array<i64: 1, 256>}, {pipeline_mode = #tpu.pipeline_mode<synchronous>, transform_indices = @transform_9, window_bounds = array<i64: 1, 256>}, {pipeline_mode = #tpu.pipeline_mode<synchronous>, transform_indices = @transform_10, window_bounds = array<i64: 1, 256>}, {pipeline_mode = #tpu.pipeline_mode<synchronous>, transform_indices = @transform_11, window_bounds = array<i64: 256, 256>}, {pipeline_mode = #tpu.pipeline_mode<synchronous>, transform_indices = @transform_12, window_bounds = array<i64: 1, 256>}, {pipeline_mode = #tpu.pipeline_mode<synchronous>, transform_indices = @transform_13, window_bounds = array<i64: 10000, 256>}]} {
    %get3A = arith.constant 0 : index
    %get3A_0 = arith.constant 0 : index
    %get3A_1 = vector.load %arg5[%get3A, %get3A_0] : memref<1000x2xf32, #tpu.memory_space<vmem>>, vector<1000x2xf32>
    %slice3A = vector.extract_strided_slice %get3A_1 {offsets = [0, 1], sizes = [1000, 1], strides = [1, 1]} : vector<1000x2xf32> to vector<1000x1xf32>
    %max3A = arith.constant 1.000000e+00 : f32
    %max3A_2 = vector.broadcast %max3A : f32 to vector<1000x1xf32>
    %max3A_3 = arith.maximumf %slice3A, %max3A_2 : vector<1000x1xf32>
    %rsqrt3A = math.rsqrt %max3A_3 : vector<1000x1xf32>
    %get3A_4 = arith.constant 0 : index
    %get3A_5 = arith.constant 0 : index
    %get3A_6 = vector.load %arg1[%get3A_4, %get3A_5] : memref<1000x128xf32, #tpu.memory_space<vmem>>, vector<1000x128xf32>
    %get3A_7 = arith.constant 0 : index
    %get3A_8 = arith.constant 0 : index
    %get3A_9 = vector.load %arg2[%get3A_7, %get3A_8] : memref<1000x128xf32, #tpu.memory_space<vmem>>, vector<1000x128xf32>
    %concatenate3A = tpu.concatenate %get3A_6, %get3A_9 in 1 : vector<1000x128xf32>, vector<1000x128xf32> -> vector<1000x256xf32>
    %mul3A = vector.broadcast %rsqrt3A : vector<1000x1xf32> to vector<1000x256xf32>
    %mul3A_10 = arith.mulf %concatenate3A, %mul3A : vector<1000x256xf32>
    %get3A_11 = arith.constant 0 : index
    %get3A_12 = arith.constant 0 : index
    %get3A_13 = vector.load %arg6[%get3A_11, %get3A_12] : memref<1x256xf32, #tpu.memory_space<vmem>>, vector<1x256xf32>
    %add3A = vector.broadcast %get3A_13 : vector<1x256xf32> to vector<1000x256xf32>
    %add3A_14 = arith.addf %mul3A_10, %add3A : vector<1000x256xf32>
    %get3A_15 = arith.constant 0 : index
    %get3A_16 = arith.constant 0 : index
    %get3A_17 = vector.load %arg3[%get3A_15, %get3A_16] : memref<1000x128xf32, #tpu.memory_space<vmem>>, vector<1000x128xf32>
    %get3A_18 = arith.constant 0 : index
    %get3A_19 = arith.constant 0 : index
    %get3A_20 = vector.load %arg4[%get3A_18, %get3A_19] : memref<1000x128xf32, #tpu.memory_space<vmem>>, vector<1000x128xf32>
    %concatenate3A_21 = tpu.concatenate %get3A_17, %get3A_20 in 1 : vector<1000x128xf32>, vector<1000x128xf32> -> vector<1000x256xf32>
    %mul3A_22 = vector.broadcast %rsqrt3A : vector<1000x1xf32> to vector<1000x256xf32>
    %mul3A_23 = arith.mulf %concatenate3A_21, %mul3A_22 : vector<1000x256xf32>
    %get3A_24 = arith.constant 0 : index
    %get3A_25 = arith.constant 0 : index
    %get3A_26 = vector.load %arg7[%get3A_24, %get3A_25] : memref<1x256xf32, #tpu.memory_space<vmem>>, vector<1x256xf32>
    %add3A_27 = vector.broadcast %get3A_26 : vector<1x256xf32> to vector<1000x256xf32>
    %add3A_28 = arith.addf %mul3A_23, %add3A_27 : vector<1000x256xf32>
    %max3A_29 = arith.constant 0.000000e+00 : f32
    %max3A_30 = vector.broadcast %max3A_29 : f32 to vector<1000x256xf32>
    %max3A_31 = arith.maximumf %add3A_28, %max3A_30 : vector<1000x256xf32>
    %get3A_32 = arith.constant 0 : index
    %get3A_33 = arith.constant 0 : index
    %get3A_34 = vector.load %arg8[%get3A_32, %get3A_33] : memref<512x256xf32, #tpu.memory_space<vmem>>, vector<512x256xf32>
    %slice3A_35 = vector.extract_strided_slice %get3A_34 {offsets = [0, 0], sizes = [256, 256], strides = [1, 1]} : vector<512x256xf32> to vector<256x256xf32>
    %dot_general3A = arith.constant dense<0.000000e+00> : vector<1000x256xf32>
    %dot_general3A_36 = tpu.matmul %add3A_14, %slice3A_35, %dot_general3A {dimension_numbers = #tpu.dot_dimension_numbers<[1], [0], [0], [1], [0, 0, 1, 1], [], []>, transpose_lhs_hint = false} : vector<1000x256xf32>, vector<256x256xf32>, vector<1000x256xf32> -> vector<1000x256xf32>
    %slice3A_37 = vector.extract_strided_slice %get3A_34 {offsets = [256, 0], sizes = [256, 256], strides = [1, 1]} : vector<512x256xf32> to vector<256x256xf32>
    %dot_general3A_38 = arith.constant dense<0.000000e+00> : vector<1000x256xf32>
    %dot_general3A_39 = tpu.matmul %max3A_31, %slice3A_37, %dot_general3A_38 {dimension_numbers = #tpu.dot_dimension_numbers<[1], [0], [0], [1], [0, 0, 1, 1], [], []>, transpose_lhs_hint = false} : vector<1000x256xf32>, vector<256x256xf32>, vector<1000x256xf32> -> vector<1000x256xf32>
    %add3A_40 = arith.addf %dot_general3A_36, %dot_general3A_39 : vector<1000x256xf32>
    %get3A_41 = arith.constant 0 : index
    %get3A_42 = arith.constant 0 : index
    %get3A_43 = vector.load %arg9[%get3A_41, %get3A_42] : memref<1x256xf32, #tpu.memory_space<vmem>>, vector<1x256xf32>
    %add3A_44 = vector.broadcast %get3A_43 : vector<1x256xf32> to vector<1000x256xf32>
    %add3A_45 = arith.addf %add3A_40, %add3A_44 : vector<1000x256xf32>
    %mul3A_46 = arith.constant 1000 : i32
    %mul3A_47 = arith.muli %arg0, %mul3A_46 : i32
    %swap3A = arith.index_cast %mul3A_47 : i32 to index
    %swap3A_48 = arith.constant 0 : index
    %swap3A_49 = vector.load %arg15[%swap3A, %swap3A_48] : memref<10000x256xf32, #tpu.memory_space<vmem>>, vector<1000x256xf32>
    tpu.vector_store %arg15[%swap3A, %swap3A_48], %add3A_45 {strides = array<i32>} : memref<10000x256xf32, #tpu.memory_space<vmem>>, vector<1000x256xf32>,
    %reduce_sum3A = arith.constant dense<0.000000e+00> : vector<256xf32>
    %reduce_sum3A_50 = vector.multi_reduction <add>, %add3A_45, %reduce_sum3A [0] : vector<1000x256xf32> to vector<256xf32>
    %broadcast_in_dim3A = vector.shape_cast %reduce_sum3A_50 : vector<256xf32> to vector<1x256xf32>
    %mul3A_51 = arith.mulf %add3A_45, %add3A_45 : vector<1000x256xf32>
    %reduce_sum3A_52 = arith.constant dense<0.000000e+00> : vector<256xf32>
    %reduce_sum3A_53 = vector.multi_reduction <add>, %mul3A_51, %reduce_sum3A_52 [0] : vector<1000x256xf32> to vector<256xf32>
    %broadcast_in_dim3A_54 = vector.shape_cast %reduce_sum3A_53 : vector<256xf32> to vector<1x256xf32>
    %concatenate3A_55 = tpu.concatenate %broadcast_in_dim3A, %broadcast_in_dim3A_54 in 0 : vector<1x256xf32>, vector<1x256xf32> -> vector<2x256xf32>
    %eq3A = arith.constant 0 : i32
    %eq3A_56 = arith.cmpi eq, %arg0, %eq3A : i32
    %convert_element_type3A = arith.extui %eq3A_56 : i1 to i32
    %cond3A = arith.constant 0 : i32
    %cond3A_57 = arith.cmpi ne, %convert_element_type3A, %cond3A : i32
    scf.if %cond3A_57 {
      %swap3A_67 = arith.constant 0 : index
      %swap3A_68 = arith.constant 0 : index
      %swap3A_69 = vector.load %arg16[%swap3A_67, %swap3A_68] : memref<2x256xf32, #tpu.memory_space<vmem>>, vector<2x256xf32>
      tpu.vector_store %arg16[%swap3A_67, %swap3A_68], %concatenate3A_55 {strides = array<i32>} : memref<2x256xf32, #tpu.memory_space<vmem>>, vector<2x256xf32>,
    } else {
    }
    %gt3A = arith.constant 0 : i32
    %gt3A_58 = arith.cmpi sgt, %arg0, %gt3A : i32
    %convert_element_type3A_59 = arith.extui %gt3A_58 : i1 to i32
    %cond3A_60 = arith.constant 0 : i32
    %cond3A_61 = arith.cmpi ne, %convert_element_type3A_59, %cond3A_60 : i32
    scf.if %cond3A_61 {
      %get3A_67 = arith.constant 0 : index
      %get3A_68 = arith.constant 0 : index
      %get3A_69 = vector.load %arg16[%get3A_67, %get3A_68] : memref<2x256xf32, #tpu.memory_space<vmem>>, vector<2x256xf32>
      %add3A_70 = arith.addf %get3A_69, %concatenate3A_55 : vector<2x256xf32>
      %swap3A_71 = arith.constant 0 : index
      %swap3A_72 = arith.constant 0 : index
      %swap3A_73 = vector.load %arg16[%swap3A_71, %swap3A_72] : memref<2x256xf32, #tpu.memory_space<vmem>>, vector<2x256xf32>
      tpu.vector_store %arg16[%swap3A_71, %swap3A_72], %add3A_70 {strides = array<i32>} : memref<2x256xf32, #tpu.memory_space<vmem>>, vector<2x256xf32>,
    } else {
    }
    %eq3A_62 = arith.constant 9 : i32
    %eq3A_63 = arith.cmpi eq, %arg0, %eq3A_62 : i32
    %convert_element_type3A_64 = arith.extui %eq3A_63 : i1 to i32
    %cond3A_65 = arith.constant 0 : i32
    %cond3A_66 = arith.cmpi ne, %convert_element_type3A_64, %cond3A_65 : i32
    scf.if %cond3A_66 {
      %get3A_67 = arith.constant 0 : index
      %get3A_68 = arith.constant 0 : index
      %get3A_69 = vector.load %arg16[%get3A_67, %get3A_68] : memref<2x256xf32, #tpu.memory_space<vmem>>, vector<2x256xf32>
      %slice3A_70 = vector.extract_strided_slice %get3A_69 {offsets = [0, 0], sizes = [1, 256], strides = [1, 1]} : vector<2x256xf32> to vector<1x256xf32>
      %div3A = arith.constant 1.000000e+04 : f32
      %div3A_71 = vector.broadcast %div3A : f32 to vector<1x256xf32>
      %div3A_72 = arith.divf %slice3A_70, %div3A_71 : vector<1x256xf32>
      %slice3A_73 = vector.extract_strided_slice %get3A_69 {offsets = [1, 0], sizes = [1, 256], strides = [1, 1]} : vector<2x256xf32> to vector<1x256xf32>
      %div3A_74 = arith.constant 1.000000e+04 : f32
      %div3A_75 = vector.broadcast %div3A_74 : f32 to vector<1x256xf32>
      %div3A_76 = arith.divf %slice3A_73, %div3A_75 : vector<1x256xf32>
      %mul3A_77 = arith.mulf %div3A_72, %div3A_72 : vector<1x256xf32>
      %sub3A = arith.subf %div3A_76, %mul3A_77 : vector<1x256xf32>
      %add3A_78 = arith.constant 9.99999974E-6 : f32
      %add3A_79 = vector.broadcast %add3A_78 : f32 to vector<1x256xf32>
      %add3A_80 = arith.addf %sub3A, %add3A_79 : vector<1x256xf32>
      %rsqrt3A_81 = math.rsqrt %add3A_80 : vector<1x256xf32>
      %get3A_82 = arith.constant 0 : index
      %get3A_83 = arith.constant 0 : index
      %get3A_84 = vector.load %arg10[%get3A_82, %get3A_83] : memref<1x256xf32, #tpu.memory_space<vmem>>, vector<1x256xf32>
      %mul3A_85 = arith.mulf %rsqrt3A_81, %get3A_84 : vector<1x256xf32>
      %get3A_86 = arith.constant 0 : index
      %get3A_87 = arith.constant 0 : index
      %get3A_88 = vector.load %arg15[%get3A_86, %get3A_87] : memref<10000x256xf32, #tpu.memory_space<vmem>>, vector<1000x256xf32>
      %sub3A_89 = vector.broadcast %div3A_72 : vector<1x256xf32> to vector<1000x256xf32>
      %sub3A_90 = arith.subf %get3A_88, %sub3A_89 : vector<1000x256xf32>
      %mul3A_91 = vector.broadcast %mul3A_85 : vector<1x256xf32> to vector<1000x256xf32>
      %mul3A_92 = arith.mulf %sub3A_90, %mul3A_91 : vector<1000x256xf32>
      %get3A_93 = arith.constant 0 : index
      %get3A_94 = arith.constant 0 : index
      %get3A_95 = vector.load %arg11[%get3A_93, %get3A_94] : memref<1x256xf32, #tpu.memory_space<vmem>>, vector<1x256xf32>
      %add3A_96 = vector.broadcast %get3A_95 : vector<1x256xf32> to vector<1000x256xf32>
      %add3A_97 = arith.addf %mul3A_92, %add3A_96 : vector<1000x256xf32>
      %max3A_98 = arith.constant 0.000000e+00 : f32
      %max3A_99 = vector.broadcast %max3A_98 : f32 to vector<1000x256xf32>
      %max3A_100 = arith.maximumf %add3A_97, %max3A_99 : vector<1000x256xf32>
      %get3A_101 = arith.constant 0 : index
      %get3A_102 = arith.constant 0 : index
      %get3A_103 = vector.load %arg12[%get3A_101, %get3A_102] : memref<256x256xf32, #tpu.memory_space<vmem>>, vector<256x256xf32>
      %dot_general3A_104 = arith.constant dense<0.000000e+00> : vector<1000x256xf32>
      %dot_general3A_105 = tpu.matmul %max3A_100, %get3A_103, %dot_general3A_104 {dimension_numbers = #tpu.dot_dimension_numbers<[1], [0], [0], [1], [0, 0, 1, 1], [], []>, transpose_lhs_hint = false} : vector<1000x256xf32>, vector<256x256xf32>, vector<1000x256xf32> -> vector<1000x256xf32>
      %get3A_106 = arith.constant 0 : index
      %get3A_107 = arith.constant 0 : index
      %get3A_108 = vector.load %arg13[%get3A_106, %get3A_107] : memref<1x256xf32, #tpu.memory_space<vmem>>, vector<1x256xf32>
      %add3A_109 = vector.broadcast %get3A_108 : vector<1x256xf32> to vector<1000x256xf32>
      %add3A_110 = arith.addf %dot_general3A_105, %add3A_109 : vector<1000x256xf32>
      %swap3A_111 = arith.constant 0 : index
      %swap3A_112 = arith.constant 0 : index
      %swap3A_113 = vector.load %arg14[%swap3A_111, %swap3A_112] : memref<10000x256xf32, #tpu.memory_space<vmem>>, vector<1000x256xf32>
      tpu.vector_store %arg14[%swap3A_111, %swap3A_112], %add3A_110 {strides = array<i32>} : memref<10000x256xf32, #tpu.memory_space<vmem>>, vector<1000x256xf32>,
      %get3A_114 = arith.constant 1000 : index
      %get3A_115 = arith.constant 0 : index
      %get3A_116 = vector.load %arg15[%get3A_114, %get3A_115] : memref<10000x256xf32, #tpu.memory_space<vmem>>, vector<1000x256xf32>
      %sub3A_117 = vector.broadcast %div3A_72 : vector<1x256xf32> to vector<1000x256xf32>
      %sub3A_118 = arith.subf %get3A_116, %sub3A_117 : vector<1000x256xf32>
      %mul3A_119 = vector.broadcast %mul3A_85 : vector<1x256xf32> to vector<1000x256xf32>
      %mul3A_120 = arith.mulf %sub3A_118, %mul3A_119 : vector<1000x256xf32>
      %get3A_121 = arith.constant 0 : index
      %get3A_122 = arith.constant 0 : index
      %get3A_123 = vector.load %arg11[%get3A_121, %get3A_122] : memref<1x256xf32, #tpu.memory_space<vmem>>, vector<1x256xf32>
      %add3A_124 = vector.broadcast %get3A_123 : vector<1x256xf32> to vector<1000x256xf32>
      %add3A_125 = arith.addf %mul3A_120, %add3A_124 : vector<1000x256xf32>
      %max3A_126 = arith.constant 0.000000e+00 : f32
      %max3A_127 = vector.broadcast %max3A_126 : f32 to vector<1000x256xf32>
      %max3A_128 = arith.maximumf %add3A_125, %max3A_127 : vector<1000x256xf32>
      %get3A_129 = arith.constant 0 : index
      %get3A_130 = arith.constant 0 : index
      %get3A_131 = vector.load %arg12[%get3A_129, %get3A_130] : memref<256x256xf32, #tpu.memory_space<vmem>>, vector<256x256xf32>
      %dot_general3A_132 = arith.constant dense<0.000000e+00> : vector<1000x256xf32>
      %dot_general3A_133 = tpu.matmul %max3A_128, %get3A_131, %dot_general3A_132 {dimension_numbers = #tpu.dot_dimension_numbers<[1], [0], [0], [1], [0, 0, 1, 1], [], []>, transpose_lhs_hint = false} : vector<1000x256xf32>, vector<256x256xf32>, vector<1000x256xf32> -> vector<1000x256xf32>
      %get3A_134 = arith.constant 0 : index
      %get3A_135 = arith.constant 0 : index
      %get3A_136 = vector.load %arg13[%get3A_134, %get3A_135] : memref<1x256xf32, #tpu.memory_space<vmem>>, vector<1x256xf32>
      %add3A_137 = vector.broadcast %get3A_136 : vector<1x256xf32> to vector<1000x256xf32>
      %add3A_138 = arith.addf %dot_general3A_133, %add3A_137 : vector<1000x256xf32>
      %swap3A_139 = arith.constant 1000 : index
      %swap3A_140 = arith.constant 0 : index
      %swap3A_141 = vector.load %arg14[%swap3A_139, %swap3A_140] : memref<10000x256xf32, #tpu.memory_space<vmem>>, vector<1000x256xf32>
      tpu.vector_store %arg14[%swap3A_139, %swap3A_140], %add3A_138 {strides = array<i32>} : memref<10000x256xf32, #tpu.memory_space<vmem>>, vector<1000x256xf32>,
      %get3A_142 = arith.constant 2000 : index
      %get3A_143 = arith.constant 0 : index
      %get3A_144 = vector.load %arg15[%get3A_142, %get3A_143] : memref<10000x256xf32, #tpu.memory_space<vmem>>, vector<1000x256xf32>
      %sub3A_145 = vector.broadcast %div3A_72 : vector<1x256xf32> to vector<1000x256xf32>
      %sub3A_146 = arith.subf %get3A_144, %sub3A_145 : vector<1000x256xf32>
      %mul3A_147 = vector.broadcast %mul3A_85 : vector<1x256xf32> to vector<1000x256xf32>
      %mul3A_148 = arith.mulf %sub3A_146, %mul3A_147 : vector<1000x256xf32>
      %get3A_149 = arith.constant 0 : index
      %get3A_150 = arith.constant 0 : index
      %get3A_151 = vector.load %arg11[%get3A_149, %get3A_150] : memref<1x256xf32, #tpu.memory_space<vmem>>, vector<1x256xf32>
      %add3A_152 = vector.broadcast %get3A_151 : vector<1x256xf32> to vector<1000x256xf32>
      %add3A_153 = arith.addf %mul3A_148, %add3A_152 : vector<1000x256xf32>
      %max3A_154 = arith.constant 0.000000e+00 : f32
      %max3A_155 = vector.broadcast %max3A_154 : f32 to vector<1000x256xf32>
      %max3A_156 = arith.maximumf %add3A_153, %max3A_155 : vector<1000x256xf32>
      %get3A_157 = arith.constant 0 : index
      %get3A_158 = arith.constant 0 : index
      %get3A_159 = vector.load %arg12[%get3A_157, %get3A_158] : memref<256x256xf32, #tpu.memory_space<vmem>>, vector<256x256xf32>
      %dot_general3A_160 = arith.constant dense<0.000000e+00> : vector<1000x256xf32>
      %dot_general3A_161 = tpu.matmul %max3A_156, %get3A_159, %dot_general3A_160 {dimension_numbers = #tpu.dot_dimension_numbers<[1], [0], [0], [1], [0, 0, 1, 1], [], []>, transpose_lhs_hint = false} : vector<1000x256xf32>, vector<256x256xf32>, vector<1000x256xf32> -> vector<1000x256xf32>
      %get3A_162 = arith.constant 0 : index
      %get3A_163 = arith.constant 0 : index
      %get3A_164 = vector.load %arg13[%get3A_162, %get3A_163] : memref<1x256xf32, #tpu.memory_space<vmem>>, vector<1x256xf32>
      %add3A_165 = vector.broadcast %get3A_164 : vector<1x256xf32> to vector<1000x256xf32>
      %add3A_166 = arith.addf %dot_general3A_161, %add3A_165 : vector<1000x256xf32>
      %swap3A_167 = arith.constant 2000 : index
      %swap3A_168 = arith.constant 0 : index
      %swap3A_169 = vector.load %arg14[%swap3A_167, %swap3A_168] : memref<10000x256xf32, #tpu.memory_space<vmem>>, vector<1000x256xf32>
      tpu.vector_store %arg14[%swap3A_167, %swap3A_168], %add3A_166 {strides = array<i32>} : memref<10000x256xf32, #tpu.memory_space<vmem>>, vector<1000x256xf32>,
      %get3A_170 = arith.constant 3000 : index
      %get3A_171 = arith.constant 0 : index
      %get3A_172 = vector.load %arg15[%get3A_170, %get3A_171] : memref<10000x256xf32, #tpu.memory_space<vmem>>, vector<1000x256xf32>
      %sub3A_173 = vector.broadcast %div3A_72 : vector<1x256xf32> to vector<1000x256xf32>
      %sub3A_174 = arith.subf %get3A_172, %sub3A_173 : vector<1000x256xf32>
      %mul3A_175 = vector.broadcast %mul3A_85 : vector<1x256xf32> to vector<1000x256xf32>
      %mul3A_176 = arith.mulf %sub3A_174, %mul3A_175 : vector<1000x256xf32>
      %get3A_177 = arith.constant 0 : index
      %get3A_178 = arith.constant 0 : index
      %get3A_179 = vector.load %arg11[%get3A_177, %get3A_178] : memref<1x256xf32, #tpu.memory_space<vmem>>, vector<1x256xf32>
      %add3A_180 = vector.broadcast %get3A_179 : vector<1x256xf32> to vector<1000x256xf32>
      %add3A_181 = arith.addf %mul3A_176, %add3A_180 : vector<1000x256xf32>
      %max3A_182 = arith.constant 0.000000e+00 : f32
      %max3A_183 = vector.broadcast %max3A_182 : f32 to vector<1000x256xf32>
      %max3A_184 = arith.maximumf %add3A_181, %max3A_183 : vector<1000x256xf32>
      %get3A_185 = arith.constant 0 : index
      %get3A_186 = arith.constant 0 : index
      %get3A_187 = vector.load %arg12[%get3A_185, %get3A_186] : memref<256x256xf32, #tpu.memory_space<vmem>>, vector<256x256xf32>
      %dot_general3A_188 = arith.constant dense<0.000000e+00> : vector<1000x256xf32>
      %dot_general3A_189 = tpu.matmul %max3A_184, %get3A_187, %dot_general3A_188 {dimension_numbers = #tpu.dot_dimension_numbers<[1], [0], [0], [1], [0, 0, 1, 1], [], []>, transpose_lhs_hint = false} : vector<1000x256xf32>, vector<256x256xf32>, vector<1000x256xf32> -> vector<1000x256xf32>
      %get3A_190 = arith.constant 0 : index
      %get3A_191 = arith.constant 0 : index
      %get3A_192 = vector.load %arg13[%get3A_190, %get3A_191] : memref<1x256xf32, #tpu.memory_space<vmem>>, vector<1x256xf32>
      %add3A_193 = vector.broadcast %get3A_192 : vector<1x256xf32> to vector<1000x256xf32>
      %add3A_194 = arith.addf %dot_general3A_189, %add3A_193 : vector<1000x256xf32>
      %swap3A_195 = arith.constant 3000 : index
      %swap3A_196 = arith.constant 0 : index
      %swap3A_197 = vector.load %arg14[%swap3A_195, %swap3A_196] : memref<10000x256xf32, #tpu.memory_space<vmem>>, vector<1000x256xf32>
      tpu.vector_store %arg14[%swap3A_195, %swap3A_196], %add3A_194 {strides = array<i32>} : memref<10000x256xf32, #tpu.memory_space<vmem>>, vector<1000x256xf32>,
      %get3A_198 = arith.constant 4000 : index
      %get3A_199 = arith.constant 0 : index
      %get3A_200 = vector.load %arg15[%get3A_198, %get3A_199] : memref<10000x256xf32, #tpu.memory_space<vmem>>, vector<1000x256xf32>
      %sub3A_201 = vector.broadcast %div3A_72 : vector<1x256xf32> to vector<1000x256xf32>
      %sub3A_202 = arith.subf %get3A_200, %sub3A_201 : vector<1000x256xf32>
      %mul3A_203 = vector.broadcast %mul3A_85 : vector<1x256xf32> to vector<1000x256xf32>
      %mul3A_204 = arith.mulf %sub3A_202, %mul3A_203 : vector<1000x256xf32>
      %get3A_205 = arith.constant 0 : index
      %get3A_206 = arith.constant 0 : index
      %get3A_207 = vector.load %arg11[%get3A_205, %get3A_206] : memref<1x256xf32, #tpu.memory_space<vmem>>, vector<1x256xf32>
      %add3A_208 = vector.broadcast %get3A_207 : vector<1x256xf32> to vector<1000x256xf32>
      %add3A_209 = arith.addf %mul3A_204, %add3A_208 : vector<1000x256xf32>
      %max3A_210 = arith.constant 0.000000e+00 : f32
      %max3A_211 = vector.broadcast %max3A_210 : f32 to vector<1000x256xf32>
      %max3A_212 = arith.maximumf %add3A_209, %max3A_211 : vector<1000x256xf32>
      %get3A_213 = arith.constant 0 : index
      %get3A_214 = arith.constant 0 : index
      %get3A_215 = vector.load %arg12[%get3A_213, %get3A_214] : memref<256x256xf32, #tpu.memory_space<vmem>>, vector<256x256xf32>
      %dot_general3A_216 = arith.constant dense<0.000000e+00> : vector<1000x256xf32>
      %dot_general3A_217 = tpu.matmul %max3A_212, %get3A_215, %dot_general3A_216 {dimension_numbers = #tpu.dot_dimension_numbers<[1], [0], [0], [1], [0, 0, 1, 1], [], []>, transpose_lhs_hint = false} : vector<1000x256xf32>, vector<256x256xf32>, vector<1000x256xf32> -> vector<1000x256xf32>
      %get3A_218 = arith.constant 0 : index
      %get3A_219 = arith.constant 0 : index
      %get3A_220 = vector.load %arg13[%get3A_218, %get3A_219] : memref<1x256xf32, #tpu.memory_space<vmem>>, vector<1x256xf32>
      %add3A_221 = vector.broadcast %get3A_220 : vector<1x256xf32> to vector<1000x256xf32>
      %add3A_222 = arith.addf %dot_general3A_217, %add3A_221 : vector<1000x256xf32>
      %swap3A_223 = arith.constant 4000 : index
      %swap3A_224 = arith.constant 0 : index
      %swap3A_225 = vector.load %arg14[%swap3A_223, %swap3A_224] : memref<10000x256xf32, #tpu.memory_space<vmem>>, vector<1000x256xf32>
      tpu.vector_store %arg14[%swap3A_223, %swap3A_224], %add3A_222 {strides = array<i32>} : memref<10000x256xf32, #tpu.memory_space<vmem>>, vector<1000x256xf32>,
      %get3A_226 = arith.constant 5000 : index
      %get3A_227 = arith.constant 0 : index
      %get3A_228 = vector.load %arg15[%get3A_226, %get3A_227] : memref<10000x256xf32, #tpu.memory_space<vmem>>, vector<1000x256xf32>
      %sub3A_229 = vector.broadcast %div3A_72 : vector<1x256xf32> to vector<1000x256xf32>
      %sub3A_230 = arith.subf %get3A_228, %sub3A_229 : vector<1000x256xf32>
      %mul3A_231 = vector.broadcast %mul3A_85 : vector<1x256xf32> to vector<1000x256xf32>
      %mul3A_232 = arith.mulf %sub3A_230, %mul3A_231 : vector<1000x256xf32>
      %get3A_233 = arith.constant 0 : index
      %get3A_234 = arith.constant 0 : index
      %get3A_235 = vector.load %arg11[%get3A_233, %get3A_234] : memref<1x256xf32, #tpu.memory_space<vmem>>, vector<1x256xf32>
      %add3A_236 = vector.broadcast %get3A_235 : vector<1x256xf32> to vector<1000x256xf32>
      %add3A_237 = arith.addf %mul3A_232, %add3A_236 : vector<1000x256xf32>
      %max3A_238 = arith.constant 0.000000e+00 : f32
      %max3A_239 = vector.broadcast %max3A_238 : f32 to vector<1000x256xf32>
      %max3A_240 = arith.maximumf %add3A_237, %max3A_239 : vector<1000x256xf32>
      %get3A_241 = arith.constant 0 : index
      %get3A_242 = arith.constant 0 : index
      %get3A_243 = vector.load %arg12[%get3A_241, %get3A_242] : memref<256x256xf32, #tpu.memory_space<vmem>>, vector<256x256xf32>
      %dot_general3A_244 = arith.constant dense<0.000000e+00> : vector<1000x256xf32>
      %dot_general3A_245 = tpu.matmul %max3A_240, %get3A_243, %dot_general3A_244 {dimension_numbers = #tpu.dot_dimension_numbers<[1], [0], [0], [1], [0, 0, 1, 1], [], []>, transpose_lhs_hint = false} : vector<1000x256xf32>, vector<256x256xf32>, vector<1000x256xf32> -> vector<1000x256xf32>
      %get3A_246 = arith.constant 0 : index
      %get3A_247 = arith.constant 0 : index
      %get3A_248 = vector.load %arg13[%get3A_246, %get3A_247] : memref<1x256xf32, #tpu.memory_space<vmem>>, vector<1x256xf32>
      %add3A_249 = vector.broadcast %get3A_248 : vector<1x256xf32> to vector<1000x256xf32>
      %add3A_250 = arith.addf %dot_general3A_245, %add3A_249 : vector<1000x256xf32>
      %swap3A_251 = arith.constant 5000 : index
      %swap3A_252 = arith.constant 0 : index
      %swap3A_253 = vector.load %arg14[%swap3A_251, %swap3A_252] : memref<10000x256xf32, #tpu.memory_space<vmem>>, vector<1000x256xf32>
      tpu.vector_store %arg14[%swap3A_251, %swap3A_252], %add3A_250 {strides = array<i32>} : memref<10000x256xf32, #tpu.memory_space<vmem>>, vector<1000x256xf32>,
      %get3A_254 = arith.constant 6000 : index
      %get3A_255 = arith.constant 0 : index
      %get3A_256 = vector.load %arg15[%get3A_254, %get3A_255] : memref<10000x256xf32, #tpu.memory_space<vmem>>, vector<1000x256xf32>
      %sub3A_257 = vector.broadcast %div3A_72 : vector<1x256xf32> to vector<1000x256xf32>
      %sub3A_258 = arith.subf %get3A_256, %sub3A_257 : vector<1000x256xf32>
      %mul3A_259 = vector.broadcast %mul3A_85 : vector<1x256xf32> to vector<1000x256xf32>
      %mul3A_260 = arith.mulf %sub3A_258, %mul3A_259 : vector<1000x256xf32>
      %get3A_261 = arith.constant 0 : index
      %get3A_262 = arith.constant 0 : index
      %get3A_263 = vector.load %arg11[%get3A_261, %get3A_262] : memref<1x256xf32, #tpu.memory_space<vmem>>, vector<1x256xf32>
      %add3A_264 = vector.broadcast %get3A_263 : vector<1x256xf32> to vector<1000x256xf32>
      %add3A_265 = arith.addf %mul3A_260, %add3A_264 : vector<1000x256xf32>
      %max3A_266 = arith.constant 0.000000e+00 : f32
      %max3A_267 = vector.broadcast %max3A_266 : f32 to vector<1000x256xf32>
      %max3A_268 = arith.maximumf %add3A_265, %max3A_267 : vector<1000x256xf32>
      %get3A_269 = arith.constant 0 : index
      %get3A_270 = arith.constant 0 : index
      %get3A_271 = vector.load %arg12[%get3A_269, %get3A_270] : memref<256x256xf32, #tpu.memory_space<vmem>>, vector<256x256xf32>
      %dot_general3A_272 = arith.constant dense<0.000000e+00> : vector<1000x256xf32>
      %dot_general3A_273 = tpu.matmul %max3A_268, %get3A_271, %dot_general3A_272 {dimension_numbers = #tpu.dot_dimension_numbers<[1], [0], [0], [1], [0, 0, 1, 1], [], []>, transpose_lhs_hint = false} : vector<1000x256xf32>, vector<256x256xf32>, vector<1000x256xf32> -> vector<1000x256xf32>
      %get3A_274 = arith.constant 0 : index
      %get3A_275 = arith.constant 0 : index
      %get3A_276 = vector.load %arg13[%get3A_274, %get3A_275] : memref<1x256xf32, #tpu.memory_space<vmem>>, vector<1x256xf32>
      %add3A_277 = vector.broadcast %get3A_276 : vector<1x256xf32> to vector<1000x256xf32>
      %add3A_278 = arith.addf %dot_general3A_273, %add3A_277 : vector<1000x256xf32>
      %swap3A_279 = arith.constant 6000 : index
      %swap3A_280 = arith.constant 0 : index
      %swap3A_281 = vector.load %arg14[%swap3A_279, %swap3A_280] : memref<10000x256xf32, #tpu.memory_space<vmem>>, vector<1000x256xf32>
      tpu.vector_store %arg14[%swap3A_279, %swap3A_280], %add3A_278 {strides = array<i32>} : memref<10000x256xf32, #tpu.memory_space<vmem>>, vector<1000x256xf32>,
      %get3A_282 = arith.constant 7000 : index
      %get3A_283 = arith.constant 0 : index
      %get3A_284 = vector.load %arg15[%get3A_282, %get3A_283] : memref<10000x256xf32, #tpu.memory_space<vmem>>, vector<1000x256xf32>
      %sub3A_285 = vector.broadcast %div3A_72 : vector<1x256xf32> to vector<1000x256xf32>
      %sub3A_286 = arith.subf %get3A_284, %sub3A_285 : vector<1000x256xf32>
      %mul3A_287 = vector.broadcast %mul3A_85 : vector<1x256xf32> to vector<1000x256xf32>
      %mul3A_288 = arith.mulf %sub3A_286, %mul3A_287 : vector<1000x256xf32>
      %get3A_289 = arith.constant 0 : index
      %get3A_290 = arith.constant 0 : index
      %get3A_291 = vector.load %arg11[%get3A_289, %get3A_290] : memref<1x256xf32, #tpu.memory_space<vmem>>, vector<1x256xf32>
      %add3A_292 = vector.broadcast %get3A_291 : vector<1x256xf32> to vector<1000x256xf32>
      %add3A_293 = arith.addf %mul3A_288, %add3A_292 : vector<1000x256xf32>
      %max3A_294 = arith.constant 0.000000e+00 : f32
      %max3A_295 = vector.broadcast %max3A_294 : f32 to vector<1000x256xf32>
      %max3A_296 = arith.maximumf %add3A_293, %max3A_295 : vector<1000x256xf32>
      %get3A_297 = arith.constant 0 : index
      %get3A_298 = arith.constant 0 : index
      %get3A_299 = vector.load %arg12[%get3A_297, %get3A_298] : memref<256x256xf32, #tpu.memory_space<vmem>>, vector<256x256xf32>
      %dot_general3A_300 = arith.constant dense<0.000000e+00> : vector<1000x256xf32>
      %dot_general3A_301 = tpu.matmul %max3A_296, %get3A_299, %dot_general3A_300 {dimension_numbers = #tpu.dot_dimension_numbers<[1], [0], [0], [1], [0, 0, 1, 1], [], []>, transpose_lhs_hint = false} : vector<1000x256xf32>, vector<256x256xf32>, vector<1000x256xf32> -> vector<1000x256xf32>
      %get3A_302 = arith.constant 0 : index
      %get3A_303 = arith.constant 0 : index
      %get3A_304 = vector.load %arg13[%get3A_302, %get3A_303] : memref<1x256xf32, #tpu.memory_space<vmem>>, vector<1x256xf32>
      %add3A_305 = vector.broadcast %get3A_304 : vector<1x256xf32> to vector<1000x256xf32>
      %add3A_306 = arith.addf %dot_general3A_301, %add3A_305 : vector<1000x256xf32>
      %swap3A_307 = arith.constant 7000 : index
      %swap3A_308 = arith.constant 0 : index
      %swap3A_309 = vector.load %arg14[%swap3A_307, %swap3A_308] : memref<10000x256xf32, #tpu.memory_space<vmem>>, vector<1000x256xf32>
      tpu.vector_store %arg14[%swap3A_307, %swap3A_308], %add3A_306 {strides = array<i32>} : memref<10000x256xf32, #tpu.memory_space<vmem>>, vector<1000x256xf32>,
      %get3A_310 = arith.constant 8000 : index
      %get3A_311 = arith.constant 0 : index
      %get3A_312 = vector.load %arg15[%get3A_310, %get3A_311] : memref<10000x256xf32, #tpu.memory_space<vmem>>, vector<1000x256xf32>
      %sub3A_313 = vector.broadcast %div3A_72 : vector<1x256xf32> to vector<1000x256xf32>
      %sub3A_314 = arith.subf %get3A_312, %sub3A_313 : vector<1000x256xf32>
      %mul3A_315 = vector.broadcast %mul3A_85 : vector<1x256xf32> to vector<1000x256xf32>
      %mul3A_316 = arith.mulf %sub3A_314, %mul3A_315 : vector<1000x256xf32>
      %get3A_317 = arith.constant 0 : index
      %get3A_318 = arith.constant 0 : index
      %get3A_319 = vector.load %arg11[%get3A_317, %get3A_318] : memref<1x256xf32, #tpu.memory_space<vmem>>, vector<1x256xf32>
      %add3A_320 = vector.broadcast %get3A_319 : vector<1x256xf32> to vector<1000x256xf32>
      %add3A_321 = arith.addf %mul3A_316, %add3A_320 : vector<1000x256xf32>
      %max3A_322 = arith.constant 0.000000e+00 : f32
      %max3A_323 = vector.broadcast %max3A_322 : f32 to vector<1000x256xf32>
      %max3A_324 = arith.maximumf %add3A_321, %max3A_323 : vector<1000x256xf32>
      %get3A_325 = arith.constant 0 : index
      %get3A_326 = arith.constant 0 : index
      %get3A_327 = vector.load %arg12[%get3A_325, %get3A_326] : memref<256x256xf32, #tpu.memory_space<vmem>>, vector<256x256xf32>
      %dot_general3A_328 = arith.constant dense<0.000000e+00> : vector<1000x256xf32>
      %dot_general3A_329 = tpu.matmul %max3A_324, %get3A_327, %dot_general3A_328 {dimension_numbers = #tpu.dot_dimension_numbers<[1], [0], [0], [1], [0, 0, 1, 1], [], []>, transpose_lhs_hint = false} : vector<1000x256xf32>, vector<256x256xf32>, vector<1000x256xf32> -> vector<1000x256xf32>
      %get3A_330 = arith.constant 0 : index
      %get3A_331 = arith.constant 0 : index
      %get3A_332 = vector.load %arg13[%get3A_330, %get3A_331] : memref<1x256xf32, #tpu.memory_space<vmem>>, vector<1x256xf32>
      %add3A_333 = vector.broadcast %get3A_332 : vector<1x256xf32> to vector<1000x256xf32>
      %add3A_334 = arith.addf %dot_general3A_329, %add3A_333 : vector<1000x256xf32>
      %swap3A_335 = arith.constant 8000 : index
      %swap3A_336 = arith.constant 0 : index
      %swap3A_337 = vector.load %arg14[%swap3A_335, %swap3A_336] : memref<10000x256xf32, #tpu.memory_space<vmem>>, vector<1000x256xf32>
      tpu.vector_store %arg14[%swap3A_335, %swap3A_336], %add3A_334 {strides = array<i32>} : memref<10000x256xf32, #tpu.memory_space<vmem>>, vector<1000x256xf32>,
      %get3A_338 = arith.constant 9000 : index
      %get3A_339 = arith.constant 0 : index
      %get3A_340 = vector.load %arg15[%get3A_338, %get3A_339] : memref<10000x256xf32, #tpu.memory_space<vmem>>, vector<1000x256xf32>
      %sub3A_341 = vector.broadcast %div3A_72 : vector<1x256xf32> to vector<1000x256xf32>
      %sub3A_342 = arith.subf %get3A_340, %sub3A_341 : vector<1000x256xf32>
      %mul3A_343 = vector.broadcast %mul3A_85 : vector<1x256xf32> to vector<1000x256xf32>
      %mul3A_344 = arith.mulf %sub3A_342, %mul3A_343 : vector<1000x256xf32>
      %get3A_345 = arith.constant 0 : index
      %get3A_346 = arith.constant 0 : index
      %get3A_347 = vector.load %arg11[%get3A_345, %get3A_346] : memref<1x256xf32, #tpu.memory_space<vmem>>, vector<1x256xf32>
      %add3A_348 = vector.broadcast %get3A_347 : vector<1x256xf32> to vector<1000x256xf32>
      %add3A_349 = arith.addf %mul3A_344, %add3A_348 : vector<1000x256xf32>
      %max3A_350 = arith.constant 0.000000e+00 : f32
      %max3A_351 = vector.broadcast %max3A_350 : f32 to vector<1000x256xf32>
      %max3A_352 = arith.maximumf %add3A_349, %max3A_351 : vector<1000x256xf32>
      %get3A_353 = arith.constant 0 : index
      %get3A_354 = arith.constant 0 : index
      %get3A_355 = vector.load %arg12[%get3A_353, %get3A_354] : memref<256x256xf32, #tpu.memory_space<vmem>>, vector<256x256xf32>
      %dot_general3A_356 = arith.constant dense<0.000000e+00> : vector<1000x256xf32>
      %dot_general3A_357 = tpu.matmul %max3A_352, %get3A_355, %dot_general3A_356 {dimension_numbers = #tpu.dot_dimension_numbers<[1], [0], [0], [1], [0, 0, 1, 1], [], []>, transpose_lhs_hint = false} : vector<1000x256xf32>, vector<256x256xf32>, vector<1000x256xf32> -> vector<1000x256xf32>
      %get3A_358 = arith.constant 0 : index
      %get3A_359 = arith.constant 0 : index
      %get3A_360 = vector.load %arg13[%get3A_358, %get3A_359] : memref<1x256xf32, #tpu.memory_space<vmem>>, vector<1x256xf32>
      %add3A_361 = vector.broadcast %get3A_360 : vector<1x256xf32> to vector<1000x256xf32>
      %add3A_362 = arith.addf %dot_general3A_357, %add3A_361 : vector<1000x256xf32>
      %swap3A_363 = arith.constant 9000 : index
      %swap3A_364 = arith.constant 0 : index
      %swap3A_365 = vector.load %arg14[%swap3A_363, %swap3A_364] : memref<10000x256xf32, #tpu.memory_space<vmem>>, vector<1000x256xf32>
      tpu.vector_store %arg14[%swap3A_363, %swap3A_364], %add3A_362 {strides = array<i32>} : memref<10000x256xf32, #tpu.memory_space<vmem>>, vector<1000x256xf32>,
    } else {
    }
    return
  }
  func.func @transform_0(%arg0: i32) -> (i32, i32) {
    %c0_i32 = arith.constant 0 : i32
    %c0_i32_0 = arith.constant 0 : i32
    return %arg0, %c0_i32 : i32, i32
  }
  func.func @transform_1(%arg0: i32) -> (i32, i32) {
    %c0_i32 = arith.constant 0 : i32
    %c0_i32_0 = arith.constant 0 : i32
    return %arg0, %c0_i32 : i32, i32
  }
  func.func @transform_2(%arg0: i32) -> (i32, i32) {
    %c0_i32 = arith.constant 0 : i32
    %c0_i32_0 = arith.constant 0 : i32
    return %arg0, %c0_i32 : i32, i32
  }
  func.func @transform_3(%arg0: i32) -> (i32, i32) {
    %c0_i32 = arith.constant 0 : i32
    %c0_i32_0 = arith.constant 0 : i32
    return %arg0, %c0_i32 : i32, i32
  }
  func.func @transform_4(%arg0: i32) -> (i32, i32) {
    %c0_i32 = arith.constant 0 : i32
    %c0_i32_0 = arith.constant 0 : i32
    return %arg0, %c0_i32 : i32, i32
  }
  func.func @transform_5(%arg0: i32) -> (i32, i32) {
    %c0_i32 = arith.constant 0 : i32
    %c0_i32_0 = arith.constant 0 : i32
    %c0_i32_1 = arith.constant 0 : i32
    return %c0_i32, %c0_i32_0 : i32, i32
  }
  func.func @transform_6(%arg0: i32) -> (i32, i32) {
    %c0_i32 = arith.constant 0 : i32
    %c0_i32_0 = arith.constant 0 : i32
    %c0_i32_1 = arith.constant 0 : i32
    return %c0_i32, %c0_i32_0 : i32, i32
  }
  func.func @transform_7(%arg0: i32) -> (i32, i32) {
    %c0_i32 = arith.constant 0 : i32
    %c0_i32_0 = arith.constant 0 : i32
    %c0_i32_1 = arith.constant 0 : i32
    return %c0_i32, %c0_i32_0 : i32, i32
  }
  func.func @transform_8(%arg0: i32) -> (i32, i32) {
    %c0_i32 = arith.constant 0 : i32
    %c0_i32_0 = arith.constant 0 : i32
    %c0_i32_1 = arith.constant 0 : i32
    return %c0_i32, %c0_i32_0 : i32, i32
  }
  func.func @transform_9(%arg0: i32) -> (i32, i32) {
    %c0_i32 = arith.constant 0 : i32
    %c0_i32_0 = arith.constant 0 : i32
    %c0_i32_1 = arith.constant 0 : i32
    return %c0_i32, %c0_i32_0 : i32, i32
  }
  func.func @transform_10(%arg0: i32) -> (i32, i32) {
    %c0_i32 = arith.constant 0 : i32
    %c0_i32_0 = arith.constant 0 : i32
    %c0_i32_1 = arith.constant 0 : i32
    return %c0_i32, %c0_i32_0 : i32, i32
  }
  func.func @transform_11(%arg0: i32) -> (i32, i32) {
    %c0_i32 = arith.constant 0 : i32
    %c0_i32_0 = arith.constant 0 : i32
    %c0_i32_1 = arith.constant 0 : i32
    return %c0_i32, %c0_i32_0 : i32, i32
  }
  func.func @transform_12(%arg0: i32) -> (i32, i32) {
    %c0_i32 = arith.constant 0 : i32
    %c0_i32_0 = arith.constant 0 : i32
    %c0_i32_1 = arith.constant 0 : i32
    return %c0_i32, %c0_i32_0 : i32, i32
  }
  func.func @transform_13(%arg0: i32) -> (i32, i32) {
    %c0_i32 = arith.constant 0 : i32
    %c0_i32_0 = arith.constant 0 : i32
    %c0_i32_1 = arith.constant 0 : i32
    return %c0_i32, %c0_i32_0 : i32, i32
  }
}

</mosaic_0001>

<sc_bundles>
// kernel: kernel.11.cloned.1.call-start
scs
__scs_entry_jumppad:
0x0: {  	(pc) =	sbr.rel $0x88, $3  }
0x1: {  	(tag) =	ssettag $0x0;
	lr =	simm.s32 $0x1  }
0x2: {  	[smem:$0x3F90] =	sst lr;
	_ =	strace $0xD0000000  }
0x3: {  	_ = 	snop  }
0x4: {  	_ = 	snop  }
0x5: {  	_ = 	snop  }
0x6: {  	_ = 	snop  }
0x7: {  	_ = 	snop  }
__scs_overlays_trampoline_lowered:
0x8: {  	[smem:$0x3F9F] =	sst s0  }
0x9: {  	[smem:$0x3FA0] =	sst s1  }
0xa: {  	[smem:$0x3FA1] =	sst s2  }
0xb: {  	[smem:$0x3FA2] =	sst s3  }
0xc: {  	[smem:$0x3FA3] =	sst s4  }
0xd: {  	[smem:$0x3FA4] =	sst s5  }
0xe: {  	[smem:$0x3FA5] =	sst s6  }
0xf: {  	[smem:$0x3FA6] =	sst s7  }
0x10: {  	[smem:$0x3FA7] =	sst s8  }
0x11: {  	[smem:$0x3FA8] =	sst s9;
	s0 =	simm.s32 @!p0 $0x0  }
0x12: {  	s1 =	sld [smem:$0x3F8E];
	s0 =	simm.s32 @p0 $0x1  }
0x13: {  	[smem:$0x3FA9] =	sst s0;
	s0 =	simm.s32 @!p1 $0x0  }
0x14: {  	s2 =	sld [smem:$0x3F8D];
	s0 =	simm.s32 @p1 $0x1  }
0x15: {  	[smem:$0x3FAA] =	sst s0;
	s0 =	simm.s32 @!p2 $0x0  }
0x16: {  	s3 =	sld [smem:$0x3FDB];
	s0 =	simm.s32 @p2 $0x1  }
0x17: {  	s4 =	simm.s32 $0x1BF5;
	[smem:$0x3FAC] =	sst s0  }
0x18: {  	s0 =	sld [smem:$0x3F8F];
	_ =	swait.ge [sflag:s4], $0x0  }
0x19: {  	s7 =	sld [smem:$0x3F90]  }
0x1a: {  	s8 =	sadd.s32 $0xFFFFE003, lr  }
0x1b: {  	s9 =	sadd.s32 $0xFFFFFEF7, lr;
	s5 =	simm.s32 $0xFFFFFFFF;
	p2 =	slt.u32 s8, $0xFFFFF086  }
0x1c: {  	p1 =	slt.u32 s9, $0xF7A;
	s5 =	simm.s32 @!p2 $0x0  }
0x1d: {  	s5 =	simm.s32 @p1 $0x1;
	p0 =	seq.s32 s7, s2  }
0x1e: {  	s7 =	smul.u32 @!p0 $0xF7A, s2;
	p2 =	seq.s32 @!p0 s5, $0x0  }
0x1f: {  	s9 =	smul.u32 $0xF7A, s1;
	s8 =	simm.s32 @!p0 $0x1BF5;
	p2 =	por !p2, p0  }
0x20: {  	[sflag:s8] =	ssyncset.s32 @!p0 $0xFFFFF086;
	s6 =	sadd.s32 @!p0 s3, s7;
	s7 =	simm.s32 @!p0 $0x108  }
0x21: {  	s3 =	sadd.s32 s3, s9;
	s6 =	sadd.s32 @!p0 $0x88, s6;
	s7 =	simm.s32 @p2 $0x1082  }
0x22: {  	[simem:s7], [sflag:s8] =	dma.local @!p0 [hbm:s6], $0xF7A  }
0x23: {  	s9 =	sor.u32 $0xD0000000, s2;
	s6 =	simm.s32 $0x108;
	_ =	swait.ge @!p0 [sflag:s8], $0x0  }
0x24: {  	s3 =	sadd.s32 $0x88, s3;
	s6 =	simm.s32 @!p1 $0x1082;
	[sflag:s4] =	ssyncset.s32 $0xFFFFF086  }
0x25: {  	[simem:s6], [sflag:s4] =	dma.local [hbm:s3], $0xF7A  }
0x26: {  	[smem:$0x3F90] =	sst s1;
	(tag) =	ssettag s2;
	_ =	strace s9  }
0x27: {  	s1 =	sld [smem:$0x3FA0]  }
0x28: {  	s2 =	sld [smem:$0x3FA1]  }
0x29: {  	s4 =	sld [smem:$0x3FA3]  }
0x2a: {  	p0 =	seq.s32 s5, $0x0;
	s5 =	sld [smem:$0x3FA4]  }
0x2b: {  	s6 =	sld [smem:$0x3FA5]  }
0x2c: {  	s7 =	sld [smem:$0x3FA6]  }
0x2d: {  	s3 =	simm.s32 $0x108;
	s8 =	sld [smem:$0x3FA7]  }
0x2e: {  	s3 =	simm.s32 @!p0 $0x1082;
	s9 =	sld [smem:$0x3FA8]  }
0x2f: {  	lr =	sadd.s32 s0, s3;
	s0 =	sld [smem:$0x3F9F]  }
0x30: {  	s3 =	sld [smem:$0x3FA2]  }
0x31: {  	[smem:$0x3FAB] =	sst s10  }
0x32: {  	s10 =	sld [smem:$0x3FA9];
	_ =	sdelay $0x3  }
0x33: {  	p0 =	seq.s32 s10, $0x1;
	s10 =	sld [smem:$0x3FAB];
	_ =	sdelay $0x3  }
0x34: {  	[smem:$0x3FAB] =	sst s10  }
0x35: {  	s10 =	sld [smem:$0x3FAA];
	_ =	sdelay $0x3  }
0x36: {  	p1 =	seq.s32 s10, $0x1;
	s10 =	sld [smem:$0x3FAB];
	_ =	sdelay $0x3  }
0x37: {  	[smem:$0x3FAB] =	sst s10  }
0x38: {  	s10 =	sld [smem:$0x3FAC]  }
0x39: {  	_ = 	snop;
	(pc) =	sbr.ind lr, $3  }
0x3a: {  	_ = 	snop  }
0x3b: {  	_ = 	snop  }
0x3c: {  	p2 =	seq.s32 s10, $0x1;
	s10 =	sld [smem:$0x3FAB]  }
0x3d: {  	_ =	shalt  }
0x3e: {  	_ =	shalt  }
0x3f: {  	_ =	shalt  }
0x40: {  	_ =	shalt  }
0x41: {  	_ =	shalt  }
0x42: {  	_ =	shalt  }
0x43: {  	_ =	shalt  }
0x44: {  	_ =	shalt  }
0x45: {  	_ =	shalt  }
0x46: {  	_ =	shalt  }
0x47: {  	_ =	shalt  }
0x48: {  	_ =	shalt  }
0x49: {  	_ =	shalt  }
0x4a: {  	_ =	shalt  }
0x4b: {  	_ =	shalt  }
0x4c: {  	_ =	shalt  }
0x4d: {  	_ =	shalt  }
0x4e: {  	_ =	shalt  }
0x4f: {  	_ =	shalt  }
0x50: {  	_ =	shalt  }
0x51: {  	_ =	shalt  }
0x52: {  	_ =	shalt  }
0x53: {  	_ =	shalt  }
0x54: {  	_ =	shalt  }
0x55: {  	_ =	shalt  }
0x56: {  	_ =	shalt  }
0x57: {  	_ =	shalt  }
0x58: {  	_ =	shalt  }
0x59: {  	_ =	shalt  }
0x5a: {  	_ =	shalt  }
0x5b: {  	_ =	shalt  }
0x5c: {  	_ =	shalt  }
0x5d: {  	_ =	shalt  }
0x5e: {  	_ =	shalt  }
0x5f: {  	_ =	shalt  }
0x60: {  	_ =	shalt  }
0x61: {  	_ =	shalt  }
0x62: {  	_ =	shalt  }
0x63: {  	_ =	shalt  }
0x64: {  	_ =	shalt  }
0x65: {  	_ =	shalt  }
0x66: {  	_ =	shalt  }
0x67: {  	_ =	shalt  }
0x68: {  	_ =	shalt  }
0x69: {  	_ =	shalt  }
0x6a: {  	_ =	shalt  }
0x6b: {  	_ =	shalt  }
0x6c: {  	_ =	shalt  }
0x6d: {  	_ =	shalt  }
0x6e: {  	_ =	shalt  }
0x6f: {  	_ =	shalt  }
0x70: {  	_ =	shalt  }
0x71: {  	_ =	shalt  }
0x72: {  	_ =	shalt  }
0x73: {  	_ =	shalt  }
0x74: {  	_ =	shalt  }
0x75: {  	_ =	shalt  }
0x76: {  	_ =	shalt  }
0x77: {  	_ =	shalt  }
0x78: {  	_ =	shalt  }
0x79: {  	_ =	shalt  }
0x7a: {  	_ =	shalt  }
0x7b: {  	_ =	shalt  }
0x7c: {  	_ =	shalt  }
0x7d: {  	_ =	shalt  }
0x7e: {  	_ =	shalt  }
0x7f: {  	_ =	shalt  }
0x80: {  	_ =	shalt  }
0x81: {  	_ =	shalt  }
0x82: {  	_ =	shalt  }
0x83: {  	_ =	shalt  }
0x84: {  	_ =	shalt  }
0x85: {  	_ =	shalt  }
0x86: {  	_ =	shalt  }
0x87: {  	_ =	shalt  }
.Lfunc_end0:
.L_simem_size_0:
called_computation.1_lowered:
.L_overlay_start_0:
0x88: {  	s2 =	sld [smem:$0x3FD9]  }
0x89: {  	s3 =	sld [smem:$0x3FFE];
	_ =	sdelay $0x1  }
0x8a: {  	s1 =	srdreg.scid  }
0x8b: {  	s0 =	sand.u32 $0x1, s1  }
0x8c: {  	s17 =	sshll.u32 s0, $0xA;
	s2 =	sadd.s32 s3, s2  }
0x8d: {  	s2 =	sadd.s32 s2, s17  }
0x8e: {  	[smem:$0x3FB7] =	sst s2  }
0x8f: {  	_ = 	snop  }
0x90: {  	s2 =	sld [smem:$0x3FD0];
	(tm) =	ssettm $0x1  }
0x91: {  	s18 =	sld [smem:$0x3FFB];
	_ =	sdelay $0x3  }
0x92: {  	_ =	strace s18  }
0x93: {  	s3 =	sld [smem:$0x3FFC];
	_ =	sdelay $0x3  }
0x94: {  	_ =	strace s3  }
0x95: {  	s3 =	sld [smem:$0x3FFD];
	_ =	sdelay $0x3  }
0x96: {  	_ =	strace s3  }
0x97: {  	_ =	strace $0x8FFFFFFF  }
0x98: {  	s19 =	sld [smem:$0x3FDB];
	_ =	sdelay $0x1  }
0x99: {  	s4 =	simm.s32 $_scs_section_size  }
0x9a: {  	s5 =	simm.s32 $_size__tile_overlayer_lowered;
	s6 =	simm.s32 $_tile_overlayer_lowered  }
0x9b: {  	s22 =	simm.s32 $0x1BFF;
	s21 =	sshll.u32 s6, $0x1;
	s3 =	sadd.s32 s4, s19  }
0x9c: {  	s7 =	simm.s32 $0x0;
	s20 =	sshll.u32 s5, $0x1;
	s5 =	sadd.s32 s21, s3  }
0x9d: {  	[timem:s7], [sflag:s22] =	dma.local [hbm:s5], s20  }
0x9e: {  	_ =	swait.ge [sflag:s22], s20  }
0x9f: {  	s4 =	ssub.s32 $0x0, s20;
	[sflag:s22] =	ssyncset.done $0x0  }
0xa0: {  	[sflag:s22] =	ssyncadd.s32 s4;
	_ =	sdelay $0x1  }
0xa1: {  	s23 =	simm.s32 $0x1B8B  }
0xa2: {  	_ =	swait.ge [sflag:s23], $0x1  }
0xa3: {  	[sflag:s23] =	ssyncset.done $0x0  }
0xa4: {  	s25 =	simm.s32 $0x1B8E;
	s24 =	sld [smem:$0x3FFE];
	[sflag:s23] =	ssyncadd.s32 $0xFFFFFFFF  }
0xa5: {  	s26 =	simm.s32 $execute0_lowered;
	[smem:$0x3FD2] =	sst s25  }
0xa6: {  	s5 =	sshll.u32 s26, $0x1;
	_ =	strace $0x80000049;
	[dreg:$0x1] =	wrdreg $0xFFFFFFFF  }
0xa7: {  	s28 =	simm.s32 $_size_execute0_lowered;
	s3 =	sadd.s32 s3, s5;
	[dreg:$0x0] =	wrdreg $0x0  }
0xa8: {  	s5 =	sshll.u32 s28, $0x1;
	[dreg:$0x2] =	wrdreg s3  }
0xa9: {  	[dreg:$0x3] =	wrdreg s5  }
0xaa: {  	[dreg:$0x4] =	wrdreg $0xC0  }
0xab: {  	_ =	task [dreg:s7], $0x5FFFF  }
0xac: {  	[dreg:$0x1] =	wrdreg $0xFFFFFFFF  }
0xad: {  	[dreg:$0x0] =	wrdreg $0x60  }
0xae: {  	[dreg:$0x2] =	wrdreg s24  }
0xaf: {  	[dreg:$0x3] =	wrdreg s2  }
0xb0: {  	[dreg:$0x4] =	wrdreg $0xB7800  }
0xb1: {  	[dreg:$0x5] =	wrdreg $0x9  }
0xb2: {  	_ =	task.clear_ibuf [dreg:s7], $0x6FFFF;
	_ =	strace $0x90000049  }
0xb3: {  	s29 =	simm.s32 $0x9;
	_ =	strace $0x8000004B  }
0xb4: {  	_ =	swait.ge [sflag:s29], $0x1  }
0xb5: {  	[sflag:s29] =	ssyncadd.s32 $0xFFFFFFFF  }
0xb6: {  	_ =	strace $0x9000004B  }
0xb7: {  	_ =	sfence  }
0xb8: {  	s30 =	sld [smem:$0x0];
	_ =	sdelay $0x2  }
0xb9: {  	s31 =	sshll.u32 s1, $0xD;
	s1 =	sshrl.u32 s1, $0x2  }
0xba: {  	s3 =	sand.u32 $0x4000, s31;
	s1 =	sadd.s32 s1, s30  }
0xbb: {  	s0 =	sor.u32 s3, s0;
	s1 =	sshll.u32 s1, $0x11  }
0xbc: {  	s0 =	sor.u32 s1, s0  }
0xbd: {  	s0 =	sadd.s32 $0x8F2B, s0  }
0xbe: {  	[sflag:s0] =	ssyncadd.remote.s32 $0x1  }
0xbf: {  	_ =	sfence.sel $0xFFFF  }
0xc0: {  	[dreg:$0x0] =	wrdreg $0xFFFFFFFF;
	(pc) =	sbr.abs _section_cstart, $3  }
0xc1: {  	[dreg:$0x1] =	wrdreg $0xFFFFFFFF  }
0xc2: {  	_ =	task.clear_ibuf [dreg:s7], $0x2FFFF;
	_ =	strace $0x9FFFFFFF  }
0xc3: {  	(tm) =	ssettm $0x7FFFFFFF  }
tec
execute0_lowered:
.L_overlay_start_1:
0x0: {  	(tag) =	ssettag $0x1  }
0x1: {  	s0 =	rddreg [dreg:$0x0]  }
0x2: {  	s2 =	rddreg [dreg:$0x1]  }
0x3: {  	s3 =	rddreg [dreg:$0x2];
	s14 =	stileid.u32;
	s5 =	simm.s32 $0x0  }
0x4: {  	s25 =	srdreg.scid;
	s19 =	simm.s32 $0x3;
	s21 =	simm.s32 $0x6780  }
0x5: {  	s22 =	simm.s32 $0x1;
	s23 =	simm.s32 $0x50;
	s28 =	simm.s32 $0x26C0  }
0x6: {  	s29 =	simm.s32 $0x6500;
	s30 =	simm.s32 $0x6580;
	s31 =	simm.s32 $0x0  }
0x7: {  	s1 =	sshrl.u32 s14, $0x3;
	s4 =	sshll.u32 s14, $0x7;
	[smem:$0x7FF] =	sst s5  }
0x8: {  	s24 =	sshll.u32 s14, $0xB;
	s11 =	sand.u32 $0x1, s25;
	s5 =	sadd.s32 $0x39600, s0  }
0x9: {  	s8 =	smul.u32 $0x2800, s14;
	s6 =	sadd.s32 $0x60800, s0;
	s7 =	sadd.s32 $0x87A00, s0  }
0xa: {  	s13 =	smul.u32 $0x50000, s14;
	p0 =	seq.s32 s14, $0xF;
	s25 =	simm.s32 $0x2  }
0xb: {  	s1 =	smul.u32 $0x13C00, s1;
	s4 =	sand.u32 $0x380, s4;
	s9 =	ssub.s32 $0x2, s11  }
0xc: {  	_ =	strace $0x8000004A;
	s10 =	sshrl.u32 s9, $0x1;
	s26 =	sshrl.u32 s13, $0x2  }
0xd: {  	s1 =	sor.u32 s4, s1;
	s4 =	sadd.s32 s24, s0;
	s12 =	ssub.s32 s9, s10  }
0xe: {  	s9 =	simm.s32 $0x5;
	s24 =	simm.s32 $0x8F80;
	s1 =	sshrl.u32 s1, $0x3  }
.Ltmp0:
0xf: {  	s10 =	sadd.s32 $0x4800, s4;
	s9 =	simm.s32 @!p0 $0x8;
	(pc) =	sbr.rel .LBB2_1-.Ltmp0, $4  }
0x10: {  	p0 =	seq.s32 s11, $0x1;
	s11 =	smax.u32 s12, $0x1;
	s12 =	sadd.s32 s26, s3  }
0x11: {  	s26 =	simm.s32 $0x6480;
	s1 =	sadd.s32 s1, s0;
	s0 =	sadd.s32 s8, s0  }
0x12: {  	s1 =	sadd.s32 $0xD400, s1;
	s4 =	sadd.s32 $0xAEC00, s0;
	s14 =	sadd.s32 $0xD5E00, s0  }
0x13: {  	v0 =	vimm.f32 $0.0e+00;
	s15 =	sadd.s32 $0xFD000, s0;
	s16 =	sadd.s32 $0x124200, s0;
	[dreg:$0x4] =	wrdreg s1  }
.LBB2_49:
0x14: {  	[sflag:s22] =	ssyncadd.s32 $0xFFFFFB00  }
.LBB2_50:
0x15: {  	s31 =	sadd.s32 $0x1, s31  }
0x16: {  	p1 =	sne.s32 s31, s11  }
.Ltmp1:
0x17: {  	_ = 	snop;
	(pc) =	sbr.rel @!p1 .LBB2_51-.Ltmp1, $1  }
0x18: {  	_ =	sdelay $0x3  }
.LBB2_1:
0x19: {  	s0 =	simm.s32 $0x0  }
0x1a: {  	s1 =	rddreg [dreg:$0x4];
	s8 =	simm.s32 $0x80;
	s13 =	simm.s32 $0x400  }
0x1b: {  	[tilespmem:s0], [sflag:$0x3] =	stream.strided.gather [hbm4b:s1+s8], $0x2780, s13, s8, $0x38;
	[tilespmem:$0x1F000] =	vst v63  }
0x1c: {  	_ =	swait.ge [sflag:s19], $0x2780  }
0x1d: {  	[sflag:s19] =	ssyncset.done $0x0  }
.Ltmp2:
0x1e: {  	s18 =	simm.s32 $0x2780;
	[sflag:s19] =	ssyncadd.s32 $0xFFFFD880;
	(pc) =	sbr.rel @!p0 .LBB2_2-.Ltmp2, $4  }
0x1f: {  	[tilespmem:s18], [sflag:$0x3] =	stream.linear.gather [hbm4b:s10+s0], $0x3E80, $0x38;
	[tilespmem:$0x1F000] =	vst v63  }
0x20: {  	_ =	swait.ge [sflag:s19], $0x3E80  }
0x21: {  	s20 =	simm.s32 $0x1C0;
	[sflag:s19] =	ssyncset.done $0x0  }
0x22: {  	s1 =	sadd.s32 $0x200, s20;
	s0 =	sshra.s32 s20, $0x2;
	[sflag:s19] =	ssyncadd.s32 $0xFFFFC180  }
.LBB2_26:
0x23: {  	p1 =	sne.s32 s1, $0x9FC0;
	[tilespmem:s0+$0x6780] =	vst v0  }
0x24: {  	[tilespmem:s0+$0x6710] =	vst v0  }
0x25: {  	[tilespmem:s0+$0x6720] =	vst v0  }
.Ltmp3:
0x26: {  	[tilespmem:s0+$0x6730] =	vst v0;
	(pc) =	sbr.rel @p1 .LBB2_26-.Ltmp3, $4  }
0x27: {  	[tilespmem:s0+$0x6740] =	vst v0  }
0x28: {  	[tilespmem:s0+$0x6750] =	vst v0  }
0x29: {  	[tilespmem:s0+$0x6760] =	vst v0  }
0x2a: {  	[tilespmem:s0+$0x6770] =	vst v0;
	s0 =	sshra.s32 s1, $0x2;
	s1 =	sadd.s32 $0x200, s1  }
0x2b: {  	[tilespmem:s0+$0x6780] =	vst v0  }
0x2c: {  	[tilespmem:s0+$0x6710] =	vst v0  }
0x2d: {  	[tilespmem:s0+$0x6720] =	vst v0  }
0x2e: {  	[tilespmem:s0+$0x6730] =	vst v0;
	p1 =	sne.s32 s9, $0x1  }
.Ltmp4:
0x2f: {  	[tilespmem:s0+$0x6740] =	vst v0;
	(pc) =	sbr.rel @!p1 .LBB2_29-.Ltmp4, $4  }
0x30: {  	[tilespmem:s0+$0x6750] =	vst v0  }
0x31: {  	[tilespmem:s0+$0x6760] =	vst v0  }
0x32: {  	[tilespmem:s0+$0x6770] =	vst v0;
	s0 =	sadd.s32 $0xFFFFFFFF, s9;
	s1 =	smov.u32 s12  }
0x33: {  	[spmem:s12] =	stream.linear.scatter [tilespmem:s21], [sflag:$0x1], $0x2800, $0x38;
	[tilespmem:$0x1F000] =	vst v63  }
.LBB2_28:
0x34: {  	p2 =	sne.s32 s0, $0x1  }
.Ltmp5:
0x35: {  	_ = 	snop;
	(pc) =	sbr.rel @p2 .LBB2_28-.Ltmp5, $3  }
0x36: {  	_ = 	snop  }
0x37: {  	s0 =	sadd.s32 $0xFFFFFFFF, s0;
	s1 =	sadd.s32 $0x2800, s1;
	_ =	sdelay $0x1  }
0x38: {  	[spmem:s1] =	stream.linear.scatter [tilespmem:s21], [sflag:$0x1], $0x2800, $0x38;
	[tilespmem:$0x1F000] =	vst v63  }
.LBB2_29:
.Ltmp6:
0x39: {  	(pc) =	sbr.rel @!p1 .LBB2_31-.Ltmp6, $3  }
0x3a: {  	_ =	sdelay $0x1  }
0x3b: {  	_ =	swait.ge [sflag:s22], $0x2800  }
0x3c: {  	s0 =	sadd.s32 $0xFFFFFFFF, s9;
	[sflag:s22] =	ssyncset.done $0x0  }
.LBB2_30:
0x3d: {  	p2 =	sne.s32 s0, $0x1;
	s0 =	sadd.s32 $0xFFFFFFFF, s0;
	[sflag:s22] =	ssyncadd.s32 $0xFFFFD800  }
.Ltmp7:
0x3e: {  	(pc) =	sbr.rel @p2 .LBB2_30-.Ltmp7, $3  }
0x3f: {  	_ =	sdelay $0x1  }
0x40: {  	_ =	swait.ge [sflag:s22], $0x2800  }
0x41: {  	[sflag:s22] =	ssyncset.done $0x0  }
.LBB2_31:
0x42: {  	[sflag:s22] =	ssyncadd.s32 $0xFFFFD800  }
0x43: {  	s0 =	simm.s32 $0x0;
	[bflag:$0x0] =	sbarrier.arrive $0xFFFF  }
0x44: {  	[tilespmem:s21], [sflag:$0x1] =	stream.indirect.gather [hbm4b:s6+s23], $0x80, s0, s23, $0xb8;
	[tilespmem:$0x1F000] =	vst v63  }
0x45: {  	_ = 	snop  }
0x46: {  	[tilespmem:s24], [sflag:$0x2] =	stream.indirect.gather [hbm4b:s6+s23], $0x80, s23, s23, $0xb8;
	[tilespmem:$0x1F000] =	vst v63  }
0x47: {  	_ =	swait.ge [sflag:s22], $0x2800  }
0x48: {  	[sflag:s22] =	ssyncset.done $0x0  }
0x49: {  	s17 =	simm.s32 $0x2780;
	[sflag:s22] =	ssyncadd.s32 $0xFFFFD800  }
0x4a: {  	[spmem:s3] =	stream.indirect.scatter.add.f32 [tilespmem:s21], [sflag:$0x3], $0x80, s17, s23, $0xb8;
	[tilespmem:$0x1F000] =	vst v63  }
0x4b: {  	_ =	swait.ge [sflag:s19], $0x2800  }
0x4c: {  	[sflag:s19] =	ssyncset.done $0x0  }
0x4d: {  	s18 =	simm.s32 $0xA0;
	[sflag:s19] =	ssyncadd.s32 $0xFFFFD800  }
0x4e: {  	[tilespmem:s21], [sflag:$0x1] =	stream.indirect.gather [hbm4b:s6+s23], $0x80, s18, s23, $0xb8;
	[tilespmem:$0x1F000] =	vst v63  }
0x4f: {  	_ =	swait.ge [sflag:s25], $0x2800  }
0x50: {  	[sflag:s25] =	ssyncset.done $0x0  }
0x51: {  	s20 =	simm.s32 $0x2800;
	[sflag:s25] =	ssyncadd.s32 $0xFFFFD800  }
0x52: {  	[spmem:s3] =	stream.indirect.scatter.add.f32 [tilespmem:s24], [sflag:$0x3], $0x80, s20, s23, $0xb8;
	[tilespmem:$0x1F000] =	vst v63  }
0x53: {  	_ =	swait.ge [sflag:s19], $0x2800  }
0x54: {  	s1 =	simm.s32 $0x190;
	[sflag:s19] =	ssyncset.done $0x0  }
0x55: {  	s0 =	simm.s32 $0xF0;
	s17 =	simm.s32 $0x400;
	[sflag:s19] =	ssyncadd.s32 $0xFFFFD800  }
.LBB2_32:
0x56: {  	[tilespmem:s24], [sflag:$0x2] =	stream.indirect.gather [hbm4b:s6+s23], $0x80, s0, s23, $0xb8;
	[tilespmem:$0x1F000] =	vst v63  }
0x57: {  	s8 =	smov.u32 s17;
	s0 =	smov.u32 s1  }
0x58: {  	p2 =	sne.s32 s17, $0xF000;
	s17 =	sadd.s32 $0x400, s17;
	_ =	swait.ge [sflag:s22], $0x2800  }
0x59: {  	s8 =	sshra.s32 s8, $0x2;
	[sflag:s22] =	ssyncset.done $0x0  }
0x5a: {  	s13 =	sadd.s32 $0x2780, s8;
	[sflag:s22] =	ssyncadd.s32 $0xFFFFD800  }
0x5b: {  	[spmem:s3] =	stream.indirect.scatter.add.f32 [tilespmem:s21], [sflag:$0x3], $0x80, s13, s23, $0xb8;
	[tilespmem:$0x1F000] =	vst v63  }
0x5c: {  	_ =	swait.ge [sflag:s19], $0x2800  }
0x5d: {  	[sflag:s19] =	ssyncset.done $0x0  }
0x5e: {  	s13 =	sadd.s32 $0xFFFFFFB0, s1;
	[sflag:s19] =	ssyncadd.s32 $0xFFFFD800  }
0x5f: {  	[tilespmem:s21], [sflag:$0x1] =	stream.indirect.gather [hbm4b:s6+s23], $0x80, s13, s23, $0xb8;
	[tilespmem:$0x1F000] =	vst v63  }
0x60: {  	_ =	swait.ge [sflag:s25], $0x2800  }
0x61: {  	[sflag:s25] =	ssyncset.done $0x0  }
.Ltmp8:
0x62: {  	s8 =	sadd.s32 $0x2800, s8;
	[sflag:s25] =	ssyncadd.s32 $0xFFFFD800;
	(pc) =	sbr.rel @p2 .LBB2_32-.Ltmp8, $4  }
0x63: {  	[spmem:s3] =	stream.indirect.scatter.add.f32 [tilespmem:s24], [sflag:$0x3], $0x80, s8, s23, $0xb8;
	[tilespmem:$0x1F000] =	vst v63  }
0x64: {  	_ =	swait.ge [sflag:s19], $0x2800  }
0x65: {  	[sflag:s19] =	ssyncset.done $0x0  }
0x66: {  	s1 =	sadd.s32 $0xA0, s1;
	[sflag:s19] =	ssyncadd.s32 $0xFFFFD800  }
0x67: {  	[tilespmem:s24], [sflag:$0x2] =	stream.indirect.gather [hbm4b:s6+s23], $0x80, s0, s23, $0xb8;
	[tilespmem:$0x1F000] =	vst v63  }
0x68: {  	_ =	swait.ge [sflag:s22], $0x2800  }
0x69: {  	[sflag:s22] =	ssyncset.done $0x0  }
0x6a: {  	[sflag:s22] =	ssyncadd.s32 $0xFFFFD800  }
0x6b: {  	[spmem:s3] =	stream.indirect.scatter.add.f32 [tilespmem:s21], [sflag:$0x3], $0x80, s26, s23, $0xb8;
	[tilespmem:$0x1F000] =	vst v63  }
0x6c: {  	_ =	swait.ge [sflag:s19], $0x2800  }
0x6d: {  	[sflag:s19] =	ssyncset.done $0x0  }
0x6e: {  	[sflag:s19] =	ssyncadd.s32 $0xFFFFD800  }
0x6f: {  	[tilespmem:s21], [sflag:$0x1] =	stream.indirect.gather [hbm4b:s6+s23], $0x80, s28, s23, $0xb8;
	[tilespmem:$0x1F000] =	vst v63  }
0x70: {  	_ =	swait.ge [sflag:s25], $0x2800  }
0x71: {  	[sflag:s25] =	ssyncset.done $0x0  }
0x72: {  	[sflag:s25] =	ssyncadd.s32 $0xFFFFD800  }
0x73: {  	[spmem:s3] =	stream.indirect.scatter.add.f32 [tilespmem:s24], [sflag:$0x3], $0x80, s29, s23, $0xb8;
	[tilespmem:$0x1F000] =	vst v63  }
0x74: {  	_ =	swait.ge [sflag:s19], $0x2800  }
0x75: {  	[sflag:s19] =	ssyncset.done $0x0  }
0x76: {  	[sflag:s19] =	ssyncadd.s32 $0xFFFFD800  }
0x77: {  	_ =	swait.ge [sflag:s22], $0x2800  }
0x78: {  	[sflag:s22] =	ssyncset.done $0x0  }
0x79: {  	[sflag:s22] =	ssyncadd.s32 $0xFFFFD800  }
0x7a: {  	[spmem:s3] =	stream.indirect.scatter.add.f32 [tilespmem:s21], [sflag:$0x3], $0x80, s30, s23, $0xb8;
	[tilespmem:$0x1F000] =	vst v63  }
.Ltmp9:
0x7b: {  	s20 =	stileid.u32;
	_ =	swait.ge [sflag:s19], $0x2800;
	(pc) =	sbr.rel @!p1 .LBB2_35-.Ltmp9, $4  }
0x7c: {  	s17 =	sshrl.u32 s12, $0x3;
	s18 =	sadd.s32 $0xFFFFFFFF, s9;
	[sflag:s19] =	ssyncset.done $0x0  }
0x7d: {  	s13 =	smov.u32 s15;
	s1 =	sshll.u32 s20, $0x6;
	[sflag:s19] =	ssyncadd.s32 $0xFFFFD800  }
0x7e: {  	s20 =	sadd.s32 $0x2800, s12;
	s0 =	sor.u32 $0x1C01, s1;
	[bflag:$0x0] =	sbarrier.arrive $0xFFFF  }
0x7f: {  	[hbm:s15], [sflag:s0] =	dma.local [spmem:s17], $0x500  }
.LBB2_34:
0x80: {  	p2 =	sne.s32 s18, $0x1;
	s18 =	sadd.s32 $0xFFFFFFFF, s18;
	s0 =	sor.u32 $0x1C01, s1  }
.Ltmp10:
0x81: {  	s8 =	sshrl.u32 s20, $0x3;
	s13 =	sadd.s32 $0x500, s13;
	(pc) =	sbr.rel @p2 .LBB2_34-.Ltmp10, $3  }
0x82: {  	[hbm:s13], [sflag:s0] =	dma.local [spmem:s8], $0x500  }
0x83: {  	_ =	sdelay $0x1  }
0x84: {  	s20 =	sadd.s32 $0x2800, s20  }
.LBB2_35:
0x85: {  	s1 =	smov.u32 s9  }
.LBB2_36:
0x86: {  	p2 =	sne.s32 s1, $0x1  }
.Ltmp11:
0x87: {  	_ = 	snop;
	(pc) =	sbr.rel @p2 .LBB2_36-.Ltmp11, $4  }
0x88: {  	_ = 	snop  }
0x89: {  	_ =	swait.ge [sflag:s22], $0x500  }
0x8a: {  	[sflag:s22] =	ssyncset.done $0x0  }
0x8b: {  	s1 =	sadd.s32 $0xFFFFFFFF, s1;
	[sflag:s22] =	ssyncadd.s32 $0xFFFFFB00  }
0x8c: {  	s1 =	simm.s32 $0x70;
	s18 =	simm.s32 $0x3C0  }
.LBB2_38:
0x8d: {  	p2 =	sne.s32 s18, $0x9FC0;
	[tilespmem:s1+$0x6780] =	vst v0  }
0x8e: {  	[tilespmem:s1+$0x6710] =	vst v0  }
0x8f: {  	[tilespmem:s1+$0x6720] =	vst v0  }
.Ltmp12:
0x90: {  	[tilespmem:s1+$0x6730] =	vst v0;
	(pc) =	sbr.rel @p2 .LBB2_38-.Ltmp12, $4  }
0x91: {  	[tilespmem:s1+$0x6740] =	vst v0  }
0x92: {  	[tilespmem:s1+$0x6750] =	vst v0  }
0x93: {  	[tilespmem:s1+$0x6760] =	vst v0  }
0x94: {  	[tilespmem:s1+$0x6770] =	vst v0;
	s1 =	sshra.s32 s18, $0x2;
	s18 =	sadd.s32 $0x200, s18  }
0x95: {  	[tilespmem:s1+$0x6780] =	vst v0  }
0x96: {  	[tilespmem:s1+$0x6710] =	vst v0  }
0x97: {  	[tilespmem:s1+$0x6720] =	vst v0  }
0x98: {  	[tilespmem:s1+$0x6730] =	vst v0  }
.Ltmp13:
0x99: {  	[tilespmem:s1+$0x6740] =	vst v0;
	(pc) =	sbr.rel @!p1 .LBB2_41-.Ltmp13, $4  }
0x9a: {  	[tilespmem:s1+$0x6750] =	vst v0  }
0x9b: {  	[tilespmem:s1+$0x6760] =	vst v0  }
0x9c: {  	[tilespmem:s1+$0x6770] =	vst v0;
	s1 =	sadd.s32 $0xFFFFFFFF, s9;
	s13 =	smov.u32 s12  }
0x9d: {  	[spmem:s12] =	stream.linear.scatter [tilespmem:s21], [sflag:$0x1], $0x2800, $0x38;
	[tilespmem:$0x1F000] =	vst v63  }
.LBB2_40:
0x9e: {  	p2 =	sne.s32 s1, $0x1  }
.Ltmp14:
0x9f: {  	_ = 	snop;
	(pc) =	sbr.rel @p2 .LBB2_40-.Ltmp14, $3  }
0xa0: {  	_ = 	snop  }
0xa1: {  	s1 =	sadd.s32 $0xFFFFFFFF, s1;
	s13 =	sadd.s32 $0x2800, s13;
	_ =	sdelay $0x1  }
0xa2: {  	[spmem:s13] =	stream.linear.scatter [tilespmem:s21], [sflag:$0x1], $0x2800, $0x38;
	[tilespmem:$0x1F000] =	vst v63  }
.LBB2_41:
.Ltmp15:
0xa3: {  	(pc) =	sbr.rel @!p1 .LBB2_43-.Ltmp15, $3  }
0xa4: {  	_ =	sdelay $0x1  }
0xa5: {  	_ =	swait.ge [sflag:s22], $0x2800  }
0xa6: {  	s1 =	sadd.s32 $0xFFFFFFFF, s9;
	[sflag:s22] =	ssyncset.done $0x0  }
.LBB2_42:
0xa7: {  	p2 =	sne.s32 s1, $0x1;
	s1 =	sadd.s32 $0xFFFFFFFF, s1;
	[sflag:s22] =	ssyncadd.s32 $0xFFFFD800  }
.Ltmp16:
0xa8: {  	(pc) =	sbr.rel @p2 .LBB2_42-.Ltmp16, $3  }
0xa9: {  	_ =	sdelay $0x1  }
0xaa: {  	_ =	swait.ge [sflag:s22], $0x2800  }
0xab: {  	[sflag:s22] =	ssyncset.done $0x0  }
.LBB2_43:
0xac: {  	[sflag:s22] =	ssyncadd.s32 $0xFFFFD800  }
0xad: {  	s1 =	simm.s32 $0x0;
	[bflag:$0x0] =	sbarrier.arrive $0xFFFF  }
0xae: {  	[tilespmem:s21], [sflag:$0x1] =	stream.indirect.gather [hbm4b:s7+s23], $0x80, s1, s23, $0xb8;
	[tilespmem:$0x1F000] =	vst v63  }
0xaf: {  	_ = 	snop  }
0xb0: {  	[tilespmem:s24], [sflag:$0x2] =	stream.indirect.gather [hbm4b:s7+s23], $0x80, s23, s23, $0xb8;
	[tilespmem:$0x1F000] =	vst v63  }
0xb1: {  	_ =	swait.ge [sflag:s22], $0x2800  }
0xb2: {  	[sflag:s22] =	ssyncset.done $0x0  }
0xb3: {  	s13 =	simm.s32 $0x2780;
	[sflag:s22] =	ssyncadd.s32 $0xFFFFD800  }
0xb4: {  	[spmem:s3] =	stream.indirect.scatter.add.f32 [tilespmem:s21], [sflag:$0x3], $0x80, s13, s23, $0xb8;
	[tilespmem:$0x1F000] =	vst v63  }
0xb5: {  	_ =	swait.ge [sflag:s19], $0x2800  }
0xb6: {  	[sflag:s19] =	ssyncset.done $0x0  }
0xb7: {  	s18 =	simm.s32 $0xA0;
	[sflag:s19] =	ssyncadd.s32 $0xFFFFD800  }
0xb8: {  	[tilespmem:s21], [sflag:$0x1] =	stream.indirect.gather [hbm4b:s7+s23], $0x80, s18, s23, $0xb8;
	[tilespmem:$0x1F000] =	vst v63  }
0xb9: {  	_ =	swait.ge [sflag:s25], $0x2800  }
0xba: {  	[sflag:s25] =	ssyncset.done $0x0  }
0xbb: {  	s20 =	simm.s32 $0x2800;
	[sflag:s25] =	ssyncadd.s32 $0xFFFFD800  }
0xbc: {  	[spmem:s3] =	stream.indirect.scatter.add.f32 [tilespmem:s24], [sflag:$0x3], $0x80, s20, s23, $0xb8;
	[tilespmem:$0x1F000] =	vst v63  }
0xbd: {  	_ =	swait.ge [sflag:s19], $0x2800  }
0xbe: {  	s1 =	simm.s32 $0x190;
	[sflag:s19] =	ssyncset.done $0x0  }
0xbf: {  	s18 =	simm.s32 $0xF0;
	s20 =	simm.s32 $0x400;
	[sflag:s19] =	ssyncadd.s32 $0xFFFFD800  }
.LBB2_44:
0xc0: {  	[tilespmem:s24], [sflag:$0x2] =	stream.indirect.gather [hbm4b:s7+s23], $0x80, s18, s23, $0xb8;
	[tilespmem:$0x1F000] =	vst v63  }
0xc1: {  	s8 =	smov.u32 s20;
	s18 =	smov.u32 s1  }
0xc2: {  	p2 =	sne.s32 s20, $0xF000;
	s20 =	sadd.s32 $0x400, s20;
	_ =	swait.ge [sflag:s22], $0x2800  }
0xc3: {  	s8 =	sshra.s32 s8, $0x2;
	[sflag:s22] =	ssyncset.done $0x0  }
0xc4: {  	s13 =	sadd.s32 $0x2780, s8;
	[sflag:s22] =	ssyncadd.s32 $0xFFFFD800  }
0xc5: {  	[spmem:s3] =	stream.indirect.scatter.add.f32 [tilespmem:s21], [sflag:$0x3], $0x80, s13, s23, $0xb8;
	[tilespmem:$0x1F000] =	vst v63  }
0xc6: {  	_ =	swait.ge [sflag:s19], $0x2800  }
0xc7: {  	[sflag:s19] =	ssyncset.done $0x0  }
0xc8: {  	s13 =	sadd.s32 $0xFFFFFFB0, s1;
	[sflag:s19] =	ssyncadd.s32 $0xFFFFD800  }
0xc9: {  	[tilespmem:s21], [sflag:$0x1] =	stream.indirect.gather [hbm4b:s7+s23], $0x80, s13, s23, $0xb8;
	[tilespmem:$0x1F000] =	vst v63  }
0xca: {  	_ =	swait.ge [sflag:s25], $0x2800  }
0xcb: {  	[sflag:s25] =	ssyncset.done $0x0  }
.Ltmp17:
0xcc: {  	s8 =	sadd.s32 $0x2800, s8;
	[sflag:s25] =	ssyncadd.s32 $0xFFFFD800;
	(pc) =	sbr.rel @p2 .LBB2_44-.Ltmp17, $4  }
0xcd: {  	[spmem:s3] =	stream.indirect.scatter.add.f32 [tilespmem:s24], [sflag:$0x3], $0x80, s8, s23, $0xb8;
	[tilespmem:$0x1F000] =	vst v63  }
0xce: {  	_ =	swait.ge [sflag:s19], $0x2800  }
0xcf: {  	[sflag:s19] =	ssyncset.done $0x0  }
0xd0: {  	s1 =	sadd.s32 $0xA0, s1;
	[sflag:s19] =	ssyncadd.s32 $0xFFFFD800  }
0xd1: {  	[tilespmem:s24], [sflag:$0x2] =	stream.indirect.gather [hbm4b:s7+s23], $0x80, s18, s23, $0xb8;
	[tilespmem:$0x1F000] =	vst v63  }
0xd2: {  	_ =	swait.ge [sflag:s22], $0x2800  }
0xd3: {  	[sflag:s22] =	ssyncset.done $0x0  }
0xd4: {  	[sflag:s22] =	ssyncadd.s32 $0xFFFFD800  }
0xd5: {  	[spmem:s3] =	stream.indirect.scatter.add.f32 [tilespmem:s21], [sflag:$0x3], $0x80, s26, s23, $0xb8;
	[tilespmem:$0x1F000] =	vst v63  }
0xd6: {  	_ =	swait.ge [sflag:s19], $0x2800  }
0xd7: {  	[sflag:s19] =	ssyncset.done $0x0  }
0xd8: {  	[sflag:s19] =	ssyncadd.s32 $0xFFFFD800  }
0xd9: {  	[tilespmem:s21], [sflag:$0x1] =	stream.indirect.gather [hbm4b:s7+s23], $0x80, s28, s23, $0xb8;
	[tilespmem:$0x1F000] =	vst v63  }
0xda: {  	_ =	swait.ge [sflag:s25], $0x2800  }
0xdb: {  	[sflag:s25] =	ssyncset.done $0x0  }
0xdc: {  	[sflag:s25] =	ssyncadd.s32 $0xFFFFD800  }
0xdd: {  	[spmem:s3] =	stream.indirect.scatter.add.f32 [tilespmem:s24], [sflag:$0x3], $0x80, s29, s23, $0xb8;
	[tilespmem:$0x1F000] =	vst v63  }
0xde: {  	_ =	swait.ge [sflag:s19], $0x2800  }
0xdf: {  	[sflag:s19] =	ssyncset.done $0x0  }
0xe0: {  	[sflag:s19] =	ssyncadd.s32 $0xFFFFD800  }
0xe1: {  	_ =	swait.ge [sflag:s22], $0x2800  }
0xe2: {  	[sflag:s22] =	ssyncset.done $0x0  }
0xe3: {  	[sflag:s22] =	ssyncadd.s32 $0xFFFFD800  }
0xe4: {  	[spmem:s3] =	stream.indirect.scatter.add.f32 [tilespmem:s21], [sflag:$0x3], $0x80, s30, s23, $0xb8;
	[tilespmem:$0x1F000] =	vst v63  }
.Ltmp18:
0xe5: {  	_ =	swait.ge [sflag:s19], $0x2800;
	(pc) =	sbr.rel @!p1 .LBB2_47-.Ltmp18, $4  }
0xe6: {  	[sflag:s19] =	ssyncset.done $0x0  }
0xe7: {  	[sflag:s19] =	ssyncadd.s32 $0xFFFFD800  }
0xe8: {  	s1 =	sadd.s32 $0xFFFFFFFF, s9;
	[bflag:$0x0] =	sbarrier.arrive $0xFFFF  }
0xe9: {  	s18 =	sadd.s32 $0x500, s16;
	s20 =	sadd.s32 $0x2800, s12;
	s13 =	smov.u32 s16  }
.LBB2_46:
0xea: {  	[hbm:s13], [sflag:s0] =	dma.local [spmem:s17], $0x500  }
0xeb: {  	p2 =	sne.s32 s1, $0x1  }
.Ltmp19:
0xec: {  	s1 =	sadd.s32 $0xFFFFFFFF, s1;
	(pc) =	sbr.rel @p2 .LBB2_46-.Ltmp19, $2  }
0xed: {  	s13 =	smov.u32 s18;
	_ =	sdelay $0x2  }
0xee: {  	s17 =	sshrl.u32 s20, $0x3;
	s18 =	sadd.s32 $0x500, s18;
	s20 =	sadd.s32 $0x2800, s20  }
.LBB2_47:
.Ltmp20:
0xef: {  	(pc) =	sbr.rel @!p1 .LBB2_49-.Ltmp20, $4  }
0xf0: {  	_ = 	snop  }
0xf1: {  	[hbm:s13], [sflag:s0] =	dma.local [spmem:s17], $0x500  }
0xf2: {  	_ =	swait.ge [sflag:s22], $0x500  }
0xf3: {  	s0 =	sadd.s32 $0xFFFFFFFF, s9;
	[sflag:s22] =	ssyncset.done $0x0  }
.LBB2_48:
0xf4: {  	p1 =	sne.s32 s0, $0x1;
	s0 =	sadd.s32 $0xFFFFFFFF, s0;
	[sflag:s22] =	ssyncadd.s32 $0xFFFFFB00  }
.Ltmp21:
0xf5: {  	(pc) =	sbr.rel @p1 .LBB2_48-.Ltmp21, $3  }
0xf6: {  	_ =	sdelay $0x1  }
0xf7: {  	_ =	swait.ge [sflag:s22], $0x500  }
0xf8: {  	[sflag:s22] =	ssyncset.done $0x0  }
.Ltmp22:
0xf9: {  	_ = 	snop;
	(pc) =	sbr.rel .LBB2_49-.Ltmp22, $1  }
0xfa: {  	_ =	sdelay $0x3  }
.LBB2_2:
0xfb: {  	p1 =	sne.s32 s1, $0x9FC0;
	[tilespmem:s0+$0x6780] =	vst v0  }
0xfc: {  	[tilespmem:s0+$0x6710] =	vst v0  }
0xfd: {  	[tilespmem:s0+$0x6720] =	vst v0  }
.Ltmp23:
0xfe: {  	[tilespmem:s0+$0x6730] =	vst v0;
	(pc) =	sbr.rel @p1 .LBB2_2-.Ltmp23, $4  }
0xff: {  	[tilespmem:s0+$0x6740] =	vst v0  }
0x100: {  	[tilespmem:s0+$0x6750] =	vst v0  }
0x101: {  	[tilespmem:s0+$0x6760] =	vst v0  }
0x102: {  	[tilespmem:s0+$0x6770] =	vst v0;
	s0 =	sshra.s32 s1, $0x2;
	s1 =	sadd.s32 $0x200, s1  }
0x103: {  	[tilespmem:s0+$0x6780] =	vst v0  }
0x104: {  	[tilespmem:s0+$0x6710] =	vst v0  }
0x105: {  	[tilespmem:s0+$0x6720] =	vst v0  }
0x106: {  	[tilespmem:s0+$0x6730] =	vst v0;
	p1 =	sne.s32 s9, $0x1  }
.Ltmp24:
0x107: {  	[tilespmem:s0+$0x6740] =	vst v0;
	(pc) =	sbr.rel @!p1 .LBB2_5-.Ltmp24, $4  }
0x108: {  	[tilespmem:s0+$0x6750] =	vst v0  }
0x109: {  	[tilespmem:s0+$0x6760] =	vst v0  }
0x10a: {  	[tilespmem:s0+$0x6770] =	vst v0;
	s0 =	sadd.s32 $0xFFFFFFFF, s9;
	s1 =	smov.u32 s12  }
0x10b: {  	[spmem:s12] =	stream.linear.scatter [tilespmem:s21], [sflag:$0x1], $0x2800, $0x38;
	[tilespmem:$0x1F000] =	vst v63  }
.LBB2_4:
0x10c: {  	p2 =	sne.s32 s0, $0x1  }
.Ltmp25:
0x10d: {  	_ = 	snop;
	(pc) =	sbr.rel @p2 .LBB2_4-.Ltmp25, $3  }
0x10e: {  	_ = 	snop  }
0x10f: {  	s0 =	sadd.s32 $0xFFFFFFFF, s0;
	s1 =	sadd.s32 $0x2800, s1;
	_ =	sdelay $0x1  }
0x110: {  	[spmem:s1] =	stream.linear.scatter [tilespmem:s21], [sflag:$0x1], $0x2800, $0x38;
	[tilespmem:$0x1F000] =	vst v63  }
.LBB2_5:
.Ltmp26:
0x111: {  	(pc) =	sbr.rel @!p1 .LBB2_7-.Ltmp26, $3  }
0x112: {  	_ =	sdelay $0x1  }
0x113: {  	_ =	swait.ge [sflag:s22], $0x2800  }
0x114: {  	s0 =	sadd.s32 $0xFFFFFFFF, s9;
	[sflag:s22] =	ssyncset.done $0x0  }
.LBB2_6:
0x115: {  	p2 =	sne.s32 s0, $0x1;
	s0 =	sadd.s32 $0xFFFFFFFF, s0;
	[sflag:s22] =	ssyncadd.s32 $0xFFFFD800  }
.Ltmp27:
0x116: {  	(pc) =	sbr.rel @p2 .LBB2_6-.Ltmp27, $3  }
0x117: {  	_ =	sdelay $0x1  }
0x118: {  	_ =	swait.ge [sflag:s22], $0x2800  }
0x119: {  	[sflag:s22] =	ssyncset.done $0x0  }
.LBB2_7:
0x11a: {  	[sflag:s22] =	ssyncadd.s32 $0xFFFFD800  }
0x11b: {  	s0 =	simm.s32 $0x0;
	[bflag:$0x0] =	sbarrier.arrive $0xFFFF  }
0x11c: {  	[tilespmem:s21], [sflag:$0x1] =	stream.indirect.gather [hbm4b:s2+s23], $0x80, s0, s23, $0xb8;
	[tilespmem:$0x1F000] =	vst v63  }
0x11d: {  	_ = 	snop  }
0x11e: {  	[tilespmem:s24], [sflag:$0x2] =	stream.indirect.gather [hbm4b:s2+s23], $0x80, s23, s23, $0xb8;
	[tilespmem:$0x1F000] =	vst v63  }
0x11f: {  	_ =	swait.ge [sflag:s22], $0x2800  }
0x120: {  	[sflag:s22] =	ssyncset.done $0x0  }
0x121: {  	s17 =	simm.s32 $0x2780;
	[sflag:s22] =	ssyncadd.s32 $0xFFFFD800  }
0x122: {  	[spmem:s3] =	stream.indirect.scatter.add.f32 [tilespmem:s21], [sflag:$0x3], $0x80, s17, s23, $0xb8;
	[tilespmem:$0x1F000] =	vst v63  }
0x123: {  	_ =	swait.ge [sflag:s19], $0x2800  }
0x124: {  	[sflag:s19] =	ssyncset.done $0x0  }
0x125: {  	s18 =	simm.s32 $0xA0;
	[sflag:s19] =	ssyncadd.s32 $0xFFFFD800  }
0x126: {  	[tilespmem:s21], [sflag:$0x1] =	stream.indirect.gather [hbm4b:s2+s23], $0x80, s18, s23, $0xb8;
	[tilespmem:$0x1F000] =	vst v63  }
0x127: {  	_ =	swait.ge [sflag:s25], $0x2800  }
0x128: {  	[sflag:s25] =	ssyncset.done $0x0  }
0x129: {  	s20 =	simm.s32 $0x2800;
	[sflag:s25] =	ssyncadd.s32 $0xFFFFD800  }
0x12a: {  	[spmem:s3] =	stream.indirect.scatter.add.f32 [tilespmem:s24], [sflag:$0x3], $0x80, s20, s23, $0xb8;
	[tilespmem:$0x1F000] =	vst v63  }
0x12b: {  	_ =	swait.ge [sflag:s19], $0x2800  }
0x12c: {  	s0 =	simm.s32 $0xF0;
	[sflag:s19] =	ssyncset.done $0x0  }
0x12d: {  	s17 =	simm.s32 $0x400;
	s18 =	simm.s32 $0x190;
	[sflag:s19] =	ssyncadd.s32 $0xFFFFD800  }
.LBB2_8:
0x12e: {  	[tilespmem:s24], [sflag:$0x2] =	stream.indirect.gather [hbm4b:s2+s23], $0x80, s0, s23, $0xb8;
	[tilespmem:$0x1F000] =	vst v63  }
0x12f: {  	s1 =	smov.u32 s17;
	s0 =	smov.u32 s18  }
0x130: {  	p2 =	sne.s32 s17, $0xF000;
	s17 =	sadd.s32 $0x400, s17;
	_ =	swait.ge [sflag:s22], $0x2800  }
0x131: {  	s1 =	sshra.s32 s1, $0x2;
	[sflag:s22] =	ssyncset.done $0x0  }
0x132: {  	s13 =	sadd.s32 $0x2780, s1;
	[sflag:s22] =	ssyncadd.s32 $0xFFFFD800  }
0x133: {  	[spmem:s3] =	stream.indirect.scatter.add.f32 [tilespmem:s21], [sflag:$0x3], $0x80, s13, s23, $0xb8;
	[tilespmem:$0x1F000] =	vst v63  }
0x134: {  	_ =	swait.ge [sflag:s19], $0x2800  }
0x135: {  	[sflag:s19] =	ssyncset.done $0x0  }
0x136: {  	s13 =	sadd.s32 $0xFFFFFFB0, s18;
	[sflag:s19] =	ssyncadd.s32 $0xFFFFD800  }
0x137: {  	[tilespmem:s21], [sflag:$0x1] =	stream.indirect.gather [hbm4b:s2+s23], $0x80, s13, s23, $0xb8;
	[tilespmem:$0x1F000] =	vst v63  }
0x138: {  	_ =	swait.ge [sflag:s25], $0x2800  }
0x139: {  	[sflag:s25] =	ssyncset.done $0x0  }
.Ltmp28:
0x13a: {  	s1 =	sadd.s32 $0x2800, s1;
	[sflag:s25] =	ssyncadd.s32 $0xFFFFD800;
	(pc) =	sbr.rel @p2 .LBB2_8-.Ltmp28, $4  }
0x13b: {  	[spmem:s3] =	stream.indirect.scatter.add.f32 [tilespmem:s24], [sflag:$0x3], $0x80, s1, s23, $0xb8;
	[tilespmem:$0x1F000] =	vst v63  }
0x13c: {  	_ =	swait.ge [sflag:s19], $0x2800  }
0x13d: {  	[sflag:s19] =	ssyncset.done $0x0  }
0x13e: {  	s18 =	sadd.s32 $0xA0, s18;
	[sflag:s19] =	ssyncadd.s32 $0xFFFFD800  }
0x13f: {  	[tilespmem:s24], [sflag:$0x2] =	stream.indirect.gather [hbm4b:s2+s23], $0x80, s0, s23, $0xb8;
	[tilespmem:$0x1F000] =	vst v63  }
0x140: {  	_ =	swait.ge [sflag:s22], $0x2800  }
0x141: {  	[sflag:s22] =	ssyncset.done $0x0  }
0x142: {  	[sflag:s22] =	ssyncadd.s32 $0xFFFFD800  }
0x143: {  	[spmem:s3] =	stream.indirect.scatter.add.f32 [tilespmem:s21], [sflag:$0x3], $0x80, s26, s23, $0xb8;
	[tilespmem:$0x1F000] =	vst v63  }
0x144: {  	_ =	swait.ge [sflag:s19], $0x2800  }
0x145: {  	[sflag:s19] =	ssyncset.done $0x0  }
0x146: {  	[sflag:s19] =	ssyncadd.s32 $0xFFFFD800  }
0x147: {  	[tilespmem:s21], [sflag:$0x1] =	stream.indirect.gather [hbm4b:s2+s23], $0x80, s28, s23, $0xb8;
	[tilespmem:$0x1F000] =	vst v63  }
0x148: {  	_ =	swait.ge [sflag:s25], $0x2800  }
0x149: {  	[sflag:s25] =	ssyncset.done $0x0  }
0x14a: {  	[sflag:s25] =	ssyncadd.s32 $0xFFFFD800  }
0x14b: {  	[spmem:s3] =	stream.indirect.scatter.add.f32 [tilespmem:s24], [sflag:$0x3], $0x80, s29, s23, $0xb8;
	[tilespmem:$0x1F000] =	vst v63  }
0x14c: {  	_ =	swait.ge [sflag:s19], $0x2800  }
0x14d: {  	[sflag:s19] =	ssyncset.done $0x0  }
0x14e: {  	[sflag:s19] =	ssyncadd.s32 $0xFFFFD800  }
0x14f: {  	_ =	swait.ge [sflag:s22], $0x2800  }
0x150: {  	[sflag:s22] =	ssyncset.done $0x0  }
0x151: {  	[sflag:s22] =	ssyncadd.s32 $0xFFFFD800  }
0x152: {  	[spmem:s3] =	stream.indirect.scatter.add.f32 [tilespmem:s21], [sflag:$0x3], $0x80, s30, s23, $0xb8;
	[tilespmem:$0x1F000] =	vst v63  }
.Ltmp29:
0x153: {  	s20 =	stileid.u32;
	_ =	swait.ge [sflag:s19], $0x2800;
	(pc) =	sbr.rel @!p1 .LBB2_11-.Ltmp29, $4  }
0x154: {  	s17 =	sshrl.u32 s12, $0x3;
	s18 =	sadd.s32 $0xFFFFFFFF, s9;
	[sflag:s19] =	ssyncset.done $0x0  }
0x155: {  	s13 =	smov.u32 s4;
	s1 =	sshll.u32 s20, $0x6;
	[sflag:s19] =	ssyncadd.s32 $0xFFFFD800  }
0x156: {  	s20 =	sadd.s32 $0x2800, s12;
	s0 =	sor.u32 $0x1C01, s1;
	[bflag:$0x0] =	sbarrier.arrive $0xFFFF  }
0x157: {  	[hbm:s4], [sflag:s0] =	dma.local [spmem:s17], $0x500  }
.LBB2_10:
0x158: {  	p2 =	sne.s32 s18, $0x1;
	s18 =	sadd.s32 $0xFFFFFFFF, s18;
	s0 =	sor.u32 $0x1C01, s1  }
.Ltmp30:
0x159: {  	s8 =	sshrl.u32 s20, $0x3;
	s13 =	sadd.s32 $0x500, s13;
	(pc) =	sbr.rel @p2 .LBB2_10-.Ltmp30, $3  }
0x15a: {  	[hbm:s13], [sflag:s0] =	dma.local [spmem:s8], $0x500  }
0x15b: {  	_ =	sdelay $0x1  }
0x15c: {  	s20 =	sadd.s32 $0x2800, s20  }
.LBB2_11:
0x15d: {  	s1 =	smov.u32 s9  }
.LBB2_12:
0x15e: {  	p2 =	sne.s32 s1, $0x1  }
.Ltmp31:
0x15f: {  	_ = 	snop;
	(pc) =	sbr.rel @p2 .LBB2_12-.Ltmp31, $4  }
0x160: {  	_ = 	snop  }
0x161: {  	_ =	swait.ge [sflag:s22], $0x500  }
0x162: {  	[sflag:s22] =	ssyncset.done $0x0  }
0x163: {  	s1 =	sadd.s32 $0xFFFFFFFF, s1;
	[sflag:s22] =	ssyncadd.s32 $0xFFFFFB00  }
0x164: {  	s1 =	simm.s32 $0x70;
	s18 =	simm.s32 $0x3C0  }
.LBB2_14:
0x165: {  	p2 =	sne.s32 s18, $0x9FC0;
	[tilespmem:s1+$0x6780] =	vst v0  }
0x166: {  	[tilespmem:s1+$0x6710] =	vst v0  }
0x167: {  	[tilespmem:s1+$0x6720] =	vst v0  }
.Ltmp32:
0x168: {  	[tilespmem:s1+$0x6730] =	vst v0;
	(pc) =	sbr.rel @p2 .LBB2_14-.Ltmp32, $4  }
0x169: {  	[tilespmem:s1+$0x6740] =	vst v0  }
0x16a: {  	[tilespmem:s1+$0x6750] =	vst v0  }
0x16b: {  	[tilespmem:s1+$0x6760] =	vst v0  }
0x16c: {  	[tilespmem:s1+$0x6770] =	vst v0;
	s1 =	sshra.s32 s18, $0x2;
	s18 =	sadd.s32 $0x200, s18  }
0x16d: {  	[tilespmem:s1+$0x6780] =	vst v0  }
0x16e: {  	[tilespmem:s1+$0x6710] =	vst v0  }
0x16f: {  	[tilespmem:s1+$0x6720] =	vst v0  }
0x170: {  	[tilespmem:s1+$0x6730] =	vst v0  }
.Ltmp33:
0x171: {  	[tilespmem:s1+$0x6740] =	vst v0;
	(pc) =	sbr.rel @!p1 .LBB2_17-.Ltmp33, $4  }
0x172: {  	[tilespmem:s1+$0x6750] =	vst v0  }
0x173: {  	[tilespmem:s1+$0x6760] =	vst v0  }
0x174: {  	[tilespmem:s1+$0x6770] =	vst v0;
	s1 =	sadd.s32 $0xFFFFFFFF, s9;
	s13 =	smov.u32 s12  }
0x175: {  	[spmem:s12] =	stream.linear.scatter [tilespmem:s21], [sflag:$0x1], $0x2800, $0x38;
	[tilespmem:$0x1F000] =	vst v63  }
.LBB2_16:
0x176: {  	p2 =	sne.s32 s1, $0x1  }
.Ltmp34:
0x177: {  	_ = 	snop;
	(pc) =	sbr.rel @p2 .LBB2_16-.Ltmp34, $3  }
0x178: {  	_ = 	snop  }
0x179: {  	s1 =	sadd.s32 $0xFFFFFFFF, s1;
	s13 =	sadd.s32 $0x2800, s13;
	_ =	sdelay $0x1  }
0x17a: {  	[spmem:s13] =	stream.linear.scatter [tilespmem:s21], [sflag:$0x1], $0x2800, $0x38;
	[tilespmem:$0x1F000] =	vst v63  }
.LBB2_17:
.Ltmp35:
0x17b: {  	(pc) =	sbr.rel @!p1 .LBB2_19-.Ltmp35, $3  }
0x17c: {  	_ =	sdelay $0x1  }
0x17d: {  	_ =	swait.ge [sflag:s22], $0x2800  }
0x17e: {  	s1 =	sadd.s32 $0xFFFFFFFF, s9;
	[sflag:s22] =	ssyncset.done $0x0  }
.LBB2_18:
0x17f: {  	p2 =	sne.s32 s1, $0x1;
	s1 =	sadd.s32 $0xFFFFFFFF, s1;
	[sflag:s22] =	ssyncadd.s32 $0xFFFFD800  }
.Ltmp36:
0x180: {  	(pc) =	sbr.rel @p2 .LBB2_18-.Ltmp36, $3  }
0x181: {  	_ =	sdelay $0x1  }
0x182: {  	_ =	swait.ge [sflag:s22], $0x2800  }
0x183: {  	[sflag:s22] =	ssyncset.done $0x0  }
.LBB2_19:
0x184: {  	[sflag:s22] =	ssyncadd.s32 $0xFFFFD800  }
0x185: {  	s1 =	simm.s32 $0x0;
	[bflag:$0x0] =	sbarrier.arrive $0xFFFF  }
0x186: {  	[tilespmem:s21], [sflag:$0x1] =	stream.indirect.gather [hbm4b:s5+s23], $0x80, s1, s23, $0xb8;
	[tilespmem:$0x1F000] =	vst v63  }
0x187: {  	_ = 	snop  }
0x188: {  	[tilespmem:s24], [sflag:$0x2] =	stream.indirect.gather [hbm4b:s5+s23], $0x80, s23, s23, $0xb8;
	[tilespmem:$0x1F000] =	vst v63  }
0x189: {  	_ =	swait.ge [sflag:s22], $0x2800  }
0x18a: {  	[sflag:s22] =	ssyncset.done $0x0  }
0x18b: {  	s13 =	simm.s32 $0x2780;
	[sflag:s22] =	ssyncadd.s32 $0xFFFFD800  }
0x18c: {  	[spmem:s3] =	stream.indirect.scatter.add.f32 [tilespmem:s21], [sflag:$0x3], $0x80, s13, s23, $0xb8;
	[tilespmem:$0x1F000] =	vst v63  }
0x18d: {  	_ =	swait.ge [sflag:s19], $0x2800  }
0x18e: {  	[sflag:s19] =	ssyncset.done $0x0  }
0x18f: {  	s18 =	simm.s32 $0xA0;
	[sflag:s19] =	ssyncadd.s32 $0xFFFFD800  }
0x190: {  	[tilespmem:s21], [sflag:$0x1] =	stream.indirect.gather [hbm4b:s5+s23], $0x80, s18, s23, $0xb8;
	[tilespmem:$0x1F000] =	vst v63  }
0x191: {  	_ =	swait.ge [sflag:s25], $0x2800  }
0x192: {  	[sflag:s25] =	ssyncset.done $0x0  }
0x193: {  	s20 =	simm.s32 $0x2800;
	[sflag:s25] =	ssyncadd.s32 $0xFFFFD800  }
0x194: {  	[spmem:s3] =	stream.indirect.scatter.add.f32 [tilespmem:s24], [sflag:$0x3], $0x80, s20, s23, $0xb8;
	[tilespmem:$0x1F000] =	vst v63  }
0x195: {  	_ =	swait.ge [sflag:s19], $0x2800  }
0x196: {  	s1 =	simm.s32 $0x190;
	[sflag:s19] =	ssyncset.done $0x0  }
0x197: {  	s18 =	simm.s32 $0xF0;
	s20 =	simm.s32 $0x400;
	[sflag:s19] =	ssyncadd.s32 $0xFFFFD800  }
.LBB2_20:
0x198: {  	[tilespmem:s24], [sflag:$0x2] =	stream.indirect.gather [hbm4b:s5+s23], $0x80, s18, s23, $0xb8;
	[tilespmem:$0x1F000] =	vst v63  }
0x199: {  	s8 =	smov.u32 s20;
	s18 =	smov.u32 s1  }
0x19a: {  	p2 =	sne.s32 s20, $0xF000;
	s20 =	sadd.s32 $0x400, s20;
	_ =	swait.ge [sflag:s22], $0x2800  }
0x19b: {  	s8 =	sshra.s32 s8, $0x2;
	[sflag:s22] =	ssyncset.done $0x0  }
0x19c: {  	s13 =	sadd.s32 $0x2780, s8;
	[sflag:s22] =	ssyncadd.s32 $0xFFFFD800  }
0x19d: {  	[spmem:s3] =	stream.indirect.scatter.add.f32 [tilespmem:s21], [sflag:$0x3], $0x80, s13, s23, $0xb8;
	[tilespmem:$0x1F000] =	vst v63  }
0x19e: {  	_ =	swait.ge [sflag:s19], $0x2800  }
0x19f: {  	[sflag:s19] =	ssyncset.done $0x0  }
0x1a0: {  	s13 =	sadd.s32 $0xFFFFFFB0, s1;
	[sflag:s19] =	ssyncadd.s32 $0xFFFFD800  }
0x1a1: {  	[tilespmem:s21], [sflag:$0x1] =	stream.indirect.gather [hbm4b:s5+s23], $0x80, s13, s23, $0xb8;
	[tilespmem:$0x1F000] =	vst v63  }
0x1a2: {  	_ =	swait.ge [sflag:s25], $0x2800  }
0x1a3: {  	[sflag:s25] =	ssyncset.done $0x0  }
.Ltmp37:
0x1a4: {  	s8 =	sadd.s32 $0x2800, s8;
	[sflag:s25] =	ssyncadd.s32 $0xFFFFD800;
	(pc) =	sbr.rel @p2 .LBB2_20-.Ltmp37, $4  }
0x1a5: {  	[spmem:s3] =	stream.indirect.scatter.add.f32 [tilespmem:s24], [sflag:$0x3], $0x80, s8, s23, $0xb8;
	[tilespmem:$0x1F000] =	vst v63  }
0x1a6: {  	_ =	swait.ge [sflag:s19], $0x2800  }
0x1a7: {  	[sflag:s19] =	ssyncset.done $0x0  }
0x1a8: {  	s1 =	sadd.s32 $0xA0, s1;
	[sflag:s19] =	ssyncadd.s32 $0xFFFFD800  }
0x1a9: {  	[tilespmem:s24], [sflag:$0x2] =	stream.indirect.gather [hbm4b:s5+s23], $0x80, s18, s23, $0xb8;
	[tilespmem:$0x1F000] =	vst v63  }
0x1aa: {  	_ =	swait.ge [sflag:s22], $0x2800  }
0x1ab: {  	[sflag:s22] =	ssyncset.done $0x0  }
0x1ac: {  	[sflag:s22] =	ssyncadd.s32 $0xFFFFD800  }
0x1ad: {  	[spmem:s3] =	stream.indirect.scatter.add.f32 [tilespmem:s21], [sflag:$0x3], $0x80, s26, s23, $0xb8;
	[tilespmem:$0x1F000] =	vst v63  }
0x1ae: {  	_ =	swait.ge [sflag:s19], $0x2800  }
0x1af: {  	[sflag:s19] =	ssyncset.done $0x0  }
0x1b0: {  	[sflag:s19] =	ssyncadd.s32 $0xFFFFD800  }
0x1b1: {  	[tilespmem:s21], [sflag:$0x1] =	stream.indirect.gather [hbm4b:s5+s23], $0x80, s28, s23, $0xb8;
	[tilespmem:$0x1F000] =	vst v63  }
0x1b2: {  	_ =	swait.ge [sflag:s25], $0x2800  }
0x1b3: {  	[sflag:s25] =	ssyncset.done $0x0  }
0x1b4: {  	[sflag:s25] =	ssyncadd.s32 $0xFFFFD800  }
0x1b5: {  	[spmem:s3] =	stream.indirect.scatter.add.f32 [tilespmem:s24], [sflag:$0x3], $0x80, s29, s23, $0xb8;
	[tilespmem:$0x1F000] =	vst v63  }
0x1b6: {  	_ =	swait.ge [sflag:s19], $0x2800  }
0x1b7: {  	[sflag:s19] =	ssyncset.done $0x0  }
0x1b8: {  	[sflag:s19] =	ssyncadd.s32 $0xFFFFD800  }
0x1b9: {  	_ =	swait.ge [sflag:s22], $0x2800  }
0x1ba: {  	[sflag:s22] =	ssyncset.done $0x0  }
0x1bb: {  	[sflag:s22] =	ssyncadd.s32 $0xFFFFD800  }
0x1bc: {  	[spmem:s3] =	stream.indirect.scatter.add.f32 [tilespmem:s21], [sflag:$0x3], $0x80, s30, s23, $0xb8;
	[tilespmem:$0x1F000] =	vst v63  }
.Ltmp38:
0x1bd: {  	_ =	swait.ge [sflag:s19], $0x2800;
	(pc) =	sbr.rel @!p1 .LBB2_23-.Ltmp38, $4  }
0x1be: {  	[sflag:s19] =	ssyncset.done $0x0  }
0x1bf: {  	[sflag:s19] =	ssyncadd.s32 $0xFFFFD800  }
0x1c0: {  	s1 =	sadd.s32 $0xFFFFFFFF, s9;
	[bflag:$0x0] =	sbarrier.arrive $0xFFFF  }
0x1c1: {  	s18 =	sadd.s32 $0x500, s14;
	s20 =	sadd.s32 $0x2800, s12;
	s13 =	smov.u32 s14  }
.LBB2_22:
0x1c2: {  	[hbm:s13], [sflag:s0] =	dma.local [spmem:s17], $0x500  }
0x1c3: {  	p1 =	sne.s32 s1, $0x1  }
.Ltmp39:
0x1c4: {  	s1 =	sadd.s32 $0xFFFFFFFF, s1;
	(pc) =	sbr.rel @p1 .LBB2_22-.Ltmp39, $2  }
0x1c5: {  	s13 =	smov.u32 s18;
	_ =	sdelay $0x2  }
0x1c6: {  	s17 =	sshrl.u32 s20, $0x3;
	s18 =	sadd.s32 $0x500, s18;
	s20 =	sadd.s32 $0x2800, s20  }
.LBB2_23:
0x1c7: {  	p1 =	seq.s32 s9, $0x1  }
.Ltmp40:
0x1c8: {  	_ = 	snop;
	(pc) =	sbr.rel @p1 .LBB2_25-.Ltmp40, $4  }
0x1c9: {  	_ = 	snop  }
0x1ca: {  	[hbm:s13], [sflag:s0] =	dma.local [spmem:s17], $0x500  }
0x1cb: {  	_ =	swait.ge [sflag:s22], $0x500  }
0x1cc: {  	s0 =	sadd.s32 $0xFFFFFFFF, s9;
	[sflag:s22] =	ssyncset.done $0x0  }
.LBB2_24:
0x1cd: {  	p1 =	seq.s32 s0, $0x1;
	s0 =	sadd.s32 $0xFFFFFFFF, s0;
	[sflag:s22] =	ssyncadd.s32 $0xFFFFFB00  }
.Ltmp41:
0x1ce: {  	(pc) =	sbr.rel @!p1 .LBB2_24-.Ltmp41, $3  }
0x1cf: {  	_ =	sdelay $0x1  }
0x1d0: {  	_ =	swait.ge [sflag:s22], $0x500  }
0x1d1: {  	[sflag:s22] =	ssyncset.done $0x0  }
.LBB2_25:
.Ltmp42:
0x1d2: {  	(pc) =	sbr.rel .LBB2_50-.Ltmp42, $2  }
0x1d3: {  	_ =	sdelay $0x2  }
0x1d4: {  	[sflag:s22] =	ssyncadd.s32 $0xFFFFFB00  }
.LBB2_51:
0x1d5: {  	_ =	sfence.sel $0x180000  }
0x1d6: {  	[bflag:$0x0] =	sbarrier.arrive $0xFFFF  }
0x1d7: {  	_ =	strace $0x9000004A  }
0x1d8: {  	s0 =	stileid.u32;
	[bflag:$0x2] =	sbarrier.arrive $0xFFFF  }
0x1d9: {  	p0 =	sne.s32 s0, $0x0;
	s0 =	rddreg [dreg:$0x3]  }
0x1da: {  	s0 =	sadd.s32 @!p0 $0x100000, s0  }
0x1db: {  	[sflag:s0] =	ssyncadd.tile.s32 @!p0 $0x1;
	_ =	shalt  }
.Lfunc_end2:
_tile_overlayer_lowered:
.L_overlay_start_2:
0x1dc: {  	(tag) =	ssettag $0x2  }
0x1dd: {  	s0 =	rddreg [dreg:$0x0];
	s2 =	stileid.u32  }
0x1de: {  	s1 =	rddreg [dreg:$0x1];
	p0 =	sne.s32 s2, $0x0  }
0x1df: {  	s3 =	rddreg [dreg:$0x2];
	[bflag:$0x3] =	sbarrier.arrive $0xFFFF;
	s2 =	simm.s32 @!p0 $0x1C03  }
0x1e0: {  	[timem:s3], [sflag:s2] =	dma.local @!p0 [hbm:s0], s1  }
0x1e1: {  	s0 =	simm.s32 @!p0 $0x3  }
0x1e2: {  	_ =	swait.ge @!p0 [sflag:s0], s1  }
0x1e3: {  	s1 =	ssub.s32 @!p0 $0x0, s1;
	[sflag:s0] =	ssyncset.done @!p0 $0x0  }
0x1e4: {  	[sflag:s0] =	ssyncadd.s32 @!p0 s1  }
0x1e5: {  	[bflag:$0x3] =	sbarrier.arrive $0xFFFF  }
0x1e6: {  	_ =	shalt  }

// kernel: kernel.14.cloned.1.call-start
scs
__scs_entry_jumppad:
0x0: {  	(pc) =	sbr.rel $0x88, $3  }
0x1: {  	(tag) =	ssettag $0x0;
	lr =	simm.s32 $0x1  }
0x2: {  	[smem:$0x3F90] =	sst lr;
	_ =	strace $0xD0000000  }
0x3: {  	_ = 	snop  }
0x4: {  	_ = 	snop  }
0x5: {  	_ = 	snop  }
0x6: {  	_ = 	snop  }
0x7: {  	_ = 	snop  }
__scs_overlays_trampoline_lowered:
0x8: {  	[smem:$0x3F9F] =	sst s0  }
0x9: {  	[smem:$0x3FA0] =	sst s1  }
0xa: {  	[smem:$0x3FA1] =	sst s2  }
0xb: {  	[smem:$0x3FA2] =	sst s3  }
0xc: {  	[smem:$0x3FA3] =	sst s4  }
0xd: {  	[smem:$0x3FA4] =	sst s5  }
0xe: {  	[smem:$0x3FA5] =	sst s6  }
0xf: {  	[smem:$0x3FA6] =	sst s7  }
0x10: {  	[smem:$0x3FA7] =	sst s8  }
0x11: {  	[smem:$0x3FA8] =	sst s9;
	s0 =	simm.s32 @!p0 $0x0  }
0x12: {  	s1 =	sld [smem:$0x3F8E];
	s0 =	simm.s32 @p0 $0x1  }
0x13: {  	[smem:$0x3FA9] =	sst s0;
	s0 =	simm.s32 @!p1 $0x0  }
0x14: {  	s2 =	sld [smem:$0x3F8D];
	s0 =	simm.s32 @p1 $0x1  }
0x15: {  	[smem:$0x3FAA] =	sst s0;
	s0 =	simm.s32 @!p2 $0x0  }
0x16: {  	s3 =	sld [smem:$0x3FDB];
	s0 =	simm.s32 @p2 $0x1  }
0x17: {  	s4 =	simm.s32 $0x1BF5;
	[smem:$0x3FAC] =	sst s0  }
0x18: {  	s0 =	sld [smem:$0x3F8F];
	_ =	swait.ge [sflag:s4], $0x0  }
0x19: {  	s7 =	sld [smem:$0x3F90]  }
0x1a: {  	s8 =	sadd.s32 $0xFFFFE003, lr  }
0x1b: {  	s9 =	sadd.s32 $0xFFFFFEF7, lr;
	s5 =	simm.s32 $0xFFFFFFFF;
	p2 =	slt.u32 s8, $0xFFFFF086  }
0x1c: {  	p1 =	slt.u32 s9, $0xF7A;
	s5 =	simm.s32 @!p2 $0x0  }
0x1d: {  	s5 =	simm.s32 @p1 $0x1;
	p0 =	seq.s32 s7, s2  }
0x1e: {  	s7 =	smul.u32 @!p0 $0xF7A, s2;
	p2 =	seq.s32 @!p0 s5, $0x0  }
0x1f: {  	s9 =	smul.u32 $0xF7A, s1;
	s8 =	simm.s32 @!p0 $0x1BF5;
	p2 =	por !p2, p0  }
0x20: {  	[sflag:s8] =	ssyncset.s32 @!p0 $0xFFFFF086;
	s6 =	sadd.s32 @!p0 s3, s7;
	s7 =	simm.s32 @!p0 $0x108  }
0x21: {  	s3 =	sadd.s32 s3, s9;
	s6 =	sadd.s32 @!p0 $0x88, s6;
	s7 =	simm.s32 @p2 $0x1082  }
0x22: {  	[simem:s7], [sflag:s8] =	dma.local @!p0 [hbm:s6], $0xF7A  }
0x23: {  	s9 =	sor.u32 $0xD0000000, s2;
	s6 =	simm.s32 $0x108;
	_ =	swait.ge @!p0 [sflag:s8], $0x0  }
0x24: {  	s3 =	sadd.s32 $0x88, s3;
	s6 =	simm.s32 @!p1 $0x1082;
	[sflag:s4] =	ssyncset.s32 $0xFFFFF086  }
0x25: {  	[simem:s6], [sflag:s4] =	dma.local [hbm:s3], $0xF7A  }
0x26: {  	[smem:$0x3F90] =	sst s1;
	(tag) =	ssettag s2;
	_ =	strace s9  }
0x27: {  	s1 =	sld [smem:$0x3FA0]  }
0x28: {  	s2 =	sld [smem:$0x3FA1]  }
0x29: {  	s4 =	sld [smem:$0x3FA3]  }
0x2a: {  	p0 =	seq.s32 s5, $0x0;
	s5 =	sld [smem:$0x3FA4]  }
0x2b: {  	s6 =	sld [smem:$0x3FA5]  }
0x2c: {  	s7 =	sld [smem:$0x3FA6]  }
0x2d: {  	s3 =	simm.s32 $0x108;
	s8 =	sld [smem:$0x3FA7]  }
0x2e: {  	s3 =	simm.s32 @!p0 $0x1082;
	s9 =	sld [smem:$0x3FA8]  }
0x2f: {  	lr =	sadd.s32 s0, s3;
	s0 =	sld [smem:$0x3F9F]  }
0x30: {  	s3 =	sld [smem:$0x3FA2]  }
0x31: {  	[smem:$0x3FAB] =	sst s10  }
0x32: {  	s10 =	sld [smem:$0x3FA9];
	_ =	sdelay $0x3  }
0x33: {  	p0 =	seq.s32 s10, $0x1;
	s10 =	sld [smem:$0x3FAB];
	_ =	sdelay $0x3  }
0x34: {  	[smem:$0x3FAB] =	sst s10  }
0x35: {  	s10 =	sld [smem:$0x3FAA];
	_ =	sdelay $0x3  }
0x36: {  	p1 =	seq.s32 s10, $0x1;
	s10 =	sld [smem:$0x3FAB];
	_ =	sdelay $0x3  }
0x37: {  	[smem:$0x3FAB] =	sst s10  }
0x38: {  	s10 =	sld [smem:$0x3FAC]  }
0x39: {  	_ = 	snop;
	(pc) =	sbr.ind lr, $3  }
0x3a: {  	_ = 	snop  }
0x3b: {  	_ = 	snop  }
0x3c: {  	p2 =	seq.s32 s10, $0x1;
	s10 =	sld [smem:$0x3FAB]  }
0x3d: {  	_ =	shalt  }
0x3e: {  	_ =	shalt  }
0x3f: {  	_ =	shalt  }
0x40: {  	_ =	shalt  }
0x41: {  	_ =	shalt  }
0x42: {  	_ =	shalt  }
0x43: {  	_ =	shalt  }
0x44: {  	_ =	shalt  }
0x45: {  	_ =	shalt  }
0x46: {  	_ =	shalt  }
0x47: {  	_ =	shalt  }
0x48: {  	_ =	shalt  }
0x49: {  	_ =	shalt  }
0x4a: {  	_ =	shalt  }
0x4b: {  	_ =	shalt  }
0x4c: {  	_ =	shalt  }
0x4d: {  	_ =	shalt  }
0x4e: {  	_ =	shalt  }
0x4f: {  	_ =	shalt  }
0x50: {  	_ =	shalt  }
0x51: {  	_ =	shalt  }
0x52: {  	_ =	shalt  }
0x53: {  	_ =	shalt  }
0x54: {  	_ =	shalt  }
0x55: {  	_ =	shalt  }
0x56: {  	_ =	shalt  }
0x57: {  	_ =	shalt  }
0x58: {  	_ =	shalt  }
0x59: {  	_ =	shalt  }
0x5a: {  	_ =	shalt  }
0x5b: {  	_ =	shalt  }
0x5c: {  	_ =	shalt  }
0x5d: {  	_ =	shalt  }
0x5e: {  	_ =	shalt  }
0x5f: {  	_ =	shalt  }
0x60: {  	_ =	shalt  }
0x61: {  	_ =	shalt  }
0x62: {  	_ =	shalt  }
0x63: {  	_ =	shalt  }
0x64: {  	_ =	shalt  }
0x65: {  	_ =	shalt  }
0x66: {  	_ =	shalt  }
0x67: {  	_ =	shalt  }
0x68: {  	_ =	shalt  }
0x69: {  	_ =	shalt  }
0x6a: {  	_ =	shalt  }
0x6b: {  	_ =	shalt  }
0x6c: {  	_ =	shalt  }
0x6d: {  	_ =	shalt  }
0x6e: {  	_ =	shalt  }
0x6f: {  	_ =	shalt  }
0x70: {  	_ =	shalt  }
0x71: {  	_ =	shalt  }
0x72: {  	_ =	shalt  }
0x73: {  	_ =	shalt  }
0x74: {  	_ =	shalt  }
0x75: {  	_ =	shalt  }
0x76: {  	_ =	shalt  }
0x77: {  	_ =	shalt  }
0x78: {  	_ =	shalt  }
0x79: {  	_ =	shalt  }
0x7a: {  	_ =	shalt  }
0x7b: {  	_ =	shalt  }
0x7c: {  	_ =	shalt  }
0x7d: {  	_ =	shalt  }
0x7e: {  	_ =	shalt  }
0x7f: {  	_ =	shalt  }
0x80: {  	_ =	shalt  }
0x81: {  	_ =	shalt  }
0x82: {  	_ =	shalt  }
0x83: {  	_ =	shalt  }
0x84: {  	_ =	shalt  }
0x85: {  	_ =	shalt  }
0x86: {  	_ =	shalt  }
0x87: {  	_ =	shalt  }
.Lfunc_end0:
.L_simem_size_0:
called_computation.2_lowered:
.L_overlay_start_0:
0x88: {  	s2 =	sld [smem:$0x3FD9]  }
0x89: {  	s3 =	sld [smem:$0x3FFE];
	_ =	sdelay $0x1  }
0x8a: {  	s1 =	srdreg.scid  }
0x8b: {  	s0 =	sand.u32 $0x1, s1  }
0x8c: {  	s17 =	sshll.u32 s0, $0xA;
	s2 =	sadd.s32 s3, s2  }
0x8d: {  	s2 =	sadd.s32 s2, s17  }
0x8e: {  	[smem:$0x3FB7] =	sst s2  }
0x8f: {  	_ = 	snop  }
0x90: {  	s2 =	sld [smem:$0x3FD0];
	(tm) =	ssettm $0x1  }
0x91: {  	s18 =	sld [smem:$0x3FFB];
	_ =	sdelay $0x3  }
0x92: {  	_ =	strace s18  }
0x93: {  	s3 =	sld [smem:$0x3FFC];
	_ =	sdelay $0x3  }
0x94: {  	_ =	strace s3  }
0x95: {  	s3 =	sld [smem:$0x3FFD];
	_ =	sdelay $0x3  }
0x96: {  	_ =	strace s3  }
0x97: {  	_ =	strace $0x8FFFFFFF  }
0x98: {  	s19 =	sld [smem:$0x3FDB];
	_ =	sdelay $0x1  }
0x99: {  	s4 =	simm.s32 $_scs_section_size  }
0x9a: {  	s5 =	simm.s32 $_size__tile_overlayer_lowered;
	s6 =	simm.s32 $_tile_overlayer_lowered  }
0x9b: {  	s22 =	simm.s32 $0x1BFF;
	s21 =	sshll.u32 s6, $0x1;
	s3 =	sadd.s32 s4, s19  }
0x9c: {  	s7 =	simm.s32 $0x0;
	s20 =	sshll.u32 s5, $0x1;
	s5 =	sadd.s32 s21, s3  }
0x9d: {  	[timem:s7], [sflag:s22] =	dma.local [hbm:s5], s20  }
0x9e: {  	_ =	swait.ge [sflag:s22], s20  }
0x9f: {  	s4 =	ssub.s32 $0x0, s20;
	[sflag:s22] =	ssyncset.done $0x0  }
0xa0: {  	[sflag:s22] =	ssyncadd.s32 s4;
	_ =	sdelay $0x1  }
0xa1: {  	s23 =	simm.s32 $0x1B8B  }
0xa2: {  	_ =	swait.ge [sflag:s23], $0x1  }
0xa3: {  	[sflag:s23] =	ssyncset.done $0x0  }
0xa4: {  	s25 =	simm.s32 $0x1B8E;
	s24 =	sld [smem:$0x3FFE];
	[sflag:s23] =	ssyncadd.s32 $0xFFFFFFFF  }
0xa5: {  	s26 =	simm.s32 $execute0_lowered;
	[smem:$0x3FD2] =	sst s25  }
0xa6: {  	s5 =	sshll.u32 s26, $0x1;
	_ =	strace $0x8000004C;
	[dreg:$0x1] =	wrdreg $0xFFFFFFFF  }
0xa7: {  	s28 =	simm.s32 $_size_execute0_lowered;
	s3 =	sadd.s32 s3, s5;
	[dreg:$0x0] =	wrdreg $0x0  }
0xa8: {  	s5 =	sshll.u32 s28, $0x1;
	[dreg:$0x2] =	wrdreg s3  }
0xa9: {  	[dreg:$0x3] =	wrdreg s5  }
0xaa: {  	[dreg:$0x4] =	wrdreg $0xC0  }
0xab: {  	_ =	task [dreg:s7], $0x5FFFF  }
0xac: {  	[dreg:$0x1] =	wrdreg $0xFFFFFFFF  }
0xad: {  	[dreg:$0x0] =	wrdreg $0x60  }
0xae: {  	[dreg:$0x2] =	wrdreg s24  }
0xaf: {  	[dreg:$0x3] =	wrdreg s2  }
0xb0: {  	[dreg:$0x4] =	wrdreg $0xB7800  }
0xb1: {  	[dreg:$0x5] =	wrdreg $0x9  }
0xb2: {  	_ =	task.clear_ibuf [dreg:s7], $0x6FFFF;
	_ =	strace $0x9000004C  }
0xb3: {  	s29 =	simm.s32 $0x9;
	_ =	strace $0x8000004E  }
0xb4: {  	_ =	swait.ge [sflag:s29], $0x1  }
0xb5: {  	[sflag:s29] =	ssyncadd.s32 $0xFFFFFFFF  }
0xb6: {  	_ =	strace $0x9000004E  }
0xb7: {  	_ =	sfence  }
0xb8: {  	s30 =	sld [smem:$0x0];
	_ =	sdelay $0x2  }
0xb9: {  	s31 =	sshll.u32 s1, $0xD;
	s1 =	sshrl.u32 s1, $0x2  }
0xba: {  	s3 =	sand.u32 $0x4000, s31;
	s1 =	sadd.s32 s1, s30  }
0xbb: {  	s0 =	sor.u32 s3, s0;
	s1 =	sshll.u32 s1, $0x11  }
0xbc: {  	s0 =	sor.u32 s1, s0  }
0xbd: {  	s0 =	sadd.s32 $0x8F2B, s0  }
0xbe: {  	[sflag:s0] =	ssyncadd.remote.s32 $0x1  }
0xbf: {  	_ =	sfence.sel $0xFFFF  }
0xc0: {  	[dreg:$0x0] =	wrdreg $0xFFFFFFFF;
	(pc) =	sbr.abs _section_cstart, $3  }
0xc1: {  	[dreg:$0x1] =	wrdreg $0xFFFFFFFF  }
0xc2: {  	_ =	task.clear_ibuf [dreg:s7], $0x2FFFF;
	_ =	strace $0x9FFFFFFF  }
0xc3: {  	(tm) =	ssettm $0x7FFFFFFF  }
tec
execute0_lowered:
.L_overlay_start_1:
0x0: {  	(tag) =	ssettag $0x1  }
0x1: {  	s0 =	rddreg [dreg:$0x0]  }
0x2: {  	s2 =	rddreg [dreg:$0x1]  }
0x3: {  	s3 =	rddreg [dreg:$0x2];
	s14 =	stileid.u32;
	s5 =	simm.s32 $0x0  }
0x4: {  	s25 =	srdreg.scid;
	s19 =	simm.s32 $0x3;
	s21 =	simm.s32 $0x6780  }
0x5: {  	s22 =	simm.s32 $0x1;
	s23 =	simm.s32 $0x50;
	s28 =	simm.s32 $0x26C0  }
0x6: {  	s29 =	simm.s32 $0x6500;
	s30 =	simm.s32 $0x6580;
	s31 =	simm.s32 $0x0  }
0x7: {  	s1 =	sshrl.u32 s14, $0x3;
	s4 =	sshll.u32 s14, $0x7;
	[smem:$0x7FF] =	sst s5  }
0x8: {  	s24 =	sshll.u32 s14, $0xB;
	s11 =	sand.u32 $0x1, s25;
	s5 =	sadd.s32 $0x39600, s0  }
0x9: {  	s8 =	smul.u32 $0x2800, s14;
	s6 =	sadd.s32 $0x60800, s0;
	s7 =	sadd.s32 $0x87A00, s0  }
0xa: {  	s13 =	smul.u32 $0x50000, s14;
	p0 =	seq.s32 s14, $0xF;
	s25 =	simm.s32 $0x2  }
0xb: {  	s1 =	smul.u32 $0x13C00, s1;
	s4 =	sand.u32 $0x380, s4;
	s9 =	ssub.s32 $0x2, s11  }
0xc: {  	_ =	strace $0x8000004D;
	s10 =	sshrl.u32 s9, $0x1;
	s26 =	sshrl.u32 s13, $0x2  }
0xd: {  	s1 =	sor.u32 s4, s1;
	s4 =	sadd.s32 s24, s0;
	s12 =	ssub.s32 s9, s10  }
0xe: {  	s9 =	simm.s32 $0x5;
	s24 =	simm.s32 $0x8F80;
	s1 =	sshrl.u32 s1, $0x3  }
.Ltmp0:
0xf: {  	s10 =	sadd.s32 $0x4800, s4;
	s9 =	simm.s32 @!p0 $0x8;
	(pc) =	sbr.rel .LBB2_1-.Ltmp0, $4  }
0x10: {  	p0 =	seq.s32 s11, $0x1;
	s11 =	smax.u32 s12, $0x1;
	s12 =	sadd.s32 s26, s3  }
0x11: {  	s26 =	simm.s32 $0x6480;
	s1 =	sadd.s32 s1, s0;
	s0 =	sadd.s32 s8, s0  }
0x12: {  	s1 =	sadd.s32 $0xD400, s1;
	s4 =	sadd.s32 $0xAEC00, s0;
	s14 =	sadd.s32 $0xD5E00, s0  }
0x13: {  	v0 =	vimm.f32 $0.0e+00;
	s15 =	sadd.s32 $0xFD000, s0;
	s16 =	sadd.s32 $0x124200, s0;
	[dreg:$0x4] =	wrdreg s1  }
.LBB2_49:
0x14: {  	[sflag:s22] =	ssyncadd.s32 $0xFFFFFB00  }
.LBB2_50:
0x15: {  	s31 =	sadd.s32 $0x1, s31  }
0x16: {  	p1 =	sne.s32 s31, s11  }
.Ltmp1:
0x17: {  	_ = 	snop;
	(pc) =	sbr.rel @!p1 .LBB2_51-.Ltmp1, $1  }
0x18: {  	_ =	sdelay $0x3  }
.LBB2_1:
0x19: {  	s0 =	simm.s32 $0x0  }
0x1a: {  	s1 =	rddreg [dreg:$0x4];
	s8 =	simm.s32 $0x80;
	s13 =	simm.s32 $0x400  }
0x1b: {  	[tilespmem:s0], [sflag:$0x3] =	stream.strided.gather [hbm4b:s1+s8], $0x2780, s13, s8, $0x38;
	[tilespmem:$0x1F000] =	vst v63  }
0x1c: {  	_ =	swait.ge [sflag:s19], $0x2780  }
0x1d: {  	[sflag:s19] =	ssyncset.done $0x0  }
.Ltmp2:
0x1e: {  	s18 =	simm.s32 $0x2780;
	[sflag:s19] =	ssyncadd.s32 $0xFFFFD880;
	(pc) =	sbr.rel @!p0 .LBB2_2-.Ltmp2, $4  }
0x1f: {  	[tilespmem:s18], [sflag:$0x3] =	stream.linear.gather [hbm4b:s10+s0], $0x3E80, $0x38;
	[tilespmem:$0x1F000] =	vst v63  }
0x20: {  	_ =	swait.ge [sflag:s19], $0x3E80  }
0x21: {  	s20 =	simm.s32 $0x1C0;
	[sflag:s19] =	ssyncset.done $0x0  }
0x22: {  	s1 =	sadd.s32 $0x200, s20;
	s0 =	sshra.s32 s20, $0x2;
	[sflag:s19] =	ssyncadd.s32 $0xFFFFC180  }
.LBB2_26:
0x23: {  	p1 =	sne.s32 s1, $0x9FC0;
	[tilespmem:s0+$0x6780] =	vst v0  }
0x24: {  	[tilespmem:s0+$0x6710] =	vst v0  }
0x25: {  	[tilespmem:s0+$0x6720] =	vst v0  }
.Ltmp3:
0x26: {  	[tilespmem:s0+$0x6730] =	vst v0;
	(pc) =	sbr.rel @p1 .LBB2_26-.Ltmp3, $4  }
0x27: {  	[tilespmem:s0+$0x6740] =	vst v0  }
0x28: {  	[tilespmem:s0+$0x6750] =	vst v0  }
0x29: {  	[tilespmem:s0+$0x6760] =	vst v0  }
0x2a: {  	[tilespmem:s0+$0x6770] =	vst v0;
	s0 =	sshra.s32 s1, $0x2;
	s1 =	sadd.s32 $0x200, s1  }
0x2b: {  	[tilespmem:s0+$0x6780] =	vst v0  }
0x2c: {  	[tilespmem:s0+$0x6710] =	vst v0  }
0x2d: {  	[tilespmem:s0+$0x6720] =	vst v0  }
0x2e: {  	[tilespmem:s0+$0x6730] =	vst v0;
	p1 =	sne.s32 s9, $0x1  }
.Ltmp4:
0x2f: {  	[tilespmem:s0+$0x6740] =	vst v0;
	(pc) =	sbr.rel @!p1 .LBB2_29-.Ltmp4, $4  }
0x30: {  	[tilespmem:s0+$0x6750] =	vst v0  }
0x31: {  	[tilespmem:s0+$0x6760] =	vst v0  }
0x32: {  	[tilespmem:s0+$0x6770] =	vst v0;
	s0 =	sadd.s32 $0xFFFFFFFF, s9;
	s1 =	smov.u32 s12  }
0x33: {  	[spmem:s12] =	stream.linear.scatter [tilespmem:s21], [sflag:$0x1], $0x2800, $0x38;
	[tilespmem:$0x1F000] =	vst v63  }
.LBB2_28:
0x34: {  	p2 =	sne.s32 s0, $0x1  }
.Ltmp5:
0x35: {  	_ = 	snop;
	(pc) =	sbr.rel @p2 .LBB2_28-.Ltmp5, $3  }
0x36: {  	_ = 	snop  }
0x37: {  	s0 =	sadd.s32 $0xFFFFFFFF, s0;
	s1 =	sadd.s32 $0x2800, s1;
	_ =	sdelay $0x1  }
0x38: {  	[spmem:s1] =	stream.linear.scatter [tilespmem:s21], [sflag:$0x1], $0x2800, $0x38;
	[tilespmem:$0x1F000] =	vst v63  }
.LBB2_29:
.Ltmp6:
0x39: {  	(pc) =	sbr.rel @!p1 .LBB2_31-.Ltmp6, $3  }
0x3a: {  	_ =	sdelay $0x1  }
0x3b: {  	_ =	swait.ge [sflag:s22], $0x2800  }
0x3c: {  	s0 =	sadd.s32 $0xFFFFFFFF, s9;
	[sflag:s22] =	ssyncset.done $0x0  }
.LBB2_30:
0x3d: {  	p2 =	sne.s32 s0, $0x1;
	s0 =	sadd.s32 $0xFFFFFFFF, s0;
	[sflag:s22] =	ssyncadd.s32 $0xFFFFD800  }
.Ltmp7:
0x3e: {  	(pc) =	sbr.rel @p2 .LBB2_30-.Ltmp7, $3  }
0x3f: {  	_ =	sdelay $0x1  }
0x40: {  	_ =	swait.ge [sflag:s22], $0x2800  }
0x41: {  	[sflag:s22] =	ssyncset.done $0x0  }
.LBB2_31:
0x42: {  	[sflag:s22] =	ssyncadd.s32 $0xFFFFD800  }
0x43: {  	s0 =	simm.s32 $0x0;
	[bflag:$0x0] =	sbarrier.arrive $0xFFFF  }
0x44: {  	[tilespmem:s21], [sflag:$0x1] =	stream.indirect.gather [hbm4b:s6+s23], $0x80, s0, s23, $0xb8;
	[tilespmem:$0x1F000] =	vst v63  }
0x45: {  	_ = 	snop  }
0x46: {  	[tilespmem:s24], [sflag:$0x2] =	stream.indirect.gather [hbm4b:s6+s23], $0x80, s23, s23, $0xb8;
	[tilespmem:$0x1F000] =	vst v63  }
0x47: {  	_ =	swait.ge [sflag:s22], $0x2800  }
0x48: {  	[sflag:s22] =	ssyncset.done $0x0  }
0x49: {  	s17 =	simm.s32 $0x2780;
	[sflag:s22] =	ssyncadd.s32 $0xFFFFD800  }
0x4a: {  	[spmem:s3] =	stream.indirect.scatter.add.f32 [tilespmem:s21], [sflag:$0x3], $0x80, s17, s23, $0xb8;
	[tilespmem:$0x1F000] =	vst v63  }
0x4b: {  	_ =	swait.ge [sflag:s19], $0x2800  }
0x4c: {  	[sflag:s19] =	ssyncset.done $0x0  }
0x4d: {  	s18 =	simm.s32 $0xA0;
	[sflag:s19] =	ssyncadd.s32 $0xFFFFD800  }
0x4e: {  	[tilespmem:s21], [sflag:$0x1] =	stream.indirect.gather [hbm4b:s6+s23], $0x80, s18, s23, $0xb8;
	[tilespmem:$0x1F000] =	vst v63  }
0x4f: {  	_ =	swait.ge [sflag:s25], $0x2800  }
0x50: {  	[sflag:s25] =	ssyncset.done $0x0  }
0x51: {  	s20 =	simm.s32 $0x2800;
	[sflag:s25] =	ssyncadd.s32 $0xFFFFD800  }
0x52: {  	[spmem:s3] =	stream.indirect.scatter.add.f32 [tilespmem:s24], [sflag:$0x3], $0x80, s20, s23, $0xb8;
	[tilespmem:$0x1F000] =	vst v63  }
0x53: {  	_ =	swait.ge [sflag:s19], $0x2800  }
0x54: {  	s1 =	simm.s32 $0x190;
	[sflag:s19] =	ssyncset.done $0x0  }
0x55: {  	s0 =	simm.s32 $0xF0;
	s17 =	simm.s32 $0x400;
	[sflag:s19] =	ssyncadd.s32 $0xFFFFD800  }
.LBB2_32:
0x56: {  	[tilespmem:s24], [sflag:$0x2] =	stream.indirect.gather [hbm4b:s6+s23], $0x80, s0, s23, $0xb8;
	[tilespmem:$0x1F000] =	vst v63  }
0x57: {  	s8 =	smov.u32 s17;
	s0 =	smov.u32 s1  }
0x58: {  	p2 =	sne.s32 s17, $0xF000;
	s17 =	sadd.s32 $0x400, s17;
	_ =	swait.ge [sflag:s22], $0x2800  }
0x59: {  	s8 =	sshra.s32 s8, $0x2;
	[sflag:s22] =	ssyncset.done $0x0  }
0x5a: {  	s13 =	sadd.s32 $0x2780, s8;
	[sflag:s22] =	ssyncadd.s32 $0xFFFFD800  }
0x5b: {  	[spmem:s3] =	stream.indirect.scatter.add.f32 [tilespmem:s21], [sflag:$0x3], $0x80, s13, s23, $0xb8;
	[tilespmem:$0x1F000] =	vst v63  }
0x5c: {  	_ =	swait.ge [sflag:s19], $0x2800  }
0x5d: {  	[sflag:s19] =	ssyncset.done $0x0  }
0x5e: {  	s13 =	sadd.s32 $0xFFFFFFB0, s1;
	[sflag:s19] =	ssyncadd.s32 $0xFFFFD800  }
0x5f: {  	[tilespmem:s21], [sflag:$0x1] =	stream.indirect.gather [hbm4b:s6+s23], $0x80, s13, s23, $0xb8;
	[tilespmem:$0x1F000] =	vst v63  }
0x60: {  	_ =	swait.ge [sflag:s25], $0x2800  }
0x61: {  	[sflag:s25] =	ssyncset.done $0x0  }
.Ltmp8:
0x62: {  	s8 =	sadd.s32 $0x2800, s8;
	[sflag:s25] =	ssyncadd.s32 $0xFFFFD800;
	(pc) =	sbr.rel @p2 .LBB2_32-.Ltmp8, $4  }
0x63: {  	[spmem:s3] =	stream.indirect.scatter.add.f32 [tilespmem:s24], [sflag:$0x3], $0x80, s8, s23, $0xb8;
	[tilespmem:$0x1F000] =	vst v63  }
0x64: {  	_ =	swait.ge [sflag:s19], $0x2800  }
0x65: {  	[sflag:s19] =	ssyncset.done $0x0  }
0x66: {  	s1 =	sadd.s32 $0xA0, s1;
	[sflag:s19] =	ssyncadd.s32 $0xFFFFD800  }
0x67: {  	[tilespmem:s24], [sflag:$0x2] =	stream.indirect.gather [hbm4b:s6+s23], $0x80, s0, s23, $0xb8;
	[tilespmem:$0x1F000] =	vst v63  }
0x68: {  	_ =	swait.ge [sflag:s22], $0x2800  }
0x69: {  	[sflag:s22] =	ssyncset.done $0x0  }
0x6a: {  	[sflag:s22] =	ssyncadd.s32 $0xFFFFD800  }
0x6b: {  	[spmem:s3] =	stream.indirect.scatter.add.f32 [tilespmem:s21], [sflag:$0x3], $0x80, s26, s23, $0xb8;
	[tilespmem:$0x1F000] =	vst v63  }
0x6c: {  	_ =	swait.ge [sflag:s19], $0x2800  }
0x6d: {  	[sflag:s19] =	ssyncset.done $0x0  }
0x6e: {  	[sflag:s19] =	ssyncadd.s32 $0xFFFFD800  }
0x6f: {  	[tilespmem:s21], [sflag:$0x1] =	stream.indirect.gather [hbm4b:s6+s23], $0x80, s28, s23, $0xb8;
	[tilespmem:$0x1F000] =	vst v63  }
0x70: {  	_ =	swait.ge [sflag:s25], $0x2800  }
0x71: {  	[sflag:s25] =	ssyncset.done $0x0  }
0x72: {  	[sflag:s25] =	ssyncadd.s32 $0xFFFFD800  }
0x73: {  	[spmem:s3] =	stream.indirect.scatter.add.f32 [tilespmem:s24], [sflag:$0x3], $0x80, s29, s23, $0xb8;
	[tilespmem:$0x1F000] =	vst v63  }
0x74: {  	_ =	swait.ge [sflag:s19], $0x2800  }
0x75: {  	[sflag:s19] =	ssyncset.done $0x0  }
0x76: {  	[sflag:s19] =	ssyncadd.s32 $0xFFFFD800  }
0x77: {  	_ =	swait.ge [sflag:s22], $0x2800  }
0x78: {  	[sflag:s22] =	ssyncset.done $0x0  }
0x79: {  	[sflag:s22] =	ssyncadd.s32 $0xFFFFD800  }
0x7a: {  	[spmem:s3] =	stream.indirect.scatter.add.f32 [tilespmem:s21], [sflag:$0x3], $0x80, s30, s23, $0xb8;
	[tilespmem:$0x1F000] =	vst v63  }
.Ltmp9:
0x7b: {  	s20 =	stileid.u32;
	_ =	swait.ge [sflag:s19], $0x2800;
	(pc) =	sbr.rel @!p1 .LBB2_35-.Ltmp9, $4  }
0x7c: {  	s17 =	sshrl.u32 s12, $0x3;
	s18 =	sadd.s32 $0xFFFFFFFF, s9;
	[sflag:s19] =	ssyncset.done $0x0  }
0x7d: {  	s13 =	smov.u32 s15;
	s1 =	sshll.u32 s20, $0x6;
	[sflag:s19] =	ssyncadd.s32 $0xFFFFD800  }
0x7e: {  	s20 =	sadd.s32 $0x2800, s12;
	s0 =	sor.u32 $0x1C01, s1;
	[bflag:$0x0] =	sbarrier.arrive $0xFFFF  }
0x7f: {  	[hbm:s15], [sflag:s0] =	dma.local [spmem:s17], $0x500  }
.LBB2_34:
0x80: {  	p2 =	sne.s32 s18, $0x1;
	s18 =	sadd.s32 $0xFFFFFFFF, s18;
	s0 =	sor.u32 $0x1C01, s1  }
.Ltmp10:
0x81: {  	s8 =	sshrl.u32 s20, $0x3;
	s13 =	sadd.s32 $0x500, s13;
	(pc) =	sbr.rel @p2 .LBB2_34-.Ltmp10, $3  }
0x82: {  	[hbm:s13], [sflag:s0] =	dma.local [spmem:s8], $0x500  }
0x83: {  	_ =	sdelay $0x1  }
0x84: {  	s20 =	sadd.s32 $0x2800, s20  }
.LBB2_35:
0x85: {  	s1 =	smov.u32 s9  }
.LBB2_36:
0x86: {  	p2 =	sne.s32 s1, $0x1  }
.Ltmp11:
0x87: {  	_ = 	snop;
	(pc) =	sbr.rel @p2 .LBB2_36-.Ltmp11, $4  }
0x88: {  	_ = 	snop  }
0x89: {  	_ =	swait.ge [sflag:s22], $0x500  }
0x8a: {  	[sflag:s22] =	ssyncset.done $0x0  }
0x8b: {  	s1 =	sadd.s32 $0xFFFFFFFF, s1;
	[sflag:s22] =	ssyncadd.s32 $0xFFFFFB00  }
0x8c: {  	s1 =	simm.s32 $0x70;
	s18 =	simm.s32 $0x3C0  }
.LBB2_38:
0x8d: {  	p2 =	sne.s32 s18, $0x9FC0;
	[tilespmem:s1+$0x6780] =	vst v0  }
0x8e: {  	[tilespmem:s1+$0x6710] =	vst v0  }
0x8f: {  	[tilespmem:s1+$0x6720] =	vst v0  }
.Ltmp12:
0x90: {  	[tilespmem:s1+$0x6730] =	vst v0;
	(pc) =	sbr.rel @p2 .LBB2_38-.Ltmp12, $4  }
0x91: {  	[tilespmem:s1+$0x6740] =	vst v0  }
0x92: {  	[tilespmem:s1+$0x6750] =	vst v0  }
0x93: {  	[tilespmem:s1+$0x6760] =	vst v0  }
0x94: {  	[tilespmem:s1+$0x6770] =	vst v0;
	s1 =	sshra.s32 s18, $0x2;
	s18 =	sadd.s32 $0x200, s18  }
0x95: {  	[tilespmem:s1+$0x6780] =	vst v0  }
0x96: {  	[tilespmem:s1+$0x6710] =	vst v0  }
0x97: {  	[tilespmem:s1+$0x6720] =	vst v0  }
0x98: {  	[tilespmem:s1+$0x6730] =	vst v0  }
.Ltmp13:
0x99: {  	[tilespmem:s1+$0x6740] =	vst v0;
	(pc) =	sbr.rel @!p1 .LBB2_41-.Ltmp13, $4  }
0x9a: {  	[tilespmem:s1+$0x6750] =	vst v0  }
0x9b: {  	[tilespmem:s1+$0x6760] =	vst v0  }
0x9c: {  	[tilespmem:s1+$0x6770] =	vst v0;
	s1 =	sadd.s32 $0xFFFFFFFF, s9;
	s13 =	smov.u32 s12  }
0x9d: {  	[spmem:s12] =	stream.linear.scatter [tilespmem:s21], [sflag:$0x1], $0x2800, $0x38;
	[tilespmem:$0x1F000] =	vst v63  }
.LBB2_40:
0x9e: {  	p2 =	sne.s32 s1, $0x1  }
.Ltmp14:
0x9f: {  	_ = 	snop;
	(pc) =	sbr.rel @p2 .LBB2_40-.Ltmp14, $3  }
0xa0: {  	_ = 	snop  }
0xa1: {  	s1 =	sadd.s32 $0xFFFFFFFF, s1;
	s13 =	sadd.s32 $0x2800, s13;
	_ =	sdelay $0x1  }
0xa2: {  	[spmem:s13] =	stream.linear.scatter [tilespmem:s21], [sflag:$0x1], $0x2800, $0x38;
	[tilespmem:$0x1F000] =	vst v63  }
.LBB2_41:
.Ltmp15:
0xa3: {  	(pc) =	sbr.rel @!p1 .LBB2_43-.Ltmp15, $3  }
0xa4: {  	_ =	sdelay $0x1  }
0xa5: {  	_ =	swait.ge [sflag:s22], $0x2800  }
0xa6: {  	s1 =	sadd.s32 $0xFFFFFFFF, s9;
	[sflag:s22] =	ssyncset.done $0x0  }
.LBB2_42:
0xa7: {  	p2 =	sne.s32 s1, $0x1;
	s1 =	sadd.s32 $0xFFFFFFFF, s1;
	[sflag:s22] =	ssyncadd.s32 $0xFFFFD800  }
.Ltmp16:
0xa8: {  	(pc) =	sbr.rel @p2 .LBB2_42-.Ltmp16, $3  }
0xa9: {  	_ =	sdelay $0x1  }
0xaa: {  	_ =	swait.ge [sflag:s22], $0x2800  }
0xab: {  	[sflag:s22] =	ssyncset.done $0x0  }
.LBB2_43:
0xac: {  	[sflag:s22] =	ssyncadd.s32 $0xFFFFD800  }
0xad: {  	s1 =	simm.s32 $0x0;
	[bflag:$0x0] =	sbarrier.arrive $0xFFFF  }
0xae: {  	[tilespmem:s21], [sflag:$0x1] =	stream.indirect.gather [hbm4b:s7+s23], $0x80, s1, s23, $0xb8;
	[tilespmem:$0x1F000] =	vst v63  }
0xaf: {  	_ = 	snop  }
0xb0: {  	[tilespmem:s24], [sflag:$0x2] =	stream.indirect.gather [hbm4b:s7+s23], $0x80, s23, s23, $0xb8;
	[tilespmem:$0x1F000] =	vst v63  }
0xb1: {  	_ =	swait.ge [sflag:s22], $0x2800  }
0xb2: {  	[sflag:s22] =	ssyncset.done $0x0  }
0xb3: {  	s13 =	simm.s32 $0x2780;
	[sflag:s22] =	ssyncadd.s32 $0xFFFFD800  }
0xb4: {  	[spmem:s3] =	stream.indirect.scatter.add.f32 [tilespmem:s21], [sflag:$0x3], $0x80, s13, s23, $0xb8;
	[tilespmem:$0x1F000] =	vst v63  }
0xb5: {  	_ =	swait.ge [sflag:s19], $0x2800  }
0xb6: {  	[sflag:s19] =	ssyncset.done $0x0  }
0xb7: {  	s18 =	simm.s32 $0xA0;
	[sflag:s19] =	ssyncadd.s32 $0xFFFFD800  }
0xb8: {  	[tilespmem:s21], [sflag:$0x1] =	stream.indirect.gather [hbm4b:s7+s23], $0x80, s18, s23, $0xb8;
	[tilespmem:$0x1F000] =	vst v63  }
0xb9: {  	_ =	swait.ge [sflag:s25], $0x2800  }
0xba: {  	[sflag:s25] =	ssyncset.done $0x0  }
0xbb: {  	s20 =	simm.s32 $0x2800;
	[sflag:s25] =	ssyncadd.s32 $0xFFFFD800  }
0xbc: {  	[spmem:s3] =	stream.indirect.scatter.add.f32 [tilespmem:s24], [sflag:$0x3], $0x80, s20, s23, $0xb8;
	[tilespmem:$0x1F000] =	vst v63  }
0xbd: {  	_ =	swait.ge [sflag:s19], $0x2800  }
0xbe: {  	s1 =	simm.s32 $0x190;
	[sflag:s19] =	ssyncset.done $0x0  }
0xbf: {  	s18 =	simm.s32 $0xF0;
	s20 =	simm.s32 $0x400;
	[sflag:s19] =	ssyncadd.s32 $0xFFFFD800  }
.LBB2_44:
0xc0: {  	[tilespmem:s24], [sflag:$0x2] =	stream.indirect.gather [hbm4b:s7+s23], $0x80, s18, s23, $0xb8;
	[tilespmem:$0x1F000] =	vst v63  }
0xc1: {  	s8 =	smov.u32 s20;
	s18 =	smov.u32 s1  }
0xc2: {  	p2 =	sne.s32 s20, $0xF000;
	s20 =	sadd.s32 $0x400, s20;
	_ =	swait.ge [sflag:s22], $0x2800  }
0xc3: {  	s8 =	sshra.s32 s8, $0x2;
	[sflag:s22] =	ssyncset.done $0x0  }
0xc4: {  	s13 =	sadd.s32 $0x2780, s8;
	[sflag:s22] =	ssyncadd.s32 $0xFFFFD800  }
0xc5: {  	[spmem:s3] =	stream.indirect.scatter.add.f32 [tilespmem:s21], [sflag:$0x3], $0x80, s13, s23, $0xb8;
	[tilespmem:$0x1F000] =	vst v63  }
0xc6: {  	_ =	swait.ge [sflag:s19], $0x2800  }
0xc7: {  	[sflag:s19] =	ssyncset.done $0x0  }
0xc8: {  	s13 =	sadd.s32 $0xFFFFFFB0, s1;
	[sflag:s19] =	ssyncadd.s32 $0xFFFFD800  }
0xc9: {  	[tilespmem:s21], [sflag:$0x1] =	stream.indirect.gather [hbm4b:s7+s23], $0x80, s13, s23, $0xb8;
	[tilespmem:$0x1F000] =	vst v63  }
0xca: {  	_ =	swait.ge [sflag:s25], $0x2800  }
0xcb: {  	[sflag:s25] =	ssyncset.done $0x0  }
.Ltmp17:
0xcc: {  	s8 =	sadd.s32 $0x2800, s8;
	[sflag:s25] =	ssyncadd.s32 $0xFFFFD800;
	(pc) =	sbr.rel @p2 .LBB2_44-.Ltmp17, $4  }
0xcd: {  	[spmem:s3] =	stream.indirect.scatter.add.f32 [tilespmem:s24], [sflag:$0x3], $0x80, s8, s23, $0xb8;
	[tilespmem:$0x1F000] =	vst v63  }
0xce: {  	_ =	swait.ge [sflag:s19], $0x2800  }
0xcf: {  	[sflag:s19] =	ssyncset.done $0x0  }
0xd0: {  	s1 =	sadd.s32 $0xA0, s1;
	[sflag:s19] =	ssyncadd.s32 $0xFFFFD800  }
0xd1: {  	[tilespmem:s24], [sflag:$0x2] =	stream.indirect.gather [hbm4b:s7+s23], $0x80, s18, s23, $0xb8;
	[tilespmem:$0x1F000] =	vst v63  }
0xd2: {  	_ =	swait.ge [sflag:s22], $0x2800  }
0xd3: {  	[sflag:s22] =	ssyncset.done $0x0  }
0xd4: {  	[sflag:s22] =	ssyncadd.s32 $0xFFFFD800  }
0xd5: {  	[spmem:s3] =	stream.indirect.scatter.add.f32 [tilespmem:s21], [sflag:$0x3], $0x80, s26, s23, $0xb8;
	[tilespmem:$0x1F000] =	vst v63  }
0xd6: {  	_ =	swait.ge [sflag:s19], $0x2800  }
0xd7: {  	[sflag:s19] =	ssyncset.done $0x0  }
0xd8: {  	[sflag:s19] =	ssyncadd.s32 $0xFFFFD800  }
0xd9: {  	[tilespmem:s21], [sflag:$0x1] =	stream.indirect.gather [hbm4b:s7+s23], $0x80, s28, s23, $0xb8;
	[tilespmem:$0x1F000] =	vst v63  }
0xda: {  	_ =	swait.ge [sflag:s25], $0x2800  }
0xdb: {  	[sflag:s25] =	ssyncset.done $0x0  }
0xdc: {  	[sflag:s25] =	ssyncadd.s32 $0xFFFFD800  }
0xdd: {  	[spmem:s3] =	stream.indirect.scatter.add.f32 [tilespmem:s24], [sflag:$0x3], $0x80, s29, s23, $0xb8;
	[tilespmem:$0x1F000] =	vst v63  }
0xde: {  	_ =	swait.ge [sflag:s19], $0x2800  }
0xdf: {  	[sflag:s19] =	ssyncset.done $0x0  }
0xe0: {  	[sflag:s19] =	ssyncadd.s32 $0xFFFFD800  }
0xe1: {  	_ =	swait.ge [sflag:s22], $0x2800  }
0xe2: {  	[sflag:s22] =	ssyncset.done $0x0  }
0xe3: {  	[sflag:s22] =	ssyncadd.s32 $0xFFFFD800  }
0xe4: {  	[spmem:s3] =	stream.indirect.scatter.add.f32 [tilespmem:s21], [sflag:$0x3], $0x80, s30, s23, $0xb8;
	[tilespmem:$0x1F000] =	vst v63  }
.Ltmp18:
0xe5: {  	_ =	swait.ge [sflag:s19], $0x2800;
	(pc) =	sbr.rel @!p1 .LBB2_47-.Ltmp18, $4  }
0xe6: {  	[sflag:s19] =	ssyncset.done $0x0  }
0xe7: {  	[sflag:s19] =	ssyncadd.s32 $0xFFFFD800  }
0xe8: {  	s1 =	sadd.s32 $0xFFFFFFFF, s9;
	[bflag:$0x0] =	sbarrier.arrive $0xFFFF  }
0xe9: {  	s18 =	sadd.s32 $0x500, s16;
	s20 =	sadd.s32 $0x2800, s12;
	s13 =	smov.u32 s16  }
.LBB2_46:
0xea: {  	[hbm:s13], [sflag:s0] =	dma.local [spmem:s17], $0x500  }
0xeb: {  	p2 =	sne.s32 s1, $0x1  }
.Ltmp19:
0xec: {  	s1 =	sadd.s32 $0xFFFFFFFF, s1;
	(pc) =	sbr.rel @p2 .LBB2_46-.Ltmp19, $2  }
0xed: {  	s13 =	smov.u32 s18;
	_ =	sdelay $0x2  }
0xee: {  	s17 =	sshrl.u32 s20, $0x3;
	s18 =	sadd.s32 $0x500, s18;
	s20 =	sadd.s32 $0x2800, s20  }
.LBB2_47:
.Ltmp20:
0xef: {  	(pc) =	sbr.rel @!p1 .LBB2_49-.Ltmp20, $4  }
0xf0: {  	_ = 	snop  }
0xf1: {  	[hbm:s13], [sflag:s0] =	dma.local [spmem:s17], $0x500  }
0xf2: {  	_ =	swait.ge [sflag:s22], $0x500  }
0xf3: {  	s0 =	sadd.s32 $0xFFFFFFFF, s9;
	[sflag:s22] =	ssyncset.done $0x0  }
.LBB2_48:
0xf4: {  	p1 =	sne.s32 s0, $0x1;
	s0 =	sadd.s32 $0xFFFFFFFF, s0;
	[sflag:s22] =	ssyncadd.s32 $0xFFFFFB00  }
.Ltmp21:
0xf5: {  	(pc) =	sbr.rel @p1 .LBB2_48-.Ltmp21, $3  }
0xf6: {  	_ =	sdelay $0x1  }
0xf7: {  	_ =	swait.ge [sflag:s22], $0x500  }
0xf8: {  	[sflag:s22] =	ssyncset.done $0x0  }
.Ltmp22:
0xf9: {  	_ = 	snop;
	(pc) =	sbr.rel .LBB2_49-.Ltmp22, $1  }
0xfa: {  	_ =	sdelay $0x3  }
.LBB2_2:
0xfb: {  	p1 =	sne.s32 s1, $0x9FC0;
	[tilespmem:s0+$0x6780] =	vst v0  }
0xfc: {  	[tilespmem:s0+$0x6710] =	vst v0  }
0xfd: {  	[tilespmem:s0+$0x6720] =	vst v0  }
.Ltmp23:
0xfe: {  	[tilespmem:s0+$0x6730] =	vst v0;
	(pc) =	sbr.rel @p1 .LBB2_2-.Ltmp23, $4  }
0xff: {  	[tilespmem:s0+$0x6740] =	vst v0  }
0x100: {  	[tilespmem:s0+$0x6750] =	vst v0  }
0x101: {  	[tilespmem:s0+$0x6760] =	vst v0  }
0x102: {  	[tilespmem:s0+$0x6770] =	vst v0;
	s0 =	sshra.s32 s1, $0x2;
	s1 =	sadd.s32 $0x200, s1  }
0x103: {  	[tilespmem:s0+$0x6780] =	vst v0  }
0x104: {  	[tilespmem:s0+$0x6710] =	vst v0  }
0x105: {  	[tilespmem:s0+$0x6720] =	vst v0  }
0x106: {  	[tilespmem:s0+$0x6730] =	vst v0;
	p1 =	sne.s32 s9, $0x1  }
.Ltmp24:
0x107: {  	[tilespmem:s0+$0x6740] =	vst v0;
	(pc) =	sbr.rel @!p1 .LBB2_5-.Ltmp24, $4  }
0x108: {  	[tilespmem:s0+$0x6750] =	vst v0  }
0x109: {  	[tilespmem:s0+$0x6760] =	vst v0  }
0x10a: {  	[tilespmem:s0+$0x6770] =	vst v0;
	s0 =	sadd.s32 $0xFFFFFFFF, s9;
	s1 =	smov.u32 s12  }
0x10b: {  	[spmem:s12] =	stream.linear.scatter [tilespmem:s21], [sflag:$0x1], $0x2800, $0x38;
	[tilespmem:$0x1F000] =	vst v63  }
.LBB2_4:
0x10c: {  	p2 =	sne.s32 s0, $0x1  }
.Ltmp25:
0x10d: {  	_ = 	snop;
	(pc) =	sbr.rel @p2 .LBB2_4-.Ltmp25, $3  }
0x10e: {  	_ = 	snop  }
0x10f: {  	s0 =	sadd.s32 $0xFFFFFFFF, s0;
	s1 =	sadd.s32 $0x2800, s1;
	_ =	sdelay $0x1  }
0x110: {  	[spmem:s1] =	stream.linear.scatter [tilespmem:s21], [sflag:$0x1], $0x2800, $0x38;
	[tilespmem:$0x1F000] =	vst v63  }
.LBB2_5:
.Ltmp26:
0x111: {  	(pc) =	sbr.rel @!p1 .LBB2_7-.Ltmp26, $3  }
0x112: {  	_ =	sdelay $0x1  }
0x113: {  	_ =	swait.ge [sflag:s22], $0x2800  }
0x114: {  	s0 =	sadd.s32 $0xFFFFFFFF, s9;
	[sflag:s22] =	ssyncset.done $0x0  }
.LBB2_6:
0x115: {  	p2 =	sne.s32 s0, $0x1;
	s0 =	sadd.s32 $0xFFFFFFFF, s0;
	[sflag:s22] =	ssyncadd.s32 $0xFFFFD800  }
.Ltmp27:
0x116: {  	(pc) =	sbr.rel @p2 .LBB2_6-.Ltmp27, $3  }
0x117: {  	_ =	sdelay $0x1  }
0x118: {  	_ =	swait.ge [sflag:s22], $0x2800  }
0x119: {  	[sflag:s22] =	ssyncset.done $0x0  }
.LBB2_7:
0x11a: {  	[sflag:s22] =	ssyncadd.s32 $0xFFFFD800  }
0x11b: {  	s0 =	simm.s32 $0x0;
	[bflag:$0x0] =	sbarrier.arrive $0xFFFF  }
0x11c: {  	[tilespmem:s21], [sflag:$0x1] =	stream.indirect.gather [hbm4b:s2+s23], $0x80, s0, s23, $0xb8;
	[tilespmem:$0x1F000] =	vst v63  }
0x11d: {  	_ = 	snop  }
0x11e: {  	[tilespmem:s24], [sflag:$0x2] =	stream.indirect.gather [hbm4b:s2+s23], $0x80, s23, s23, $0xb8;
	[tilespmem:$0x1F000] =	vst v63  }
0x11f: {  	_ =	swait.ge [sflag:s22], $0x2800  }
0x120: {  	[sflag:s22] =	ssyncset.done $0x0  }
0x121: {  	s17 =	simm.s32 $0x2780;
	[sflag:s22] =	ssyncadd.s32 $0xFFFFD800  }
0x122: {  	[spmem:s3] =	stream.indirect.scatter.add.f32 [tilespmem:s21], [sflag:$0x3], $0x80, s17, s23, $0xb8;
	[tilespmem:$0x1F000] =	vst v63  }
0x123: {  	_ =	swait.ge [sflag:s19], $0x2800  }
0x124: {  	[sflag:s19] =	ssyncset.done $0x0  }
0x125: {  	s18 =	simm.s32 $0xA0;
	[sflag:s19] =	ssyncadd.s32 $0xFFFFD800  }
0x126: {  	[tilespmem:s21], [sflag:$0x1] =	stream.indirect.gather [hbm4b:s2+s23], $0x80, s18, s23, $0xb8;
	[tilespmem:$0x1F000] =	vst v63  }
0x127: {  	_ =	swait.ge [sflag:s25], $0x2800  }
0x128: {  	[sflag:s25] =	ssyncset.done $0x0  }
0x129: {  	s20 =	simm.s32 $0x2800;
	[sflag:s25] =	ssyncadd.s32 $0xFFFFD800  }
0x12a: {  	[spmem:s3] =	stream.indirect.scatter.add.f32 [tilespmem:s24], [sflag:$0x3], $0x80, s20, s23, $0xb8;
	[tilespmem:$0x1F000] =	vst v63  }
0x12b: {  	_ =	swait.ge [sflag:s19], $0x2800  }
0x12c: {  	s0 =	simm.s32 $0xF0;
	[sflag:s19] =	ssyncset.done $0x0  }
0x12d: {  	s17 =	simm.s32 $0x400;
	s18 =	simm.s32 $0x190;
	[sflag:s19] =	ssyncadd.s32 $0xFFFFD800  }
.LBB2_8:
0x12e: {  	[tilespmem:s24], [sflag:$0x2] =	stream.indirect.gather [hbm4b:s2+s23], $0x80, s0, s23, $0xb8;
	[tilespmem:$0x1F000] =	vst v63  }
0x12f: {  	s1 =	smov.u32 s17;
	s0 =	smov.u32 s18  }
0x130: {  	p2 =	sne.s32 s17, $0xF000;
	s17 =	sadd.s32 $0x400, s17;
	_ =	swait.ge [sflag:s22], $0x2800  }
0x131: {  	s1 =	sshra.s32 s1, $0x2;
	[sflag:s22] =	ssyncset.done $0x0  }
0x132: {  	s13 =	sadd.s32 $0x2780, s1;
	[sflag:s22] =	ssyncadd.s32 $0xFFFFD800  }
0x133: {  	[spmem:s3] =	stream.indirect.scatter.add.f32 [tilespmem:s21], [sflag:$0x3], $0x80, s13, s23, $0xb8;
	[tilespmem:$0x1F000] =	vst v63  }
0x134: {  	_ =	swait.ge [sflag:s19], $0x2800  }
0x135: {  	[sflag:s19] =	ssyncset.done $0x0  }
0x136: {  	s13 =	sadd.s32 $0xFFFFFFB0, s18;
	[sflag:s19] =	ssyncadd.s32 $0xFFFFD800  }
0x137: {  	[tilespmem:s21], [sflag:$0x1] =	stream.indirect.gather [hbm4b:s2+s23], $0x80, s13, s23, $0xb8;
	[tilespmem:$0x1F000] =	vst v63  }
0x138: {  	_ =	swait.ge [sflag:s25], $0x2800  }
0x139: {  	[sflag:s25] =	ssyncset.done $0x0  }
.Ltmp28:
0x13a: {  	s1 =	sadd.s32 $0x2800, s1;
	[sflag:s25] =	ssyncadd.s32 $0xFFFFD800;
	(pc) =	sbr.rel @p2 .LBB2_8-.Ltmp28, $4  }
0x13b: {  	[spmem:s3] =	stream.indirect.scatter.add.f32 [tilespmem:s24], [sflag:$0x3], $0x80, s1, s23, $0xb8;
	[tilespmem:$0x1F000] =	vst v63  }
0x13c: {  	_ =	swait.ge [sflag:s19], $0x2800  }
0x13d: {  	[sflag:s19] =	ssyncset.done $0x0  }
0x13e: {  	s18 =	sadd.s32 $0xA0, s18;
	[sflag:s19] =	ssyncadd.s32 $0xFFFFD800  }
0x13f: {  	[tilespmem:s24], [sflag:$0x2] =	stream.indirect.gather [hbm4b:s2+s23], $0x80, s0, s23, $0xb8;
	[tilespmem:$0x1F000] =	vst v63  }
0x140: {  	_ =	swait.ge [sflag:s22], $0x2800  }
0x141: {  	[sflag:s22] =	ssyncset.done $0x0  }
0x142: {  	[sflag:s22] =	ssyncadd.s32 $0xFFFFD800  }
0x143: {  	[spmem:s3] =	stream.indirect.scatter.add.f32 [tilespmem:s21], [sflag:$0x3], $0x80, s26, s23, $0xb8;
	[tilespmem:$0x1F000] =	vst v63  }
0x144: {  	_ =	swait.ge [sflag:s19], $0x2800  }
0x145: {  	[sflag:s19] =	ssyncset.done $0x0  }
0x146: {  	[sflag:s19] =	ssyncadd.s32 $0xFFFFD800  }
0x147: {  	[tilespmem:s21], [sflag:$0x1] =	stream.indirect.gather [hbm4b:s2+s23], $0x80, s28, s23, $0xb8;
	[tilespmem:$0x1F000] =	vst v63  }
0x148: {  	_ =	swait.ge [sflag:s25], $0x2800  }
0x149: {  	[sflag:s25] =	ssyncset.done $0x0  }
0x14a: {  	[sflag:s25] =	ssyncadd.s32 $0xFFFFD800  }
0x14b: {  	[spmem:s3] =	stream.indirect.scatter.add.f32 [tilespmem:s24], [sflag:$0x3], $0x80, s29, s23, $0xb8;
	[tilespmem:$0x1F000] =	vst v63  }
0x14c: {  	_ =	swait.ge [sflag:s19], $0x2800  }
0x14d: {  	[sflag:s19] =	ssyncset.done $0x0  }
0x14e: {  	[sflag:s19] =	ssyncadd.s32 $0xFFFFD800  }
0x14f: {  	_ =	swait.ge [sflag:s22], $0x2800  }
0x150: {  	[sflag:s22] =	ssyncset.done $0x0  }
0x151: {  	[sflag:s22] =	ssyncadd.s32 $0xFFFFD800  }
0x152: {  	[spmem:s3] =	stream.indirect.scatter.add.f32 [tilespmem:s21], [sflag:$0x3], $0x80, s30, s23, $0xb8;
	[tilespmem:$0x1F000] =	vst v63  }
.Ltmp29:
0x153: {  	s20 =	stileid.u32;
	_ =	swait.ge [sflag:s19], $0x2800;
	(pc) =	sbr.rel @!p1 .LBB2_11-.Ltmp29, $4  }
0x154: {  	s17 =	sshrl.u32 s12, $0x3;
	s18 =	sadd.s32 $0xFFFFFFFF, s9;
	[sflag:s19] =	ssyncset.done $0x0  }
0x155: {  	s13 =	smov.u32 s4;
	s1 =	sshll.u32 s20, $0x6;
	[sflag:s19] =	ssyncadd.s32 $0xFFFFD800  }
0x156: {  	s20 =	sadd.s32 $0x2800, s12;
	s0 =	sor.u32 $0x1C01, s1;
	[bflag:$0x0] =	sbarrier.arrive $0xFFFF  }
0x157: {  	[hbm:s4], [sflag:s0] =	dma.local [spmem:s17], $0x500  }
.LBB2_10:
0x158: {  	p2 =	sne.s32 s18, $0x1;
	s18 =	sadd.s32 $0xFFFFFFFF, s18;
	s0 =	sor.u32 $0x1C01, s1  }
.Ltmp30:
0x159: {  	s8 =	sshrl.u32 s20, $0x3;
	s13 =	sadd.s32 $0x500, s13;
	(pc) =	sbr.rel @p2 .LBB2_10-.Ltmp30, $3  }
0x15a: {  	[hbm:s13], [sflag:s0] =	dma.local [spmem:s8], $0x500  }
0x15b: {  	_ =	sdelay $0x1  }
0x15c: {  	s20 =	sadd.s32 $0x2800, s20  }
.LBB2_11:
0x15d: {  	s1 =	smov.u32 s9  }
.LBB2_12:
0x15e: {  	p2 =	sne.s32 s1, $0x1  }
.Ltmp31:
0x15f: {  	_ = 	snop;
	(pc) =	sbr.rel @p2 .LBB2_12-.Ltmp31, $4  }
0x160: {  	_ = 	snop  }
0x161: {  	_ =	swait.ge [sflag:s22], $0x500  }
0x162: {  	[sflag:s22] =	ssyncset.done $0x0  }
0x163: {  	s1 =	sadd.s32 $0xFFFFFFFF, s1;
	[sflag:s22] =	ssyncadd.s32 $0xFFFFFB00  }
0x164: {  	s1 =	simm.s32 $0x70;
	s18 =	simm.s32 $0x3C0  }
.LBB2_14:
0x165: {  	p2 =	sne.s32 s18, $0x9FC0;
	[tilespmem:s1+$0x6780] =	vst v0  }
0x166: {  	[tilespmem:s1+$0x6710] =	vst v0  }
0x167: {  	[tilespmem:s1+$0x6720] =	vst v0  }
.Ltmp32:
0x168: {  	[tilespmem:s1+$0x6730] =	vst v0;
	(pc) =	sbr.rel @p2 .LBB2_14-.Ltmp32, $4  }
0x169: {  	[tilespmem:s1+$0x6740] =	vst v0  }
0x16a: {  	[tilespmem:s1+$0x6750] =	vst v0  }
0x16b: {  	[tilespmem:s1+$0x6760] =	vst v0  }
0x16c: {  	[tilespmem:s1+$0x6770] =	vst v0;
	s1 =	sshra.s32 s18, $0x2;
	s18 =	sadd.s32 $0x200, s18  }
0x16d: {  	[tilespmem:s1+$0x6780] =	vst v0  }
0x16e: {  	[tilespmem:s1+$0x6710] =	vst v0  }
0x16f: {  	[tilespmem:s1+$0x6720] =	vst v0  }
0x170: {  	[tilespmem:s1+$0x6730] =	vst v0  }
.Ltmp33:
0x171: {  	[tilespmem:s1+$0x6740] =	vst v0;
	(pc) =	sbr.rel @!p1 .LBB2_17-.Ltmp33, $4  }
0x172: {  	[tilespmem:s1+$0x6750] =	vst v0  }
0x173: {  	[tilespmem:s1+$0x6760] =	vst v0  }
0x174: {  	[tilespmem:s1+$0x6770] =	vst v0;
	s1 =	sadd.s32 $0xFFFFFFFF, s9;
	s13 =	smov.u32 s12  }
0x175: {  	[spmem:s12] =	stream.linear.scatter [tilespmem:s21], [sflag:$0x1], $0x2800, $0x38;
	[tilespmem:$0x1F000] =	vst v63  }
.LBB2_16:
0x176: {  	p2 =	sne.s32 s1, $0x1  }
.Ltmp34:
0x177: {  	_ = 	snop;
	(pc) =	sbr.rel @p2 .LBB2_16-.Ltmp34, $3  }
0x178: {  	_ = 	snop  }
0x179: {  	s1 =	sadd.s32 $0xFFFFFFFF, s1;
	s13 =	sadd.s32 $0x2800, s13;
	_ =	sdelay $0x1  }
0x17a: {  	[spmem:s13] =	stream.linear.scatter [tilespmem:s21], [sflag:$0x1], $0x2800, $0x38;
	[tilespmem:$0x1F000] =	vst v63  }
.LBB2_17:
.Ltmp35:
0x17b: {  	(pc) =	sbr.rel @!p1 .LBB2_19-.Ltmp35, $3  }
0x17c: {  	_ =	sdelay $0x1  }
0x17d: {  	_ =	swait.ge [sflag:s22], $0x2800  }
0x17e: {  	s1 =	sadd.s32 $0xFFFFFFFF, s9;
	[sflag:s22] =	ssyncset.done $0x0  }
.LBB2_18:
0x17f: {  	p2 =	sne.s32 s1, $0x1;
	s1 =	sadd.s32 $0xFFFFFFFF, s1;
	[sflag:s22] =	ssyncadd.s32 $0xFFFFD800  }
.Ltmp36:
0x180: {  	(pc) =	sbr.rel @p2 .LBB2_18-.Ltmp36, $3  }
0x181: {  	_ =	sdelay $0x1  }
0x182: {  	_ =	swait.ge [sflag:s22], $0x2800  }
0x183: {  	[sflag:s22] =	ssyncset.done $0x0  }
.LBB2_19:
0x184: {  	[sflag:s22] =	ssyncadd.s32 $0xFFFFD800  }
0x185: {  	s1 =	simm.s32 $0x0;
	[bflag:$0x0] =	sbarrier.arrive $0xFFFF  }
0x186: {  	[tilespmem:s21], [sflag:$0x1] =	stream.indirect.gather [hbm4b:s5+s23], $0x80, s1, s23, $0xb8;
	[tilespmem:$0x1F000] =	vst v63  }
0x187: {  	_ = 	snop  }
0x188: {  	[tilespmem:s24], [sflag:$0x2] =	stream.indirect.gather [hbm4b:s5+s23], $0x80, s23, s23, $0xb8;
	[tilespmem:$0x1F000] =	vst v63  }
0x189: {  	_ =	swait.ge [sflag:s22], $0x2800  }
0x18a: {  	[sflag:s22] =	ssyncset.done $0x0  }
0x18b: {  	s13 =	simm.s32 $0x2780;
	[sflag:s22] =	ssyncadd.s32 $0xFFFFD800  }
0x18c: {  	[spmem:s3] =	stream.indirect.scatter.add.f32 [tilespmem:s21], [sflag:$0x3], $0x80, s13, s23, $0xb8;
	[tilespmem:$0x1F000] =	vst v63  }
0x18d: {  	_ =	swait.ge [sflag:s19], $0x2800  }
0x18e: {  	[sflag:s19] =	ssyncset.done $0x0  }
0x18f: {  	s18 =	simm.s32 $0xA0;
	[sflag:s19] =	ssyncadd.s32 $0xFFFFD800  }
0x190: {  	[tilespmem:s21], [sflag:$0x1] =	stream.indirect.gather [hbm4b:s5+s23], $0x80, s18, s23, $0xb8;
	[tilespmem:$0x1F000] =	vst v63  }
0x191: {  	_ =	swait.ge [sflag:s25], $0x2800  }
0x192: {  	[sflag:s25] =	ssyncset.done $0x0  }
0x193: {  	s20 =	simm.s32 $0x2800;
	[sflag:s25] =	ssyncadd.s32 $0xFFFFD800  }
0x194: {  	[spmem:s3] =	stream.indirect.scatter.add.f32 [tilespmem:s24], [sflag:$0x3], $0x80, s20, s23, $0xb8;
	[tilespmem:$0x1F000] =	vst v63  }
0x195: {  	_ =	swait.ge [sflag:s19], $0x2800  }
0x196: {  	s1 =	simm.s32 $0x190;
	[sflag:s19] =	ssyncset.done $0x0  }
0x197: {  	s18 =	simm.s32 $0xF0;
	s20 =	simm.s32 $0x400;
	[sflag:s19] =	ssyncadd.s32 $0xFFFFD800  }
.LBB2_20:
0x198: {  	[tilespmem:s24], [sflag:$0x2] =	stream.indirect.gather [hbm4b:s5+s23], $0x80, s18, s23, $0xb8;
	[tilespmem:$0x1F000] =	vst v63  }
0x199: {  	s8 =	smov.u32 s20;
	s18 =	smov.u32 s1  }
0x19a: {  	p2 =	sne.s32 s20, $0xF000;
	s20 =	sadd.s32 $0x400, s20;
	_ =	swait.ge [sflag:s22], $0x2800  }
0x19b: {  	s8 =	sshra.s32 s8, $0x2;
	[sflag:s22] =	ssyncset.done $0x0  }
0x19c: {  	s13 =	sadd.s32 $0x2780, s8;
	[sflag:s22] =	ssyncadd.s32 $0xFFFFD800  }
0x19d: {  	[spmem:s3] =	stream.indirect.scatter.add.f32 [tilespmem:s21], [sflag:$0x3], $0x80, s13, s23, $0xb8;
	[tilespmem:$0x1F000] =	vst v63  }
0x19e: {  	_ =	swait.ge [sflag:s19], $0x2800  }
0x19f: {  	[sflag:s19] =	ssyncset.done $0x0  }
0x1a0: {  	s13 =	sadd.s32 $0xFFFFFFB0, s1;
	[sflag:s19] =	ssyncadd.s32 $0xFFFFD800  }
0x1a1: {  	[tilespmem:s21], [sflag:$0x1] =	stream.indirect.gather [hbm4b:s5+s23], $0x80, s13, s23, $0xb8;
	[tilespmem:$0x1F000] =	vst v63  }
0x1a2: {  	_ =	swait.ge [sflag:s25], $0x2800  }
0x1a3: {  	[sflag:s25] =	ssyncset.done $0x0  }
.Ltmp37:
0x1a4: {  	s8 =	sadd.s32 $0x2800, s8;
	[sflag:s25] =	ssyncadd.s32 $0xFFFFD800;
	(pc) =	sbr.rel @p2 .LBB2_20-.Ltmp37, $4  }
0x1a5: {  	[spmem:s3] =	stream.indirect.scatter.add.f32 [tilespmem:s24], [sflag:$0x3], $0x80, s8, s23, $0xb8;
	[tilespmem:$0x1F000] =	vst v63  }
0x1a6: {  	_ =	swait.ge [sflag:s19], $0x2800  }
0x1a7: {  	[sflag:s19] =	ssyncset.done $0x0  }
0x1a8: {  	s1 =	sadd.s32 $0xA0, s1;
	[sflag:s19] =	ssyncadd.s32 $0xFFFFD800  }
0x1a9: {  	[tilespmem:s24], [sflag:$0x2] =	stream.indirect.gather [hbm4b:s5+s23], $0x80, s18, s23, $0xb8;
	[tilespmem:$0x1F000] =	vst v63  }
0x1aa: {  	_ =	swait.ge [sflag:s22], $0x2800  }
0x1ab: {  	[sflag:s22] =	ssyncset.done $0x0  }
0x1ac: {  	[sflag:s22] =	ssyncadd.s32 $0xFFFFD800  }
0x1ad: {  	[spmem:s3] =	stream.indirect.scatter.add.f32 [tilespmem:s21], [sflag:$0x3], $0x80, s26, s23, $0xb8;
	[tilespmem:$0x1F000] =	vst v63  }
0x1ae: {  	_ =	swait.ge [sflag:s19], $0x2800  }
0x1af: {  	[sflag:s19] =	ssyncset.done $0x0  }
0x1b0: {  	[sflag:s19] =	ssyncadd.s32 $0xFFFFD800  }
0x1b1: {  	[tilespmem:s21], [sflag:$0x1] =	stream.indirect.gather [hbm4b:s5+s23], $0x80, s28, s23, $0xb8;
	[tilespmem:$0x1F000] =	vst v63  }
0x1b2: {  	_ =	swait.ge [sflag:s25], $0x2800  }
0x1b3: {  	[sflag:s25] =	ssyncset.done $0x0  }
0x1b4: {  	[sflag:s25] =	ssyncadd.s32 $0xFFFFD800  }
0x1b5: {  	[spmem:s3] =	stream.indirect.scatter.add.f32 [tilespmem:s24], [sflag:$0x3], $0x80, s29, s23, $0xb8;
	[tilespmem:$0x1F000] =	vst v63  }
0x1b6: {  	_ =	swait.ge [sflag:s19], $0x2800  }
0x1b7: {  	[sflag:s19] =	ssyncset.done $0x0  }
0x1b8: {  	[sflag:s19] =	ssyncadd.s32 $0xFFFFD800  }
0x1b9: {  	_ =	swait.ge [sflag:s22], $0x2800  }
0x1ba: {  	[sflag:s22] =	ssyncset.done $0x0  }
0x1bb: {  	[sflag:s22] =	ssyncadd.s32 $0xFFFFD800  }
0x1bc: {  	[spmem:s3] =	stream.indirect.scatter.add.f32 [tilespmem:s21], [sflag:$0x3], $0x80, s30, s23, $0xb8;
	[tilespmem:$0x1F000] =	vst v63  }
.Ltmp38:
0x1bd: {  	_ =	swait.ge [sflag:s19], $0x2800;
	(pc) =	sbr.rel @!p1 .LBB2_23-.Ltmp38, $4  }
0x1be: {  	[sflag:s19] =	ssyncset.done $0x0  }
0x1bf: {  	[sflag:s19] =	ssyncadd.s32 $0xFFFFD800  }
0x1c0: {  	s1 =	sadd.s32 $0xFFFFFFFF, s9;
	[bflag:$0x0] =	sbarrier.arrive $0xFFFF  }
0x1c1: {  	s18 =	sadd.s32 $0x500, s14;
	s20 =	sadd.s32 $0x2800, s12;
	s13 =	smov.u32 s14  }
.LBB2_22:
0x1c2: {  	[hbm:s13], [sflag:s0] =	dma.local [spmem:s17], $0x500  }
0x1c3: {  	p1 =	sne.s32 s1, $0x1  }
.Ltmp39:
0x1c4: {  	s1 =	sadd.s32 $0xFFFFFFFF, s1;
	(pc) =	sbr.rel @p1 .LBB2_22-.Ltmp39, $2  }
0x1c5: {  	s13 =	smov.u32 s18;
	_ =	sdelay $0x2  }
0x1c6: {  	s17 =	sshrl.u32 s20, $0x3;
	s18 =	sadd.s32 $0x500, s18;
	s20 =	sadd.s32 $0x2800, s20  }
.LBB2_23:
0x1c7: {  	p1 =	seq.s32 s9, $0x1  }
.Ltmp40:
0x1c8: {  	_ = 	snop;
	(pc) =	sbr.rel @p1 .LBB2_25-.Ltmp40, $4  }
0x1c9: {  	_ = 	snop  }
0x1ca: {  	[hbm:s13], [sflag:s0] =	dma.local [spmem:s17], $0x500  }
0x1cb: {  	_ =	swait.ge [sflag:s22], $0x500  }
0x1cc: {  	s0 =	sadd.s32 $0xFFFFFFFF, s9;
	[sflag:s22] =	ssyncset.done $0x0  }
.LBB2_24:
0x1cd: {  	p1 =	seq.s32 s0, $0x1;
	s0 =	sadd.s32 $0xFFFFFFFF, s0;
	[sflag:s22] =	ssyncadd.s32 $0xFFFFFB00  }
.Ltmp41:
0x1ce: {  	(pc) =	sbr.rel @!p1 .LBB2_24-.Ltmp41, $3  }
0x1cf: {  	_ =	sdelay $0x1  }
0x1d0: {  	_ =	swait.ge [sflag:s22], $0x500  }
0x1d1: {  	[sflag:s22] =	ssyncset.done $0x0  }
.LBB2_25:
.Ltmp42:
0x1d2: {  	(pc) =	sbr.rel .LBB2_50-.Ltmp42, $2  }
0x1d3: {  	_ =	sdelay $0x2  }
0x1d4: {  	[sflag:s22] =	ssyncadd.s32 $0xFFFFFB00  }
.LBB2_51:
0x1d5: {  	_ =	sfence.sel $0x180000  }
0x1d6: {  	[bflag:$0x0] =	sbarrier.arrive $0xFFFF  }
0x1d7: {  	_ =	strace $0x9000004D  }
0x1d8: {  	s0 =	stileid.u32;
	[bflag:$0x2] =	sbarrier.arrive $0xFFFF  }
0x1d9: {  	p0 =	sne.s32 s0, $0x0;
	s0 =	rddreg [dreg:$0x3]  }
0x1da: {  	s0 =	sadd.s32 @!p0 $0x100000, s0  }
0x1db: {  	[sflag:s0] =	ssyncadd.tile.s32 @!p0 $0x1;
	_ =	shalt  }
.Lfunc_end2:
_tile_overlayer_lowered:
.L_overlay_start_2:
0x1dc: {  	(tag) =	ssettag $0x2  }
0x1dd: {  	s0 =	rddreg [dreg:$0x0];
	s2 =	stileid.u32  }
0x1de: {  	s1 =	rddreg [dreg:$0x1];
	p0 =	sne.s32 s2, $0x0  }
0x1df: {  	s3 =	rddreg [dreg:$0x2];
	[bflag:$0x3] =	sbarrier.arrive $0xFFFF;
	s2 =	simm.s32 @!p0 $0x1C03  }
0x1e0: {  	[timem:s3], [sflag:s2] =	dma.local @!p0 [hbm:s0], s1  }
0x1e1: {  	s0 =	simm.s32 @!p0 $0x3  }
0x1e2: {  	_ =	swait.ge @!p0 [sflag:s0], s1  }
0x1e3: {  	s1 =	ssub.s32 @!p0 $0x0, s1;
	[sflag:s0] =	ssyncset.done @!p0 $0x0  }
0x1e4: {  	[sflag:s0] =	ssyncadd.s32 @!p0 s1  }
0x1e5: {  	[bflag:$0x3] =	sbarrier.arrive $0xFFFF  }
0x1e6: {  	_ =	shalt  }

// kernel: kernel.8.cloned.1.call-start
scs
__scs_entry_jumppad:
0x0: {  	(pc) =	sbr.rel $0x88, $3  }
0x1: {  	(tag) =	ssettag $0x0;
	lr =	simm.s32 $0x1  }
0x2: {  	[smem:$0x3F90] =	sst lr;
	_ =	strace $0xD0000000  }
0x3: {  	_ = 	snop  }
0x4: {  	_ = 	snop  }
0x5: {  	_ = 	snop  }
0x6: {  	_ = 	snop  }
0x7: {  	_ = 	snop  }
__scs_overlays_trampoline_lowered:
0x8: {  	[smem:$0x3F9F] =	sst s0  }
0x9: {  	[smem:$0x3FA0] =	sst s1  }
0xa: {  	[smem:$0x3FA1] =	sst s2  }
0xb: {  	[smem:$0x3FA2] =	sst s3  }
0xc: {  	[smem:$0x3FA3] =	sst s4  }
0xd: {  	[smem:$0x3FA4] =	sst s5  }
0xe: {  	[smem:$0x3FA5] =	sst s6  }
0xf: {  	[smem:$0x3FA6] =	sst s7  }
0x10: {  	[smem:$0x3FA7] =	sst s8  }
0x11: {  	[smem:$0x3FA8] =	sst s9;
	s0 =	simm.s32 @!p0 $0x0  }
0x12: {  	s1 =	sld [smem:$0x3F8E];
	s0 =	simm.s32 @p0 $0x1  }
0x13: {  	[smem:$0x3FA9] =	sst s0;
	s0 =	simm.s32 @!p1 $0x0  }
0x14: {  	s2 =	sld [smem:$0x3F8D];
	s0 =	simm.s32 @p1 $0x1  }
0x15: {  	[smem:$0x3FAA] =	sst s0;
	s0 =	simm.s32 @!p2 $0x0  }
0x16: {  	s3 =	sld [smem:$0x3FDB];
	s0 =	simm.s32 @p2 $0x1  }
0x17: {  	s4 =	simm.s32 $0x1BF5;
	[smem:$0x3FAC] =	sst s0  }
0x18: {  	s0 =	sld [smem:$0x3F8F];
	_ =	swait.ge [sflag:s4], $0x0  }
0x19: {  	s7 =	sld [smem:$0x3F90]  }
0x1a: {  	s8 =	sadd.s32 $0xFFFFE003, lr  }
0x1b: {  	s9 =	sadd.s32 $0xFFFFFEF7, lr;
	s5 =	simm.s32 $0xFFFFFFFF;
	p2 =	slt.u32 s8, $0xFFFFF086  }
0x1c: {  	p1 =	slt.u32 s9, $0xF7A;
	s5 =	simm.s32 @!p2 $0x0  }
0x1d: {  	s5 =	simm.s32 @p1 $0x1;
	p0 =	seq.s32 s7, s2  }
0x1e: {  	s7 =	smul.u32 @!p0 $0xF7A, s2;
	p2 =	seq.s32 @!p0 s5, $0x0  }
0x1f: {  	s9 =	smul.u32 $0xF7A, s1;
	s8 =	simm.s32 @!p0 $0x1BF5;
	p2 =	por !p2, p0  }
0x20: {  	[sflag:s8] =	ssyncset.s32 @!p0 $0xFFFFF086;
	s6 =	sadd.s32 @!p0 s3, s7;
	s7 =	simm.s32 @!p0 $0x108  }
0x21: {  	s3 =	sadd.s32 s3, s9;
	s6 =	sadd.s32 @!p0 $0x88, s6;
	s7 =	simm.s32 @p2 $0x1082  }
0x22: {  	[simem:s7], [sflag:s8] =	dma.local @!p0 [hbm:s6], $0xF7A  }
0x23: {  	s9 =	sor.u32 $0xD0000000, s2;
	s6 =	simm.s32 $0x108;
	_ =	swait.ge @!p0 [sflag:s8], $0x0  }
0x24: {  	s3 =	sadd.s32 $0x88, s3;
	s6 =	simm.s32 @!p1 $0x1082;
	[sflag:s4] =	ssyncset.s32 $0xFFFFF086  }
0x25: {  	[simem:s6], [sflag:s4] =	dma.local [hbm:s3], $0xF7A  }
0x26: {  	[smem:$0x3F90] =	sst s1;
	(tag) =	ssettag s2;
	_ =	strace s9  }
0x27: {  	s1 =	sld [smem:$0x3FA0]  }
0x28: {  	s2 =	sld [smem:$0x3FA1]  }
0x29: {  	s4 =	sld [smem:$0x3FA3]  }
0x2a: {  	p0 =	seq.s32 s5, $0x0;
	s5 =	sld [smem:$0x3FA4]  }
0x2b: {  	s6 =	sld [smem:$0x3FA5]  }
0x2c: {  	s7 =	sld [smem:$0x3FA6]  }
0x2d: {  	s3 =	simm.s32 $0x108;
	s8 =	sld [smem:$0x3FA7]  }
0x2e: {  	s3 =	simm.s32 @!p0 $0x1082;
	s9 =	sld [smem:$0x3FA8]  }
0x2f: {  	lr =	sadd.s32 s0, s3;
	s0 =	sld [smem:$0x3F9F]  }
0x30: {  	s3 =	sld [smem:$0x3FA2]  }
0x31: {  	[smem:$0x3FAB] =	sst s10  }
0x32: {  	s10 =	sld [smem:$0x3FA9];
	_ =	sdelay $0x3  }
0x33: {  	p0 =	seq.s32 s10, $0x1;
	s10 =	sld [smem:$0x3FAB];
	_ =	sdelay $0x3  }
0x34: {  	[smem:$0x3FAB] =	sst s10  }
0x35: {  	s10 =	sld [smem:$0x3FAA];
	_ =	sdelay $0x3  }
0x36: {  	p1 =	seq.s32 s10, $0x1;
	s10 =	sld [smem:$0x3FAB];
	_ =	sdelay $0x3  }
0x37: {  	[smem:$0x3FAB] =	sst s10  }
0x38: {  	s10 =	sld [smem:$0x3FAC]  }
0x39: {  	_ = 	snop;
	(pc) =	sbr.ind lr, $3  }
0x3a: {  	_ = 	snop  }
0x3b: {  	_ = 	snop  }
0x3c: {  	p2 =	seq.s32 s10, $0x1;
	s10 =	sld [smem:$0x3FAB]  }
0x3d: {  	_ =	shalt  }
0x3e: {  	_ =	shalt  }
0x3f: {  	_ =	shalt  }
0x40: {  	_ =	shalt  }
0x41: {  	_ =	shalt  }
0x42: {  	_ =	shalt  }
0x43: {  	_ =	shalt  }
0x44: {  	_ =	shalt  }
0x45: {  	_ =	shalt  }
0x46: {  	_ =	shalt  }
0x47: {  	_ =	shalt  }
0x48: {  	_ =	shalt  }
0x49: {  	_ =	shalt  }
0x4a: {  	_ =	shalt  }
0x4b: {  	_ =	shalt  }
0x4c: {  	_ =	shalt  }
0x4d: {  	_ =	shalt  }
0x4e: {  	_ =	shalt  }
0x4f: {  	_ =	shalt  }
0x50: {  	_ =	shalt  }
0x51: {  	_ =	shalt  }
0x52: {  	_ =	shalt  }
0x53: {  	_ =	shalt  }
0x54: {  	_ =	shalt  }
0x55: {  	_ =	shalt  }
0x56: {  	_ =	shalt  }
0x57: {  	_ =	shalt  }
0x58: {  	_ =	shalt  }
0x59: {  	_ =	shalt  }
0x5a: {  	_ =	shalt  }
0x5b: {  	_ =	shalt  }
0x5c: {  	_ =	shalt  }
0x5d: {  	_ =	shalt  }
0x5e: {  	_ =	shalt  }
0x5f: {  	_ =	shalt  }
0x60: {  	_ =	shalt  }
0x61: {  	_ =	shalt  }
0x62: {  	_ =	shalt  }
0x63: {  	_ =	shalt  }
0x64: {  	_ =	shalt  }
0x65: {  	_ =	shalt  }
0x66: {  	_ =	shalt  }
0x67: {  	_ =	shalt  }
0x68: {  	_ =	shalt  }
0x69: {  	_ =	shalt  }
0x6a: {  	_ =	shalt  }
0x6b: {  	_ =	shalt  }
0x6c: {  	_ =	shalt  }
0x6d: {  	_ =	shalt  }
0x6e: {  	_ =	shalt  }
0x6f: {  	_ =	shalt  }
0x70: {  	_ =	shalt  }
0x71: {  	_ =	shalt  }
0x72: {  	_ =	shalt  }
0x73: {  	_ =	shalt  }
0x74: {  	_ =	shalt  }
0x75: {  	_ =	shalt  }
0x76: {  	_ =	shalt  }
0x77: {  	_ =	shalt  }
0x78: {  	_ =	shalt  }
0x79: {  	_ =	shalt  }
0x7a: {  	_ =	shalt  }
0x7b: {  	_ =	shalt  }
0x7c: {  	_ =	shalt  }
0x7d: {  	_ =	shalt  }
0x7e: {  	_ =	shalt  }
0x7f: {  	_ =	shalt  }
0x80: {  	_ =	shalt  }
0x81: {  	_ =	shalt  }
0x82: {  	_ =	shalt  }
0x83: {  	_ =	shalt  }
0x84: {  	_ =	shalt  }
0x85: {  	_ =	shalt  }
0x86: {  	_ =	shalt  }
0x87: {  	_ =	shalt  }
.Lfunc_end0:
.L_simem_size_0:
called_computation_lowered:
.L_overlay_start_0:
0x88: {  	s2 =	sld [smem:$0x3FD9]  }
0x89: {  	s3 =	sld [smem:$0x3FFE];
	_ =	sdelay $0x1  }
0x8a: {  	s1 =	srdreg.scid  }
0x8b: {  	s0 =	sand.u32 $0x1, s1  }
0x8c: {  	s17 =	sshll.u32 s0, $0xA;
	s2 =	sadd.s32 s3, s2  }
0x8d: {  	s2 =	sadd.s32 s2, s17  }
0x8e: {  	[smem:$0x3FB7] =	sst s2  }
0x8f: {  	_ = 	snop  }
0x90: {  	s2 =	sld [smem:$0x3FD0];
	(tm) =	ssettm $0x1  }
0x91: {  	s18 =	sld [smem:$0x3FFB];
	_ =	sdelay $0x3  }
0x92: {  	_ =	strace s18  }
0x93: {  	s3 =	sld [smem:$0x3FFC];
	_ =	sdelay $0x3  }
0x94: {  	_ =	strace s3  }
0x95: {  	s3 =	sld [smem:$0x3FFD];
	_ =	sdelay $0x3  }
0x96: {  	_ =	strace s3  }
0x97: {  	_ =	strace $0x8FFFFFFF  }
0x98: {  	s19 =	sld [smem:$0x3FDB];
	_ =	sdelay $0x1  }
0x99: {  	s4 =	simm.s32 $_scs_section_size  }
0x9a: {  	s5 =	simm.s32 $_size__tile_overlayer_lowered;
	s6 =	simm.s32 $_tile_overlayer_lowered  }
0x9b: {  	s22 =	simm.s32 $0x1BFF;
	s21 =	sshll.u32 s6, $0x1;
	s3 =	sadd.s32 s4, s19  }
0x9c: {  	s7 =	simm.s32 $0x0;
	s20 =	sshll.u32 s5, $0x1;
	s5 =	sadd.s32 s21, s3  }
0x9d: {  	[timem:s7], [sflag:s22] =	dma.local [hbm:s5], s20  }
0x9e: {  	_ =	swait.ge [sflag:s22], s20  }
0x9f: {  	s4 =	ssub.s32 $0x0, s20;
	[sflag:s22] =	ssyncset.done $0x0  }
0xa0: {  	[sflag:s22] =	ssyncadd.s32 s4;
	_ =	sdelay $0x1  }
0xa1: {  	s23 =	simm.s32 $0x1B8B  }
0xa2: {  	_ =	swait.ge [sflag:s23], $0x1  }
0xa3: {  	[sflag:s23] =	ssyncset.done $0x0  }
0xa4: {  	s25 =	simm.s32 $0x1B8E;
	s24 =	sld [smem:$0x3FFE];
	[sflag:s23] =	ssyncadd.s32 $0xFFFFFFFF  }
0xa5: {  	s26 =	simm.s32 $execute0_lowered;
	[smem:$0x3FD2] =	sst s25  }
0xa6: {  	s5 =	sshll.u32 s26, $0x1;
	_ =	strace $0x80000046;
	[dreg:$0x1] =	wrdreg $0xFFFFFFFF  }
0xa7: {  	s28 =	simm.s32 $_size_execute0_lowered;
	s3 =	sadd.s32 s3, s5;
	[dreg:$0x0] =	wrdreg $0x0  }
0xa8: {  	s5 =	sshll.u32 s28, $0x1;
	[dreg:$0x2] =	wrdreg s3  }
0xa9: {  	[dreg:$0x3] =	wrdreg s5  }
0xaa: {  	[dreg:$0x4] =	wrdreg $0xC0  }
0xab: {  	_ =	task [dreg:s7], $0x5FFFF  }
0xac: {  	[dreg:$0x1] =	wrdreg $0xFFFFFFFF  }
0xad: {  	[dreg:$0x0] =	wrdreg $0x60  }
0xae: {  	[dreg:$0x2] =	wrdreg s2  }
0xaf: {  	[dreg:$0x3] =	wrdreg s24  }
0xb0: {  	[dreg:$0x4] =	wrdreg $0x68000  }
0xb1: {  	[dreg:$0x5] =	wrdreg $0x9  }
0xb2: {  	_ =	task.clear_ibuf [dreg:s7], $0x6FFFF;
	_ =	strace $0x90000046  }
0xb3: {  	s29 =	simm.s32 $0x9;
	_ =	strace $0x80000048  }
0xb4: {  	_ =	swait.ge [sflag:s29], $0x1  }
0xb5: {  	[sflag:s29] =	ssyncadd.s32 $0xFFFFFFFF  }
0xb6: {  	_ =	strace $0x90000048  }
0xb7: {  	_ =	sfence  }
0xb8: {  	s30 =	sld [smem:$0x0];
	_ =	sdelay $0x2  }
0xb9: {  	s31 =	sshll.u32 s1, $0xD;
	s1 =	sshrl.u32 s1, $0x2  }
0xba: {  	s3 =	sand.u32 $0x4000, s31;
	s1 =	sadd.s32 s1, s30  }
0xbb: {  	s0 =	sor.u32 s3, s0;
	s1 =	sshll.u32 s1, $0x11  }
0xbc: {  	s0 =	sor.u32 s1, s0  }
0xbd: {  	s0 =	sadd.s32 $0x8F2B, s0  }
0xbe: {  	[sflag:s0] =	ssyncadd.remote.s32 $0x1  }
0xbf: {  	_ =	sfence.sel $0xFFFF  }
0xc0: {  	[dreg:$0x0] =	wrdreg $0xFFFFFFFF;
	(pc) =	sbr.abs _section_cstart, $3  }
0xc1: {  	[dreg:$0x1] =	wrdreg $0xFFFFFFFF  }
0xc2: {  	_ =	task.clear_ibuf [dreg:s7], $0x2FFFF;
	_ =	strace $0x9FFFFFFF  }
0xc3: {  	(tm) =	ssettm $0x7FFFFFFF  }
tec
execute0_lowered:
.L_overlay_start_1:
0x0: {  	(tag) =	ssettag $0x1  }
0x1: {  	s5 =	rddreg [dreg:$0x0]  }
0x2: {  	s4 =	rddreg [dreg:$0x1]  }
0x3: {  	s1 =	rddreg [dreg:$0x2]  }
0x4: {  	s0 =	rddreg [dreg:$0x3]  }
0x5: {  	s2 =	simm.s32 $0x0;
	s13 =	stileid.u32;
	s3 =	srdreg.scid  }
0x6: {  	s12 =	simm.s32 $0x1;
	[smem:$0x7FF] =	sst s2;
	s6 =	sshll.u32 s13, $0xB  }
0x7: {  	s8 =	sand.u32 $0x1, s3;
	s3 =	sadd.s32 $0xC800, s4;
	p1 =	seq.s32 s13, $0x0  }
0x8: {  	_ =	strace $0x80000047;
	s7 =	sadd.s32 s6, s4;
	s9 =	ssub.s32 $0x2, s8  }
0x9: {  	s4 =	sadd.s32 $0xCE00, s4;
	p0 =	seq.s32 s8, $0x1;
	s5 =	sadd.s32 s5, s6  }
0xa: {  	s11 =	sor.u32 s8, s13;
	p3 =	sne.s32 s8, $0x0;
	s8 =	simm.s32 $0x4080  }
0xb: {  	s10 =	sshrl.u32 s9, $0x1;
	s6 =	sadd.s32 $0x4800, s7;
	p1 =	por !p1, !p0  }
0xc: {  	p4 =	sne.s32 s11, $0x0;
	s11 =	simm.s32 $0x4000;
	s9 =	ssub.s32 s9, s10  }
0xd: {  	p2 =	por !p1, !p1;
	p1 =	sne.s32 s13, $0x0;
	s10 =	simm.s32 $0x50  }
0xe: {  	s13 =	sshll.u32 @!p4 s13, $0x6;
	s14 =	sshrl.u32 @!p4 s1, $0x3;
	s7 =	smax.u32 s9, $0x1  }
0xf: {  	v0 =	vimm.f32 $1.000000000e+00;
	v1 =	vimm.f32 $0.0e+00;
	s9 =	simm.s32 $0x2;
	s13 =	sor.u32 @!p4 $0x1C02, s13;
	s15 =	sshrl.u32 @p2 s1, $0x3  }
.LBB2_1:
0x10: {  	s16 =	simm.s32 @!p3 $0x0  }
0x11: {  	[tilespmem:s16], [sflag:$0x2] =	stream.linear.gather @!p3 [hbm4b:s5+s16], $0x3E80, $0x38;
	[tilespmem:$0x6A78] =	vst v63  }
0x12: {  	s16 =	simm.s32 @!p3 $0x2  }
0x13: {  	_ =	swait.ge @!p3 [sflag:s16], $0x3E80  }
0x14: {  	[sflag:s16] =	ssyncset.done @!p3 $0x0  }
0x15: {  	[sflag:s16] =	ssyncadd.s32 @!p3 $0xFFFFC180;
	s16 =	simm.s32 @p0 $0x0  }
0x16: {  	[tilespmem:s16], [sflag:$0x2] =	stream.linear.gather @p0 [hbm4b:s6+s16], $0x3E80, $0x38;
	[tilespmem:$0x6A78] =	vst v63  }
0x17: {  	s16 =	simm.s32 @p0 $0x2  }
0x18: {  	_ =	swait.ge @p0 [sflag:s16], $0x3E80  }
0x19: {  	[sflag:s16] =	ssyncset.done @p0 $0x0  }
0x1a: {  	[sflag:s16] =	ssyncadd.s32 @p0 $0xFFFFC180  }
.Ltmp0:
0x1b: {  	[tilespmem:$0x4000] =	vst v0;
	(pc) =	sbr.rel @p1 .LBB2_5-.Ltmp0, $4  }
0x1c: {  	[tilespmem:$0x4010] =	vst v0  }
0x1d: {  	[tilespmem:$0x4020] =	vst v0  }
0x1e: {  	[tilespmem:$0x4030] =	vst v0  }
0x1f: {  	[tilespmem:$0x4040] =	vst v0  }
0x20: {  	s16 =	simm.s32 $0x40;
	s17 =	simm.s32 $0x0  }
.LBB2_3:
0x21: {  	p5 =	sne.s32 s16, $0x9C00;
	[tilespmem:s17+$0x4080] =	vst v1;
	s17 =	smov.u32 s16;
	s16 =	sadd.s32 $0x40, s16  }
.Ltmp1:
0x22: {  	(pc) =	sbr.rel @p5 .LBB2_3-.Ltmp1, $2  }
0x23: {  	_ =	sdelay $0x2  }
0x24: {  	s17 =	sshra.s32 s17, $0x2  }
0x25: {  	[tilespmem:s17+$0x4080] =	vst v1  }
0x26: {  	[spmem:s1] =	stream.linear.scatter [tilespmem:s8], [sflag:$0x2], $0x2780, $0x38;
	[tilespmem:$0x6A78] =	vst v63  }
0x27: {  	_ =	swait.ge [sflag:s9], $0x2780  }
0x28: {  	[sflag:s9] =	ssyncset.done $0x0  }
0x29: {  	[sflag:s9] =	ssyncadd.s32 $0xFFFFD880  }
.LBB2_5:
0x2a: {  	[bflag:$0x0] =	sbarrier.arrive $0xFFFF;
	s16 =	simm.s32 $0x0  }
.LBB2_6:
0x2b: {  	p5 =	sne.s32 s16, $0xF800  }
.Ltmp2:
0x2c: {  	_ = 	snop;
	(pc) =	sbr.rel @p5 .LBB2_6-.Ltmp2, $3  }
0x2d: {  	_ =	sdelay $0x1  }
0x2e: {  	s17 =	sshra.s32 s16, $0x2;
	s16 =	sadd.s32 $0x200, s16  }
0x2f: {  	[spmem:s1] =	stream.indirect.scatter.add.f32 [tilespmem:s11], [sflag:$0x1], $0x1, s17, s10, $0xb8;
	[tilespmem:$0x6A78] =	vst v63  }
0x30: {  	_ =	swait.ge [sflag:s12], $0x50  }
0x31: {  	s16 =	simm.s32 $0x7C;
	[sflag:s12] =	ssyncset.done $0x0  }
.LBB2_8:
0x32: {  	p5 =	sne.s32 s16, $0x1;
	s16 =	sadd.s32 $0xFFFFFFFF, s16;
	[sflag:s12] =	ssyncadd.s32 $0xFFFFFFB0  }
.Ltmp3:
0x33: {  	(pc) =	sbr.rel @p5 .LBB2_8-.Ltmp3, $3  }
0x34: {  	_ =	sdelay $0x1  }
0x35: {  	_ =	swait.ge [sflag:s12], $0x50  }
0x36: {  	[sflag:s12] =	ssyncset.done $0x0  }
0x37: {  	[sflag:s12] =	ssyncadd.s32 $0xFFFFFFB0  }
0x38: {  	s16 =	simm.s32 @!p4 $0x2;
	[bflag:$0x0] =	sbarrier.arrive $0xFFFF  }
0x39: {  	[hbm:s3], [sflag:s13] =	dma.local @!p4 [spmem:s14], $0x4F0  }
0x3a: {  	_ =	swait.ge @!p4 [sflag:s16], $0x4F0  }
0x3b: {  	s2 =	sadd.s32 $0x1, s2;
	[sflag:s16] =	ssyncset.done @!p4 $0x0  }
0x3c: {  	p5 =	sne.s32 s2, s7;
	[sflag:s16] =	ssyncadd.s32 @!p4 $0xFFFFFB10;
	s16 =	simm.s32 @p2 $0x1C02  }
0x3d: {  	[hbm:s4], [sflag:s16] =	dma.local @p2 [spmem:s15], $0x4F0  }
.Ltmp4:
0x3e: {  	_ = 	snop;
	(pc) =	sbr.rel @p5 .LBB2_1-.Ltmp4, $4  }
0x3f: {  	s16 =	simm.s32 @p2 $0x2  }
0x40: {  	_ =	swait.ge @p2 [sflag:s16], $0x4F0  }
0x41: {  	[sflag:s16] =	ssyncset.done @p2 $0x0  }
0x42: {  	[sflag:s16] =	ssyncadd.s32 @p2 $0xFFFFFB10  }
0x43: {  	_ =	sfence.sel $0x180000  }
0x44: {  	[bflag:$0x0] =	sbarrier.arrive $0xFFFF  }
0x45: {  	_ =	strace $0x90000047  }
0x46: {  	s0 =	sadd.s32 @!p1 $0x100000, s0;
	[bflag:$0x2] =	sbarrier.arrive $0xFFFF  }
0x47: {  	[sflag:s0] =	ssyncadd.tile.s32 @!p1 $0x1;
	_ =	shalt  }
.Lfunc_end2:
_tile_overlayer_lowered:
.L_overlay_start_2:
0x48: {  	(tag) =	ssettag $0x2  }
0x49: {  	s0 =	rddreg [dreg:$0x0];
	s2 =	stileid.u32  }
0x4a: {  	s1 =	rddreg [dreg:$0x1];
	p0 =	sne.s32 s2, $0x0  }
0x4b: {  	s3 =	rddreg [dreg:$0x2];
	[bflag:$0x3] =	sbarrier.arrive $0xFFFF;
	s2 =	simm.s32 @!p0 $0x1C02  }
0x4c: {  	[timem:s3], [sflag:s2] =	dma.local @!p0 [hbm:s0], s1  }
0x4d: {  	s0 =	simm.s32 @!p0 $0x2  }
0x4e: {  	_ =	swait.ge @!p0 [sflag:s0], s1  }
0x4f: {  	s1 =	ssub.s32 @!p0 $0x0, s1;
	[sflag:s0] =	ssyncset.done @!p0 $0x0  }
0x50: {  	[sflag:s0] =	ssyncadd.s32 @!p0 s1  }
0x51: {  	[bflag:$0x3] =	sbarrier.arrive $0xFFFF  }
0x52: {  	_ =	shalt  }

</sc_bundles>
